<compile_context>
chip_gen: v7x
topology: tpu7x:2x2x1
jax: 0.10.2.dev20260603
libtpu: 0.0.44.dev20260713+nightly
codegen_flags: <defaults>
</compile_context>

<pallas_src>
import functools

import jax
import jax.numpy as jnp
from jax import lax
from jax.experimental import pallas as pl
from jax.experimental.pallas import tpu as pltpu
from jax.experimental.pallas import tpu_sc as plsc

_CHUNK = 80


def _sc_info():
    try:
        info = plsc.get_sparse_core_info()
        return info.num_cores, info.num_subcores
    except Exception:
        return 2, 16




_ZCHUNK = 2000


@functools.lru_cache(maxsize=None)
def _make_deg_kernel(N_acc, E_pad, nc, ns):
    nw = nc * ns
    ept = E_pad // nw
    nchunk = ept // _CHUNK
    mesh = plsc.VectorSubcoreMesh(core_axis_name="c", subcore_axis_name="s")

    @functools.partial(
        pl.kernel,
        mesh=mesh,
        out_type=[jax.ShapeDtypeStruct((N_acc,), jnp.float32),
                  jax.ShapeDtypeStruct((N_acc,), jnp.float32)],
        scratch_types=[
            pltpu.VMEM((ept,), jnp.int32),
            [pltpu.VMEM((_CHUNK,), jnp.int32)] * 2,
            pltpu.VMEM((_CHUNK,), jnp.float32),
            pltpu.VMEM((_ZCHUNK,), jnp.float32),
            pltpu.VMEM_SHARED((N_acc,), jnp.float32),
            [pltpu.SemaphoreType.DMA] * 2,
        ],
    )
    def deg_kernel(edges_hbm, out0_hbm, out1_hbm, dst_all, dst_v, ones_v,
                   zero_v, acc_sh, sems):
        c = lax.axis_index("c")
        s = lax.axis_index("s")
        wid = s * nc + c

        pltpu.sync_copy(edges_hbm.at[pl.ds(E_pad + wid * ept, ept)], dst_all)

        for k in range(_CHUNK // 16):
            ones_v[pl.ds(k * 16, 16)] = jnp.full((16,), 1.0, jnp.float32)

        @pl.when(s == 0)
        def _init():
            for k in range(_ZCHUNK // 16):
                zero_v[pl.ds(k * 16, 16)] = jnp.zeros((16,), jnp.float32)
            for k in range(N_acc // _ZCHUNK):
                pltpu.sync_copy(zero_v, acc_sh.at[pl.ds(k * _ZCHUNK, _ZCHUNK)])
            rem = N_acc % _ZCHUNK
            if rem:
                pltpu.sync_copy(zero_v.at[pl.ds(0, rem)],
                                acc_sh.at[pl.ds(N_acc - rem, rem)])

        plsc.subcore_barrier()

        def step(j, t):
            @pl.when(j >= 2)
            def _drain():
                pltpu.make_async_copy(ones_v, acc_sh.at[dst_v[t]],
                                      sems[t]).wait()
            off = j * _CHUNK
            for k in range(_CHUNK // 16):
                dst_v[t][pl.ds(k * 16, 16)] = dst_all[pl.ds(off + k * 16, 16)]
            pltpu.async_copy(ones_v, acc_sh.at[dst_v[t]], sems[t], add=True)

        def body(jj, carry):
            step(2 * jj, 0)
            step(2 * jj + 1, 1)
            return carry

        lax.fori_loop(0, nchunk // 2, body, 0)
        if nchunk % 2:
            step(nchunk - 1, (nchunk - 1) % 2)
        for j in (nchunk - 2, nchunk - 1):
            if j >= 0:
                pltpu.make_async_copy(ones_v, acc_sh.at[dst_v[j % 2]],
                                      sems[j % 2]).wait()
        plsc.subcore_barrier()

        @pl.when(jnp.logical_and(s == 0, c == 0))
        def _writeout0():
            pltpu.sync_copy(acc_sh, out0_hbm)

        @pl.when(jnp.logical_and(s == 0, c == 1))
        def _writeout1():
            pltpu.sync_copy(acc_sh, out1_hbm)

    return deg_kernel


@functools.lru_cache(maxsize=None)
def _make_scatter_kernel(N, N_acc, D, E_pad, nc, ns):
    nw = nc * ns
    ept = E_pad // nw
    nchunk = ept // _CHUNK
    assert nchunk >= 6
    ngrp = nchunk // 4
    ntail = nchunk % 4
    nz = N_acc // _CHUNK
    zrem = N_acc % _CHUNK
    mesh = plsc.VectorSubcoreMesh(core_axis_name="c", subcore_axis_name="s")

    @functools.partial(
        pl.kernel,
        mesh=mesh,
        out_type=jax.ShapeDtypeStruct((nc, N_acc, D), jnp.float32),
        scratch_types=[
            [pltpu.VMEM((_CHUNK,), jnp.int32)] * 4,
            [pltpu.VMEM((_CHUNK,), jnp.int32)] * 4,
            [pltpu.VMEM((_CHUNK, D), jnp.float32)] * 4,
            pltpu.VMEM_SHARED((N_acc, D), jnp.float32),
            [pltpu.SemaphoreType.DMA] * 4,
            [pltpu.SemaphoreType.DMA] * 4,
            [pltpu.SemaphoreType.DMA] * 4,
        ],
    )
    def scatter_kernel(g_hbm, edges_hbm, out_hbm,
                       src_v, dst_v, rows, acc_sh, sem_is, sem_id, sem_g):
        c = lax.axis_index("c")
        s = lax.axis_index("s")
        wid = s * nc + c
        base = wid * ept

        def idx_issue(j, b):
            off = base + j * _CHUNK
            pltpu.async_copy(edges_hbm.at[pl.ds(off, _CHUNK)], src_v[b],
                             sem_is[b])
            pltpu.async_copy(edges_hbm.at[pl.ds(E_pad + off, _CHUNK)], dst_v[b],
                             sem_id[b])

        def idx_wait_src(b):
            pltpu.make_async_copy(edges_hbm.at[pl.ds(0, _CHUNK)], src_v[b],
                                  sem_is[b]).wait()

        def idx_wait_dst(b):
            pltpu.make_async_copy(edges_hbm.at[pl.ds(0, _CHUNK)], dst_v[b],
                                  sem_id[b]).wait()

        def gather_issue(b):
            pltpu.async_copy(g_hbm.at[src_v[b]], rows[b], sem_g[b])

        def gather_wait(b):
            pltpu.make_async_copy(g_hbm.at[src_v[b]], rows[b], sem_g[b]).wait()

        for t in range(4):
            if t < nchunk:
                idx_issue(t, t)

        def zfill(r, carry):
            for k in range(D // 16):
                rows[0][r, pl.ds(k * 16, 16)] = jnp.zeros((16,), jnp.float32)
            return carry

        lax.fori_loop(0, _CHUNK, zfill, 0)

        def zero_acc(k, carry):
            @pl.when(lax.rem(k, ns) == s)
            def _():
                pltpu.sync_copy(rows[0], acc_sh.at[pl.ds(k * _CHUNK, _CHUNK)])
            return carry

        lax.fori_loop(0, nz, zero_acc, 0)
        if zrem:
            @pl.when(s == 0)
            def _zero_tail():
                pltpu.sync_copy(rows[0].at[pl.ds(0, zrem)],
                                acc_sh.at[pl.ds(N_acc - zrem, zrem)])
        plsc.subcore_barrier()

        for t in range(2):
            if t < nchunk:
                idx_wait_src(t)
                gather_issue(t)

        def step(j, t):
            gather_wait(t)
            idx_wait_dst(t)
            pltpu.sync_copy(rows[t], acc_sh.at[dst_v[t]], add=True)

            @pl.when(j + 4 < nchunk)
            def _prefetch_idx():
                idx_issue(j + 4, t)

            t2 = (t + 2) % 4

            @pl.when(j + 2 < nchunk)
            def _launch_gather():
                idx_wait_src(t2)
                gather_issue(t2)

        def body(jj, carry):
            for t in range(4):
                step(4 * jj + t, t)
            return carry

        lax.fori_loop(0, ngrp, body, 0)
        for t in range(ntail):
            step(4 * ngrp + t, t)
        plsc.subcore_barrier()

        def writeout(k, carry):
            @pl.when(lax.rem(k, ns) == s)
            def _():
                pltpu.sync_copy(acc_sh.at[pl.ds(k * _CHUNK, _CHUNK)],
                                out_hbm.at[c, pl.ds(k * _CHUNK, _CHUNK)])
            return carry

        lax.fori_loop(0, nz, writeout, 0)
        if zrem:
            @pl.when(s == 0)
            def _write_tail():
                pltpu.sync_copy(acc_sh.at[pl.ds(N_acc - zrem, zrem)],
                                out_hbm.at[c, pl.ds(N_acc - zrem, zrem)])

    return scatter_kernel




def _dinv_block(d0_ref, d1_ref, B):
    i = pl.program_id(0)
    deg = d0_ref[pl.ds(i * B, B)] + d1_ref[pl.ds(i * B, B)] + 1.0
    return lax.rsqrt(deg).reshape(B, 1)


def _k1_body(x_ref, w1_ref, d0_ref, d1_ref, g1_ref):
    dinv = _dinv_block(d0_ref, d1_ref, x_ref.shape[0])
    p = jnp.dot(x_ref[...], w1_ref[...], preferred_element_type=jnp.float32)
    g1_ref[...] = p * dinv


def _k2_body(s1_ref, g1_ref, d0_ref, d1_ref, b1_ref, w2_ref, g2_ref):
    dinv = _dinv_block(d0_ref, d1_ref, g1_ref.shape[0])
    h1 = jnp.maximum(dinv * (s1_ref[0] + s1_ref[1] + g1_ref[...]) + b1_ref[...], 0.0)
    g2_ref[...] = jnp.dot(h1, w2_ref[...], preferred_element_type=jnp.float32) * dinv


def _k3_body(s2_ref, g2_ref, d0_ref, d1_ref, b2_ref, wl_ref, bl_ref, out_ref):
    dinv = _dinv_block(d0_ref, d1_ref, g2_ref.shape[0])
    h2 = dinv * (s2_ref[0] + s2_ref[1] + g2_ref[...]) + b2_ref[...]
    out_ref[...] = jnp.maximum(
        jnp.dot(h2, wl_ref[...], preferred_element_type=jnp.float32) + bl_ref[...], 0.0)




def kernel(x, edge_index, W1, b1, W2, b2, Wl, bl):
    N, d_in = x.shape
    d_hid = W1.shape[1]
    d_out = W2.shape[1]
    d_emb = Wl.shape[1]
    E = edge_index.shape[1]
    nc, ns = _sc_info()
    nw = nc * ns

    quantum = nw * _CHUNK
    E_pad = ((E + quantum - 1) // quantum) * quantum
    if E_pad != E:
        pad = E_pad - E
        edges = jnp.concatenate([
            edge_index[0], jnp.zeros((pad,), edge_index.dtype),
            edge_index[1], jnp.full((pad,), N, edge_index.dtype)])
    else:
        edges = edge_index.reshape(2 * E)

    B = 2048
    N_acc = ((N + B - 1) // B) * B
    grid = (N_acc // B,)

    deg0, deg1 = _make_deg_kernel(N_acc, E_pad, nc, ns)(edges)
    scat = _make_scatter_kernel(N, N_acc, d_hid, E_pad, nc, ns)
    scat2 = (scat if d_out == d_hid
             else _make_scatter_kernel(N, N_acc, d_out, E_pad, nc, ns))

    deg_spec = pl.BlockSpec((N_acc,), lambda i: (0,))
    rows_spec = pl.BlockSpec((B, d_hid), lambda i: (i, 0))
    parts_spec = pl.BlockSpec((2, B, d_hid), lambda i: (0, i, 0))

    g1 = pl.pallas_call(
        _k1_body,
        grid=grid,
        in_specs=[
            pl.BlockSpec((B, d_in), lambda i: (i, 0)),
            pl.BlockSpec((d_in, d_hid), lambda i: (0, 0)),
            deg_spec,
            deg_spec,
        ],
        out_specs=rows_spec,
        out_shape=jax.ShapeDtypeStruct((N_acc, d_hid), jnp.float32),
    )(x, W1, deg0, deg1)

    s1 = scat(g1, edges)

    g2 = pl.pallas_call(
        _k2_body,
        grid=grid,
        in_specs=[
            parts_spec,
            rows_spec,
            deg_spec,
            deg_spec,
            pl.BlockSpec((1, d_hid), lambda i: (0, 0)),
            pl.BlockSpec((d_hid, d_out), lambda i: (0, 0)),
        ],
        out_specs=pl.BlockSpec((B, d_out), lambda i: (i, 0)),
        out_shape=jax.ShapeDtypeStruct((N_acc, d_out), jnp.float32),
    )(s1, g1, deg0, deg1, b1.reshape(1, -1), W2)

    s2 = scat2(g2, edges)

    out = pl.pallas_call(
        _k3_body,
        grid=grid,
        in_specs=[
            parts_spec,
            pl.BlockSpec((B, d_out), lambda i: (i, 0)),
            deg_spec,
            deg_spec,
            pl.BlockSpec((1, d_out), lambda i: (0, 0)),
            pl.BlockSpec((d_out, d_emb), lambda i: (0, 0)),
            pl.BlockSpec((1, d_emb), lambda i: (0, 0)),
        ],
        out_specs=pl.BlockSpec((B, d_emb), lambda i: (i, 0)),
        out_shape=jax.ShapeDtypeStruct((N_acc, d_emb), jnp.float32),
    )(s2, g2, deg0, deg1, b2.reshape(1, -1), Wl, bl.reshape(1, -1))

    return out[:N]

# --- scband reference (transcript-rebuilt; emitter-appended) ---
"""Pipeline reference for scband-gcn-38302518346058 (READ-ONLY COPY).

The authoritative reference and input builder live on the scoring server;
editing this copy changes nothing except your own understanding.
"""

import jax, jax.numpy as jnp
import numpy as np


def gcn_conv(x, edge_index, W, b):
    # Faithful PyG GCNConv: add self-loops, symmetric normalization D^-1/2 (A+I) D^-1/2 X W + b
    N = x.shape[0]
    loop = jnp.arange(N, dtype=edge_index.dtype)
    src = jnp.concatenate([edge_index[0], loop])
    dst = jnp.concatenate([edge_index[1], loop])
    deg = jax.ops.segment_sum(jnp.ones_like(dst, dtype=x.dtype), dst, num_segments=N)
    dinv = jnp.where(deg > 0, deg ** -0.5, 0.0)
    norm = dinv[src] * dinv[dst]
    h = x @ W
    msg = h[src] * norm[:, None]
    out = jax.ops.segment_sum(msg, dst, num_segments=N)
    return out + b


def setup_inputs(seed: int = 0) -> dict:
    key = jax.random.key(seed)
    ks = jax.random.split(key, 8)
    N, E = 10000, 320000
    d_in, d_hid, d_out, d_emb = 128, 128, 128, 64
    x = jax.random.normal(ks[0], (N, d_in), dtype=jnp.float32)
    edge_index = jax.random.randint(ks[1], (2, E), 0, N, dtype=jnp.int32)
    W1 = jax.random.normal(ks[2], (d_in, d_hid), dtype=jnp.float32) * (1.0 / np.sqrt(d_in))
    b1 = jnp.zeros((d_hid,), dtype=jnp.float32)
    W2 = jax.random.normal(ks[3], (d_hid, d_out), dtype=jnp.float32) * (1.0 / np.sqrt(d_hid))
    b2 = jnp.zeros((d_out,), dtype=jnp.float32)
    Wl = jax.random.normal(ks[4], (d_out, d_emb), dtype=jnp.float32) * (1.0 / np.sqrt(d_out))
    bl = jnp.zeros((d_emb,), dtype=jnp.float32)
    return {"x": x, "edge_index": edge_index, "W1": W1, "b1": b1, "W2": W2, "b2": b2, "Wl": Wl, "bl": bl}


def reference(x, edge_index, W1, b1, W2, b2, Wl, bl):
    h = jax.nn.relu(gcn_conv(x, edge_index, W1, b1))
    h = gcn_conv(h, edge_index, W2, b2)
    h = jax.nn.relu(h @ Wl + bl)
    return h

if __name__ == "__main__":
    import jax
    _d = setup_inputs()
    print(jax.jit(kernel)(*tuple(_d.values())))

</pallas_src>

<mosaic_0001>
#map = affine_map<(d0, d1) -> (0, 0)>
#map1 = affine_map<(d0, d1) -> (0)>
#map2 = affine_map<(d0, d1) -> (0, 0, 0)>
module attributes {stable_mosaic.version = 14 : i64} {
  func.func @scatter_kernel(%arg0: i32, %arg1: i32, %arg2: memref<10240x128xf32, #tpu.memory_space<hbm>>, %arg3: memref<640000xi32, #tpu.memory_space<hbm>>, %arg4: memref<2x10240x128xf32, #tpu.memory_space<hbm>>, %arg5: memref<80xi32, #tpu.memory_space<vmem>>, %arg6: memref<80xi32, #tpu.memory_space<vmem>>, %arg7: memref<80xi32, #tpu.memory_space<vmem>>, %arg8: memref<80xi32, #tpu.memory_space<vmem>>, %arg9: memref<80xi32, #tpu.memory_space<vmem>>, %arg10: memref<80xi32, #tpu.memory_space<vmem>>, %arg11: memref<80xi32, #tpu.memory_space<vmem>>, %arg12: memref<80xi32, #tpu.memory_space<vmem>>, %arg13: memref<80x128xf32, #tpu.memory_space<vmem>>, %arg14: memref<80x128xf32, #tpu.memory_space<vmem>>, %arg15: memref<80x128xf32, #tpu.memory_space<vmem>>, %arg16: memref<80x128xf32, #tpu.memory_space<vmem>>, %arg17: memref<10240x128xf32, #tpu.memory_space<vmem_shared>>, %arg18: memref<!tpu.dma_semaphore, #tpu.memory_space<semaphore_mem>>, %arg19: memref<!tpu.dma_semaphore, #tpu.memory_space<semaphore_mem>>, %arg20: memref<!tpu.dma_semaphore, #tpu.memory_space<semaphore_mem>>, %arg21: memref<!tpu.dma_semaphore, #tpu.memory_space<semaphore_mem>>, %arg22: memref<!tpu.dma_semaphore, #tpu.memory_space<semaphore_mem>>, %arg23: memref<!tpu.dma_semaphore, #tpu.memory_space<semaphore_mem>>, %arg24: memref<!tpu.dma_semaphore, #tpu.memory_space<semaphore_mem>>, %arg25: memref<!tpu.dma_semaphore, #tpu.memory_space<semaphore_mem>>, %arg26: memref<!tpu.dma_semaphore, #tpu.memory_space<semaphore_mem>>, %arg27: memref<!tpu.dma_semaphore, #tpu.memory_space<semaphore_mem>>, %arg28: memref<!tpu.dma_semaphore, #tpu.memory_space<semaphore_mem>>, %arg29: memref<!tpu.dma_semaphore, #tpu.memory_space<semaphore_mem>>) attributes {dimension_semantics = [#tpu.dimension_semantics<core_parallel>, #tpu.dimension_semantics<subcore_parallel>], iteration_bounds = array<i64: 2, 16>, scalar_prefetch = 0 : i64, scratch_operands = 25 : i64, tpu.core_type = #tpu.core_type<sc_vector_subcore>, window_params = [{transform_indices = #map}, {transform_indices = #map1}, {transform_indices = #map2}]} {
    %mul3A = arith.constant 2 : i32
    %mul3A_0 = arith.muli %arg1, %mul3A : i32
    %add3A = arith.addi %mul3A_0, %arg0 : i32
    %mul3A_1 = arith.constant 10000 : i32
    %mul3A_2 = arith.muli %add3A, %mul3A_1 : i32
    %add3A_3 = arith.constant 0 : i32
    %add3A_4 = arith.addi %mul3A_2, %add3A_3 : i32
    %dma_start3A = tpu.memref_slice %arg3[%add3A_4] : memref<640000xi32, #tpu.memory_space<hbm>> -> memref<80xi32, #tpu.memory_space<hbm>>
    %dma_start3A_5 = tpu.memref_slice %arg3[%add3A_4] : memref<640000xi32, #tpu.memory_space<hbm>> -> memref<80xi32, #tpu.memory_space<hbm>>
    tpu.enqueue_dma source(%dma_start3A_5 : memref<80xi32, #tpu.memory_space<hbm>>) target(%arg5 : memref<80xi32, #tpu.memory_space<vmem>>) target_semaphore(%arg18 : memref<!tpu.dma_semaphore, #tpu.memory_space<semaphore_mem>>)
    %add3A_6 = arith.constant 320000 : i32
    %add3A_7 = arith.addi %add3A_6, %add3A_4 : i32
    %dma_start3A_8 = tpu.memref_slice %arg3[%add3A_7] : memref<640000xi32, #tpu.memory_space<hbm>> -> memref<80xi32, #tpu.memory_space<hbm>>
    %dma_start3A_9 = tpu.memref_slice %arg3[%add3A_7] : memref<640000xi32, #tpu.memory_space<hbm>> -> memref<80xi32, #tpu.memory_space<hbm>>
    tpu.enqueue_dma source(%dma_start3A_9 : memref<80xi32, #tpu.memory_space<hbm>>) target(%arg9 : memref<80xi32, #tpu.memory_space<vmem>>) target_semaphore(%arg22 : memref<!tpu.dma_semaphore, #tpu.memory_space<semaphore_mem>>)
    %add3A_10 = arith.constant 80 : i32
    %add3A_11 = arith.addi %mul3A_2, %add3A_10 : i32
    %dma_start3A_12 = tpu.memref_slice %arg3[%add3A_11] : memref<640000xi32, #tpu.memory_space<hbm>> -> memref<80xi32, #tpu.memory_space<hbm>>
    %dma_start3A_13 = tpu.memref_slice %arg3[%add3A_11] : memref<640000xi32, #tpu.memory_space<hbm>> -> memref<80xi32, #tpu.memory_space<hbm>>
    tpu.enqueue_dma source(%dma_start3A_13 : memref<80xi32, #tpu.memory_space<hbm>>) target(%arg6 : memref<80xi32, #tpu.memory_space<vmem>>) target_semaphore(%arg19 : memref<!tpu.dma_semaphore, #tpu.memory_space<semaphore_mem>>)
    %add3A_14 = arith.constant 320000 : i32
    %add3A_15 = arith.addi %add3A_14, %add3A_11 : i32
    %dma_start3A_16 = tpu.memref_slice %arg3[%add3A_15] : memref<640000xi32, #tpu.memory_space<hbm>> -> memref<80xi32, #tpu.memory_space<hbm>>
    %dma_start3A_17 = tpu.memref_slice %arg3[%add3A_15] : memref<640000xi32, #tpu.memory_space<hbm>> -> memref<80xi32, #tpu.memory_space<hbm>>
    tpu.enqueue_dma source(%dma_start3A_17 : memref<80xi32, #tpu.memory_space<hbm>>) target(%arg10 : memref<80xi32, #tpu.memory_space<vmem>>) target_semaphore(%arg23 : memref<!tpu.dma_semaphore, #tpu.memory_space<semaphore_mem>>)
    %add3A_18 = arith.constant 160 : i32
    %add3A_19 = arith.addi %mul3A_2, %add3A_18 : i32
    %dma_start3A_20 = tpu.memref_slice %arg3[%add3A_19] : memref<640000xi32, #tpu.memory_space<hbm>> -> memref<80xi32, #tpu.memory_space<hbm>>
    %dma_start3A_21 = tpu.memref_slice %arg3[%add3A_19] : memref<640000xi32, #tpu.memory_space<hbm>> -> memref<80xi32, #tpu.memory_space<hbm>>
    tpu.enqueue_dma source(%dma_start3A_21 : memref<80xi32, #tpu.memory_space<hbm>>) target(%arg7 : memref<80xi32, #tpu.memory_space<vmem>>) target_semaphore(%arg20 : memref<!tpu.dma_semaphore, #tpu.memory_space<semaphore_mem>>)
    %add3A_22 = arith.constant 320000 : i32
    %add3A_23 = arith.addi %add3A_22, %add3A_19 : i32
    %dma_start3A_24 = tpu.memref_slice %arg3[%add3A_23] : memref<640000xi32, #tpu.memory_space<hbm>> -> memref<80xi32, #tpu.memory_space<hbm>>
    %dma_start3A_25 = tpu.memref_slice %arg3[%add3A_23] : memref<640000xi32, #tpu.memory_space<hbm>> -> memref<80xi32, #tpu.memory_space<hbm>>
    tpu.enqueue_dma source(%dma_start3A_25 : memref<80xi32, #tpu.memory_space<hbm>>) target(%arg11 : memref<80xi32, #tpu.memory_space<vmem>>) target_semaphore(%arg24 : memref<!tpu.dma_semaphore, #tpu.memory_space<semaphore_mem>>)
    %add3A_26 = arith.constant 240 : i32
    %add3A_27 = arith.addi %mul3A_2, %add3A_26 : i32
    %dma_start3A_28 = tpu.memref_slice %arg3[%add3A_27] : memref<640000xi32, #tpu.memory_space<hbm>> -> memref<80xi32, #tpu.memory_space<hbm>>
    %dma_start3A_29 = tpu.memref_slice %arg3[%add3A_27] : memref<640000xi32, #tpu.memory_space<hbm>> -> memref<80xi32, #tpu.memory_space<hbm>>
    tpu.enqueue_dma source(%dma_start3A_29 : memref<80xi32, #tpu.memory_space<hbm>>) target(%arg8 : memref<80xi32, #tpu.memory_space<vmem>>) target_semaphore(%arg21 : memref<!tpu.dma_semaphore, #tpu.memory_space<semaphore_mem>>)
    %add3A_30 = arith.constant 320000 : i32
    %add3A_31 = arith.addi %add3A_30, %add3A_27 : i32
    %dma_start3A_32 = tpu.memref_slice %arg3[%add3A_31] : memref<640000xi32, #tpu.memory_space<hbm>> -> memref<80xi32, #tpu.memory_space<hbm>>
    %dma_start3A_33 = tpu.memref_slice %arg3[%add3A_31] : memref<640000xi32, #tpu.memory_space<hbm>> -> memref<80xi32, #tpu.memory_space<hbm>>
    tpu.enqueue_dma source(%dma_start3A_33 : memref<80xi32, #tpu.memory_space<hbm>>) target(%arg12 : memref<80xi32, #tpu.memory_space<vmem>>) target_semaphore(%arg25 : memref<!tpu.dma_semaphore, #tpu.memory_space<semaphore_mem>>)
    %scan3A = arith.constant 0 : i32
    %scan3A_34 = arith.constant 0 : i32
    %scan3A_35 = arith.constant 80 : i32
    %scan3A_36 = arith.addi %scan3A_34, %scan3A_35 : i32
    %scan3A_37 = arith.constant 1 : i32
    scf.for %scan3A_78 = %scan3A_34 to %scan3A_36 step %scan3A_37  : i32 {
      %broadcast_in_dim3A = arith.constant 0.000000e+00 : f32
      %broadcast_in_dim3A_79 = vector.broadcast %broadcast_in_dim3A : f32 to vector<16xf32>
      %swap3A = arith.index_cast %scan3A_78 : i32 to index
      %swap3A_80 = arith.constant 0 : index
      %swap3A_81 = tpu.vector_load %arg13[%swap3A, %swap3A_80] {strides = array<i32>} : memref<80x128xf32, #tpu.memory_space<vmem>>, vector<1x16xf32>,
      %swap3A_82 = vector.shape_cast %swap3A_81 : vector<1x16xf32> to vector<16xf32>
      %swap3A_83 = vector.shape_cast %broadcast_in_dim3A_79 : vector<16xf32> to vector<1x16xf32>
      tpu.vector_store %arg13[%swap3A, %swap3A_80], %swap3A_83 {strides = array<i32>} : memref<80x128xf32, #tpu.memory_space<vmem>>, vector<1x16xf32>,
      %broadcast_in_dim3A_84 = arith.constant 0.000000e+00 : f32
      %broadcast_in_dim3A_85 = vector.broadcast %broadcast_in_dim3A_84 : f32 to vector<16xf32>
      %swap3A_86 = arith.index_cast %scan3A_78 : i32 to index
      %swap3A_87 = arith.constant 16 : index
      %swap3A_88 = tpu.vector_load %arg13[%swap3A_86, %swap3A_87] {strides = array<i32>} : memref<80x128xf32, #tpu.memory_space<vmem>>, vector<1x16xf32>,
      %swap3A_89 = vector.shape_cast %swap3A_88 : vector<1x16xf32> to vector<16xf32>
      %swap3A_90 = vector.shape_cast %broadcast_in_dim3A_85 : vector<16xf32> to vector<1x16xf32>
      tpu.vector_store %arg13[%swap3A_86, %swap3A_87], %swap3A_90 {strides = array<i32>} : memref<80x128xf32, #tpu.memory_space<vmem>>, vector<1x16xf32>,
      %broadcast_in_dim3A_91 = arith.constant 0.000000e+00 : f32
      %broadcast_in_dim3A_92 = vector.broadcast %broadcast_in_dim3A_91 : f32 to vector<16xf32>
      %swap3A_93 = arith.index_cast %scan3A_78 : i32 to index
      %swap3A_94 = arith.constant 32 : index
      %swap3A_95 = tpu.vector_load %arg13[%swap3A_93, %swap3A_94] {strides = array<i32>} : memref<80x128xf32, #tpu.memory_space<vmem>>, vector<1x16xf32>,
      %swap3A_96 = vector.shape_cast %swap3A_95 : vector<1x16xf32> to vector<16xf32>
      %swap3A_97 = vector.shape_cast %broadcast_in_dim3A_92 : vector<16xf32> to vector<1x16xf32>
      tpu.vector_store %arg13[%swap3A_93, %swap3A_94], %swap3A_97 {strides = array<i32>} : memref<80x128xf32, #tpu.memory_space<vmem>>, vector<1x16xf32>,
      %broadcast_in_dim3A_98 = arith.constant 0.000000e+00 : f32
      %broadcast_in_dim3A_99 = vector.broadcast %broadcast_in_dim3A_98 : f32 to vector<16xf32>
      %swap3A_100 = arith.index_cast %scan3A_78 : i32 to index
      %swap3A_101 = arith.constant 48 : index
      %swap3A_102 = tpu.vector_load %arg13[%swap3A_100, %swap3A_101] {strides = array<i32>} : memref<80x128xf32, #tpu.memory_space<vmem>>, vector<1x16xf32>,
      %swap3A_103 = vector.shape_cast %swap3A_102 : vector<1x16xf32> to vector<16xf32>
      %swap3A_104 = vector.shape_cast %broadcast_in_dim3A_99 : vector<16xf32> to vector<1x16xf32>
      tpu.vector_store %arg13[%swap3A_100, %swap3A_101], %swap3A_104 {strides = array<i32>} : memref<80x128xf32, #tpu.memory_space<vmem>>, vector<1x16xf32>,
      %broadcast_in_dim3A_105 = arith.constant 0.000000e+00 : f32
      %broadcast_in_dim3A_106 = vector.broadcast %broadcast_in_dim3A_105 : f32 to vector<16xf32>
      %swap3A_107 = arith.index_cast %scan3A_78 : i32 to index
      %swap3A_108 = arith.constant 64 : index
      %swap3A_109 = tpu.vector_load %arg13[%swap3A_107, %swap3A_108] {strides = array<i32>} : memref<80x128xf32, #tpu.memory_space<vmem>>, vector<1x16xf32>,
      %swap3A_110 = vector.shape_cast %swap3A_109 : vector<1x16xf32> to vector<16xf32>
      %swap3A_111 = vector.shape_cast %broadcast_in_dim3A_106 : vector<16xf32> to vector<1x16xf32>
      tpu.vector_store %arg13[%swap3A_107, %swap3A_108], %swap3A_111 {strides = array<i32>} : memref<80x128xf32, #tpu.memory_space<vmem>>, vector<1x16xf32>,
      %broadcast_in_dim3A_112 = arith.constant 0.000000e+00 : f32
      %broadcast_in_dim3A_113 = vector.broadcast %broadcast_in_dim3A_112 : f32 to vector<16xf32>
      %swap3A_114 = arith.index_cast %scan3A_78 : i32 to index
      %swap3A_115 = arith.constant 80 : index
      %swap3A_116 = tpu.vector_load %arg13[%swap3A_114, %swap3A_115] {strides = array<i32>} : memref<80x128xf32, #tpu.memory_space<vmem>>, vector<1x16xf32>,
      %swap3A_117 = vector.shape_cast %swap3A_116 : vector<1x16xf32> to vector<16xf32>
      %swap3A_118 = vector.shape_cast %broadcast_in_dim3A_113 : vector<16xf32> to vector<1x16xf32>
      tpu.vector_store %arg13[%swap3A_114, %swap3A_115], %swap3A_118 {strides = array<i32>} : memref<80x128xf32, #tpu.memory_space<vmem>>, vector<1x16xf32>,
      %broadcast_in_dim3A_119 = arith.constant 0.000000e+00 : f32
      %broadcast_in_dim3A_120 = vector.broadcast %broadcast_in_dim3A_119 : f32 to vector<16xf32>
      %swap3A_121 = arith.index_cast %scan3A_78 : i32 to index
      %swap3A_122 = arith.constant 96 : index
      %swap3A_123 = tpu.vector_load %arg13[%swap3A_121, %swap3A_122] {strides = array<i32>} : memref<80x128xf32, #tpu.memory_space<vmem>>, vector<1x16xf32>,
      %swap3A_124 = vector.shape_cast %swap3A_123 : vector<1x16xf32> to vector<16xf32>
      %swap3A_125 = vector.shape_cast %broadcast_in_dim3A_120 : vector<16xf32> to vector<1x16xf32>
      tpu.vector_store %arg13[%swap3A_121, %swap3A_122], %swap3A_125 {strides = array<i32>} : memref<80x128xf32, #tpu.memory_space<vmem>>, vector<1x16xf32>,
      %broadcast_in_dim3A_126 = arith.constant 0.000000e+00 : f32
      %broadcast_in_dim3A_127 = vector.broadcast %broadcast_in_dim3A_126 : f32 to vector<16xf32>
      %swap3A_128 = arith.index_cast %scan3A_78 : i32 to index
      %swap3A_129 = arith.constant 112 : index
      %swap3A_130 = tpu.vector_load %arg13[%swap3A_128, %swap3A_129] {strides = array<i32>} : memref<80x128xf32, #tpu.memory_space<vmem>>, vector<1x16xf32>,
      %swap3A_131 = vector.shape_cast %swap3A_130 : vector<1x16xf32> to vector<16xf32>
      %swap3A_132 = vector.shape_cast %broadcast_in_dim3A_127 : vector<16xf32> to vector<1x16xf32>
      tpu.vector_store %arg13[%swap3A_128, %swap3A_129], %swap3A_132 {strides = array<i32>} : memref<80x128xf32, #tpu.memory_space<vmem>>, vector<1x16xf32>,
    }
    %scan3A_38 = arith.constant 80 : i32
    %scan3A_39 = arith.constant 0 : i32
    %scan3A_40 = arith.constant 0 : i32
    %scan3A_41 = arith.constant 128 : i32
    %scan3A_42 = arith.addi %scan3A_40, %scan3A_41 : i32
    %scan3A_43 = arith.constant 1 : i32
    scf.for %scan3A_78 = %scan3A_40 to %scan3A_42 step %scan3A_43  : i32 {
      %rem3A = arith.constant 16 : i32
      %rem3A_79 = arith.remsi %scan3A_78, %rem3A : i32
      %eq3A = arith.cmpi eq, %rem3A_79, %arg1 : i32
      %convert_element_type3A = arith.extui %eq3A : i1 to i32
      %cond3A = arith.constant 0 : i32
      %cond3A_80 = arith.cmpi ne, %convert_element_type3A, %cond3A : i32
      scf.if %cond3A_80 {
        %mul3A_81 = arith.constant 80 : i32
        %mul3A_82 = arith.muli %scan3A_78, %mul3A_81 : i32
        "tpu.region"() ({
          %run_scoped3A = tpu.sem_alloc : memref<!tpu.dma_semaphore, #tpu.memory_space<semaphore_mem>>
          %dma_start3A_83 = arith.constant 0 : i32
          %dma_start3A_84 = tpu.memref_slice %arg17[%mul3A_82, %dma_start3A_83] : memref<10240x128xf32, #tpu.memory_space<vmem_shared>> -> memref<80x128xf32, #tpu.memory_space<vmem_shared>>
          %dma_start3A_85 = arith.constant 0 : i32
          %dma_start3A_86 = tpu.memref_slice %arg17[%mul3A_82, %dma_start3A_85] : memref<10240x128xf32, #tpu.memory_space<vmem_shared>> -> memref<80x128xf32, #tpu.memory_space<vmem_shared>>
          tpu.enqueue_dma source(%arg13 : memref<80x128xf32, #tpu.memory_space<vmem>>) target(%dma_start3A_86 : memref<80x128xf32, #tpu.memory_space<vmem_shared>>) target_semaphore(%run_scoped3A : memref<!tpu.dma_semaphore, #tpu.memory_space<semaphore_mem>>)
          %dma_wait3A_87 = arith.constant 0 : i32
          %dma_wait3A_88 = tpu.memref_slice %arg17[%mul3A_82, %dma_wait3A_87] : memref<10240x128xf32, #tpu.memory_space<vmem_shared>> -> memref<80x128xf32, #tpu.memory_space<vmem_shared>>
          %dma_wait3A_89 = arith.constant 0 : i32
          %dma_wait3A_90 = tpu.memref_slice %arg17[%mul3A_82, %dma_wait3A_89] : memref<10240x128xf32, #tpu.memory_space<vmem_shared>> -> memref<80x128xf32, #tpu.memory_space<vmem_shared>>
          tpu.wait_dma2 semaphore(%run_scoped3A : memref<!tpu.dma_semaphore, #tpu.memory_space<semaphore_mem>>) src(%arg13 : memref<80x128xf32, #tpu.memory_space<vmem>>) dst(%dma_wait3A_90 : memref<80x128xf32, #tpu.memory_space<vmem_shared>>)
          tpu.yield
        }) : () -> ()
      } else {
      }
    }
    %scan3A_44 = arith.constant 128 : i32
    %barrier3A = arith.constant 0 : index
    tpu.barrier barrier_id(%barrier3A)
    %dma_wait3A = arith.constant 0 : i32
    %dma_wait3A_45 = tpu.memref_slice %arg3[%dma_wait3A] : memref<640000xi32, #tpu.memory_space<hbm>> -> memref<80xi32, #tpu.memory_space<hbm>>
    %dma_wait3A_46 = arith.constant 0 : i32
    %dma_wait3A_47 = tpu.memref_slice %arg3[%dma_wait3A_46] : memref<640000xi32, #tpu.memory_space<hbm>> -> memref<80xi32, #tpu.memory_space<hbm>>
    tpu.wait_dma2 semaphore(%arg18 : memref<!tpu.dma_semaphore, #tpu.memory_space<semaphore_mem>>) src(%dma_wait3A_47 : memref<80xi32, #tpu.memory_space<hbm>>) dst(%arg5 : memref<80xi32, #tpu.memory_space<vmem>>)
    %dma_start3A_48 = arith.constant 0 : i32
    %dma_start3A_49 = arith.constant 0 : i32
    %dma_start3A_50 = tpu.memref_slice %arg2[%dma_start3A_48, %dma_start3A_49] : memref<10240x128xf32, #tpu.memory_space<hbm>> -> memref<10240x128xf32, #tpu.memory_space<hbm>>
    tpu.enqueue_indirect_dma source(%dma_start3A_50 : memref<10240x128xf32, #tpu.memory_space<hbm>>) target(%arg13 : memref<80x128xf32, #tpu.memory_space<vmem>>) offsets(%arg5 : memref<80xi32, #tpu.memory_space<vmem>>) semaphore(%arg26 : memref<!tpu.dma_semaphore, #tpu.memory_space<semaphore_mem>>)
    %dma_wait3A_51 = arith.constant 0 : i32
    %dma_wait3A_52 = tpu.memref_slice %arg3[%dma_wait3A_51] : memref<640000xi32, #tpu.memory_space<hbm>> -> memref<80xi32, #tpu.memory_space<hbm>>
    %dma_wait3A_53 = arith.constant 0 : i32
    %dma_wait3A_54 = tpu.memref_slice %arg3[%dma_wait3A_53] : memref<640000xi32, #tpu.memory_space<hbm>> -> memref<80xi32, #tpu.memory_space<hbm>>
    tpu.wait_dma2 semaphore(%arg19 : memref<!tpu.dma_semaphore, #tpu.memory_space<semaphore_mem>>) src(%dma_wait3A_54 : memref<80xi32, #tpu.memory_space<hbm>>) dst(%arg6 : memref<80xi32, #tpu.memory_space<vmem>>)
    %dma_start3A_55 = arith.constant 0 : i32
    %dma_start3A_56 = arith.constant 0 : i32
    %dma_start3A_57 = tpu.memref_slice %arg2[%dma_start3A_55, %dma_start3A_56] : memref<10240x128xf32, #tpu.memory_space<hbm>> -> memref<10240x128xf32, #tpu.memory_space<hbm>>
    tpu.enqueue_indirect_dma source(%dma_start3A_57 : memref<10240x128xf32, #tpu.memory_space<hbm>>) target(%arg14 : memref<80x128xf32, #tpu.memory_space<vmem>>) offsets(%arg6 : memref<80xi32, #tpu.memory_space<vmem>>) semaphore(%arg27 : memref<!tpu.dma_semaphore, #tpu.memory_space<semaphore_mem>>)
    %scan3A_58 = arith.constant 0 : i32
    %scan3A_59 = arith.constant 0 : i32
    %scan3A_60 = arith.constant 31 : i32
    %scan3A_61 = arith.addi %scan3A_59, %scan3A_60 : i32
    %scan3A_62 = arith.constant 1 : i32
    scf.for %scan3A_78 = %scan3A_59 to %scan3A_61 step %scan3A_62  : i32 {
      %mul3A_79 = arith.constant 4 : i32
      %mul3A_80 = arith.muli %mul3A_79, %scan3A_78 : i32
      %add3A_81 = arith.constant 0 : i32
      %add3A_82 = arith.addi %mul3A_80, %add3A_81 : i32
      %dma_wait3A_83 = arith.constant 0 : i32
      %dma_wait3A_84 = arith.constant 0 : i32
      %dma_wait3A_85 = tpu.memref_slice %arg2[%dma_wait3A_83, %dma_wait3A_84] : memref<10240x128xf32, #tpu.memory_space<hbm>> -> memref<10240x128xf32, #tpu.memory_space<hbm>>
      tpu.wait_indirect_dma semaphore(%arg26 : memref<!tpu.dma_semaphore, #tpu.memory_space<semaphore_mem>>) src(%dma_wait3A_85 : memref<10240x128xf32, #tpu.memory_space<hbm>>) dst(%arg13 : memref<80x128xf32, #tpu.memory_space<vmem>>)
      %dma_wait3A_86 = arith.constant 0 : i32
      %dma_wait3A_87 = tpu.memref_slice %arg3[%dma_wait3A_86] : memref<640000xi32, #tpu.memory_space<hbm>> -> memref<80xi32, #tpu.memory_space<hbm>>
      %dma_wait3A_88 = arith.constant 0 : i32
      %dma_wait3A_89 = tpu.memref_slice %arg3[%dma_wait3A_88] : memref<640000xi32, #tpu.memory_space<hbm>> -> memref<80xi32, #tpu.memory_space<hbm>>
      tpu.wait_dma2 semaphore(%arg22 : memref<!tpu.dma_semaphore, #tpu.memory_space<semaphore_mem>>) src(%dma_wait3A_89 : memref<80xi32, #tpu.memory_space<hbm>>) dst(%arg9 : memref<80xi32, #tpu.memory_space<vmem>>)
      "tpu.region"() ({
        %run_scoped3A = tpu.sem_alloc : memref<!tpu.dma_semaphore, #tpu.memory_space<semaphore_mem>>
        %dma_start3A_176 = arith.constant 0 : i32
        %dma_start3A_177 = arith.constant 0 : i32
        %dma_start3A_178 = tpu.memref_slice %arg17[%dma_start3A_176, %dma_start3A_177] : memref<10240x128xf32, #tpu.memory_space<vmem_shared>> -> memref<10240x128xf32, #tpu.memory_space<vmem_shared>>
        tpu.enqueue_indirect_dma source(%arg13 : memref<80x128xf32, #tpu.memory_space<vmem>>) target(%dma_start3A_178 : memref<10240x128xf32, #tpu.memory_space<vmem_shared>>) offsets(%arg9 : memref<80xi32, #tpu.memory_space<vmem>>) semaphore(%run_scoped3A : memref<!tpu.dma_semaphore, #tpu.memory_space<semaphore_mem>>) {add = true}
        %dma_wait3A_179 = arith.constant 0 : i32
        %dma_wait3A_180 = arith.constant 0 : i32
        %dma_wait3A_181 = tpu.memref_slice %arg17[%dma_wait3A_179, %dma_wait3A_180] : memref<10240x128xf32, #tpu.memory_space<vmem_shared>> -> memref<10240x128xf32, #tpu.memory_space<vmem_shared>>
        tpu.wait_indirect_dma semaphore(%run_scoped3A : memref<!tpu.dma_semaphore, #tpu.memory_space<semaphore_mem>>) src(%arg13 : memref<80x128xf32, #tpu.memory_space<vmem>>) dst(%dma_wait3A_181 : memref<10240x128xf32, #tpu.memory_space<vmem_shared>>)
        tpu.yield
      }) : () -> ()
      %add3A_90 = arith.constant 4 : i32
      %add3A_91 = arith.addi %add3A_82, %add3A_90 : i32
      %lt3A = arith.constant 125 : i32
      %lt3A_92 = arith.cmpi slt, %add3A_91, %lt3A : i32
      %convert_element_type3A = arith.extui %lt3A_92 : i1 to i32
      %cond3A = arith.constant 0 : i32
      %cond3A_93 = arith.cmpi ne, %convert_element_type3A, %cond3A : i32
      scf.if %cond3A_93 {
        %add3A_176 = arith.constant 4 : i32
        %add3A_177 = arith.addi %add3A_82, %add3A_176 : i32
        %mul3A_178 = arith.constant 80 : i32
        %mul3A_179 = arith.muli %add3A_177, %mul3A_178 : i32
        %add3A_180 = arith.addi %mul3A_2, %mul3A_179 : i32
        %dma_start3A_181 = tpu.memref_slice %arg3[%add3A_180] : memref<640000xi32, #tpu.memory_space<hbm>> -> memref<80xi32, #tpu.memory_space<hbm>>
        %dma_start3A_182 = tpu.memref_slice %arg3[%add3A_180] : memref<640000xi32, #tpu.memory_space<hbm>> -> memref<80xi32, #tpu.memory_space<hbm>>
        tpu.enqueue_dma source(%dma_start3A_182 : memref<80xi32, #tpu.memory_space<hbm>>) target(%arg5 : memref<80xi32, #tpu.memory_space<vmem>>) target_semaphore(%arg18 : memref<!tpu.dma_semaphore, #tpu.memory_space<semaphore_mem>>)
        %add3A_183 = arith.constant 320000 : i32
        %add3A_184 = arith.addi %add3A_183, %add3A_180 : i32
        %dma_start3A_185 = tpu.memref_slice %arg3[%add3A_184] : memref<640000xi32, #tpu.memory_space<hbm>> -> memref<80xi32, #tpu.memory_space<hbm>>
        %dma_start3A_186 = tpu.memref_slice %arg3[%add3A_184] : memref<640000xi32, #tpu.memory_space<hbm>> -> memref<80xi32, #tpu.memory_space<hbm>>
        tpu.enqueue_dma source(%dma_start3A_186 : memref<80xi32, #tpu.memory_space<hbm>>) target(%arg9 : memref<80xi32, #tpu.memory_space<vmem>>) target_semaphore(%arg22 : memref<!tpu.dma_semaphore, #tpu.memory_space<semaphore_mem>>)
      } else {
      }
      %add3A_94 = arith.constant 2 : i32
      %add3A_95 = arith.addi %add3A_82, %add3A_94 : i32
      %lt3A_96 = arith.constant 125 : i32
      %lt3A_97 = arith.cmpi slt, %add3A_95, %lt3A_96 : i32
      %convert_element_type3A_98 = arith.extui %lt3A_97 : i1 to i32
      %cond3A_99 = arith.constant 0 : i32
      %cond3A_100 = arith.cmpi ne, %convert_element_type3A_98, %cond3A_99 : i32
      scf.if %cond3A_100 {
        %dma_wait3A_176 = arith.constant 0 : i32
        %dma_wait3A_177 = tpu.memref_slice %arg3[%dma_wait3A_176] : memref<640000xi32, #tpu.memory_space<hbm>> -> memref<80xi32, #tpu.memory_space<hbm>>
        %dma_wait3A_178 = arith.constant 0 : i32
        %dma_wait3A_179 = tpu.memref_slice %arg3[%dma_wait3A_178] : memref<640000xi32, #tpu.memory_space<hbm>> -> memref<80xi32, #tpu.memory_space<hbm>>
        tpu.wait_dma2 semaphore(%arg20 : memref<!tpu.dma_semaphore, #tpu.memory_space<semaphore_mem>>) src(%dma_wait3A_179 : memref<80xi32, #tpu.memory_space<hbm>>) dst(%arg7 : memref<80xi32, #tpu.memory_space<vmem>>)
        %dma_start3A_180 = arith.constant 0 : i32
        %dma_start3A_181 = arith.constant 0 : i32
        %dma_start3A_182 = tpu.memref_slice %arg2[%dma_start3A_180, %dma_start3A_181] : memref<10240x128xf32, #tpu.memory_space<hbm>> -> memref<10240x128xf32, #tpu.memory_space<hbm>>
        tpu.enqueue_indirect_dma source(%dma_start3A_182 : memref<10240x128xf32, #tpu.memory_space<hbm>>) target(%arg15 : memref<80x128xf32, #tpu.memory_space<vmem>>) offsets(%arg7 : memref<80xi32, #tpu.memory_space<vmem>>) semaphore(%arg28 : memref<!tpu.dma_semaphore, #tpu.memory_space<semaphore_mem>>)
      } else {
      }
      %mul3A_101 = arith.constant 4 : i32
      %mul3A_102 = arith.muli %mul3A_101, %scan3A_78 : i32
      %add3A_103 = arith.constant 1 : i32
      %add3A_104 = arith.addi %mul3A_102, %add3A_103 : i32
      %dma_wait3A_105 = arith.constant 0 : i32
      %dma_wait3A_106 = arith.constant 0 : i32
      %dma_wait3A_107 = tpu.memref_slice %arg2[%dma_wait3A_105, %dma_wait3A_106] : memref<10240x128xf32, #tpu.memory_space<hbm>> -> memref<10240x128xf32, #tpu.memory_space<hbm>>
      tpu.wait_indirect_dma semaphore(%arg27 : memref<!tpu.dma_semaphore, #tpu.memory_space<semaphore_mem>>) src(%dma_wait3A_107 : memref<10240x128xf32, #tpu.memory_space<hbm>>) dst(%arg14 : memref<80x128xf32, #tpu.memory_space<vmem>>)
      %dma_wait3A_108 = arith.constant 0 : i32
      %dma_wait3A_109 = tpu.memref_slice %arg3[%dma_wait3A_108] : memref<640000xi32, #tpu.memory_space<hbm>> -> memref<80xi32, #tpu.memory_space<hbm>>
      %dma_wait3A_110 = arith.constant 0 : i32
      %dma_wait3A_111 = tpu.memref_slice %arg3[%dma_wait3A_110] : memref<640000xi32, #tpu.memory_space<hbm>> -> memref<80xi32, #tpu.memory_space<hbm>>
      tpu.wait_dma2 semaphore(%arg23 : memref<!tpu.dma_semaphore, #tpu.memory_space<semaphore_mem>>) src(%dma_wait3A_111 : memref<80xi32, #tpu.memory_space<hbm>>) dst(%arg10 : memref<80xi32, #tpu.memory_space<vmem>>)
      "tpu.region"() ({
        %run_scoped3A = tpu.sem_alloc : memref<!tpu.dma_semaphore, #tpu.memory_space<semaphore_mem>>
        %dma_start3A_176 = arith.constant 0 : i32
        %dma_start3A_177 = arith.constant 0 : i32
        %dma_start3A_178 = tpu.memref_slice %arg17[%dma_start3A_176, %dma_start3A_177] : memref<10240x128xf32, #tpu.memory_space<vmem_shared>> -> memref<10240x128xf32, #tpu.memory_space<vmem_shared>>
        tpu.enqueue_indirect_dma source(%arg14 : memref<80x128xf32, #tpu.memory_space<vmem>>) target(%dma_start3A_178 : memref<10240x128xf32, #tpu.memory_space<vmem_shared>>) offsets(%arg10 : memref<80xi32, #tpu.memory_space<vmem>>) semaphore(%run_scoped3A : memref<!tpu.dma_semaphore, #tpu.memory_space<semaphore_mem>>) {add = true}
        %dma_wait3A_179 = arith.constant 0 : i32
        %dma_wait3A_180 = arith.constant 0 : i32
        %dma_wait3A_181 = tpu.memref_slice %arg17[%dma_wait3A_179, %dma_wait3A_180] : memref<10240x128xf32, #tpu.memory_space<vmem_shared>> -> memref<10240x128xf32, #tpu.memory_space<vmem_shared>>
        tpu.wait_indirect_dma semaphore(%run_scoped3A : memref<!tpu.dma_semaphore, #tpu.memory_space<semaphore_mem>>) src(%arg14 : memref<80x128xf32, #tpu.memory_space<vmem>>) dst(%dma_wait3A_181 : memref<10240x128xf32, #tpu.memory_space<vmem_shared>>)
        tpu.yield
      }) : () -> ()
      %add3A_112 = arith.constant 4 : i32
      %add3A_113 = arith.addi %add3A_104, %add3A_112 : i32
      %lt3A_114 = arith.constant 125 : i32
      %lt3A_115 = arith.cmpi slt, %add3A_113, %lt3A_114 : i32
      %convert_element_type3A_116 = arith.extui %lt3A_115 : i1 to i32
      %cond3A_117 = arith.constant 0 : i32
      %cond3A_118 = arith.cmpi ne, %convert_element_type3A_116, %cond3A_117 : i32
      scf.if %cond3A_118 {
        %add3A_176 = arith.constant 4 : i32
        %add3A_177 = arith.addi %add3A_104, %add3A_176 : i32
        %mul3A_178 = arith.constant 80 : i32
        %mul3A_179 = arith.muli %add3A_177, %mul3A_178 : i32
        %add3A_180 = arith.addi %mul3A_2, %mul3A_179 : i32
        %dma_start3A_181 = tpu.memref_slice %arg3[%add3A_180] : memref<640000xi32, #tpu.memory_space<hbm>> -> memref<80xi32, #tpu.memory_space<hbm>>
        %dma_start3A_182 = tpu.memref_slice %arg3[%add3A_180] : memref<640000xi32, #tpu.memory_space<hbm>> -> memref<80xi32, #tpu.memory_space<hbm>>
        tpu.enqueue_dma source(%dma_start3A_182 : memref<80xi32, #tpu.memory_space<hbm>>) target(%arg6 : memref<80xi32, #tpu.memory_space<vmem>>) target_semaphore(%arg19 : memref<!tpu.dma_semaphore, #tpu.memory_space<semaphore_mem>>)
        %add3A_183 = arith.constant 320000 : i32
        %add3A_184 = arith.addi %add3A_183, %add3A_180 : i32
        %dma_start3A_185 = tpu.memref_slice %arg3[%add3A_184] : memref<640000xi32, #tpu.memory_space<hbm>> -> memref<80xi32, #tpu.memory_space<hbm>>
        %dma_start3A_186 = tpu.memref_slice %arg3[%add3A_184] : memref<640000xi32, #tpu.memory_space<hbm>> -> memref<80xi32, #tpu.memory_space<hbm>>
        tpu.enqueue_dma source(%dma_start3A_186 : memref<80xi32, #tpu.memory_space<hbm>>) target(%arg10 : memref<80xi32, #tpu.memory_space<vmem>>) target_semaphore(%arg23 : memref<!tpu.dma_semaphore, #tpu.memory_space<semaphore_mem>>)
      } else {
      }
      %add3A_119 = arith.constant 2 : i32
      %add3A_120 = arith.addi %add3A_104, %add3A_119 : i32
      %lt3A_121 = arith.constant 125 : i32
      %lt3A_122 = arith.cmpi slt, %add3A_120, %lt3A_121 : i32
      %convert_element_type3A_123 = arith.extui %lt3A_122 : i1 to i32
      %cond3A_124 = arith.constant 0 : i32
      %cond3A_125 = arith.cmpi ne, %convert_element_type3A_123, %cond3A_124 : i32
      scf.if %cond3A_125 {
        %dma_wait3A_176 = arith.constant 0 : i32
        %dma_wait3A_177 = tpu.memref_slice %arg3[%dma_wait3A_176] : memref<640000xi32, #tpu.memory_space<hbm>> -> memref<80xi32, #tpu.memory_space<hbm>>
        %dma_wait3A_178 = arith.constant 0 : i32
        %dma_wait3A_179 = tpu.memref_slice %arg3[%dma_wait3A_178] : memref<640000xi32, #tpu.memory_space<hbm>> -> memref<80xi32, #tpu.memory_space<hbm>>
        tpu.wait_dma2 semaphore(%arg21 : memref<!tpu.dma_semaphore, #tpu.memory_space<semaphore_mem>>) src(%dma_wait3A_179 : memref<80xi32, #tpu.memory_space<hbm>>) dst(%arg8 : memref<80xi32, #tpu.memory_space<vmem>>)
        %dma_start3A_180 = arith.constant 0 : i32
        %dma_start3A_181 = arith.constant 0 : i32
        %dma_start3A_182 = tpu.memref_slice %arg2[%dma_start3A_180, %dma_start3A_181] : memref<10240x128xf32, #tpu.memory_space<hbm>> -> memref<10240x128xf32, #tpu.memory_space<hbm>>
        tpu.enqueue_indirect_dma source(%dma_start3A_182 : memref<10240x128xf32, #tpu.memory_space<hbm>>) target(%arg16 : memref<80x128xf32, #tpu.memory_space<vmem>>) offsets(%arg8 : memref<80xi32, #tpu.memory_space<vmem>>) semaphore(%arg29 : memref<!tpu.dma_semaphore, #tpu.memory_space<semaphore_mem>>)
      } else {
      }
      %mul3A_126 = arith.constant 4 : i32
      %mul3A_127 = arith.muli %mul3A_126, %scan3A_78 : i32
      %add3A_128 = arith.constant 2 : i32
      %add3A_129 = arith.addi %mul3A_127, %add3A_128 : i32
      %dma_wait3A_130 = arith.constant 0 : i32
      %dma_wait3A_131 = arith.constant 0 : i32
      %dma_wait3A_132 = tpu.memref_slice %arg2[%dma_wait3A_130, %dma_wait3A_131] : memref<10240x128xf32, #tpu.memory_space<hbm>> -> memref<10240x128xf32, #tpu.memory_space<hbm>>
      tpu.wait_indirect_dma semaphore(%arg28 : memref<!tpu.dma_semaphore, #tpu.memory_space<semaphore_mem>>) src(%dma_wait3A_132 : memref<10240x128xf32, #tpu.memory_space<hbm>>) dst(%arg15 : memref<80x128xf32, #tpu.memory_space<vmem>>)
      %dma_wait3A_133 = arith.constant 0 : i32
      %dma_wait3A_134 = tpu.memref_slice %arg3[%dma_wait3A_133] : memref<640000xi32, #tpu.memory_space<hbm>> -> memref<80xi32, #tpu.memory_space<hbm>>
      %dma_wait3A_135 = arith.constant 0 : i32
      %dma_wait3A_136 = tpu.memref_slice %arg3[%dma_wait3A_135] : memref<640000xi32, #tpu.memory_space<hbm>> -> memref<80xi32, #tpu.memory_space<hbm>>
      tpu.wait_dma2 semaphore(%arg24 : memref<!tpu.dma_semaphore, #tpu.memory_space<semaphore_mem>>) src(%dma_wait3A_136 : memref<80xi32, #tpu.memory_space<hbm>>) dst(%arg11 : memref<80xi32, #tpu.memory_space<vmem>>)
      "tpu.region"() ({
        %run_scoped3A = tpu.sem_alloc : memref<!tpu.dma_semaphore, #tpu.memory_space<semaphore_mem>>
        %dma_start3A_176 = arith.constant 0 : i32
        %dma_start3A_177 = arith.constant 0 : i32
        %dma_start3A_178 = tpu.memref_slice %arg17[%dma_start3A_176, %dma_start3A_177] : memref<10240x128xf32, #tpu.memory_space<vmem_shared>> -> memref<10240x128xf32, #tpu.memory_space<vmem_shared>>
        tpu.enqueue_indirect_dma source(%arg15 : memref<80x128xf32, #tpu.memory_space<vmem>>) target(%dma_start3A_178 : memref<10240x128xf32, #tpu.memory_space<vmem_shared>>) offsets(%arg11 : memref<80xi32, #tpu.memory_space<vmem>>) semaphore(%run_scoped3A : memref<!tpu.dma_semaphore, #tpu.memory_space<semaphore_mem>>) {add = true}
        %dma_wait3A_179 = arith.constant 0 : i32
        %dma_wait3A_180 = arith.constant 0 : i32
        %dma_wait3A_181 = tpu.memref_slice %arg17[%dma_wait3A_179, %dma_wait3A_180] : memref<10240x128xf32, #tpu.memory_space<vmem_shared>> -> memref<10240x128xf32, #tpu.memory_space<vmem_shared>>
        tpu.wait_indirect_dma semaphore(%run_scoped3A : memref<!tpu.dma_semaphore, #tpu.memory_space<semaphore_mem>>) src(%arg15 : memref<80x128xf32, #tpu.memory_space<vmem>>) dst(%dma_wait3A_181 : memref<10240x128xf32, #tpu.memory_space<vmem_shared>>)
        tpu.yield
      }) : () -> ()
      %add3A_137 = arith.constant 4 : i32
      %add3A_138 = arith.addi %add3A_129, %add3A_137 : i32
      %lt3A_139 = arith.constant 125 : i32
      %lt3A_140 = arith.cmpi slt, %add3A_138, %lt3A_139 : i32
      %convert_element_type3A_141 = arith.extui %lt3A_140 : i1 to i32
      %cond3A_142 = arith.constant 0 : i32
      %cond3A_143 = arith.cmpi ne, %convert_element_type3A_141, %cond3A_142 : i32
      scf.if %cond3A_143 {
        %add3A_176 = arith.constant 4 : i32
        %add3A_177 = arith.addi %add3A_129, %add3A_176 : i32
        %mul3A_178 = arith.constant 80 : i32
        %mul3A_179 = arith.muli %add3A_177, %mul3A_178 : i32
        %add3A_180 = arith.addi %mul3A_2, %mul3A_179 : i32
        %dma_start3A_181 = tpu.memref_slice %arg3[%add3A_180] : memref<640000xi32, #tpu.memory_space<hbm>> -> memref<80xi32, #tpu.memory_space<hbm>>
        %dma_start3A_182 = tpu.memref_slice %arg3[%add3A_180] : memref<640000xi32, #tpu.memory_space<hbm>> -> memref<80xi32, #tpu.memory_space<hbm>>
        tpu.enqueue_dma source(%dma_start3A_182 : memref<80xi32, #tpu.memory_space<hbm>>) target(%arg7 : memref<80xi32, #tpu.memory_space<vmem>>) target_semaphore(%arg20 : memref<!tpu.dma_semaphore, #tpu.memory_space<semaphore_mem>>)
        %add3A_183 = arith.constant 320000 : i32
        %add3A_184 = arith.addi %add3A_183, %add3A_180 : i32
        %dma_start3A_185 = tpu.memref_slice %arg3[%add3A_184] : memref<640000xi32, #tpu.memory_space<hbm>> -> memref<80xi32, #tpu.memory_space<hbm>>
        %dma_start3A_186 = tpu.memref_slice %arg3[%add3A_184] : memref<640000xi32, #tpu.memory_space<hbm>> -> memref<80xi32, #tpu.memory_space<hbm>>
        tpu.enqueue_dma source(%dma_start3A_186 : memref<80xi32, #tpu.memory_space<hbm>>) target(%arg11 : memref<80xi32, #tpu.memory_space<vmem>>) target_semaphore(%arg24 : memref<!tpu.dma_semaphore, #tpu.memory_space<semaphore_mem>>)
      } else {
      }
      %add3A_144 = arith.constant 2 : i32
      %add3A_145 = arith.addi %add3A_129, %add3A_144 : i32
      %lt3A_146 = arith.constant 125 : i32
      %lt3A_147 = arith.cmpi slt, %add3A_145, %lt3A_146 : i32
      %convert_element_type3A_148 = arith.extui %lt3A_147 : i1 to i32
      %cond3A_149 = arith.constant 0 : i32
      %cond3A_150 = arith.cmpi ne, %convert_element_type3A_148, %cond3A_149 : i32
      scf.if %cond3A_150 {
        %dma_wait3A_176 = arith.constant 0 : i32
        %dma_wait3A_177 = tpu.memref_slice %arg3[%dma_wait3A_176] : memref<640000xi32, #tpu.memory_space<hbm>> -> memref<80xi32, #tpu.memory_space<hbm>>
        %dma_wait3A_178 = arith.constant 0 : i32
        %dma_wait3A_179 = tpu.memref_slice %arg3[%dma_wait3A_178] : memref<640000xi32, #tpu.memory_space<hbm>> -> memref<80xi32, #tpu.memory_space<hbm>>
        tpu.wait_dma2 semaphore(%arg18 : memref<!tpu.dma_semaphore, #tpu.memory_space<semaphore_mem>>) src(%dma_wait3A_179 : memref<80xi32, #tpu.memory_space<hbm>>) dst(%arg5 : memref<80xi32, #tpu.memory_space<vmem>>)
        %dma_start3A_180 = arith.constant 0 : i32
        %dma_start3A_181 = arith.constant 0 : i32
        %dma_start3A_182 = tpu.memref_slice %arg2[%dma_start3A_180, %dma_start3A_181] : memref<10240x128xf32, #tpu.memory_space<hbm>> -> memref<10240x128xf32, #tpu.memory_space<hbm>>
        tpu.enqueue_indirect_dma source(%dma_start3A_182 : memref<10240x128xf32, #tpu.memory_space<hbm>>) target(%arg13 : memref<80x128xf32, #tpu.memory_space<vmem>>) offsets(%arg5 : memref<80xi32, #tpu.memory_space<vmem>>) semaphore(%arg26 : memref<!tpu.dma_semaphore, #tpu.memory_space<semaphore_mem>>)
      } else {
      }
      %mul3A_151 = arith.constant 4 : i32
      %mul3A_152 = arith.muli %mul3A_151, %scan3A_78 : i32
      %add3A_153 = arith.constant 3 : i32
      %add3A_154 = arith.addi %mul3A_152, %add3A_153 : i32
      %dma_wait3A_155 = arith.constant 0 : i32
      %dma_wait3A_156 = arith.constant 0 : i32
      %dma_wait3A_157 = tpu.memref_slice %arg2[%dma_wait3A_155, %dma_wait3A_156] : memref<10240x128xf32, #tpu.memory_space<hbm>> -> memref<10240x128xf32, #tpu.memory_space<hbm>>
      tpu.wait_indirect_dma semaphore(%arg29 : memref<!tpu.dma_semaphore, #tpu.memory_space<semaphore_mem>>) src(%dma_wait3A_157 : memref<10240x128xf32, #tpu.memory_space<hbm>>) dst(%arg16 : memref<80x128xf32, #tpu.memory_space<vmem>>)
      %dma_wait3A_158 = arith.constant 0 : i32
      %dma_wait3A_159 = tpu.memref_slice %arg3[%dma_wait3A_158] : memref<640000xi32, #tpu.memory_space<hbm>> -> memref<80xi32, #tpu.memory_space<hbm>>
      %dma_wait3A_160 = arith.constant 0 : i32
      %dma_wait3A_161 = tpu.memref_slice %arg3[%dma_wait3A_160] : memref<640000xi32, #tpu.memory_space<hbm>> -> memref<80xi32, #tpu.memory_space<hbm>>
      tpu.wait_dma2 semaphore(%arg25 : memref<!tpu.dma_semaphore, #tpu.memory_space<semaphore_mem>>) src(%dma_wait3A_161 : memref<80xi32, #tpu.memory_space<hbm>>) dst(%arg12 : memref<80xi32, #tpu.memory_space<vmem>>)
      "tpu.region"() ({
        %run_scoped3A = tpu.sem_alloc : memref<!tpu.dma_semaphore, #tpu.memory_space<semaphore_mem>>
        %dma_start3A_176 = arith.constant 0 : i32
        %dma_start3A_177 = arith.constant 0 : i32
        %dma_start3A_178 = tpu.memref_slice %arg17[%dma_start3A_176, %dma_start3A_177] : memref<10240x128xf32, #tpu.memory_space<vmem_shared>> -> memref<10240x128xf32, #tpu.memory_space<vmem_shared>>
        tpu.enqueue_indirect_dma source(%arg16 : memref<80x128xf32, #tpu.memory_space<vmem>>) target(%dma_start3A_178 : memref<10240x128xf32, #tpu.memory_space<vmem_shared>>) offsets(%arg12 : memref<80xi32, #tpu.memory_space<vmem>>) semaphore(%run_scoped3A : memref<!tpu.dma_semaphore, #tpu.memory_space<semaphore_mem>>) {add = true}
        %dma_wait3A_179 = arith.constant 0 : i32
        %dma_wait3A_180 = arith.constant 0 : i32
        %dma_wait3A_181 = tpu.memref_slice %arg17[%dma_wait3A_179, %dma_wait3A_180] : memref<10240x128xf32, #tpu.memory_space<vmem_shared>> -> memref<10240x128xf32, #tpu.memory_space<vmem_shared>>
        tpu.wait_indirect_dma semaphore(%run_scoped3A : memref<!tpu.dma_semaphore, #tpu.memory_space<semaphore_mem>>) src(%arg16 : memref<80x128xf32, #tpu.memory_space<vmem>>) dst(%dma_wait3A_181 : memref<10240x128xf32, #tpu.memory_space<vmem_shared>>)
        tpu.yield
      }) : () -> ()
      %add3A_162 = arith.constant 4 : i32
      %add3A_163 = arith.addi %add3A_154, %add3A_162 : i32
      %lt3A_164 = arith.constant 125 : i32
      %lt3A_165 = arith.cmpi slt, %add3A_163, %lt3A_164 : i32
      %convert_element_type3A_166 = arith.extui %lt3A_165 : i1 to i32
      %cond3A_167 = arith.constant 0 : i32
      %cond3A_168 = arith.cmpi ne, %convert_element_type3A_166, %cond3A_167 : i32
      scf.if %cond3A_168 {
        %add3A_176 = arith.constant 4 : i32
        %add3A_177 = arith.addi %add3A_154, %add3A_176 : i32
        %mul3A_178 = arith.constant 80 : i32
        %mul3A_179 = arith.muli %add3A_177, %mul3A_178 : i32
        %add3A_180 = arith.addi %mul3A_2, %mul3A_179 : i32
        %dma_start3A_181 = tpu.memref_slice %arg3[%add3A_180] : memref<640000xi32, #tpu.memory_space<hbm>> -> memref<80xi32, #tpu.memory_space<hbm>>
        %dma_start3A_182 = tpu.memref_slice %arg3[%add3A_180] : memref<640000xi32, #tpu.memory_space<hbm>> -> memref<80xi32, #tpu.memory_space<hbm>>
        tpu.enqueue_dma source(%dma_start3A_182 : memref<80xi32, #tpu.memory_space<hbm>>) target(%arg8 : memref<80xi32, #tpu.memory_space<vmem>>) target_semaphore(%arg21 : memref<!tpu.dma_semaphore, #tpu.memory_space<semaphore_mem>>)
        %add3A_183 = arith.constant 320000 : i32
        %add3A_184 = arith.addi %add3A_183, %add3A_180 : i32
        %dma_start3A_185 = tpu.memref_slice %arg3[%add3A_184] : memref<640000xi32, #tpu.memory_space<hbm>> -> memref<80xi32, #tpu.memory_space<hbm>>
        %dma_start3A_186 = tpu.memref_slice %arg3[%add3A_184] : memref<640000xi32, #tpu.memory_space<hbm>> -> memref<80xi32, #tpu.memory_space<hbm>>
        tpu.enqueue_dma source(%dma_start3A_186 : memref<80xi32, #tpu.memory_space<hbm>>) target(%arg12 : memref<80xi32, #tpu.memory_space<vmem>>) target_semaphore(%arg25 : memref<!tpu.dma_semaphore, #tpu.memory_space<semaphore_mem>>)
      } else {
      }
      %add3A_169 = arith.constant 2 : i32
      %add3A_170 = arith.addi %add3A_154, %add3A_169 : i32
      %lt3A_171 = arith.constant 125 : i32
      %lt3A_172 = arith.cmpi slt, %add3A_170, %lt3A_171 : i32
      %convert_element_type3A_173 = arith.extui %lt3A_172 : i1 to i32
      %cond3A_174 = arith.constant 0 : i32
      %cond3A_175 = arith.cmpi ne, %convert_element_type3A_173, %cond3A_174 : i32
      scf.if %cond3A_175 {
        %dma_wait3A_176 = arith.constant 0 : i32
        %dma_wait3A_177 = tpu.memref_slice %arg3[%dma_wait3A_176] : memref<640000xi32, #tpu.memory_space<hbm>> -> memref<80xi32, #tpu.memory_space<hbm>>
        %dma_wait3A_178 = arith.constant 0 : i32
        %dma_wait3A_179 = tpu.memref_slice %arg3[%dma_wait3A_178] : memref<640000xi32, #tpu.memory_space<hbm>> -> memref<80xi32, #tpu.memory_space<hbm>>
        tpu.wait_dma2 semaphore(%arg19 : memref<!tpu.dma_semaphore, #tpu.memory_space<semaphore_mem>>) src(%dma_wait3A_179 : memref<80xi32, #tpu.memory_space<hbm>>) dst(%arg6 : memref<80xi32, #tpu.memory_space<vmem>>)
        %dma_start3A_180 = arith.constant 0 : i32
        %dma_start3A_181 = arith.constant 0 : i32
        %dma_start3A_182 = tpu.memref_slice %arg2[%dma_start3A_180, %dma_start3A_181] : memref<10240x128xf32, #tpu.memory_space<hbm>> -> memref<10240x128xf32, #tpu.memory_space<hbm>>
        tpu.enqueue_indirect_dma source(%dma_start3A_182 : memref<10240x128xf32, #tpu.memory_space<hbm>>) target(%arg14 : memref<80x128xf32, #tpu.memory_space<vmem>>) offsets(%arg6 : memref<80xi32, #tpu.memory_space<vmem>>) semaphore(%arg27 : memref<!tpu.dma_semaphore, #tpu.memory_space<semaphore_mem>>)
      } else {
      }
    }
    %scan3A_63 = arith.constant 31 : i32
    %dma_wait3A_64 = arith.constant 0 : i32
    %dma_wait3A_65 = arith.constant 0 : i32
    %dma_wait3A_66 = tpu.memref_slice %arg2[%dma_wait3A_64, %dma_wait3A_65] : memref<10240x128xf32, #tpu.memory_space<hbm>> -> memref<10240x128xf32, #tpu.memory_space<hbm>>
    tpu.wait_indirect_dma semaphore(%arg26 : memref<!tpu.dma_semaphore, #tpu.memory_space<semaphore_mem>>) src(%dma_wait3A_66 : memref<10240x128xf32, #tpu.memory_space<hbm>>) dst(%arg13 : memref<80x128xf32, #tpu.memory_space<vmem>>)
    %dma_wait3A_67 = arith.constant 0 : i32
    %dma_wait3A_68 = tpu.memref_slice %arg3[%dma_wait3A_67] : memref<640000xi32, #tpu.memory_space<hbm>> -> memref<80xi32, #tpu.memory_space<hbm>>
    %dma_wait3A_69 = arith.constant 0 : i32
    %dma_wait3A_70 = tpu.memref_slice %arg3[%dma_wait3A_69] : memref<640000xi32, #tpu.memory_space<hbm>> -> memref<80xi32, #tpu.memory_space<hbm>>
    tpu.wait_dma2 semaphore(%arg22 : memref<!tpu.dma_semaphore, #tpu.memory_space<semaphore_mem>>) src(%dma_wait3A_70 : memref<80xi32, #tpu.memory_space<hbm>>) dst(%arg9 : memref<80xi32, #tpu.memory_space<vmem>>)
    "tpu.region"() ({
      %run_scoped3A = tpu.sem_alloc : memref<!tpu.dma_semaphore, #tpu.memory_space<semaphore_mem>>
      %dma_start3A_78 = arith.constant 0 : i32
      %dma_start3A_79 = arith.constant 0 : i32
      %dma_start3A_80 = tpu.memref_slice %arg17[%dma_start3A_78, %dma_start3A_79] : memref<10240x128xf32, #tpu.memory_space<vmem_shared>> -> memref<10240x128xf32, #tpu.memory_space<vmem_shared>>
      tpu.enqueue_indirect_dma source(%arg13 : memref<80x128xf32, #tpu.memory_space<vmem>>) target(%dma_start3A_80 : memref<10240x128xf32, #tpu.memory_space<vmem_shared>>) offsets(%arg9 : memref<80xi32, #tpu.memory_space<vmem>>) semaphore(%run_scoped3A : memref<!tpu.dma_semaphore, #tpu.memory_space<semaphore_mem>>) {add = true}
      %dma_wait3A_81 = arith.constant 0 : i32
      %dma_wait3A_82 = arith.constant 0 : i32
      %dma_wait3A_83 = tpu.memref_slice %arg17[%dma_wait3A_81, %dma_wait3A_82] : memref<10240x128xf32, #tpu.memory_space<vmem_shared>> -> memref<10240x128xf32, #tpu.memory_space<vmem_shared>>
      tpu.wait_indirect_dma semaphore(%run_scoped3A : memref<!tpu.dma_semaphore, #tpu.memory_space<semaphore_mem>>) src(%arg13 : memref<80x128xf32, #tpu.memory_space<vmem>>) dst(%dma_wait3A_83 : memref<10240x128xf32, #tpu.memory_space<vmem_shared>>)
      tpu.yield
    }) : () -> ()
    %barrier3A_71 = arith.constant 0 : index
    tpu.barrier barrier_id(%barrier3A_71)
    %scan3A_72 = arith.constant 0 : i32
    %scan3A_73 = arith.constant 0 : i32
    %scan3A_74 = arith.constant 128 : i32
    %scan3A_75 = arith.addi %scan3A_73, %scan3A_74 : i32
    %scan3A_76 = arith.constant 1 : i32
    scf.for %scan3A_78 = %scan3A_73 to %scan3A_75 step %scan3A_76  : i32 {
      %rem3A = arith.constant 16 : i32
      %rem3A_79 = arith.remsi %scan3A_78, %rem3A : i32
      %eq3A = arith.cmpi eq, %rem3A_79, %arg1 : i32
      %convert_element_type3A = arith.extui %eq3A : i1 to i32
      %cond3A = arith.constant 0 : i32
      %cond3A_80 = arith.cmpi ne, %convert_element_type3A, %cond3A : i32
      scf.if %cond3A_80 {
        %mul3A_81 = arith.constant 80 : i32
        %mul3A_82 = arith.muli %scan3A_78, %mul3A_81 : i32
        %mul3A_83 = arith.constant 80 : i32
        %mul3A_84 = arith.muli %scan3A_78, %mul3A_83 : i32
        "tpu.region"() ({
          %run_scoped3A = tpu.sem_alloc : memref<!tpu.dma_semaphore, #tpu.memory_space<semaphore_mem>>
          %dma_start3A_85 = arith.constant 0 : i32
          %dma_start3A_86 = tpu.memref_slice %arg4[%arg0, %mul3A_84, %dma_start3A_85] : memref<2x10240x128xf32, #tpu.memory_space<hbm>> -> memref<1x80x128xf32, #tpu.memory_space<hbm>>
          %dma_start3A_87 = tpu.memref_squeeze %dma_start3A_86 : memref<1x80x128xf32, #tpu.memory_space<hbm>> -> memref<80x128xf32, #tpu.memory_space<hbm>>
          %dma_start3A_88 = arith.constant 0 : i32
          %dma_start3A_89 = tpu.memref_slice %arg17[%mul3A_82, %dma_start3A_88] : memref<10240x128xf32, #tpu.memory_space<vmem_shared>> -> memref<80x128xf32, #tpu.memory_space<vmem_shared>>
          tpu.enqueue_dma source(%dma_start3A_89 : memref<80x128xf32, #tpu.memory_space<vmem_shared>>) target(%dma_start3A_87 : memref<80x128xf32, #tpu.memory_space<hbm>>) target_semaphore(%run_scoped3A : memref<!tpu.dma_semaphore, #tpu.memory_space<semaphore_mem>>)
          %dma_wait3A_90 = arith.constant 0 : i32
          %dma_wait3A_91 = tpu.memref_slice %arg4[%arg0, %mul3A_84, %dma_wait3A_90] : memref<2x10240x128xf32, #tpu.memory_space<hbm>> -> memref<1x80x128xf32, #tpu.memory_space<hbm>>
          %dma_wait3A_92 = tpu.memref_squeeze %dma_wait3A_91 : memref<1x80x128xf32, #tpu.memory_space<hbm>> -> memref<80x128xf32, #tpu.memory_space<hbm>>
          %dma_wait3A_93 = arith.constant 0 : i32
          %dma_wait3A_94 = tpu.memref_slice %arg17[%mul3A_82, %dma_wait3A_93] : memref<10240x128xf32, #tpu.memory_space<vmem_shared>> -> memref<80x128xf32, #tpu.memory_space<vmem_shared>>
          tpu.wait_dma2 semaphore(%run_scoped3A : memref<!tpu.dma_semaphore, #tpu.memory_space<semaphore_mem>>) src(%dma_wait3A_94 : memref<80x128xf32, #tpu.memory_space<vmem_shared>>) dst(%dma_wait3A_92 : memref<80x128xf32, #tpu.memory_space<hbm>>)
          tpu.yield
        }) : () -> ()
      } else {
      }
    }
    %scan3A_77 = arith.constant 128 : i32
    return
  }
}

#map = affine_map<(d0, d1) -> (0)>
module attributes {stable_mosaic.version = 14 : i64} {
  func.func @deg_kernel(%arg0: i32, %arg1: i32, %arg2: memref<640000xi32, #tpu.memory_space<hbm>>, %arg3: memref<10240xf32, #tpu.memory_space<hbm>>, %arg4: memref<10240xf32, #tpu.memory_space<hbm>>, %arg5: memref<10000xi32, #tpu.memory_space<vmem>>, %arg6: memref<80xi32, #tpu.memory_space<vmem>>, %arg7: memref<80xi32, #tpu.memory_space<vmem>>, %arg8: memref<80xf32, #tpu.memory_space<vmem>>, %arg9: memref<2000xf32, #tpu.memory_space<vmem>>, %arg10: memref<10240xf32, #tpu.memory_space<vmem_shared>>, %arg11: memref<!tpu.dma_semaphore, #tpu.memory_space<semaphore_mem>>, %arg12: memref<!tpu.dma_semaphore, #tpu.memory_space<semaphore_mem>>) attributes {dimension_semantics = [#tpu.dimension_semantics<core_parallel>, #tpu.dimension_semantics<subcore_parallel>], iteration_bounds = array<i64: 2, 16>, scalar_prefetch = 0 : i64, scratch_operands = 8 : i64, tpu.core_type = #tpu.core_type<sc_vector_subcore>, window_params = [{transform_indices = #map}, {transform_indices = #map}, {transform_indices = #map}]} {
    %mul3A = arith.constant 2 : i32
    %mul3A_0 = arith.muli %arg1, %mul3A : i32
    %add3A = arith.addi %mul3A_0, %arg0 : i32
    %mul3A_1 = arith.constant 10000 : i32
    %mul3A_2 = arith.muli %add3A, %mul3A_1 : i32
    %add3A_3 = arith.constant 320000 : i32
    %add3A_4 = arith.addi %add3A_3, %mul3A_2 : i32
    "tpu.region"() ({
      %run_scoped3A = tpu.sem_alloc : memref<!tpu.dma_semaphore, #tpu.memory_space<semaphore_mem>>
      %dma_start3A_96 = tpu.memref_slice %arg2[%add3A_4] : memref<640000xi32, #tpu.memory_space<hbm>> -> memref<10000xi32, #tpu.memory_space<hbm>>
      %dma_start3A_97 = tpu.memref_slice %arg2[%add3A_4] : memref<640000xi32, #tpu.memory_space<hbm>> -> memref<10000xi32, #tpu.memory_space<hbm>>
      tpu.enqueue_dma source(%dma_start3A_97 : memref<10000xi32, #tpu.memory_space<hbm>>) target(%arg5 : memref<10000xi32, #tpu.memory_space<vmem>>) target_semaphore(%run_scoped3A : memref<!tpu.dma_semaphore, #tpu.memory_space<semaphore_mem>>)
      %dma_wait3A_98 = tpu.memref_slice %arg2[%add3A_4] : memref<640000xi32, #tpu.memory_space<hbm>> -> memref<10000xi32, #tpu.memory_space<hbm>>
      %dma_wait3A_99 = tpu.memref_slice %arg2[%add3A_4] : memref<640000xi32, #tpu.memory_space<hbm>> -> memref<10000xi32, #tpu.memory_space<hbm>>
      tpu.wait_dma2 semaphore(%run_scoped3A : memref<!tpu.dma_semaphore, #tpu.memory_space<semaphore_mem>>) src(%dma_wait3A_99 : memref<10000xi32, #tpu.memory_space<hbm>>) dst(%arg5 : memref<10000xi32, #tpu.memory_space<vmem>>)
      tpu.yield
    }) : () -> ()
    %broadcast_in_dim3A = arith.constant 1.000000e+00 : f32
    %broadcast_in_dim3A_5 = vector.broadcast %broadcast_in_dim3A : f32 to vector<16xf32>
    %swap3A = arith.constant 0 : index
    %swap3A_6 = tpu.vector_load %arg8[%swap3A] {strides = array<i32>} : memref<80xf32, #tpu.memory_space<vmem>>, vector<16xf32>,
    %swap3A_7 = vector.shape_cast %swap3A_6 : vector<16xf32> to vector<16xf32>
    %swap3A_8 = vector.shape_cast %broadcast_in_dim3A_5 : vector<16xf32> to vector<16xf32>
    tpu.vector_store %arg8[%swap3A], %swap3A_8 {strides = array<i32>} : memref<80xf32, #tpu.memory_space<vmem>>, vector<16xf32>,
    %broadcast_in_dim3A_9 = arith.constant 1.000000e+00 : f32
    %broadcast_in_dim3A_10 = vector.broadcast %broadcast_in_dim3A_9 : f32 to vector<16xf32>
    %swap3A_11 = arith.constant 16 : index
    %swap3A_12 = tpu.vector_load %arg8[%swap3A_11] {strides = array<i32>} : memref<80xf32, #tpu.memory_space<vmem>>, vector<16xf32>,
    %swap3A_13 = vector.shape_cast %swap3A_12 : vector<16xf32> to vector<16xf32>
    %swap3A_14 = vector.shape_cast %broadcast_in_dim3A_10 : vector<16xf32> to vector<16xf32>
    tpu.vector_store %arg8[%swap3A_11], %swap3A_14 {strides = array<i32>} : memref<80xf32, #tpu.memory_space<vmem>>, vector<16xf32>,
    %broadcast_in_dim3A_15 = arith.constant 1.000000e+00 : f32
    %broadcast_in_dim3A_16 = vector.broadcast %broadcast_in_dim3A_15 : f32 to vector<16xf32>
    %swap3A_17 = arith.constant 32 : index
    %swap3A_18 = tpu.vector_load %arg8[%swap3A_17] {strides = array<i32>} : memref<80xf32, #tpu.memory_space<vmem>>, vector<16xf32>,
    %swap3A_19 = vector.shape_cast %swap3A_18 : vector<16xf32> to vector<16xf32>
    %swap3A_20 = vector.shape_cast %broadcast_in_dim3A_16 : vector<16xf32> to vector<16xf32>
    tpu.vector_store %arg8[%swap3A_17], %swap3A_20 {strides = array<i32>} : memref<80xf32, #tpu.memory_space<vmem>>, vector<16xf32>,
    %broadcast_in_dim3A_21 = arith.constant 1.000000e+00 : f32
    %broadcast_in_dim3A_22 = vector.broadcast %broadcast_in_dim3A_21 : f32 to vector<16xf32>
    %swap3A_23 = arith.constant 48 : index
    %swap3A_24 = tpu.vector_load %arg8[%swap3A_23] {strides = array<i32>} : memref<80xf32, #tpu.memory_space<vmem>>, vector<16xf32>,
    %swap3A_25 = vector.shape_cast %swap3A_24 : vector<16xf32> to vector<16xf32>
    %swap3A_26 = vector.shape_cast %broadcast_in_dim3A_22 : vector<16xf32> to vector<16xf32>
    tpu.vector_store %arg8[%swap3A_23], %swap3A_26 {strides = array<i32>} : memref<80xf32, #tpu.memory_space<vmem>>, vector<16xf32>,
    %broadcast_in_dim3A_27 = arith.constant 1.000000e+00 : f32
    %broadcast_in_dim3A_28 = vector.broadcast %broadcast_in_dim3A_27 : f32 to vector<16xf32>
    %swap3A_29 = arith.constant 64 : index
    %swap3A_30 = tpu.vector_load %arg8[%swap3A_29] {strides = array<i32>} : memref<80xf32, #tpu.memory_space<vmem>>, vector<16xf32>,
    %swap3A_31 = vector.shape_cast %swap3A_30 : vector<16xf32> to vector<16xf32>
    %swap3A_32 = vector.shape_cast %broadcast_in_dim3A_28 : vector<16xf32> to vector<16xf32>
    tpu.vector_store %arg8[%swap3A_29], %swap3A_32 {strides = array<i32>} : memref<80xf32, #tpu.memory_space<vmem>>, vector<16xf32>,
    %eq3A = arith.constant 0 : i32
    %eq3A_33 = arith.cmpi eq, %arg1, %eq3A : i32
    %convert_element_type3A = arith.extui %eq3A_33 : i1 to i32
    %cond3A = arith.constant 0 : i32
    %cond3A_34 = arith.cmpi ne, %convert_element_type3A, %cond3A : i32
    scf.if %cond3A_34 {
      %broadcast_in_dim3A_96 = arith.constant 0.000000e+00 : f32
      %broadcast_in_dim3A_97 = vector.broadcast %broadcast_in_dim3A_96 : f32 to vector<16xf32>
      %swap3A_98 = arith.constant 0 : index
      %swap3A_99 = tpu.vector_load %arg9[%swap3A_98] {strides = array<i32>} : memref<2000xf32, #tpu.memory_space<vmem>>, vector<16xf32>,
      %swap3A_100 = vector.shape_cast %swap3A_99 : vector<16xf32> to vector<16xf32>
      %swap3A_101 = vector.shape_cast %broadcast_in_dim3A_97 : vector<16xf32> to vector<16xf32>
      tpu.vector_store %arg9[%swap3A_98], %swap3A_101 {strides = array<i32>} : memref<2000xf32, #tpu.memory_space<vmem>>, vector<16xf32>,
      %broadcast_in_dim3A_102 = arith.constant 0.000000e+00 : f32
      %broadcast_in_dim3A_103 = vector.broadcast %broadcast_in_dim3A_102 : f32 to vector<16xf32>
      %swap3A_104 = arith.constant 16 : index
      %swap3A_105 = tpu.vector_load %arg9[%swap3A_104] {strides = array<i32>} : memref<2000xf32, #tpu.memory_space<vmem>>, vector<16xf32>,
      %swap3A_106 = vector.shape_cast %swap3A_105 : vector<16xf32> to vector<16xf32>
      %swap3A_107 = vector.shape_cast %broadcast_in_dim3A_103 : vector<16xf32> to vector<16xf32>
      tpu.vector_store %arg9[%swap3A_104], %swap3A_107 {strides = array<i32>} : memref<2000xf32, #tpu.memory_space<vmem>>, vector<16xf32>,
      %broadcast_in_dim3A_108 = arith.constant 0.000000e+00 : f32
      %broadcast_in_dim3A_109 = vector.broadcast %broadcast_in_dim3A_108 : f32 to vector<16xf32>
      %swap3A_110 = arith.constant 32 : index
      %swap3A_111 = tpu.vector_load %arg9[%swap3A_110] {strides = array<i32>} : memref<2000xf32, #tpu.memory_space<vmem>>, vector<16xf32>,
      %swap3A_112 = vector.shape_cast %swap3A_111 : vector<16xf32> to vector<16xf32>
      %swap3A_113 = vector.shape_cast %broadcast_in_dim3A_109 : vector<16xf32> to vector<16xf32>
      tpu.vector_store %arg9[%swap3A_110], %swap3A_113 {strides = array<i32>} : memref<2000xf32, #tpu.memory_space<vmem>>, vector<16xf32>,
      %broadcast_in_dim3A_114 = arith.constant 0.000000e+00 : f32
      %broadcast_in_dim3A_115 = vector.broadcast %broadcast_in_dim3A_114 : f32 to vector<16xf32>
      %swap3A_116 = arith.constant 48 : index
      %swap3A_117 = tpu.vector_load %arg9[%swap3A_116] {strides = array<i32>} : memref<2000xf32, #tpu.memory_space<vmem>>, vector<16xf32>,
      %swap3A_118 = vector.shape_cast %swap3A_117 : vector<16xf32> to vector<16xf32>
      %swap3A_119 = vector.shape_cast %broadcast_in_dim3A_115 : vector<16xf32> to vector<16xf32>
      tpu.vector_store %arg9[%swap3A_116], %swap3A_119 {strides = array<i32>} : memref<2000xf32, #tpu.memory_space<vmem>>, vector<16xf32>,
      %broadcast_in_dim3A_120 = arith.constant 0.000000e+00 : f32
      %broadcast_in_dim3A_121 = vector.broadcast %broadcast_in_dim3A_120 : f32 to vector<16xf32>
      %swap3A_122 = arith.constant 64 : index
      %swap3A_123 = tpu.vector_load %arg9[%swap3A_122] {strides = array<i32>} : memref<2000xf32, #tpu.memory_space<vmem>>, vector<16xf32>,
      %swap3A_124 = vector.shape_cast %swap3A_123 : vector<16xf32> to vector<16xf32>
      %swap3A_125 = vector.shape_cast %broadcast_in_dim3A_121 : vector<16xf32> to vector<16xf32>
      tpu.vector_store %arg9[%swap3A_122], %swap3A_125 {strides = array<i32>} : memref<2000xf32, #tpu.memory_space<vmem>>, vector<16xf32>,
      %broadcast_in_dim3A_126 = arith.constant 0.000000e+00 : f32
      %broadcast_in_dim3A_127 = vector.broadcast %broadcast_in_dim3A_126 : f32 to vector<16xf32>
      %swap3A_128 = arith.constant 80 : index
      %swap3A_129 = tpu.vector_load %arg9[%swap3A_128] {strides = array<i32>} : memref<2000xf32, #tpu.memory_space<vmem>>, vector<16xf32>,
      %swap3A_130 = vector.shape_cast %swap3A_129 : vector<16xf32> to vector<16xf32>
      %swap3A_131 = vector.shape_cast %broadcast_in_dim3A_127 : vector<16xf32> to vector<16xf32>
      tpu.vector_store %arg9[%swap3A_128], %swap3A_131 {strides = array<i32>} : memref<2000xf32, #tpu.memory_space<vmem>>, vector<16xf32>,
      %broadcast_in_dim3A_132 = arith.constant 0.000000e+00 : f32
      %broadcast_in_dim3A_133 = vector.broadcast %broadcast_in_dim3A_132 : f32 to vector<16xf32>
      %swap3A_134 = arith.constant 96 : index
      %swap3A_135 = tpu.vector_load %arg9[%swap3A_134] {strides = array<i32>} : memref<2000xf32, #tpu.memory_space<vmem>>, vector<16xf32>,
      %swap3A_136 = vector.shape_cast %swap3A_135 : vector<16xf32> to vector<16xf32>
      %swap3A_137 = vector.shape_cast %broadcast_in_dim3A_133 : vector<16xf32> to vector<16xf32>
      tpu.vector_store %arg9[%swap3A_134], %swap3A_137 {strides = array<i32>} : memref<2000xf32, #tpu.memory_space<vmem>>, vector<16xf32>,
      %broadcast_in_dim3A_138 = arith.constant 0.000000e+00 : f32
      %broadcast_in_dim3A_139 = vector.broadcast %broadcast_in_dim3A_138 : f32 to vector<16xf32>
      %swap3A_140 = arith.constant 112 : index
      %swap3A_141 = tpu.vector_load %arg9[%swap3A_140] {strides = array<i32>} : memref<2000xf32, #tpu.memory_space<vmem>>, vector<16xf32>,
      %swap3A_142 = vector.shape_cast %swap3A_141 : vector<16xf32> to vector<16xf32>
      %swap3A_143 = vector.shape_cast %broadcast_in_dim3A_139 : vector<16xf32> to vector<16xf32>
      tpu.vector_store %arg9[%swap3A_140], %swap3A_143 {strides = array<i32>} : memref<2000xf32, #tpu.memory_space<vmem>>, vector<16xf32>,
      %broadcast_in_dim3A_144 = arith.constant 0.000000e+00 : f32
      %broadcast_in_dim3A_145 = vector.broadcast %broadcast_in_dim3A_144 : f32 to vector<16xf32>
      %swap3A_146 = arith.constant 128 : index
      %swap3A_147 = tpu.vector_load %arg9[%swap3A_146] {strides = array<i32>} : memref<2000xf32, #tpu.memory_space<vmem>>, vector<16xf32>,
      %swap3A_148 = vector.shape_cast %swap3A_147 : vector<16xf32> to vector<16xf32>
      %swap3A_149 = vector.shape_cast %broadcast_in_dim3A_145 : vector<16xf32> to vector<16xf32>
      tpu.vector_store %arg9[%swap3A_146], %swap3A_149 {strides = array<i32>} : memref<2000xf32, #tpu.memory_space<vmem>>, vector<16xf32>,
      %broadcast_in_dim3A_150 = arith.constant 0.000000e+00 : f32
      %broadcast_in_dim3A_151 = vector.broadcast %broadcast_in_dim3A_150 : f32 to vector<16xf32>
      %swap3A_152 = arith.constant 144 : index
      %swap3A_153 = tpu.vector_load %arg9[%swap3A_152] {strides = array<i32>} : memref<2000xf32, #tpu.memory_space<vmem>>, vector<16xf32>,
      %swap3A_154 = vector.shape_cast %swap3A_153 : vector<16xf32> to vector<16xf32>
      %swap3A_155 = vector.shape_cast %broadcast_in_dim3A_151 : vector<16xf32> to vector<16xf32>
      tpu.vector_store %arg9[%swap3A_152], %swap3A_155 {strides = array<i32>} : memref<2000xf32, #tpu.memory_space<vmem>>, vector<16xf32>,
      %broadcast_in_dim3A_156 = arith.constant 0.000000e+00 : f32
      %broadcast_in_dim3A_157 = vector.broadcast %broadcast_in_dim3A_156 : f32 to vector<16xf32>
      %swap3A_158 = arith.constant 160 : index
      %swap3A_159 = tpu.vector_load %arg9[%swap3A_158] {strides = array<i32>} : memref<2000xf32, #tpu.memory_space<vmem>>, vector<16xf32>,
      %swap3A_160 = vector.shape_cast %swap3A_159 : vector<16xf32> to vector<16xf32>
      %swap3A_161 = vector.shape_cast %broadcast_in_dim3A_157 : vector<16xf32> to vector<16xf32>
      tpu.vector_store %arg9[%swap3A_158], %swap3A_161 {strides = array<i32>} : memref<2000xf32, #tpu.memory_space<vmem>>, vector<16xf32>,
      %broadcast_in_dim3A_162 = arith.constant 0.000000e+00 : f32
      %broadcast_in_dim3A_163 = vector.broadcast %broadcast_in_dim3A_162 : f32 to vector<16xf32>
      %swap3A_164 = arith.constant 176 : index
      %swap3A_165 = tpu.vector_load %arg9[%swap3A_164] {strides = array<i32>} : memref<2000xf32, #tpu.memory_space<vmem>>, vector<16xf32>,
      %swap3A_166 = vector.shape_cast %swap3A_165 : vector<16xf32> to vector<16xf32>
      %swap3A_167 = vector.shape_cast %broadcast_in_dim3A_163 : vector<16xf32> to vector<16xf32>
      tpu.vector_store %arg9[%swap3A_164], %swap3A_167 {strides = array<i32>} : memref<2000xf32, #tpu.memory_space<vmem>>, vector<16xf32>,
      %broadcast_in_dim3A_168 = arith.constant 0.000000e+00 : f32
      %broadcast_in_dim3A_169 = vector.broadcast %broadcast_in_dim3A_168 : f32 to vector<16xf32>
      %swap3A_170 = arith.constant 192 : index
      %swap3A_171 = tpu.vector_load %arg9[%swap3A_170] {strides = array<i32>} : memref<2000xf32, #tpu.memory_space<vmem>>, vector<16xf32>,
      %swap3A_172 = vector.shape_cast %swap3A_171 : vector<16xf32> to vector<16xf32>
      %swap3A_173 = vector.shape_cast %broadcast_in_dim3A_169 : vector<16xf32> to vector<16xf32>
      tpu.vector_store %arg9[%swap3A_170], %swap3A_173 {strides = array<i32>} : memref<2000xf32, #tpu.memory_space<vmem>>, vector<16xf32>,
      %broadcast_in_dim3A_174 = arith.constant 0.000000e+00 : f32
      %broadcast_in_dim3A_175 = vector.broadcast %broadcast_in_dim3A_174 : f32 to vector<16xf32>
      %swap3A_176 = arith.constant 208 : index
      %swap3A_177 = tpu.vector_load %arg9[%swap3A_176] {strides = array<i32>} : memref<2000xf32, #tpu.memory_space<vmem>>, vector<16xf32>,
      %swap3A_178 = vector.shape_cast %swap3A_177 : vector<16xf32> to vector<16xf32>
      %swap3A_179 = vector.shape_cast %broadcast_in_dim3A_175 : vector<16xf32> to vector<16xf32>
      tpu.vector_store %arg9[%swap3A_176], %swap3A_179 {strides = array<i32>} : memref<2000xf32, #tpu.memory_space<vmem>>, vector<16xf32>,
      %broadcast_in_dim3A_180 = arith.constant 0.000000e+00 : f32
      %broadcast_in_dim3A_181 = vector.broadcast %broadcast_in_dim3A_180 : f32 to vector<16xf32>
      %swap3A_182 = arith.constant 224 : index
      %swap3A_183 = tpu.vector_load %arg9[%swap3A_182] {strides = array<i32>} : memref<2000xf32, #tpu.memory_space<vmem>>, vector<16xf32>,
      %swap3A_184 = vector.shape_cast %swap3A_183 : vector<16xf32> to vector<16xf32>
      %swap3A_185 = vector.shape_cast %broadcast_in_dim3A_181 : vector<16xf32> to vector<16xf32>
      tpu.vector_store %arg9[%swap3A_182], %swap3A_185 {strides = array<i32>} : memref<2000xf32, #tpu.memory_space<vmem>>, vector<16xf32>,
      %broadcast_in_dim3A_186 = arith.constant 0.000000e+00 : f32
      %broadcast_in_dim3A_187 = vector.broadcast %broadcast_in_dim3A_186 : f32 to vector<16xf32>
      %swap3A_188 = arith.constant 240 : index
      %swap3A_189 = tpu.vector_load %arg9[%swap3A_188] {strides = array<i32>} : memref<2000xf32, #tpu.memory_space<vmem>>, vector<16xf32>,
      %swap3A_190 = vector.shape_cast %swap3A_189 : vector<16xf32> to vector<16xf32>
      %swap3A_191 = vector.shape_cast %broadcast_in_dim3A_187 : vector<16xf32> to vector<16xf32>
      tpu.vector_store %arg9[%swap3A_188], %swap3A_191 {strides = array<i32>} : memref<2000xf32, #tpu.memory_space<vmem>>, vector<16xf32>,
      %broadcast_in_dim3A_192 = arith.constant 0.000000e+00 : f32
      %broadcast_in_dim3A_193 = vector.broadcast %broadcast_in_dim3A_192 : f32 to vector<16xf32>
      %swap3A_194 = arith.constant 256 : index
      %swap3A_195 = tpu.vector_load %arg9[%swap3A_194] {strides = array<i32>} : memref<2000xf32, #tpu.memory_space<vmem>>, vector<16xf32>,
      %swap3A_196 = vector.shape_cast %swap3A_195 : vector<16xf32> to vector<16xf32>
      %swap3A_197 = vector.shape_cast %broadcast_in_dim3A_193 : vector<16xf32> to vector<16xf32>
      tpu.vector_store %arg9[%swap3A_194], %swap3A_197 {strides = array<i32>} : memref<2000xf32, #tpu.memory_space<vmem>>, vector<16xf32>,
      %broadcast_in_dim3A_198 = arith.constant 0.000000e+00 : f32
      %broadcast_in_dim3A_199 = vector.broadcast %broadcast_in_dim3A_198 : f32 to vector<16xf32>
      %swap3A_200 = arith.constant 272 : index
      %swap3A_201 = tpu.vector_load %arg9[%swap3A_200] {strides = array<i32>} : memref<2000xf32, #tpu.memory_space<vmem>>, vector<16xf32>,
      %swap3A_202 = vector.shape_cast %swap3A_201 : vector<16xf32> to vector<16xf32>
      %swap3A_203 = vector.shape_cast %broadcast_in_dim3A_199 : vector<16xf32> to vector<16xf32>
      tpu.vector_store %arg9[%swap3A_200], %swap3A_203 {strides = array<i32>} : memref<2000xf32, #tpu.memory_space<vmem>>, vector<16xf32>,
      %broadcast_in_dim3A_204 = arith.constant 0.000000e+00 : f32
      %broadcast_in_dim3A_205 = vector.broadcast %broadcast_in_dim3A_204 : f32 to vector<16xf32>
      %swap3A_206 = arith.constant 288 : index
      %swap3A_207 = tpu.vector_load %arg9[%swap3A_206] {strides = array<i32>} : memref<2000xf32, #tpu.memory_space<vmem>>, vector<16xf32>,
      %swap3A_208 = vector.shape_cast %swap3A_207 : vector<16xf32> to vector<16xf32>
      %swap3A_209 = vector.shape_cast %broadcast_in_dim3A_205 : vector<16xf32> to vector<16xf32>
      tpu.vector_store %arg9[%swap3A_206], %swap3A_209 {strides = array<i32>} : memref<2000xf32, #tpu.memory_space<vmem>>, vector<16xf32>,
      %broadcast_in_dim3A_210 = arith.constant 0.000000e+00 : f32
      %broadcast_in_dim3A_211 = vector.broadcast %broadcast_in_dim3A_210 : f32 to vector<16xf32>
      %swap3A_212 = arith.constant 304 : index
      %swap3A_213 = tpu.vector_load %arg9[%swap3A_212] {strides = array<i32>} : memref<2000xf32, #tpu.memory_space<vmem>>, vector<16xf32>,
      %swap3A_214 = vector.shape_cast %swap3A_213 : vector<16xf32> to vector<16xf32>
      %swap3A_215 = vector.shape_cast %broadcast_in_dim3A_211 : vector<16xf32> to vector<16xf32>
      tpu.vector_store %arg9[%swap3A_212], %swap3A_215 {strides = array<i32>} : memref<2000xf32, #tpu.memory_space<vmem>>, vector<16xf32>,
      %broadcast_in_dim3A_216 = arith.constant 0.000000e+00 : f32
      %broadcast_in_dim3A_217 = vector.broadcast %broadcast_in_dim3A_216 : f32 to vector<16xf32>
      %swap3A_218 = arith.constant 320 : index
      %swap3A_219 = tpu.vector_load %arg9[%swap3A_218] {strides = array<i32>} : memref<2000xf32, #tpu.memory_space<vmem>>, vector<16xf32>,
      %swap3A_220 = vector.shape_cast %swap3A_219 : vector<16xf32> to vector<16xf32>
      %swap3A_221 = vector.shape_cast %broadcast_in_dim3A_217 : vector<16xf32> to vector<16xf32>
      tpu.vector_store %arg9[%swap3A_218], %swap3A_221 {strides = array<i32>} : memref<2000xf32, #tpu.memory_space<vmem>>, vector<16xf32>,
      %broadcast_in_dim3A_222 = arith.constant 0.000000e+00 : f32
      %broadcast_in_dim3A_223 = vector.broadcast %broadcast_in_dim3A_222 : f32 to vector<16xf32>
      %swap3A_224 = arith.constant 336 : index
      %swap3A_225 = tpu.vector_load %arg9[%swap3A_224] {strides = array<i32>} : memref<2000xf32, #tpu.memory_space<vmem>>, vector<16xf32>,
      %swap3A_226 = vector.shape_cast %swap3A_225 : vector<16xf32> to vector<16xf32>
      %swap3A_227 = vector.shape_cast %broadcast_in_dim3A_223 : vector<16xf32> to vector<16xf32>
      tpu.vector_store %arg9[%swap3A_224], %swap3A_227 {strides = array<i32>} : memref<2000xf32, #tpu.memory_space<vmem>>, vector<16xf32>,
      %broadcast_in_dim3A_228 = arith.constant 0.000000e+00 : f32
      %broadcast_in_dim3A_229 = vector.broadcast %broadcast_in_dim3A_228 : f32 to vector<16xf32>
      %swap3A_230 = arith.constant 352 : index
      %swap3A_231 = tpu.vector_load %arg9[%swap3A_230] {strides = array<i32>} : memref<2000xf32, #tpu.memory_space<vmem>>, vector<16xf32>,
      %swap3A_232 = vector.shape_cast %swap3A_231 : vector<16xf32> to vector<16xf32>
      %swap3A_233 = vector.shape_cast %broadcast_in_dim3A_229 : vector<16xf32> to vector<16xf32>
      tpu.vector_store %arg9[%swap3A_230], %swap3A_233 {strides = array<i32>} : memref<2000xf32, #tpu.memory_space<vmem>>, vector<16xf32>,
      %broadcast_in_dim3A_234 = arith.constant 0.000000e+00 : f32
      %broadcast_in_dim3A_235 = vector.broadcast %broadcast_in_dim3A_234 : f32 to vector<16xf32>
      %swap3A_236 = arith.constant 368 : index
      %swap3A_237 = tpu.vector_load %arg9[%swap3A_236] {strides = array<i32>} : memref<2000xf32, #tpu.memory_space<vmem>>, vector<16xf32>,
      %swap3A_238 = vector.shape_cast %swap3A_237 : vector<16xf32> to vector<16xf32>
      %swap3A_239 = vector.shape_cast %broadcast_in_dim3A_235 : vector<16xf32> to vector<16xf32>
      tpu.vector_store %arg9[%swap3A_236], %swap3A_239 {strides = array<i32>} : memref<2000xf32, #tpu.memory_space<vmem>>, vector<16xf32>,
      %broadcast_in_dim3A_240 = arith.constant 0.000000e+00 : f32
      %broadcast_in_dim3A_241 = vector.broadcast %broadcast_in_dim3A_240 : f32 to vector<16xf32>
      %swap3A_242 = arith.constant 384 : index
      %swap3A_243 = tpu.vector_load %arg9[%swap3A_242] {strides = array<i32>} : memref<2000xf32, #tpu.memory_space<vmem>>, vector<16xf32>,
      %swap3A_244 = vector.shape_cast %swap3A_243 : vector<16xf32> to vector<16xf32>
      %swap3A_245 = vector.shape_cast %broadcast_in_dim3A_241 : vector<16xf32> to vector<16xf32>
      tpu.vector_store %arg9[%swap3A_242], %swap3A_245 {strides = array<i32>} : memref<2000xf32, #tpu.memory_space<vmem>>, vector<16xf32>,
      %broadcast_in_dim3A_246 = arith.constant 0.000000e+00 : f32
      %broadcast_in_dim3A_247 = vector.broadcast %broadcast_in_dim3A_246 : f32 to vector<16xf32>
      %swap3A_248 = arith.constant 400 : index
      %swap3A_249 = tpu.vector_load %arg9[%swap3A_248] {strides = array<i32>} : memref<2000xf32, #tpu.memory_space<vmem>>, vector<16xf32>,
      %swap3A_250 = vector.shape_cast %swap3A_249 : vector<16xf32> to vector<16xf32>
      %swap3A_251 = vector.shape_cast %broadcast_in_dim3A_247 : vector<16xf32> to vector<16xf32>
      tpu.vector_store %arg9[%swap3A_248], %swap3A_251 {strides = array<i32>} : memref<2000xf32, #tpu.memory_space<vmem>>, vector<16xf32>,
      %broadcast_in_dim3A_252 = arith.constant 0.000000e+00 : f32
      %broadcast_in_dim3A_253 = vector.broadcast %broadcast_in_dim3A_252 : f32 to vector<16xf32>
      %swap3A_254 = arith.constant 416 : index
      %swap3A_255 = tpu.vector_load %arg9[%swap3A_254] {strides = array<i32>} : memref<2000xf32, #tpu.memory_space<vmem>>, vector<16xf32>,
      %swap3A_256 = vector.shape_cast %swap3A_255 : vector<16xf32> to vector<16xf32>
      %swap3A_257 = vector.shape_cast %broadcast_in_dim3A_253 : vector<16xf32> to vector<16xf32>
      tpu.vector_store %arg9[%swap3A_254], %swap3A_257 {strides = array<i32>} : memref<2000xf32, #tpu.memory_space<vmem>>, vector<16xf32>,
      %broadcast_in_dim3A_258 = arith.constant 0.000000e+00 : f32
      %broadcast_in_dim3A_259 = vector.broadcast %broadcast_in_dim3A_258 : f32 to vector<16xf32>
      %swap3A_260 = arith.constant 432 : index
      %swap3A_261 = tpu.vector_load %arg9[%swap3A_260] {strides = array<i32>} : memref<2000xf32, #tpu.memory_space<vmem>>, vector<16xf32>,
      %swap3A_262 = vector.shape_cast %swap3A_261 : vector<16xf32> to vector<16xf32>
      %swap3A_263 = vector.shape_cast %broadcast_in_dim3A_259 : vector<16xf32> to vector<16xf32>
      tpu.vector_store %arg9[%swap3A_260], %swap3A_263 {strides = array<i32>} : memref<2000xf32, #tpu.memory_space<vmem>>, vector<16xf32>,
      %broadcast_in_dim3A_264 = arith.constant 0.000000e+00 : f32
      %broadcast_in_dim3A_265 = vector.broadcast %broadcast_in_dim3A_264 : f32 to vector<16xf32>
      %swap3A_266 = arith.constant 448 : index
      %swap3A_267 = tpu.vector_load %arg9[%swap3A_266] {strides = array<i32>} : memref<2000xf32, #tpu.memory_space<vmem>>, vector<16xf32>,
      %swap3A_268 = vector.shape_cast %swap3A_267 : vector<16xf32> to vector<16xf32>
      %swap3A_269 = vector.shape_cast %broadcast_in_dim3A_265 : vector<16xf32> to vector<16xf32>
      tpu.vector_store %arg9[%swap3A_266], %swap3A_269 {strides = array<i32>} : memref<2000xf32, #tpu.memory_space<vmem>>, vector<16xf32>,
      %broadcast_in_dim3A_270 = arith.constant 0.000000e+00 : f32
      %broadcast_in_dim3A_271 = vector.broadcast %broadcast_in_dim3A_270 : f32 to vector<16xf32>
      %swap3A_272 = arith.constant 464 : index
      %swap3A_273 = tpu.vector_load %arg9[%swap3A_272] {strides = array<i32>} : memref<2000xf32, #tpu.memory_space<vmem>>, vector<16xf32>,
      %swap3A_274 = vector.shape_cast %swap3A_273 : vector<16xf32> to vector<16xf32>
      %swap3A_275 = vector.shape_cast %broadcast_in_dim3A_271 : vector<16xf32> to vector<16xf32>
      tpu.vector_store %arg9[%swap3A_272], %swap3A_275 {strides = array<i32>} : memref<2000xf32, #tpu.memory_space<vmem>>, vector<16xf32>,
      %broadcast_in_dim3A_276 = arith.constant 0.000000e+00 : f32
      %broadcast_in_dim3A_277 = vector.broadcast %broadcast_in_dim3A_276 : f32 to vector<16xf32>
      %swap3A_278 = arith.constant 480 : index
      %swap3A_279 = tpu.vector_load %arg9[%swap3A_278] {strides = array<i32>} : memref<2000xf32, #tpu.memory_space<vmem>>, vector<16xf32>,
      %swap3A_280 = vector.shape_cast %swap3A_279 : vector<16xf32> to vector<16xf32>
      %swap3A_281 = vector.shape_cast %broadcast_in_dim3A_277 : vector<16xf32> to vector<16xf32>
      tpu.vector_store %arg9[%swap3A_278], %swap3A_281 {strides = array<i32>} : memref<2000xf32, #tpu.memory_space<vmem>>, vector<16xf32>,
      %broadcast_in_dim3A_282 = arith.constant 0.000000e+00 : f32
      %broadcast_in_dim3A_283 = vector.broadcast %broadcast_in_dim3A_282 : f32 to vector<16xf32>
      %swap3A_284 = arith.constant 496 : index
      %swap3A_285 = tpu.vector_load %arg9[%swap3A_284] {strides = array<i32>} : memref<2000xf32, #tpu.memory_space<vmem>>, vector<16xf32>,
      %swap3A_286 = vector.shape_cast %swap3A_285 : vector<16xf32> to vector<16xf32>
      %swap3A_287 = vector.shape_cast %broadcast_in_dim3A_283 : vector<16xf32> to vector<16xf32>
      tpu.vector_store %arg9[%swap3A_284], %swap3A_287 {strides = array<i32>} : memref<2000xf32, #tpu.memory_space<vmem>>, vector<16xf32>,
      %broadcast_in_dim3A_288 = arith.constant 0.000000e+00 : f32
      %broadcast_in_dim3A_289 = vector.broadcast %broadcast_in_dim3A_288 : f32 to vector<16xf32>
      %swap3A_290 = arith.constant 512 : index
      %swap3A_291 = tpu.vector_load %arg9[%swap3A_290] {strides = array<i32>} : memref<2000xf32, #tpu.memory_space<vmem>>, vector<16xf32>,
      %swap3A_292 = vector.shape_cast %swap3A_291 : vector<16xf32> to vector<16xf32>
      %swap3A_293 = vector.shape_cast %broadcast_in_dim3A_289 : vector<16xf32> to vector<16xf32>
      tpu.vector_store %arg9[%swap3A_290], %swap3A_293 {strides = array<i32>} : memref<2000xf32, #tpu.memory_space<vmem>>, vector<16xf32>,
      %broadcast_in_dim3A_294 = arith.constant 0.000000e+00 : f32
      %broadcast_in_dim3A_295 = vector.broadcast %broadcast_in_dim3A_294 : f32 to vector<16xf32>
      %swap3A_296 = arith.constant 528 : index
      %swap3A_297 = tpu.vector_load %arg9[%swap3A_296] {strides = array<i32>} : memref<2000xf32, #tpu.memory_space<vmem>>, vector<16xf32>,
      %swap3A_298 = vector.shape_cast %swap3A_297 : vector<16xf32> to vector<16xf32>
      %swap3A_299 = vector.shape_cast %broadcast_in_dim3A_295 : vector<16xf32> to vector<16xf32>
      tpu.vector_store %arg9[%swap3A_296], %swap3A_299 {strides = array<i32>} : memref<2000xf32, #tpu.memory_space<vmem>>, vector<16xf32>,
      %broadcast_in_dim3A_300 = arith.constant 0.000000e+00 : f32
      %broadcast_in_dim3A_301 = vector.broadcast %broadcast_in_dim3A_300 : f32 to vector<16xf32>
      %swap3A_302 = arith.constant 544 : index
      %swap3A_303 = tpu.vector_load %arg9[%swap3A_302] {strides = array<i32>} : memref<2000xf32, #tpu.memory_space<vmem>>, vector<16xf32>,
      %swap3A_304 = vector.shape_cast %swap3A_303 : vector<16xf32> to vector<16xf32>
      %swap3A_305 = vector.shape_cast %broadcast_in_dim3A_301 : vector<16xf32> to vector<16xf32>
      tpu.vector_store %arg9[%swap3A_302], %swap3A_305 {strides = array<i32>} : memref<2000xf32, #tpu.memory_space<vmem>>, vector<16xf32>,
      %broadcast_in_dim3A_306 = arith.constant 0.000000e+00 : f32
      %broadcast_in_dim3A_307 = vector.broadcast %broadcast_in_dim3A_306 : f32 to vector<16xf32>
      %swap3A_308 = arith.constant 560 : index
      %swap3A_309 = tpu.vector_load %arg9[%swap3A_308] {strides = array<i32>} : memref<2000xf32, #tpu.memory_space<vmem>>, vector<16xf32>,
      %swap3A_310 = vector.shape_cast %swap3A_309 : vector<16xf32> to vector<16xf32>
      %swap3A_311 = vector.shape_cast %broadcast_in_dim3A_307 : vector<16xf32> to vector<16xf32>
      tpu.vector_store %arg9[%swap3A_308], %swap3A_311 {strides = array<i32>} : memref<2000xf32, #tpu.memory_space<vmem>>, vector<16xf32>,
      %broadcast_in_dim3A_312 = arith.constant 0.000000e+00 : f32
      %broadcast_in_dim3A_313 = vector.broadcast %broadcast_in_dim3A_312 : f32 to vector<16xf32>
      %swap3A_314 = arith.constant 576 : index
      %swap3A_315 = tpu.vector_load %arg9[%swap3A_314] {strides = array<i32>} : memref<2000xf32, #tpu.memory_space<vmem>>, vector<16xf32>,
      %swap3A_316 = vector.shape_cast %swap3A_315 : vector<16xf32> to vector<16xf32>
      %swap3A_317 = vector.shape_cast %broadcast_in_dim3A_313 : vector<16xf32> to vector<16xf32>
      tpu.vector_store %arg9[%swap3A_314], %swap3A_317 {strides = array<i32>} : memref<2000xf32, #tpu.memory_space<vmem>>, vector<16xf32>,
      %broadcast_in_dim3A_318 = arith.constant 0.000000e+00 : f32
      %broadcast_in_dim3A_319 = vector.broadcast %broadcast_in_dim3A_318 : f32 to vector<16xf32>
      %swap3A_320 = arith.constant 592 : index
      %swap3A_321 = tpu.vector_load %arg9[%swap3A_320] {strides = array<i32>} : memref<2000xf32, #tpu.memory_space<vmem>>, vector<16xf32>,
      %swap3A_322 = vector.shape_cast %swap3A_321 : vector<16xf32> to vector<16xf32>
      %swap3A_323 = vector.shape_cast %broadcast_in_dim3A_319 : vector<16xf32> to vector<16xf32>
      tpu.vector_store %arg9[%swap3A_320], %swap3A_323 {strides = array<i32>} : memref<2000xf32, #tpu.memory_space<vmem>>, vector<16xf32>,
      %broadcast_in_dim3A_324 = arith.constant 0.000000e+00 : f32
      %broadcast_in_dim3A_325 = vector.broadcast %broadcast_in_dim3A_324 : f32 to vector<16xf32>
      %swap3A_326 = arith.constant 608 : index
      %swap3A_327 = tpu.vector_load %arg9[%swap3A_326] {strides = array<i32>} : memref<2000xf32, #tpu.memory_space<vmem>>, vector<16xf32>,
      %swap3A_328 = vector.shape_cast %swap3A_327 : vector<16xf32> to vector<16xf32>
      %swap3A_329 = vector.shape_cast %broadcast_in_dim3A_325 : vector<16xf32> to vector<16xf32>
      tpu.vector_store %arg9[%swap3A_326], %swap3A_329 {strides = array<i32>} : memref<2000xf32, #tpu.memory_space<vmem>>, vector<16xf32>,
      %broadcast_in_dim3A_330 = arith.constant 0.000000e+00 : f32
      %broadcast_in_dim3A_331 = vector.broadcast %broadcast_in_dim3A_330 : f32 to vector<16xf32>
      %swap3A_332 = arith.constant 624 : index
      %swap3A_333 = tpu.vector_load %arg9[%swap3A_332] {strides = array<i32>} : memref<2000xf32, #tpu.memory_space<vmem>>, vector<16xf32>,
      %swap3A_334 = vector.shape_cast %swap3A_333 : vector<16xf32> to vector<16xf32>
      %swap3A_335 = vector.shape_cast %broadcast_in_dim3A_331 : vector<16xf32> to vector<16xf32>
      tpu.vector_store %arg9[%swap3A_332], %swap3A_335 {strides = array<i32>} : memref<2000xf32, #tpu.memory_space<vmem>>, vector<16xf32>,
      %broadcast_in_dim3A_336 = arith.constant 0.000000e+00 : f32
      %broadcast_in_dim3A_337 = vector.broadcast %broadcast_in_dim3A_336 : f32 to vector<16xf32>
      %swap3A_338 = arith.constant 640 : index
      %swap3A_339 = tpu.vector_load %arg9[%swap3A_338] {strides = array<i32>} : memref<2000xf32, #tpu.memory_space<vmem>>, vector<16xf32>,
      %swap3A_340 = vector.shape_cast %swap3A_339 : vector<16xf32> to vector<16xf32>
      %swap3A_341 = vector.shape_cast %broadcast_in_dim3A_337 : vector<16xf32> to vector<16xf32>
      tpu.vector_store %arg9[%swap3A_338], %swap3A_341 {strides = array<i32>} : memref<2000xf32, #tpu.memory_space<vmem>>, vector<16xf32>,
      %broadcast_in_dim3A_342 = arith.constant 0.000000e+00 : f32
      %broadcast_in_dim3A_343 = vector.broadcast %broadcast_in_dim3A_342 : f32 to vector<16xf32>
      %swap3A_344 = arith.constant 656 : index
      %swap3A_345 = tpu.vector_load %arg9[%swap3A_344] {strides = array<i32>} : memref<2000xf32, #tpu.memory_space<vmem>>, vector<16xf32>,
      %swap3A_346 = vector.shape_cast %swap3A_345 : vector<16xf32> to vector<16xf32>
      %swap3A_347 = vector.shape_cast %broadcast_in_dim3A_343 : vector<16xf32> to vector<16xf32>
      tpu.vector_store %arg9[%swap3A_344], %swap3A_347 {strides = array<i32>} : memref<2000xf32, #tpu.memory_space<vmem>>, vector<16xf32>,
      %broadcast_in_dim3A_348 = arith.constant 0.000000e+00 : f32
      %broadcast_in_dim3A_349 = vector.broadcast %broadcast_in_dim3A_348 : f32 to vector<16xf32>
      %swap3A_350 = arith.constant 672 : index
      %swap3A_351 = tpu.vector_load %arg9[%swap3A_350] {strides = array<i32>} : memref<2000xf32, #tpu.memory_space<vmem>>, vector<16xf32>,
      %swap3A_352 = vector.shape_cast %swap3A_351 : vector<16xf32> to vector<16xf32>
      %swap3A_353 = vector.shape_cast %broadcast_in_dim3A_349 : vector<16xf32> to vector<16xf32>
      tpu.vector_store %arg9[%swap3A_350], %swap3A_353 {strides = array<i32>} : memref<2000xf32, #tpu.memory_space<vmem>>, vector<16xf32>,
      %broadcast_in_dim3A_354 = arith.constant 0.000000e+00 : f32
      %broadcast_in_dim3A_355 = vector.broadcast %broadcast_in_dim3A_354 : f32 to vector<16xf32>
      %swap3A_356 = arith.constant 688 : index
      %swap3A_357 = tpu.vector_load %arg9[%swap3A_356] {strides = array<i32>} : memref<2000xf32, #tpu.memory_space<vmem>>, vector<16xf32>,
      %swap3A_358 = vector.shape_cast %swap3A_357 : vector<16xf32> to vector<16xf32>
      %swap3A_359 = vector.shape_cast %broadcast_in_dim3A_355 : vector<16xf32> to vector<16xf32>
      tpu.vector_store %arg9[%swap3A_356], %swap3A_359 {strides = array<i32>} : memref<2000xf32, #tpu.memory_space<vmem>>, vector<16xf32>,
      %broadcast_in_dim3A_360 = arith.constant 0.000000e+00 : f32
      %broadcast_in_dim3A_361 = vector.broadcast %broadcast_in_dim3A_360 : f32 to vector<16xf32>
      %swap3A_362 = arith.constant 704 : index
      %swap3A_363 = tpu.vector_load %arg9[%swap3A_362] {strides = array<i32>} : memref<2000xf32, #tpu.memory_space<vmem>>, vector<16xf32>,
      %swap3A_364 = vector.shape_cast %swap3A_363 : vector<16xf32> to vector<16xf32>
      %swap3A_365 = vector.shape_cast %broadcast_in_dim3A_361 : vector<16xf32> to vector<16xf32>
      tpu.vector_store %arg9[%swap3A_362], %swap3A_365 {strides = array<i32>} : memref<2000xf32, #tpu.memory_space<vmem>>, vector<16xf32>,
      %broadcast_in_dim3A_366 = arith.constant 0.000000e+00 : f32
      %broadcast_in_dim3A_367 = vector.broadcast %broadcast_in_dim3A_366 : f32 to vector<16xf32>
      %swap3A_368 = arith.constant 720 : index
      %swap3A_369 = tpu.vector_load %arg9[%swap3A_368] {strides = array<i32>} : memref<2000xf32, #tpu.memory_space<vmem>>, vector<16xf32>,
      %swap3A_370 = vector.shape_cast %swap3A_369 : vector<16xf32> to vector<16xf32>
      %swap3A_371 = vector.shape_cast %broadcast_in_dim3A_367 : vector<16xf32> to vector<16xf32>
      tpu.vector_store %arg9[%swap3A_368], %swap3A_371 {strides = array<i32>} : memref<2000xf32, #tpu.memory_space<vmem>>, vector<16xf32>,
      %broadcast_in_dim3A_372 = arith.constant 0.000000e+00 : f32
      %broadcast_in_dim3A_373 = vector.broadcast %broadcast_in_dim3A_372 : f32 to vector<16xf32>
      %swap3A_374 = arith.constant 736 : index
      %swap3A_375 = tpu.vector_load %arg9[%swap3A_374] {strides = array<i32>} : memref<2000xf32, #tpu.memory_space<vmem>>, vector<16xf32>,
      %swap3A_376 = vector.shape_cast %swap3A_375 : vector<16xf32> to vector<16xf32>
      %swap3A_377 = vector.shape_cast %broadcast_in_dim3A_373 : vector<16xf32> to vector<16xf32>
      tpu.vector_store %arg9[%swap3A_374], %swap3A_377 {strides = array<i32>} : memref<2000xf32, #tpu.memory_space<vmem>>, vector<16xf32>,
      %broadcast_in_dim3A_378 = arith.constant 0.000000e+00 : f32
      %broadcast_in_dim3A_379 = vector.broadcast %broadcast_in_dim3A_378 : f32 to vector<16xf32>
      %swap3A_380 = arith.constant 752 : index
      %swap3A_381 = tpu.vector_load %arg9[%swap3A_380] {strides = array<i32>} : memref<2000xf32, #tpu.memory_space<vmem>>, vector<16xf32>,
      %swap3A_382 = vector.shape_cast %swap3A_381 : vector<16xf32> to vector<16xf32>
      %swap3A_383 = vector.shape_cast %broadcast_in_dim3A_379 : vector<16xf32> to vector<16xf32>
      tpu.vector_store %arg9[%swap3A_380], %swap3A_383 {strides = array<i32>} : memref<2000xf32, #tpu.memory_space<vmem>>, vector<16xf32>,
      %broadcast_in_dim3A_384 = arith.constant 0.000000e+00 : f32
      %broadcast_in_dim3A_385 = vector.broadcast %broadcast_in_dim3A_384 : f32 to vector<16xf32>
      %swap3A_386 = arith.constant 768 : index
      %swap3A_387 = tpu.vector_load %arg9[%swap3A_386] {strides = array<i32>} : memref<2000xf32, #tpu.memory_space<vmem>>, vector<16xf32>,
      %swap3A_388 = vector.shape_cast %swap3A_387 : vector<16xf32> to vector<16xf32>
      %swap3A_389 = vector.shape_cast %broadcast_in_dim3A_385 : vector<16xf32> to vector<16xf32>
      tpu.vector_store %arg9[%swap3A_386], %swap3A_389 {strides = array<i32>} : memref<2000xf32, #tpu.memory_space<vmem>>, vector<16xf32>,
      %broadcast_in_dim3A_390 = arith.constant 0.000000e+00 : f32
      %broadcast_in_dim3A_391 = vector.broadcast %broadcast_in_dim3A_390 : f32 to vector<16xf32>
      %swap3A_392 = arith.constant 784 : index
      %swap3A_393 = tpu.vector_load %arg9[%swap3A_392] {strides = array<i32>} : memref<2000xf32, #tpu.memory_space<vmem>>, vector<16xf32>,
      %swap3A_394 = vector.shape_cast %swap3A_393 : vector<16xf32> to vector<16xf32>
      %swap3A_395 = vector.shape_cast %broadcast_in_dim3A_391 : vector<16xf32> to vector<16xf32>
      tpu.vector_store %arg9[%swap3A_392], %swap3A_395 {strides = array<i32>} : memref<2000xf32, #tpu.memory_space<vmem>>, vector<16xf32>,
      %broadcast_in_dim3A_396 = arith.constant 0.000000e+00 : f32
      %broadcast_in_dim3A_397 = vector.broadcast %broadcast_in_dim3A_396 : f32 to vector<16xf32>
      %swap3A_398 = arith.constant 800 : index
      %swap3A_399 = tpu.vector_load %arg9[%swap3A_398] {strides = array<i32>} : memref<2000xf32, #tpu.memory_space<vmem>>, vector<16xf32>,
      %swap3A_400 = vector.shape_cast %swap3A_399 : vector<16xf32> to vector<16xf32>
      %swap3A_401 = vector.shape_cast %broadcast_in_dim3A_397 : vector<16xf32> to vector<16xf32>
      tpu.vector_store %arg9[%swap3A_398], %swap3A_401 {strides = array<i32>} : memref<2000xf32, #tpu.memory_space<vmem>>, vector<16xf32>,
      %broadcast_in_dim3A_402 = arith.constant 0.000000e+00 : f32
      %broadcast_in_dim3A_403 = vector.broadcast %broadcast_in_dim3A_402 : f32 to vector<16xf32>
      %swap3A_404 = arith.constant 816 : index
      %swap3A_405 = tpu.vector_load %arg9[%swap3A_404] {strides = array<i32>} : memref<2000xf32, #tpu.memory_space<vmem>>, vector<16xf32>,
      %swap3A_406 = vector.shape_cast %swap3A_405 : vector<16xf32> to vector<16xf32>
      %swap3A_407 = vector.shape_cast %broadcast_in_dim3A_403 : vector<16xf32> to vector<16xf32>
      tpu.vector_store %arg9[%swap3A_404], %swap3A_407 {strides = array<i32>} : memref<2000xf32, #tpu.memory_space<vmem>>, vector<16xf32>,
      %broadcast_in_dim3A_408 = arith.constant 0.000000e+00 : f32
      %broadcast_in_dim3A_409 = vector.broadcast %broadcast_in_dim3A_408 : f32 to vector<16xf32>
      %swap3A_410 = arith.constant 832 : index
      %swap3A_411 = tpu.vector_load %arg9[%swap3A_410] {strides = array<i32>} : memref<2000xf32, #tpu.memory_space<vmem>>, vector<16xf32>,
      %swap3A_412 = vector.shape_cast %swap3A_411 : vector<16xf32> to vector<16xf32>
      %swap3A_413 = vector.shape_cast %broadcast_in_dim3A_409 : vector<16xf32> to vector<16xf32>
      tpu.vector_store %arg9[%swap3A_410], %swap3A_413 {strides = array<i32>} : memref<2000xf32, #tpu.memory_space<vmem>>, vector<16xf32>,
      %broadcast_in_dim3A_414 = arith.constant 0.000000e+00 : f32
      %broadcast_in_dim3A_415 = vector.broadcast %broadcast_in_dim3A_414 : f32 to vector<16xf32>
      %swap3A_416 = arith.constant 848 : index
      %swap3A_417 = tpu.vector_load %arg9[%swap3A_416] {strides = array<i32>} : memref<2000xf32, #tpu.memory_space<vmem>>, vector<16xf32>,
      %swap3A_418 = vector.shape_cast %swap3A_417 : vector<16xf32> to vector<16xf32>
      %swap3A_419 = vector.shape_cast %broadcast_in_dim3A_415 : vector<16xf32> to vector<16xf32>
      tpu.vector_store %arg9[%swap3A_416], %swap3A_419 {strides = array<i32>} : memref<2000xf32, #tpu.memory_space<vmem>>, vector<16xf32>,
      %broadcast_in_dim3A_420 = arith.constant 0.000000e+00 : f32
      %broadcast_in_dim3A_421 = vector.broadcast %broadcast_in_dim3A_420 : f32 to vector<16xf32>
      %swap3A_422 = arith.constant 864 : index
      %swap3A_423 = tpu.vector_load %arg9[%swap3A_422] {strides = array<i32>} : memref<2000xf32, #tpu.memory_space<vmem>>, vector<16xf32>,
      %swap3A_424 = vector.shape_cast %swap3A_423 : vector<16xf32> to vector<16xf32>
      %swap3A_425 = vector.shape_cast %broadcast_in_dim3A_421 : vector<16xf32> to vector<16xf32>
      tpu.vector_store %arg9[%swap3A_422], %swap3A_425 {strides = array<i32>} : memref<2000xf32, #tpu.memory_space<vmem>>, vector<16xf32>,
      %broadcast_in_dim3A_426 = arith.constant 0.000000e+00 : f32
      %broadcast_in_dim3A_427 = vector.broadcast %broadcast_in_dim3A_426 : f32 to vector<16xf32>
      %swap3A_428 = arith.constant 880 : index
      %swap3A_429 = tpu.vector_load %arg9[%swap3A_428] {strides = array<i32>} : memref<2000xf32, #tpu.memory_space<vmem>>, vector<16xf32>,
      %swap3A_430 = vector.shape_cast %swap3A_429 : vector<16xf32> to vector<16xf32>
      %swap3A_431 = vector.shape_cast %broadcast_in_dim3A_427 : vector<16xf32> to vector<16xf32>
      tpu.vector_store %arg9[%swap3A_428], %swap3A_431 {strides = array<i32>} : memref<2000xf32, #tpu.memory_space<vmem>>, vector<16xf32>,
      %broadcast_in_dim3A_432 = arith.constant 0.000000e+00 : f32
      %broadcast_in_dim3A_433 = vector.broadcast %broadcast_in_dim3A_432 : f32 to vector<16xf32>
      %swap3A_434 = arith.constant 896 : index
      %swap3A_435 = tpu.vector_load %arg9[%swap3A_434] {strides = array<i32>} : memref<2000xf32, #tpu.memory_space<vmem>>, vector<16xf32>,
      %swap3A_436 = vector.shape_cast %swap3A_435 : vector<16xf32> to vector<16xf32>
      %swap3A_437 = vector.shape_cast %broadcast_in_dim3A_433 : vector<16xf32> to vector<16xf32>
      tpu.vector_store %arg9[%swap3A_434], %swap3A_437 {strides = array<i32>} : memref<2000xf32, #tpu.memory_space<vmem>>, vector<16xf32>,
      %broadcast_in_dim3A_438 = arith.constant 0.000000e+00 : f32
      %broadcast_in_dim3A_439 = vector.broadcast %broadcast_in_dim3A_438 : f32 to vector<16xf32>
      %swap3A_440 = arith.constant 912 : index
      %swap3A_441 = tpu.vector_load %arg9[%swap3A_440] {strides = array<i32>} : memref<2000xf32, #tpu.memory_space<vmem>>, vector<16xf32>,
      %swap3A_442 = vector.shape_cast %swap3A_441 : vector<16xf32> to vector<16xf32>
      %swap3A_443 = vector.shape_cast %broadcast_in_dim3A_439 : vector<16xf32> to vector<16xf32>
      tpu.vector_store %arg9[%swap3A_440], %swap3A_443 {strides = array<i32>} : memref<2000xf32, #tpu.memory_space<vmem>>, vector<16xf32>,
      %broadcast_in_dim3A_444 = arith.constant 0.000000e+00 : f32
      %broadcast_in_dim3A_445 = vector.broadcast %broadcast_in_dim3A_444 : f32 to vector<16xf32>
      %swap3A_446 = arith.constant 928 : index
      %swap3A_447 = tpu.vector_load %arg9[%swap3A_446] {strides = array<i32>} : memref<2000xf32, #tpu.memory_space<vmem>>, vector<16xf32>,
      %swap3A_448 = vector.shape_cast %swap3A_447 : vector<16xf32> to vector<16xf32>
      %swap3A_449 = vector.shape_cast %broadcast_in_dim3A_445 : vector<16xf32> to vector<16xf32>
      tpu.vector_store %arg9[%swap3A_446], %swap3A_449 {strides = array<i32>} : memref<2000xf32, #tpu.memory_space<vmem>>, vector<16xf32>,
      %broadcast_in_dim3A_450 = arith.constant 0.000000e+00 : f32
      %broadcast_in_dim3A_451 = vector.broadcast %broadcast_in_dim3A_450 : f32 to vector<16xf32>
      %swap3A_452 = arith.constant 944 : index
      %swap3A_453 = tpu.vector_load %arg9[%swap3A_452] {strides = array<i32>} : memref<2000xf32, #tpu.memory_space<vmem>>, vector<16xf32>,
      %swap3A_454 = vector.shape_cast %swap3A_453 : vector<16xf32> to vector<16xf32>
      %swap3A_455 = vector.shape_cast %broadcast_in_dim3A_451 : vector<16xf32> to vector<16xf32>
      tpu.vector_store %arg9[%swap3A_452], %swap3A_455 {strides = array<i32>} : memref<2000xf32, #tpu.memory_space<vmem>>, vector<16xf32>,
      %broadcast_in_dim3A_456 = arith.constant 0.000000e+00 : f32
      %broadcast_in_dim3A_457 = vector.broadcast %broadcast_in_dim3A_456 : f32 to vector<16xf32>
      %swap3A_458 = arith.constant 960 : index
      %swap3A_459 = tpu.vector_load %arg9[%swap3A_458] {strides = array<i32>} : memref<2000xf32, #tpu.memory_space<vmem>>, vector<16xf32>,
      %swap3A_460 = vector.shape_cast %swap3A_459 : vector<16xf32> to vector<16xf32>
      %swap3A_461 = vector.shape_cast %broadcast_in_dim3A_457 : vector<16xf32> to vector<16xf32>
      tpu.vector_store %arg9[%swap3A_458], %swap3A_461 {strides = array<i32>} : memref<2000xf32, #tpu.memory_space<vmem>>, vector<16xf32>,
      %broadcast_in_dim3A_462 = arith.constant 0.000000e+00 : f32
      %broadcast_in_dim3A_463 = vector.broadcast %broadcast_in_dim3A_462 : f32 to vector<16xf32>
      %swap3A_464 = arith.constant 976 : index
      %swap3A_465 = tpu.vector_load %arg9[%swap3A_464] {strides = array<i32>} : memref<2000xf32, #tpu.memory_space<vmem>>, vector<16xf32>,
      %swap3A_466 = vector.shape_cast %swap3A_465 : vector<16xf32> to vector<16xf32>
      %swap3A_467 = vector.shape_cast %broadcast_in_dim3A_463 : vector<16xf32> to vector<16xf32>
      tpu.vector_store %arg9[%swap3A_464], %swap3A_467 {strides = array<i32>} : memref<2000xf32, #tpu.memory_space<vmem>>, vector<16xf32>,
      %broadcast_in_dim3A_468 = arith.constant 0.000000e+00 : f32
      %broadcast_in_dim3A_469 = vector.broadcast %broadcast_in_dim3A_468 : f32 to vector<16xf32>
      %swap3A_470 = arith.constant 992 : index
      %swap3A_471 = tpu.vector_load %arg9[%swap3A_470] {strides = array<i32>} : memref<2000xf32, #tpu.memory_space<vmem>>, vector<16xf32>,
      %swap3A_472 = vector.shape_cast %swap3A_471 : vector<16xf32> to vector<16xf32>
      %swap3A_473 = vector.shape_cast %broadcast_in_dim3A_469 : vector<16xf32> to vector<16xf32>
      tpu.vector_store %arg9[%swap3A_470], %swap3A_473 {strides = array<i32>} : memref<2000xf32, #tpu.memory_space<vmem>>, vector<16xf32>,
      %broadcast_in_dim3A_474 = arith.constant 0.000000e+00 : f32
      %broadcast_in_dim3A_475 = vector.broadcast %broadcast_in_dim3A_474 : f32 to vector<16xf32>
      %swap3A_476 = arith.constant 1008 : index
      %swap3A_477 = tpu.vector_load %arg9[%swap3A_476] {strides = array<i32>} : memref<2000xf32, #tpu.memory_space<vmem>>, vector<16xf32>,
      %swap3A_478 = vector.shape_cast %swap3A_477 : vector<16xf32> to vector<16xf32>
      %swap3A_479 = vector.shape_cast %broadcast_in_dim3A_475 : vector<16xf32> to vector<16xf32>
      tpu.vector_store %arg9[%swap3A_476], %swap3A_479 {strides = array<i32>} : memref<2000xf32, #tpu.memory_space<vmem>>, vector<16xf32>,
      %broadcast_in_dim3A_480 = arith.constant 0.000000e+00 : f32
      %broadcast_in_dim3A_481 = vector.broadcast %broadcast_in_dim3A_480 : f32 to vector<16xf32>
      %swap3A_482 = arith.constant 1024 : index
      %swap3A_483 = tpu.vector_load %arg9[%swap3A_482] {strides = array<i32>} : memref<2000xf32, #tpu.memory_space<vmem>>, vector<16xf32>,
      %swap3A_484 = vector.shape_cast %swap3A_483 : vector<16xf32> to vector<16xf32>
      %swap3A_485 = vector.shape_cast %broadcast_in_dim3A_481 : vector<16xf32> to vector<16xf32>
      tpu.vector_store %arg9[%swap3A_482], %swap3A_485 {strides = array<i32>} : memref<2000xf32, #tpu.memory_space<vmem>>, vector<16xf32>,
      %broadcast_in_dim3A_486 = arith.constant 0.000000e+00 : f32
      %broadcast_in_dim3A_487 = vector.broadcast %broadcast_in_dim3A_486 : f32 to vector<16xf32>
      %swap3A_488 = arith.constant 1040 : index
      %swap3A_489 = tpu.vector_load %arg9[%swap3A_488] {strides = array<i32>} : memref<2000xf32, #tpu.memory_space<vmem>>, vector<16xf32>,
      %swap3A_490 = vector.shape_cast %swap3A_489 : vector<16xf32> to vector<16xf32>
      %swap3A_491 = vector.shape_cast %broadcast_in_dim3A_487 : vector<16xf32> to vector<16xf32>
      tpu.vector_store %arg9[%swap3A_488], %swap3A_491 {strides = array<i32>} : memref<2000xf32, #tpu.memory_space<vmem>>, vector<16xf32>,
      %broadcast_in_dim3A_492 = arith.constant 0.000000e+00 : f32
      %broadcast_in_dim3A_493 = vector.broadcast %broadcast_in_dim3A_492 : f32 to vector<16xf32>
      %swap3A_494 = arith.constant 1056 : index
      %swap3A_495 = tpu.vector_load %arg9[%swap3A_494] {strides = array<i32>} : memref<2000xf32, #tpu.memory_space<vmem>>, vector<16xf32>,
      %swap3A_496 = vector.shape_cast %swap3A_495 : vector<16xf32> to vector<16xf32>
      %swap3A_497 = vector.shape_cast %broadcast_in_dim3A_493 : vector<16xf32> to vector<16xf32>
      tpu.vector_store %arg9[%swap3A_494], %swap3A_497 {strides = array<i32>} : memref<2000xf32, #tpu.memory_space<vmem>>, vector<16xf32>,
      %broadcast_in_dim3A_498 = arith.constant 0.000000e+00 : f32
      %broadcast_in_dim3A_499 = vector.broadcast %broadcast_in_dim3A_498 : f32 to vector<16xf32>
      %swap3A_500 = arith.constant 1072 : index
      %swap3A_501 = tpu.vector_load %arg9[%swap3A_500] {strides = array<i32>} : memref<2000xf32, #tpu.memory_space<vmem>>, vector<16xf32>,
      %swap3A_502 = vector.shape_cast %swap3A_501 : vector<16xf32> to vector<16xf32>
      %swap3A_503 = vector.shape_cast %broadcast_in_dim3A_499 : vector<16xf32> to vector<16xf32>
      tpu.vector_store %arg9[%swap3A_500], %swap3A_503 {strides = array<i32>} : memref<2000xf32, #tpu.memory_space<vmem>>, vector<16xf32>,
      %broadcast_in_dim3A_504 = arith.constant 0.000000e+00 : f32
      %broadcast_in_dim3A_505 = vector.broadcast %broadcast_in_dim3A_504 : f32 to vector<16xf32>
      %swap3A_506 = arith.constant 1088 : index
      %swap3A_507 = tpu.vector_load %arg9[%swap3A_506] {strides = array<i32>} : memref<2000xf32, #tpu.memory_space<vmem>>, vector<16xf32>,
      %swap3A_508 = vector.shape_cast %swap3A_507 : vector<16xf32> to vector<16xf32>
      %swap3A_509 = vector.shape_cast %broadcast_in_dim3A_505 : vector<16xf32> to vector<16xf32>
      tpu.vector_store %arg9[%swap3A_506], %swap3A_509 {strides = array<i32>} : memref<2000xf32, #tpu.memory_space<vmem>>, vector<16xf32>,
      %broadcast_in_dim3A_510 = arith.constant 0.000000e+00 : f32
      %broadcast_in_dim3A_511 = vector.broadcast %broadcast_in_dim3A_510 : f32 to vector<16xf32>
      %swap3A_512 = arith.constant 1104 : index
      %swap3A_513 = tpu.vector_load %arg9[%swap3A_512] {strides = array<i32>} : memref<2000xf32, #tpu.memory_space<vmem>>, vector<16xf32>,
      %swap3A_514 = vector.shape_cast %swap3A_513 : vector<16xf32> to vector<16xf32>
      %swap3A_515 = vector.shape_cast %broadcast_in_dim3A_511 : vector<16xf32> to vector<16xf32>
      tpu.vector_store %arg9[%swap3A_512], %swap3A_515 {strides = array<i32>} : memref<2000xf32, #tpu.memory_space<vmem>>, vector<16xf32>,
      %broadcast_in_dim3A_516 = arith.constant 0.000000e+00 : f32
      %broadcast_in_dim3A_517 = vector.broadcast %broadcast_in_dim3A_516 : f32 to vector<16xf32>
      %swap3A_518 = arith.constant 1120 : index
      %swap3A_519 = tpu.vector_load %arg9[%swap3A_518] {strides = array<i32>} : memref<2000xf32, #tpu.memory_space<vmem>>, vector<16xf32>,
      %swap3A_520 = vector.shape_cast %swap3A_519 : vector<16xf32> to vector<16xf32>
      %swap3A_521 = vector.shape_cast %broadcast_in_dim3A_517 : vector<16xf32> to vector<16xf32>
      tpu.vector_store %arg9[%swap3A_518], %swap3A_521 {strides = array<i32>} : memref<2000xf32, #tpu.memory_space<vmem>>, vector<16xf32>,
      %broadcast_in_dim3A_522 = arith.constant 0.000000e+00 : f32
      %broadcast_in_dim3A_523 = vector.broadcast %broadcast_in_dim3A_522 : f32 to vector<16xf32>
      %swap3A_524 = arith.constant 1136 : index
      %swap3A_525 = tpu.vector_load %arg9[%swap3A_524] {strides = array<i32>} : memref<2000xf32, #tpu.memory_space<vmem>>, vector<16xf32>,
      %swap3A_526 = vector.shape_cast %swap3A_525 : vector<16xf32> to vector<16xf32>
      %swap3A_527 = vector.shape_cast %broadcast_in_dim3A_523 : vector<16xf32> to vector<16xf32>
      tpu.vector_store %arg9[%swap3A_524], %swap3A_527 {strides = array<i32>} : memref<2000xf32, #tpu.memory_space<vmem>>, vector<16xf32>,
      %broadcast_in_dim3A_528 = arith.constant 0.000000e+00 : f32
      %broadcast_in_dim3A_529 = vector.broadcast %broadcast_in_dim3A_528 : f32 to vector<16xf32>
      %swap3A_530 = arith.constant 1152 : index
      %swap3A_531 = tpu.vector_load %arg9[%swap3A_530] {strides = array<i32>} : memref<2000xf32, #tpu.memory_space<vmem>>, vector<16xf32>,
      %swap3A_532 = vector.shape_cast %swap3A_531 : vector<16xf32> to vector<16xf32>
      %swap3A_533 = vector.shape_cast %broadcast_in_dim3A_529 : vector<16xf32> to vector<16xf32>
      tpu.vector_store %arg9[%swap3A_530], %swap3A_533 {strides = array<i32>} : memref<2000xf32, #tpu.memory_space<vmem>>, vector<16xf32>,
      %broadcast_in_dim3A_534 = arith.constant 0.000000e+00 : f32
      %broadcast_in_dim3A_535 = vector.broadcast %broadcast_in_dim3A_534 : f32 to vector<16xf32>
      %swap3A_536 = arith.constant 1168 : index
      %swap3A_537 = tpu.vector_load %arg9[%swap3A_536] {strides = array<i32>} : memref<2000xf32, #tpu.memory_space<vmem>>, vector<16xf32>,
      %swap3A_538 = vector.shape_cast %swap3A_537 : vector<16xf32> to vector<16xf32>
      %swap3A_539 = vector.shape_cast %broadcast_in_dim3A_535 : vector<16xf32> to vector<16xf32>
      tpu.vector_store %arg9[%swap3A_536], %swap3A_539 {strides = array<i32>} : memref<2000xf32, #tpu.memory_space<vmem>>, vector<16xf32>,
      %broadcast_in_dim3A_540 = arith.constant 0.000000e+00 : f32
      %broadcast_in_dim3A_541 = vector.broadcast %broadcast_in_dim3A_540 : f32 to vector<16xf32>
      %swap3A_542 = arith.constant 1184 : index
      %swap3A_543 = tpu.vector_load %arg9[%swap3A_542] {strides = array<i32>} : memref<2000xf32, #tpu.memory_space<vmem>>, vector<16xf32>,
      %swap3A_544 = vector.shape_cast %swap3A_543 : vector<16xf32> to vector<16xf32>
      %swap3A_545 = vector.shape_cast %broadcast_in_dim3A_541 : vector<16xf32> to vector<16xf32>
      tpu.vector_store %arg9[%swap3A_542], %swap3A_545 {strides = array<i32>} : memref<2000xf32, #tpu.memory_space<vmem>>, vector<16xf32>,
      %broadcast_in_dim3A_546 = arith.constant 0.000000e+00 : f32
      %broadcast_in_dim3A_547 = vector.broadcast %broadcast_in_dim3A_546 : f32 to vector<16xf32>
      %swap3A_548 = arith.constant 1200 : index
      %swap3A_549 = tpu.vector_load %arg9[%swap3A_548] {strides = array<i32>} : memref<2000xf32, #tpu.memory_space<vmem>>, vector<16xf32>,
      %swap3A_550 = vector.shape_cast %swap3A_549 : vector<16xf32> to vector<16xf32>
      %swap3A_551 = vector.shape_cast %broadcast_in_dim3A_547 : vector<16xf32> to vector<16xf32>
      tpu.vector_store %arg9[%swap3A_548], %swap3A_551 {strides = array<i32>} : memref<2000xf32, #tpu.memory_space<vmem>>, vector<16xf32>,
      %broadcast_in_dim3A_552 = arith.constant 0.000000e+00 : f32
      %broadcast_in_dim3A_553 = vector.broadcast %broadcast_in_dim3A_552 : f32 to vector<16xf32>
      %swap3A_554 = arith.constant 1216 : index
      %swap3A_555 = tpu.vector_load %arg9[%swap3A_554] {strides = array<i32>} : memref<2000xf32, #tpu.memory_space<vmem>>, vector<16xf32>,
      %swap3A_556 = vector.shape_cast %swap3A_555 : vector<16xf32> to vector<16xf32>
      %swap3A_557 = vector.shape_cast %broadcast_in_dim3A_553 : vector<16xf32> to vector<16xf32>
      tpu.vector_store %arg9[%swap3A_554], %swap3A_557 {strides = array<i32>} : memref<2000xf32, #tpu.memory_space<vmem>>, vector<16xf32>,
      %broadcast_in_dim3A_558 = arith.constant 0.000000e+00 : f32
      %broadcast_in_dim3A_559 = vector.broadcast %broadcast_in_dim3A_558 : f32 to vector<16xf32>
      %swap3A_560 = arith.constant 1232 : index
      %swap3A_561 = tpu.vector_load %arg9[%swap3A_560] {strides = array<i32>} : memref<2000xf32, #tpu.memory_space<vmem>>, vector<16xf32>,
      %swap3A_562 = vector.shape_cast %swap3A_561 : vector<16xf32> to vector<16xf32>
      %swap3A_563 = vector.shape_cast %broadcast_in_dim3A_559 : vector<16xf32> to vector<16xf32>
      tpu.vector_store %arg9[%swap3A_560], %swap3A_563 {strides = array<i32>} : memref<2000xf32, #tpu.memory_space<vmem>>, vector<16xf32>,
      %broadcast_in_dim3A_564 = arith.constant 0.000000e+00 : f32
      %broadcast_in_dim3A_565 = vector.broadcast %broadcast_in_dim3A_564 : f32 to vector<16xf32>
      %swap3A_566 = arith.constant 1248 : index
      %swap3A_567 = tpu.vector_load %arg9[%swap3A_566] {strides = array<i32>} : memref<2000xf32, #tpu.memory_space<vmem>>, vector<16xf32>,
      %swap3A_568 = vector.shape_cast %swap3A_567 : vector<16xf32> to vector<16xf32>
      %swap3A_569 = vector.shape_cast %broadcast_in_dim3A_565 : vector<16xf32> to vector<16xf32>
      tpu.vector_store %arg9[%swap3A_566], %swap3A_569 {strides = array<i32>} : memref<2000xf32, #tpu.memory_space<vmem>>, vector<16xf32>,
      %broadcast_in_dim3A_570 = arith.constant 0.000000e+00 : f32
      %broadcast_in_dim3A_571 = vector.broadcast %broadcast_in_dim3A_570 : f32 to vector<16xf32>
      %swap3A_572 = arith.constant 1264 : index
      %swap3A_573 = tpu.vector_load %arg9[%swap3A_572] {strides = array<i32>} : memref<2000xf32, #tpu.memory_space<vmem>>, vector<16xf32>,
      %swap3A_574 = vector.shape_cast %swap3A_573 : vector<16xf32> to vector<16xf32>
      %swap3A_575 = vector.shape_cast %broadcast_in_dim3A_571 : vector<16xf32> to vector<16xf32>
      tpu.vector_store %arg9[%swap3A_572], %swap3A_575 {strides = array<i32>} : memref<2000xf32, #tpu.memory_space<vmem>>, vector<16xf32>,
      %broadcast_in_dim3A_576 = arith.constant 0.000000e+00 : f32
      %broadcast_in_dim3A_577 = vector.broadcast %broadcast_in_dim3A_576 : f32 to vector<16xf32>
      %swap3A_578 = arith.constant 1280 : index
      %swap3A_579 = tpu.vector_load %arg9[%swap3A_578] {strides = array<i32>} : memref<2000xf32, #tpu.memory_space<vmem>>, vector<16xf32>,
      %swap3A_580 = vector.shape_cast %swap3A_579 : vector<16xf32> to vector<16xf32>
      %swap3A_581 = vector.shape_cast %broadcast_in_dim3A_577 : vector<16xf32> to vector<16xf32>
      tpu.vector_store %arg9[%swap3A_578], %swap3A_581 {strides = array<i32>} : memref<2000xf32, #tpu.memory_space<vmem>>, vector<16xf32>,
      %broadcast_in_dim3A_582 = arith.constant 0.000000e+00 : f32
      %broadcast_in_dim3A_583 = vector.broadcast %broadcast_in_dim3A_582 : f32 to vector<16xf32>
      %swap3A_584 = arith.constant 1296 : index
      %swap3A_585 = tpu.vector_load %arg9[%swap3A_584] {strides = array<i32>} : memref<2000xf32, #tpu.memory_space<vmem>>, vector<16xf32>,
      %swap3A_586 = vector.shape_cast %swap3A_585 : vector<16xf32> to vector<16xf32>
      %swap3A_587 = vector.shape_cast %broadcast_in_dim3A_583 : vector<16xf32> to vector<16xf32>
      tpu.vector_store %arg9[%swap3A_584], %swap3A_587 {strides = array<i32>} : memref<2000xf32, #tpu.memory_space<vmem>>, vector<16xf32>,
      %broadcast_in_dim3A_588 = arith.constant 0.000000e+00 : f32
      %broadcast_in_dim3A_589 = vector.broadcast %broadcast_in_dim3A_588 : f32 to vector<16xf32>
      %swap3A_590 = arith.constant 1312 : index
      %swap3A_591 = tpu.vector_load %arg9[%swap3A_590] {strides = array<i32>} : memref<2000xf32, #tpu.memory_space<vmem>>, vector<16xf32>,
      %swap3A_592 = vector.shape_cast %swap3A_591 : vector<16xf32> to vector<16xf32>
      %swap3A_593 = vector.shape_cast %broadcast_in_dim3A_589 : vector<16xf32> to vector<16xf32>
      tpu.vector_store %arg9[%swap3A_590], %swap3A_593 {strides = array<i32>} : memref<2000xf32, #tpu.memory_space<vmem>>, vector<16xf32>,
      %broadcast_in_dim3A_594 = arith.constant 0.000000e+00 : f32
      %broadcast_in_dim3A_595 = vector.broadcast %broadcast_in_dim3A_594 : f32 to vector<16xf32>
      %swap3A_596 = arith.constant 1328 : index
      %swap3A_597 = tpu.vector_load %arg9[%swap3A_596] {strides = array<i32>} : memref<2000xf32, #tpu.memory_space<vmem>>, vector<16xf32>,
      %swap3A_598 = vector.shape_cast %swap3A_597 : vector<16xf32> to vector<16xf32>
      %swap3A_599 = vector.shape_cast %broadcast_in_dim3A_595 : vector<16xf32> to vector<16xf32>
      tpu.vector_store %arg9[%swap3A_596], %swap3A_599 {strides = array<i32>} : memref<2000xf32, #tpu.memory_space<vmem>>, vector<16xf32>,
      %broadcast_in_dim3A_600 = arith.constant 0.000000e+00 : f32
      %broadcast_in_dim3A_601 = vector.broadcast %broadcast_in_dim3A_600 : f32 to vector<16xf32>
      %swap3A_602 = arith.constant 1344 : index
      %swap3A_603 = tpu.vector_load %arg9[%swap3A_602] {strides = array<i32>} : memref<2000xf32, #tpu.memory_space<vmem>>, vector<16xf32>,
      %swap3A_604 = vector.shape_cast %swap3A_603 : vector<16xf32> to vector<16xf32>
      %swap3A_605 = vector.shape_cast %broadcast_in_dim3A_601 : vector<16xf32> to vector<16xf32>
      tpu.vector_store %arg9[%swap3A_602], %swap3A_605 {strides = array<i32>} : memref<2000xf32, #tpu.memory_space<vmem>>, vector<16xf32>,
      %broadcast_in_dim3A_606 = arith.constant 0.000000e+00 : f32
      %broadcast_in_dim3A_607 = vector.broadcast %broadcast_in_dim3A_606 : f32 to vector<16xf32>
      %swap3A_608 = arith.constant 1360 : index
      %swap3A_609 = tpu.vector_load %arg9[%swap3A_608] {strides = array<i32>} : memref<2000xf32, #tpu.memory_space<vmem>>, vector<16xf32>,
      %swap3A_610 = vector.shape_cast %swap3A_609 : vector<16xf32> to vector<16xf32>
      %swap3A_611 = vector.shape_cast %broadcast_in_dim3A_607 : vector<16xf32> to vector<16xf32>
      tpu.vector_store %arg9[%swap3A_608], %swap3A_611 {strides = array<i32>} : memref<2000xf32, #tpu.memory_space<vmem>>, vector<16xf32>,
      %broadcast_in_dim3A_612 = arith.constant 0.000000e+00 : f32
      %broadcast_in_dim3A_613 = vector.broadcast %broadcast_in_dim3A_612 : f32 to vector<16xf32>
      %swap3A_614 = arith.constant 1376 : index
      %swap3A_615 = tpu.vector_load %arg9[%swap3A_614] {strides = array<i32>} : memref<2000xf32, #tpu.memory_space<vmem>>, vector<16xf32>,
      %swap3A_616 = vector.shape_cast %swap3A_615 : vector<16xf32> to vector<16xf32>
      %swap3A_617 = vector.shape_cast %broadcast_in_dim3A_613 : vector<16xf32> to vector<16xf32>
      tpu.vector_store %arg9[%swap3A_614], %swap3A_617 {strides = array<i32>} : memref<2000xf32, #tpu.memory_space<vmem>>, vector<16xf32>,
      %broadcast_in_dim3A_618 = arith.constant 0.000000e+00 : f32
      %broadcast_in_dim3A_619 = vector.broadcast %broadcast_in_dim3A_618 : f32 to vector<16xf32>
      %swap3A_620 = arith.constant 1392 : index
      %swap3A_621 = tpu.vector_load %arg9[%swap3A_620] {strides = array<i32>} : memref<2000xf32, #tpu.memory_space<vmem>>, vector<16xf32>,
      %swap3A_622 = vector.shape_cast %swap3A_621 : vector<16xf32> to vector<16xf32>
      %swap3A_623 = vector.shape_cast %broadcast_in_dim3A_619 : vector<16xf32> to vector<16xf32>
      tpu.vector_store %arg9[%swap3A_620], %swap3A_623 {strides = array<i32>} : memref<2000xf32, #tpu.memory_space<vmem>>, vector<16xf32>,
      %broadcast_in_dim3A_624 = arith.constant 0.000000e+00 : f32
      %broadcast_in_dim3A_625 = vector.broadcast %broadcast_in_dim3A_624 : f32 to vector<16xf32>
      %swap3A_626 = arith.constant 1408 : index
      %swap3A_627 = tpu.vector_load %arg9[%swap3A_626] {strides = array<i32>} : memref<2000xf32, #tpu.memory_space<vmem>>, vector<16xf32>,
      %swap3A_628 = vector.shape_cast %swap3A_627 : vector<16xf32> to vector<16xf32>
      %swap3A_629 = vector.shape_cast %broadcast_in_dim3A_625 : vector<16xf32> to vector<16xf32>
      tpu.vector_store %arg9[%swap3A_626], %swap3A_629 {strides = array<i32>} : memref<2000xf32, #tpu.memory_space<vmem>>, vector<16xf32>,
      %broadcast_in_dim3A_630 = arith.constant 0.000000e+00 : f32
      %broadcast_in_dim3A_631 = vector.broadcast %broadcast_in_dim3A_630 : f32 to vector<16xf32>
      %swap3A_632 = arith.constant 1424 : index
      %swap3A_633 = tpu.vector_load %arg9[%swap3A_632] {strides = array<i32>} : memref<2000xf32, #tpu.memory_space<vmem>>, vector<16xf32>,
      %swap3A_634 = vector.shape_cast %swap3A_633 : vector<16xf32> to vector<16xf32>
      %swap3A_635 = vector.shape_cast %broadcast_in_dim3A_631 : vector<16xf32> to vector<16xf32>
      tpu.vector_store %arg9[%swap3A_632], %swap3A_635 {strides = array<i32>} : memref<2000xf32, #tpu.memory_space<vmem>>, vector<16xf32>,
      %broadcast_in_dim3A_636 = arith.constant 0.000000e+00 : f32
      %broadcast_in_dim3A_637 = vector.broadcast %broadcast_in_dim3A_636 : f32 to vector<16xf32>
      %swap3A_638 = arith.constant 1440 : index
      %swap3A_639 = tpu.vector_load %arg9[%swap3A_638] {strides = array<i32>} : memref<2000xf32, #tpu.memory_space<vmem>>, vector<16xf32>,
      %swap3A_640 = vector.shape_cast %swap3A_639 : vector<16xf32> to vector<16xf32>
      %swap3A_641 = vector.shape_cast %broadcast_in_dim3A_637 : vector<16xf32> to vector<16xf32>
      tpu.vector_store %arg9[%swap3A_638], %swap3A_641 {strides = array<i32>} : memref<2000xf32, #tpu.memory_space<vmem>>, vector<16xf32>,
      %broadcast_in_dim3A_642 = arith.constant 0.000000e+00 : f32
      %broadcast_in_dim3A_643 = vector.broadcast %broadcast_in_dim3A_642 : f32 to vector<16xf32>
      %swap3A_644 = arith.constant 1456 : index
      %swap3A_645 = tpu.vector_load %arg9[%swap3A_644] {strides = array<i32>} : memref<2000xf32, #tpu.memory_space<vmem>>, vector<16xf32>,
      %swap3A_646 = vector.shape_cast %swap3A_645 : vector<16xf32> to vector<16xf32>
      %swap3A_647 = vector.shape_cast %broadcast_in_dim3A_643 : vector<16xf32> to vector<16xf32>
      tpu.vector_store %arg9[%swap3A_644], %swap3A_647 {strides = array<i32>} : memref<2000xf32, #tpu.memory_space<vmem>>, vector<16xf32>,
      %broadcast_in_dim3A_648 = arith.constant 0.000000e+00 : f32
      %broadcast_in_dim3A_649 = vector.broadcast %broadcast_in_dim3A_648 : f32 to vector<16xf32>
      %swap3A_650 = arith.constant 1472 : index
      %swap3A_651 = tpu.vector_load %arg9[%swap3A_650] {strides = array<i32>} : memref<2000xf32, #tpu.memory_space<vmem>>, vector<16xf32>,
      %swap3A_652 = vector.shape_cast %swap3A_651 : vector<16xf32> to vector<16xf32>
      %swap3A_653 = vector.shape_cast %broadcast_in_dim3A_649 : vector<16xf32> to vector<16xf32>
      tpu.vector_store %arg9[%swap3A_650], %swap3A_653 {strides = array<i32>} : memref<2000xf32, #tpu.memory_space<vmem>>, vector<16xf32>,
      %broadcast_in_dim3A_654 = arith.constant 0.000000e+00 : f32
      %broadcast_in_dim3A_655 = vector.broadcast %broadcast_in_dim3A_654 : f32 to vector<16xf32>
      %swap3A_656 = arith.constant 1488 : index
      %swap3A_657 = tpu.vector_load %arg9[%swap3A_656] {strides = array<i32>} : memref<2000xf32, #tpu.memory_space<vmem>>, vector<16xf32>,
      %swap3A_658 = vector.shape_cast %swap3A_657 : vector<16xf32> to vector<16xf32>
      %swap3A_659 = vector.shape_cast %broadcast_in_dim3A_655 : vector<16xf32> to vector<16xf32>
      tpu.vector_store %arg9[%swap3A_656], %swap3A_659 {strides = array<i32>} : memref<2000xf32, #tpu.memory_space<vmem>>, vector<16xf32>,
      %broadcast_in_dim3A_660 = arith.constant 0.000000e+00 : f32
      %broadcast_in_dim3A_661 = vector.broadcast %broadcast_in_dim3A_660 : f32 to vector<16xf32>
      %swap3A_662 = arith.constant 1504 : index
      %swap3A_663 = tpu.vector_load %arg9[%swap3A_662] {strides = array<i32>} : memref<2000xf32, #tpu.memory_space<vmem>>, vector<16xf32>,
      %swap3A_664 = vector.shape_cast %swap3A_663 : vector<16xf32> to vector<16xf32>
      %swap3A_665 = vector.shape_cast %broadcast_in_dim3A_661 : vector<16xf32> to vector<16xf32>
      tpu.vector_store %arg9[%swap3A_662], %swap3A_665 {strides = array<i32>} : memref<2000xf32, #tpu.memory_space<vmem>>, vector<16xf32>,
      %broadcast_in_dim3A_666 = arith.constant 0.000000e+00 : f32
      %broadcast_in_dim3A_667 = vector.broadcast %broadcast_in_dim3A_666 : f32 to vector<16xf32>
      %swap3A_668 = arith.constant 1520 : index
      %swap3A_669 = tpu.vector_load %arg9[%swap3A_668] {strides = array<i32>} : memref<2000xf32, #tpu.memory_space<vmem>>, vector<16xf32>,
      %swap3A_670 = vector.shape_cast %swap3A_669 : vector<16xf32> to vector<16xf32>
      %swap3A_671 = vector.shape_cast %broadcast_in_dim3A_667 : vector<16xf32> to vector<16xf32>
      tpu.vector_store %arg9[%swap3A_668], %swap3A_671 {strides = array<i32>} : memref<2000xf32, #tpu.memory_space<vmem>>, vector<16xf32>,
      %broadcast_in_dim3A_672 = arith.constant 0.000000e+00 : f32
      %broadcast_in_dim3A_673 = vector.broadcast %broadcast_in_dim3A_672 : f32 to vector<16xf32>
      %swap3A_674 = arith.constant 1536 : index
      %swap3A_675 = tpu.vector_load %arg9[%swap3A_674] {strides = array<i32>} : memref<2000xf32, #tpu.memory_space<vmem>>, vector<16xf32>,
      %swap3A_676 = vector.shape_cast %swap3A_675 : vector<16xf32> to vector<16xf32>
      %swap3A_677 = vector.shape_cast %broadcast_in_dim3A_673 : vector<16xf32> to vector<16xf32>
      tpu.vector_store %arg9[%swap3A_674], %swap3A_677 {strides = array<i32>} : memref<2000xf32, #tpu.memory_space<vmem>>, vector<16xf32>,
      %broadcast_in_dim3A_678 = arith.constant 0.000000e+00 : f32
      %broadcast_in_dim3A_679 = vector.broadcast %broadcast_in_dim3A_678 : f32 to vector<16xf32>
      %swap3A_680 = arith.constant 1552 : index
      %swap3A_681 = tpu.vector_load %arg9[%swap3A_680] {strides = array<i32>} : memref<2000xf32, #tpu.memory_space<vmem>>, vector<16xf32>,
      %swap3A_682 = vector.shape_cast %swap3A_681 : vector<16xf32> to vector<16xf32>
      %swap3A_683 = vector.shape_cast %broadcast_in_dim3A_679 : vector<16xf32> to vector<16xf32>
      tpu.vector_store %arg9[%swap3A_680], %swap3A_683 {strides = array<i32>} : memref<2000xf32, #tpu.memory_space<vmem>>, vector<16xf32>,
      %broadcast_in_dim3A_684 = arith.constant 0.000000e+00 : f32
      %broadcast_in_dim3A_685 = vector.broadcast %broadcast_in_dim3A_684 : f32 to vector<16xf32>
      %swap3A_686 = arith.constant 1568 : index
      %swap3A_687 = tpu.vector_load %arg9[%swap3A_686] {strides = array<i32>} : memref<2000xf32, #tpu.memory_space<vmem>>, vector<16xf32>,
      %swap3A_688 = vector.shape_cast %swap3A_687 : vector<16xf32> to vector<16xf32>
      %swap3A_689 = vector.shape_cast %broadcast_in_dim3A_685 : vector<16xf32> to vector<16xf32>
      tpu.vector_store %arg9[%swap3A_686], %swap3A_689 {strides = array<i32>} : memref<2000xf32, #tpu.memory_space<vmem>>, vector<16xf32>,
      %broadcast_in_dim3A_690 = arith.constant 0.000000e+00 : f32
      %broadcast_in_dim3A_691 = vector.broadcast %broadcast_in_dim3A_690 : f32 to vector<16xf32>
      %swap3A_692 = arith.constant 1584 : index
      %swap3A_693 = tpu.vector_load %arg9[%swap3A_692] {strides = array<i32>} : memref<2000xf32, #tpu.memory_space<vmem>>, vector<16xf32>,
      %swap3A_694 = vector.shape_cast %swap3A_693 : vector<16xf32> to vector<16xf32>
      %swap3A_695 = vector.shape_cast %broadcast_in_dim3A_691 : vector<16xf32> to vector<16xf32>
      tpu.vector_store %arg9[%swap3A_692], %swap3A_695 {strides = array<i32>} : memref<2000xf32, #tpu.memory_space<vmem>>, vector<16xf32>,
      %broadcast_in_dim3A_696 = arith.constant 0.000000e+00 : f32
      %broadcast_in_dim3A_697 = vector.broadcast %broadcast_in_dim3A_696 : f32 to vector<16xf32>
      %swap3A_698 = arith.constant 1600 : index
      %swap3A_699 = tpu.vector_load %arg9[%swap3A_698] {strides = array<i32>} : memref<2000xf32, #tpu.memory_space<vmem>>, vector<16xf32>,
      %swap3A_700 = vector.shape_cast %swap3A_699 : vector<16xf32> to vector<16xf32>
      %swap3A_701 = vector.shape_cast %broadcast_in_dim3A_697 : vector<16xf32> to vector<16xf32>
      tpu.vector_store %arg9[%swap3A_698], %swap3A_701 {strides = array<i32>} : memref<2000xf32, #tpu.memory_space<vmem>>, vector<16xf32>,
      %broadcast_in_dim3A_702 = arith.constant 0.000000e+00 : f32
      %broadcast_in_dim3A_703 = vector.broadcast %broadcast_in_dim3A_702 : f32 to vector<16xf32>
      %swap3A_704 = arith.constant 1616 : index
      %swap3A_705 = tpu.vector_load %arg9[%swap3A_704] {strides = array<i32>} : memref<2000xf32, #tpu.memory_space<vmem>>, vector<16xf32>,
      %swap3A_706 = vector.shape_cast %swap3A_705 : vector<16xf32> to vector<16xf32>
      %swap3A_707 = vector.shape_cast %broadcast_in_dim3A_703 : vector<16xf32> to vector<16xf32>
      tpu.vector_store %arg9[%swap3A_704], %swap3A_707 {strides = array<i32>} : memref<2000xf32, #tpu.memory_space<vmem>>, vector<16xf32>,
      %broadcast_in_dim3A_708 = arith.constant 0.000000e+00 : f32
      %broadcast_in_dim3A_709 = vector.broadcast %broadcast_in_dim3A_708 : f32 to vector<16xf32>
      %swap3A_710 = arith.constant 1632 : index
      %swap3A_711 = tpu.vector_load %arg9[%swap3A_710] {strides = array<i32>} : memref<2000xf32, #tpu.memory_space<vmem>>, vector<16xf32>,
      %swap3A_712 = vector.shape_cast %swap3A_711 : vector<16xf32> to vector<16xf32>
      %swap3A_713 = vector.shape_cast %broadcast_in_dim3A_709 : vector<16xf32> to vector<16xf32>
      tpu.vector_store %arg9[%swap3A_710], %swap3A_713 {strides = array<i32>} : memref<2000xf32, #tpu.memory_space<vmem>>, vector<16xf32>,
      %broadcast_in_dim3A_714 = arith.constant 0.000000e+00 : f32
      %broadcast_in_dim3A_715 = vector.broadcast %broadcast_in_dim3A_714 : f32 to vector<16xf32>
      %swap3A_716 = arith.constant 1648 : index
      %swap3A_717 = tpu.vector_load %arg9[%swap3A_716] {strides = array<i32>} : memref<2000xf32, #tpu.memory_space<vmem>>, vector<16xf32>,
      %swap3A_718 = vector.shape_cast %swap3A_717 : vector<16xf32> to vector<16xf32>
      %swap3A_719 = vector.shape_cast %broadcast_in_dim3A_715 : vector<16xf32> to vector<16xf32>
      tpu.vector_store %arg9[%swap3A_716], %swap3A_719 {strides = array<i32>} : memref<2000xf32, #tpu.memory_space<vmem>>, vector<16xf32>,
      %broadcast_in_dim3A_720 = arith.constant 0.000000e+00 : f32
      %broadcast_in_dim3A_721 = vector.broadcast %broadcast_in_dim3A_720 : f32 to vector<16xf32>
      %swap3A_722 = arith.constant 1664 : index
      %swap3A_723 = tpu.vector_load %arg9[%swap3A_722] {strides = array<i32>} : memref<2000xf32, #tpu.memory_space<vmem>>, vector<16xf32>,
      %swap3A_724 = vector.shape_cast %swap3A_723 : vector<16xf32> to vector<16xf32>
      %swap3A_725 = vector.shape_cast %broadcast_in_dim3A_721 : vector<16xf32> to vector<16xf32>
      tpu.vector_store %arg9[%swap3A_722], %swap3A_725 {strides = array<i32>} : memref<2000xf32, #tpu.memory_space<vmem>>, vector<16xf32>,
      %broadcast_in_dim3A_726 = arith.constant 0.000000e+00 : f32
      %broadcast_in_dim3A_727 = vector.broadcast %broadcast_in_dim3A_726 : f32 to vector<16xf32>
      %swap3A_728 = arith.constant 1680 : index
      %swap3A_729 = tpu.vector_load %arg9[%swap3A_728] {strides = array<i32>} : memref<2000xf32, #tpu.memory_space<vmem>>, vector<16xf32>,
      %swap3A_730 = vector.shape_cast %swap3A_729 : vector<16xf32> to vector<16xf32>
      %swap3A_731 = vector.shape_cast %broadcast_in_dim3A_727 : vector<16xf32> to vector<16xf32>
      tpu.vector_store %arg9[%swap3A_728], %swap3A_731 {strides = array<i32>} : memref<2000xf32, #tpu.memory_space<vmem>>, vector<16xf32>,
      %broadcast_in_dim3A_732 = arith.constant 0.000000e+00 : f32
      %broadcast_in_dim3A_733 = vector.broadcast %broadcast_in_dim3A_732 : f32 to vector<16xf32>
      %swap3A_734 = arith.constant 1696 : index
      %swap3A_735 = tpu.vector_load %arg9[%swap3A_734] {strides = array<i32>} : memref<2000xf32, #tpu.memory_space<vmem>>, vector<16xf32>,
      %swap3A_736 = vector.shape_cast %swap3A_735 : vector<16xf32> to vector<16xf32>
      %swap3A_737 = vector.shape_cast %broadcast_in_dim3A_733 : vector<16xf32> to vector<16xf32>
      tpu.vector_store %arg9[%swap3A_734], %swap3A_737 {strides = array<i32>} : memref<2000xf32, #tpu.memory_space<vmem>>, vector<16xf32>,
      %broadcast_in_dim3A_738 = arith.constant 0.000000e+00 : f32
      %broadcast_in_dim3A_739 = vector.broadcast %broadcast_in_dim3A_738 : f32 to vector<16xf32>
      %swap3A_740 = arith.constant 1712 : index
      %swap3A_741 = tpu.vector_load %arg9[%swap3A_740] {strides = array<i32>} : memref<2000xf32, #tpu.memory_space<vmem>>, vector<16xf32>,
      %swap3A_742 = vector.shape_cast %swap3A_741 : vector<16xf32> to vector<16xf32>
      %swap3A_743 = vector.shape_cast %broadcast_in_dim3A_739 : vector<16xf32> to vector<16xf32>
      tpu.vector_store %arg9[%swap3A_740], %swap3A_743 {strides = array<i32>} : memref<2000xf32, #tpu.memory_space<vmem>>, vector<16xf32>,
      %broadcast_in_dim3A_744 = arith.constant 0.000000e+00 : f32
      %broadcast_in_dim3A_745 = vector.broadcast %broadcast_in_dim3A_744 : f32 to vector<16xf32>
      %swap3A_746 = arith.constant 1728 : index
      %swap3A_747 = tpu.vector_load %arg9[%swap3A_746] {strides = array<i32>} : memref<2000xf32, #tpu.memory_space<vmem>>, vector<16xf32>,
      %swap3A_748 = vector.shape_cast %swap3A_747 : vector<16xf32> to vector<16xf32>
      %swap3A_749 = vector.shape_cast %broadcast_in_dim3A_745 : vector<16xf32> to vector<16xf32>
      tpu.vector_store %arg9[%swap3A_746], %swap3A_749 {strides = array<i32>} : memref<2000xf32, #tpu.memory_space<vmem>>, vector<16xf32>,
      %broadcast_in_dim3A_750 = arith.constant 0.000000e+00 : f32
      %broadcast_in_dim3A_751 = vector.broadcast %broadcast_in_dim3A_750 : f32 to vector<16xf32>
      %swap3A_752 = arith.constant 1744 : index
      %swap3A_753 = tpu.vector_load %arg9[%swap3A_752] {strides = array<i32>} : memref<2000xf32, #tpu.memory_space<vmem>>, vector<16xf32>,
      %swap3A_754 = vector.shape_cast %swap3A_753 : vector<16xf32> to vector<16xf32>
      %swap3A_755 = vector.shape_cast %broadcast_in_dim3A_751 : vector<16xf32> to vector<16xf32>
      tpu.vector_store %arg9[%swap3A_752], %swap3A_755 {strides = array<i32>} : memref<2000xf32, #tpu.memory_space<vmem>>, vector<16xf32>,
      %broadcast_in_dim3A_756 = arith.constant 0.000000e+00 : f32
      %broadcast_in_dim3A_757 = vector.broadcast %broadcast_in_dim3A_756 : f32 to vector<16xf32>
      %swap3A_758 = arith.constant 1760 : index
      %swap3A_759 = tpu.vector_load %arg9[%swap3A_758] {strides = array<i32>} : memref<2000xf32, #tpu.memory_space<vmem>>, vector<16xf32>,
      %swap3A_760 = vector.shape_cast %swap3A_759 : vector<16xf32> to vector<16xf32>
      %swap3A_761 = vector.shape_cast %broadcast_in_dim3A_757 : vector<16xf32> to vector<16xf32>
      tpu.vector_store %arg9[%swap3A_758], %swap3A_761 {strides = array<i32>} : memref<2000xf32, #tpu.memory_space<vmem>>, vector<16xf32>,
      %broadcast_in_dim3A_762 = arith.constant 0.000000e+00 : f32
      %broadcast_in_dim3A_763 = vector.broadcast %broadcast_in_dim3A_762 : f32 to vector<16xf32>
      %swap3A_764 = arith.constant 1776 : index
      %swap3A_765 = tpu.vector_load %arg9[%swap3A_764] {strides = array<i32>} : memref<2000xf32, #tpu.memory_space<vmem>>, vector<16xf32>,
      %swap3A_766 = vector.shape_cast %swap3A_765 : vector<16xf32> to vector<16xf32>
      %swap3A_767 = vector.shape_cast %broadcast_in_dim3A_763 : vector<16xf32> to vector<16xf32>
      tpu.vector_store %arg9[%swap3A_764], %swap3A_767 {strides = array<i32>} : memref<2000xf32, #tpu.memory_space<vmem>>, vector<16xf32>,
      %broadcast_in_dim3A_768 = arith.constant 0.000000e+00 : f32
      %broadcast_in_dim3A_769 = vector.broadcast %broadcast_in_dim3A_768 : f32 to vector<16xf32>
      %swap3A_770 = arith.constant 1792 : index
      %swap3A_771 = tpu.vector_load %arg9[%swap3A_770] {strides = array<i32>} : memref<2000xf32, #tpu.memory_space<vmem>>, vector<16xf32>,
      %swap3A_772 = vector.shape_cast %swap3A_771 : vector<16xf32> to vector<16xf32>
      %swap3A_773 = vector.shape_cast %broadcast_in_dim3A_769 : vector<16xf32> to vector<16xf32>
      tpu.vector_store %arg9[%swap3A_770], %swap3A_773 {strides = array<i32>} : memref<2000xf32, #tpu.memory_space<vmem>>, vector<16xf32>,
      %broadcast_in_dim3A_774 = arith.constant 0.000000e+00 : f32
      %broadcast_in_dim3A_775 = vector.broadcast %broadcast_in_dim3A_774 : f32 to vector<16xf32>
      %swap3A_776 = arith.constant 1808 : index
      %swap3A_777 = tpu.vector_load %arg9[%swap3A_776] {strides = array<i32>} : memref<2000xf32, #tpu.memory_space<vmem>>, vector<16xf32>,
      %swap3A_778 = vector.shape_cast %swap3A_777 : vector<16xf32> to vector<16xf32>
      %swap3A_779 = vector.shape_cast %broadcast_in_dim3A_775 : vector<16xf32> to vector<16xf32>
      tpu.vector_store %arg9[%swap3A_776], %swap3A_779 {strides = array<i32>} : memref<2000xf32, #tpu.memory_space<vmem>>, vector<16xf32>,
      %broadcast_in_dim3A_780 = arith.constant 0.000000e+00 : f32
      %broadcast_in_dim3A_781 = vector.broadcast %broadcast_in_dim3A_780 : f32 to vector<16xf32>
      %swap3A_782 = arith.constant 1824 : index
      %swap3A_783 = tpu.vector_load %arg9[%swap3A_782] {strides = array<i32>} : memref<2000xf32, #tpu.memory_space<vmem>>, vector<16xf32>,
      %swap3A_784 = vector.shape_cast %swap3A_783 : vector<16xf32> to vector<16xf32>
      %swap3A_785 = vector.shape_cast %broadcast_in_dim3A_781 : vector<16xf32> to vector<16xf32>
      tpu.vector_store %arg9[%swap3A_782], %swap3A_785 {strides = array<i32>} : memref<2000xf32, #tpu.memory_space<vmem>>, vector<16xf32>,
      %broadcast_in_dim3A_786 = arith.constant 0.000000e+00 : f32
      %broadcast_in_dim3A_787 = vector.broadcast %broadcast_in_dim3A_786 : f32 to vector<16xf32>
      %swap3A_788 = arith.constant 1840 : index
      %swap3A_789 = tpu.vector_load %arg9[%swap3A_788] {strides = array<i32>} : memref<2000xf32, #tpu.memory_space<vmem>>, vector<16xf32>,
      %swap3A_790 = vector.shape_cast %swap3A_789 : vector<16xf32> to vector<16xf32>
      %swap3A_791 = vector.shape_cast %broadcast_in_dim3A_787 : vector<16xf32> to vector<16xf32>
      tpu.vector_store %arg9[%swap3A_788], %swap3A_791 {strides = array<i32>} : memref<2000xf32, #tpu.memory_space<vmem>>, vector<16xf32>,
      %broadcast_in_dim3A_792 = arith.constant 0.000000e+00 : f32
      %broadcast_in_dim3A_793 = vector.broadcast %broadcast_in_dim3A_792 : f32 to vector<16xf32>
      %swap3A_794 = arith.constant 1856 : index
      %swap3A_795 = tpu.vector_load %arg9[%swap3A_794] {strides = array<i32>} : memref<2000xf32, #tpu.memory_space<vmem>>, vector<16xf32>,
      %swap3A_796 = vector.shape_cast %swap3A_795 : vector<16xf32> to vector<16xf32>
      %swap3A_797 = vector.shape_cast %broadcast_in_dim3A_793 : vector<16xf32> to vector<16xf32>
      tpu.vector_store %arg9[%swap3A_794], %swap3A_797 {strides = array<i32>} : memref<2000xf32, #tpu.memory_space<vmem>>, vector<16xf32>,
      %broadcast_in_dim3A_798 = arith.constant 0.000000e+00 : f32
      %broadcast_in_dim3A_799 = vector.broadcast %broadcast_in_dim3A_798 : f32 to vector<16xf32>
      %swap3A_800 = arith.constant 1872 : index
      %swap3A_801 = tpu.vector_load %arg9[%swap3A_800] {strides = array<i32>} : memref<2000xf32, #tpu.memory_space<vmem>>, vector<16xf32>,
      %swap3A_802 = vector.shape_cast %swap3A_801 : vector<16xf32> to vector<16xf32>
      %swap3A_803 = vector.shape_cast %broadcast_in_dim3A_799 : vector<16xf32> to vector<16xf32>
      tpu.vector_store %arg9[%swap3A_800], %swap3A_803 {strides = array<i32>} : memref<2000xf32, #tpu.memory_space<vmem>>, vector<16xf32>,
      %broadcast_in_dim3A_804 = arith.constant 0.000000e+00 : f32
      %broadcast_in_dim3A_805 = vector.broadcast %broadcast_in_dim3A_804 : f32 to vector<16xf32>
      %swap3A_806 = arith.constant 1888 : index
      %swap3A_807 = tpu.vector_load %arg9[%swap3A_806] {strides = array<i32>} : memref<2000xf32, #tpu.memory_space<vmem>>, vector<16xf32>,
      %swap3A_808 = vector.shape_cast %swap3A_807 : vector<16xf32> to vector<16xf32>
      %swap3A_809 = vector.shape_cast %broadcast_in_dim3A_805 : vector<16xf32> to vector<16xf32>
      tpu.vector_store %arg9[%swap3A_806], %swap3A_809 {strides = array<i32>} : memref<2000xf32, #tpu.memory_space<vmem>>, vector<16xf32>,
      %broadcast_in_dim3A_810 = arith.constant 0.000000e+00 : f32
      %broadcast_in_dim3A_811 = vector.broadcast %broadcast_in_dim3A_810 : f32 to vector<16xf32>
      %swap3A_812 = arith.constant 1904 : index
      %swap3A_813 = tpu.vector_load %arg9[%swap3A_812] {strides = array<i32>} : memref<2000xf32, #tpu.memory_space<vmem>>, vector<16xf32>,
      %swap3A_814 = vector.shape_cast %swap3A_813 : vector<16xf32> to vector<16xf32>
      %swap3A_815 = vector.shape_cast %broadcast_in_dim3A_811 : vector<16xf32> to vector<16xf32>
      tpu.vector_store %arg9[%swap3A_812], %swap3A_815 {strides = array<i32>} : memref<2000xf32, #tpu.memory_space<vmem>>, vector<16xf32>,
      %broadcast_in_dim3A_816 = arith.constant 0.000000e+00 : f32
      %broadcast_in_dim3A_817 = vector.broadcast %broadcast_in_dim3A_816 : f32 to vector<16xf32>
      %swap3A_818 = arith.constant 1920 : index
      %swap3A_819 = tpu.vector_load %arg9[%swap3A_818] {strides = array<i32>} : memref<2000xf32, #tpu.memory_space<vmem>>, vector<16xf32>,
      %swap3A_820 = vector.shape_cast %swap3A_819 : vector<16xf32> to vector<16xf32>
      %swap3A_821 = vector.shape_cast %broadcast_in_dim3A_817 : vector<16xf32> to vector<16xf32>
      tpu.vector_store %arg9[%swap3A_818], %swap3A_821 {strides = array<i32>} : memref<2000xf32, #tpu.memory_space<vmem>>, vector<16xf32>,
      %broadcast_in_dim3A_822 = arith.constant 0.000000e+00 : f32
      %broadcast_in_dim3A_823 = vector.broadcast %broadcast_in_dim3A_822 : f32 to vector<16xf32>
      %swap3A_824 = arith.constant 1936 : index
      %swap3A_825 = tpu.vector_load %arg9[%swap3A_824] {strides = array<i32>} : memref<2000xf32, #tpu.memory_space<vmem>>, vector<16xf32>,
      %swap3A_826 = vector.shape_cast %swap3A_825 : vector<16xf32> to vector<16xf32>
      %swap3A_827 = vector.shape_cast %broadcast_in_dim3A_823 : vector<16xf32> to vector<16xf32>
      tpu.vector_store %arg9[%swap3A_824], %swap3A_827 {strides = array<i32>} : memref<2000xf32, #tpu.memory_space<vmem>>, vector<16xf32>,
      %broadcast_in_dim3A_828 = arith.constant 0.000000e+00 : f32
      %broadcast_in_dim3A_829 = vector.broadcast %broadcast_in_dim3A_828 : f32 to vector<16xf32>
      %swap3A_830 = arith.constant 1952 : index
      %swap3A_831 = tpu.vector_load %arg9[%swap3A_830] {strides = array<i32>} : memref<2000xf32, #tpu.memory_space<vmem>>, vector<16xf32>,
      %swap3A_832 = vector.shape_cast %swap3A_831 : vector<16xf32> to vector<16xf32>
      %swap3A_833 = vector.shape_cast %broadcast_in_dim3A_829 : vector<16xf32> to vector<16xf32>
      tpu.vector_store %arg9[%swap3A_830], %swap3A_833 {strides = array<i32>} : memref<2000xf32, #tpu.memory_space<vmem>>, vector<16xf32>,
      %broadcast_in_dim3A_834 = arith.constant 0.000000e+00 : f32
      %broadcast_in_dim3A_835 = vector.broadcast %broadcast_in_dim3A_834 : f32 to vector<16xf32>
      %swap3A_836 = arith.constant 1968 : index
      %swap3A_837 = tpu.vector_load %arg9[%swap3A_836] {strides = array<i32>} : memref<2000xf32, #tpu.memory_space<vmem>>, vector<16xf32>,
      %swap3A_838 = vector.shape_cast %swap3A_837 : vector<16xf32> to vector<16xf32>
      %swap3A_839 = vector.shape_cast %broadcast_in_dim3A_835 : vector<16xf32> to vector<16xf32>
      tpu.vector_store %arg9[%swap3A_836], %swap3A_839 {strides = array<i32>} : memref<2000xf32, #tpu.memory_space<vmem>>, vector<16xf32>,
      %broadcast_in_dim3A_840 = arith.constant 0.000000e+00 : f32
      %broadcast_in_dim3A_841 = vector.broadcast %broadcast_in_dim3A_840 : f32 to vector<16xf32>
      %swap3A_842 = arith.constant 1984 : index
      %swap3A_843 = tpu.vector_load %arg9[%swap3A_842] {strides = array<i32>} : memref<2000xf32, #tpu.memory_space<vmem>>, vector<16xf32>,
      %swap3A_844 = vector.shape_cast %swap3A_843 : vector<16xf32> to vector<16xf32>
      %swap3A_845 = vector.shape_cast %broadcast_in_dim3A_841 : vector<16xf32> to vector<16xf32>
      tpu.vector_store %arg9[%swap3A_842], %swap3A_845 {strides = array<i32>} : memref<2000xf32, #tpu.memory_space<vmem>>, vector<16xf32>,
      "tpu.region"() ({
        %run_scoped3A = tpu.sem_alloc : memref<!tpu.dma_semaphore, #tpu.memory_space<semaphore_mem>>
        %dma_start3A_846 = arith.constant 0 : i32
        %dma_start3A_847 = tpu.memref_slice %arg10[%dma_start3A_846] : memref<10240xf32, #tpu.memory_space<vmem_shared>> -> memref<2000xf32, #tpu.memory_space<vmem_shared>>
        %dma_start3A_848 = arith.constant 0 : i32
        %dma_start3A_849 = tpu.memref_slice %arg10[%dma_start3A_848] : memref<10240xf32, #tpu.memory_space<vmem_shared>> -> memref<2000xf32, #tpu.memory_space<vmem_shared>>
        tpu.enqueue_dma source(%arg9 : memref<2000xf32, #tpu.memory_space<vmem>>) target(%dma_start3A_849 : memref<2000xf32, #tpu.memory_space<vmem_shared>>) target_semaphore(%run_scoped3A : memref<!tpu.dma_semaphore, #tpu.memory_space<semaphore_mem>>)
        %dma_wait3A_850 = arith.constant 0 : i32
        %dma_wait3A_851 = tpu.memref_slice %arg10[%dma_wait3A_850] : memref<10240xf32, #tpu.memory_space<vmem_shared>> -> memref<2000xf32, #tpu.memory_space<vmem_shared>>
        %dma_wait3A_852 = arith.constant 0 : i32
        %dma_wait3A_853 = tpu.memref_slice %arg10[%dma_wait3A_852] : memref<10240xf32, #tpu.memory_space<vmem_shared>> -> memref<2000xf32, #tpu.memory_space<vmem_shared>>
        tpu.wait_dma2 semaphore(%run_scoped3A : memref<!tpu.dma_semaphore, #tpu.memory_space<semaphore_mem>>) src(%arg9 : memref<2000xf32, #tpu.memory_space<vmem>>) dst(%dma_wait3A_853 : memref<2000xf32, #tpu.memory_space<vmem_shared>>)
        tpu.yield
      }) : () -> ()
      "tpu.region"() ({
        %run_scoped3A = tpu.sem_alloc : memref<!tpu.dma_semaphore, #tpu.memory_space<semaphore_mem>>
        %dma_start3A_846 = arith.constant 2000 : i32
        %dma_start3A_847 = tpu.memref_slice %arg10[%dma_start3A_846] : memref<10240xf32, #tpu.memory_space<vmem_shared>> -> memref<2000xf32, #tpu.memory_space<vmem_shared>>
        %dma_start3A_848 = arith.constant 2000 : i32
        %dma_start3A_849 = tpu.memref_slice %arg10[%dma_start3A_848] : memref<10240xf32, #tpu.memory_space<vmem_shared>> -> memref<2000xf32, #tpu.memory_space<vmem_shared>>
        tpu.enqueue_dma source(%arg9 : memref<2000xf32, #tpu.memory_space<vmem>>) target(%dma_start3A_849 : memref<2000xf32, #tpu.memory_space<vmem_shared>>) target_semaphore(%run_scoped3A : memref<!tpu.dma_semaphore, #tpu.memory_space<semaphore_mem>>)
        %dma_wait3A_850 = arith.constant 2000 : i32
        %dma_wait3A_851 = tpu.memref_slice %arg10[%dma_wait3A_850] : memref<10240xf32, #tpu.memory_space<vmem_shared>> -> memref<2000xf32, #tpu.memory_space<vmem_shared>>
        %dma_wait3A_852 = arith.constant 2000 : i32
        %dma_wait3A_853 = tpu.memref_slice %arg10[%dma_wait3A_852] : memref<10240xf32, #tpu.memory_space<vmem_shared>> -> memref<2000xf32, #tpu.memory_space<vmem_shared>>
        tpu.wait_dma2 semaphore(%run_scoped3A : memref<!tpu.dma_semaphore, #tpu.memory_space<semaphore_mem>>) src(%arg9 : memref<2000xf32, #tpu.memory_space<vmem>>) dst(%dma_wait3A_853 : memref<2000xf32, #tpu.memory_space<vmem_shared>>)
        tpu.yield
      }) : () -> ()
      "tpu.region"() ({
        %run_scoped3A = tpu.sem_alloc : memref<!tpu.dma_semaphore, #tpu.memory_space<semaphore_mem>>
        %dma_start3A_846 = arith.constant 4000 : i32
        %dma_start3A_847 = tpu.memref_slice %arg10[%dma_start3A_846] : memref<10240xf32, #tpu.memory_space<vmem_shared>> -> memref<2000xf32, #tpu.memory_space<vmem_shared>>
        %dma_start3A_848 = arith.constant 4000 : i32
        %dma_start3A_849 = tpu.memref_slice %arg10[%dma_start3A_848] : memref<10240xf32, #tpu.memory_space<vmem_shared>> -> memref<2000xf32, #tpu.memory_space<vmem_shared>>
        tpu.enqueue_dma source(%arg9 : memref<2000xf32, #tpu.memory_space<vmem>>) target(%dma_start3A_849 : memref<2000xf32, #tpu.memory_space<vmem_shared>>) target_semaphore(%run_scoped3A : memref<!tpu.dma_semaphore, #tpu.memory_space<semaphore_mem>>)
        %dma_wait3A_850 = arith.constant 4000 : i32
        %dma_wait3A_851 = tpu.memref_slice %arg10[%dma_wait3A_850] : memref<10240xf32, #tpu.memory_space<vmem_shared>> -> memref<2000xf32, #tpu.memory_space<vmem_shared>>
        %dma_wait3A_852 = arith.constant 4000 : i32
        %dma_wait3A_853 = tpu.memref_slice %arg10[%dma_wait3A_852] : memref<10240xf32, #tpu.memory_space<vmem_shared>> -> memref<2000xf32, #tpu.memory_space<vmem_shared>>
        tpu.wait_dma2 semaphore(%run_scoped3A : memref<!tpu.dma_semaphore, #tpu.memory_space<semaphore_mem>>) src(%arg9 : memref<2000xf32, #tpu.memory_space<vmem>>) dst(%dma_wait3A_853 : memref<2000xf32, #tpu.memory_space<vmem_shared>>)
        tpu.yield
      }) : () -> ()
      "tpu.region"() ({
        %run_scoped3A = tpu.sem_alloc : memref<!tpu.dma_semaphore, #tpu.memory_space<semaphore_mem>>
        %dma_start3A_846 = arith.constant 6000 : i32
        %dma_start3A_847 = tpu.memref_slice %arg10[%dma_start3A_846] : memref<10240xf32, #tpu.memory_space<vmem_shared>> -> memref<2000xf32, #tpu.memory_space<vmem_shared>>
        %dma_start3A_848 = arith.constant 6000 : i32
        %dma_start3A_849 = tpu.memref_slice %arg10[%dma_start3A_848] : memref<10240xf32, #tpu.memory_space<vmem_shared>> -> memref<2000xf32, #tpu.memory_space<vmem_shared>>
        tpu.enqueue_dma source(%arg9 : memref<2000xf32, #tpu.memory_space<vmem>>) target(%dma_start3A_849 : memref<2000xf32, #tpu.memory_space<vmem_shared>>) target_semaphore(%run_scoped3A : memref<!tpu.dma_semaphore, #tpu.memory_space<semaphore_mem>>)
        %dma_wait3A_850 = arith.constant 6000 : i32
        %dma_wait3A_851 = tpu.memref_slice %arg10[%dma_wait3A_850] : memref<10240xf32, #tpu.memory_space<vmem_shared>> -> memref<2000xf32, #tpu.memory_space<vmem_shared>>
        %dma_wait3A_852 = arith.constant 6000 : i32
        %dma_wait3A_853 = tpu.memref_slice %arg10[%dma_wait3A_852] : memref<10240xf32, #tpu.memory_space<vmem_shared>> -> memref<2000xf32, #tpu.memory_space<vmem_shared>>
        tpu.wait_dma2 semaphore(%run_scoped3A : memref<!tpu.dma_semaphore, #tpu.memory_space<semaphore_mem>>) src(%arg9 : memref<2000xf32, #tpu.memory_space<vmem>>) dst(%dma_wait3A_853 : memref<2000xf32, #tpu.memory_space<vmem_shared>>)
        tpu.yield
      }) : () -> ()
      "tpu.region"() ({
        %run_scoped3A = tpu.sem_alloc : memref<!tpu.dma_semaphore, #tpu.memory_space<semaphore_mem>>
        %dma_start3A_846 = arith.constant 8000 : i32
        %dma_start3A_847 = tpu.memref_slice %arg10[%dma_start3A_846] : memref<10240xf32, #tpu.memory_space<vmem_shared>> -> memref<2000xf32, #tpu.memory_space<vmem_shared>>
        %dma_start3A_848 = arith.constant 8000 : i32
        %dma_start3A_849 = tpu.memref_slice %arg10[%dma_start3A_848] : memref<10240xf32, #tpu.memory_space<vmem_shared>> -> memref<2000xf32, #tpu.memory_space<vmem_shared>>
        tpu.enqueue_dma source(%arg9 : memref<2000xf32, #tpu.memory_space<vmem>>) target(%dma_start3A_849 : memref<2000xf32, #tpu.memory_space<vmem_shared>>) target_semaphore(%run_scoped3A : memref<!tpu.dma_semaphore, #tpu.memory_space<semaphore_mem>>)
        %dma_wait3A_850 = arith.constant 8000 : i32
        %dma_wait3A_851 = tpu.memref_slice %arg10[%dma_wait3A_850] : memref<10240xf32, #tpu.memory_space<vmem_shared>> -> memref<2000xf32, #tpu.memory_space<vmem_shared>>
        %dma_wait3A_852 = arith.constant 8000 : i32
        %dma_wait3A_853 = tpu.memref_slice %arg10[%dma_wait3A_852] : memref<10240xf32, #tpu.memory_space<vmem_shared>> -> memref<2000xf32, #tpu.memory_space<vmem_shared>>
        tpu.wait_dma2 semaphore(%run_scoped3A : memref<!tpu.dma_semaphore, #tpu.memory_space<semaphore_mem>>) src(%arg9 : memref<2000xf32, #tpu.memory_space<vmem>>) dst(%dma_wait3A_853 : memref<2000xf32, #tpu.memory_space<vmem_shared>>)
        tpu.yield
      }) : () -> ()
      "tpu.region"() ({
        %run_scoped3A = tpu.sem_alloc : memref<!tpu.dma_semaphore, #tpu.memory_space<semaphore_mem>>
        %dma_start3A_846 = arith.constant 0 : i32
        %dma_start3A_847 = tpu.memref_slice %arg9[%dma_start3A_846] : memref<2000xf32, #tpu.memory_space<vmem>> -> memref<240xf32, #tpu.memory_space<vmem>>
        %dma_start3A_848 = arith.constant 10000 : i32
        %dma_start3A_849 = tpu.memref_slice %arg10[%dma_start3A_848] : memref<10240xf32, #tpu.memory_space<vmem_shared>> -> memref<240xf32, #tpu.memory_space<vmem_shared>>
        %dma_start3A_850 = arith.constant 10000 : i32
        %dma_start3A_851 = tpu.memref_slice %arg10[%dma_start3A_850] : memref<10240xf32, #tpu.memory_space<vmem_shared>> -> memref<240xf32, #tpu.memory_space<vmem_shared>>
        %dma_start3A_852 = arith.constant 0 : i32
        %dma_start3A_853 = tpu.memref_slice %arg9[%dma_start3A_852] : memref<2000xf32, #tpu.memory_space<vmem>> -> memref<240xf32, #tpu.memory_space<vmem>>
        tpu.enqueue_dma source(%dma_start3A_853 : memref<240xf32, #tpu.memory_space<vmem>>) target(%dma_start3A_851 : memref<240xf32, #tpu.memory_space<vmem_shared>>) target_semaphore(%run_scoped3A : memref<!tpu.dma_semaphore, #tpu.memory_space<semaphore_mem>>)
        %dma_wait3A_854 = arith.constant 0 : i32
        %dma_wait3A_855 = tpu.memref_slice %arg9[%dma_wait3A_854] : memref<2000xf32, #tpu.memory_space<vmem>> -> memref<240xf32, #tpu.memory_space<vmem>>
        %dma_wait3A_856 = arith.constant 10000 : i32
        %dma_wait3A_857 = tpu.memref_slice %arg10[%dma_wait3A_856] : memref<10240xf32, #tpu.memory_space<vmem_shared>> -> memref<240xf32, #tpu.memory_space<vmem_shared>>
        %dma_wait3A_858 = arith.constant 10000 : i32
        %dma_wait3A_859 = tpu.memref_slice %arg10[%dma_wait3A_858] : memref<10240xf32, #tpu.memory_space<vmem_shared>> -> memref<240xf32, #tpu.memory_space<vmem_shared>>
        %dma_wait3A_860 = arith.constant 0 : i32
        %dma_wait3A_861 = tpu.memref_slice %arg9[%dma_wait3A_860] : memref<2000xf32, #tpu.memory_space<vmem>> -> memref<240xf32, #tpu.memory_space<vmem>>
        tpu.wait_dma2 semaphore(%run_scoped3A : memref<!tpu.dma_semaphore, #tpu.memory_space<semaphore_mem>>) src(%dma_wait3A_861 : memref<240xf32, #tpu.memory_space<vmem>>) dst(%dma_wait3A_859 : memref<240xf32, #tpu.memory_space<vmem_shared>>)
        tpu.yield
      }) : () -> ()
    } else {
    }
    %barrier3A = arith.constant 0 : index
    tpu.barrier barrier_id(%barrier3A)
    %scan3A = arith.constant 0 : i32
    %scan3A_35 = arith.constant 0 : i32
    %scan3A_36 = arith.constant 62 : i32
    %scan3A_37 = arith.addi %scan3A_35, %scan3A_36 : i32
    %scan3A_38 = arith.constant 1 : i32
    scf.for %scan3A_96 = %scan3A_35 to %scan3A_37 step %scan3A_38  : i32 {
      %mul3A_97 = arith.constant 2 : i32
      %mul3A_98 = arith.muli %mul3A_97, %scan3A_96 : i32
      %ge3A = arith.constant 2 : i32
      %ge3A_99 = arith.cmpi sge, %mul3A_98, %ge3A : i32
      %convert_element_type3A_100 = arith.extui %ge3A_99 : i1 to i32
      %cond3A_101 = arith.constant 0 : i32
      %cond3A_102 = arith.cmpi ne, %convert_element_type3A_100, %cond3A_101 : i32
      scf.if %cond3A_102 {
        %dma_wait3A_210 = arith.constant 0 : i32
        %dma_wait3A_211 = tpu.memref_slice %arg10[%dma_wait3A_210] : memref<10240xf32, #tpu.memory_space<vmem_shared>> -> memref<10240xf32, #tpu.memory_space<vmem_shared>>
        tpu.wait_indirect_dma semaphore(%arg11 : memref<!tpu.dma_semaphore, #tpu.memory_space<semaphore_mem>>) src(%arg8 : memref<80xf32, #tpu.memory_space<vmem>>) dst(%dma_wait3A_211 : memref<10240xf32, #tpu.memory_space<vmem_shared>>)
      } else {
      }
      %mul3A_103 = arith.constant 80 : i32
      %mul3A_104 = arith.muli %mul3A_98, %mul3A_103 : i32
      %add3A_105 = arith.constant 0 : i32
      %add3A_106 = arith.addi %mul3A_104, %add3A_105 : i32
      %get3A_107 = arith.index_cast %add3A_106 : i32 to index
      %get3A_108 = tpu.vector_load %arg5[%get3A_107] {strides = array<i32>} : memref<10000xi32, #tpu.memory_space<vmem>>, vector<16xi32>,
      %get3A_109 = vector.shape_cast %get3A_108 : vector<16xi32> to vector<16xi32>
      %swap3A_110 = arith.constant 0 : index
      %swap3A_111 = tpu.vector_load %arg6[%swap3A_110] {strides = array<i32>} : memref<80xi32, #tpu.memory_space<vmem>>, vector<16xi32>,
      %swap3A_112 = vector.shape_cast %swap3A_111 : vector<16xi32> to vector<16xi32>
      %swap3A_113 = vector.shape_cast %get3A_109 : vector<16xi32> to vector<16xi32>
      tpu.vector_store %arg6[%swap3A_110], %swap3A_113 {strides = array<i32>} : memref<80xi32, #tpu.memory_space<vmem>>, vector<16xi32>,
      %add3A_114 = arith.constant 16 : i32
      %add3A_115 = arith.addi %mul3A_104, %add3A_114 : i32
      %get3A_116 = arith.index_cast %add3A_115 : i32 to index
      %get3A_117 = tpu.vector_load %arg5[%get3A_116] {strides = array<i32>} : memref<10000xi32, #tpu.memory_space<vmem>>, vector<16xi32>,
      %get3A_118 = vector.shape_cast %get3A_117 : vector<16xi32> to vector<16xi32>
      %swap3A_119 = arith.constant 16 : index
      %swap3A_120 = tpu.vector_load %arg6[%swap3A_119] {strides = array<i32>} : memref<80xi32, #tpu.memory_space<vmem>>, vector<16xi32>,
      %swap3A_121 = vector.shape_cast %swap3A_120 : vector<16xi32> to vector<16xi32>
      %swap3A_122 = vector.shape_cast %get3A_118 : vector<16xi32> to vector<16xi32>
      tpu.vector_store %arg6[%swap3A_119], %swap3A_122 {strides = array<i32>} : memref<80xi32, #tpu.memory_space<vmem>>, vector<16xi32>,
      %add3A_123 = arith.constant 32 : i32
      %add3A_124 = arith.addi %mul3A_104, %add3A_123 : i32
      %get3A_125 = arith.index_cast %add3A_124 : i32 to index
      %get3A_126 = tpu.vector_load %arg5[%get3A_125] {strides = array<i32>} : memref<10000xi32, #tpu.memory_space<vmem>>, vector<16xi32>,
      %get3A_127 = vector.shape_cast %get3A_126 : vector<16xi32> to vector<16xi32>
      %swap3A_128 = arith.constant 32 : index
      %swap3A_129 = tpu.vector_load %arg6[%swap3A_128] {strides = array<i32>} : memref<80xi32, #tpu.memory_space<vmem>>, vector<16xi32>,
      %swap3A_130 = vector.shape_cast %swap3A_129 : vector<16xi32> to vector<16xi32>
      %swap3A_131 = vector.shape_cast %get3A_127 : vector<16xi32> to vector<16xi32>
      tpu.vector_store %arg6[%swap3A_128], %swap3A_131 {strides = array<i32>} : memref<80xi32, #tpu.memory_space<vmem>>, vector<16xi32>,
      %add3A_132 = arith.constant 48 : i32
      %add3A_133 = arith.addi %mul3A_104, %add3A_132 : i32
      %get3A_134 = arith.index_cast %add3A_133 : i32 to index
      %get3A_135 = tpu.vector_load %arg5[%get3A_134] {strides = array<i32>} : memref<10000xi32, #tpu.memory_space<vmem>>, vector<16xi32>,
      %get3A_136 = vector.shape_cast %get3A_135 : vector<16xi32> to vector<16xi32>
      %swap3A_137 = arith.constant 48 : index
      %swap3A_138 = tpu.vector_load %arg6[%swap3A_137] {strides = array<i32>} : memref<80xi32, #tpu.memory_space<vmem>>, vector<16xi32>,
      %swap3A_139 = vector.shape_cast %swap3A_138 : vector<16xi32> to vector<16xi32>
      %swap3A_140 = vector.shape_cast %get3A_136 : vector<16xi32> to vector<16xi32>
      tpu.vector_store %arg6[%swap3A_137], %swap3A_140 {strides = array<i32>} : memref<80xi32, #tpu.memory_space<vmem>>, vector<16xi32>,
      %add3A_141 = arith.constant 64 : i32
      %add3A_142 = arith.addi %mul3A_104, %add3A_141 : i32
      %get3A_143 = arith.index_cast %add3A_142 : i32 to index
      %get3A_144 = tpu.vector_load %arg5[%get3A_143] {strides = array<i32>} : memref<10000xi32, #tpu.memory_space<vmem>>, vector<16xi32>,
      %get3A_145 = vector.shape_cast %get3A_144 : vector<16xi32> to vector<16xi32>
      %swap3A_146 = arith.constant 64 : index
      %swap3A_147 = tpu.vector_load %arg6[%swap3A_146] {strides = array<i32>} : memref<80xi32, #tpu.memory_space<vmem>>, vector<16xi32>,
      %swap3A_148 = vector.shape_cast %swap3A_147 : vector<16xi32> to vector<16xi32>
      %swap3A_149 = vector.shape_cast %get3A_145 : vector<16xi32> to vector<16xi32>
      tpu.vector_store %arg6[%swap3A_146], %swap3A_149 {strides = array<i32>} : memref<80xi32, #tpu.memory_space<vmem>>, vector<16xi32>,
      %dma_start3A_150 = arith.constant 0 : i32
      %dma_start3A_151 = tpu.memref_slice %arg10[%dma_start3A_150] : memref<10240xf32, #tpu.memory_space<vmem_shared>> -> memref<10240xf32, #tpu.memory_space<vmem_shared>>
      tpu.enqueue_indirect_dma source(%arg8 : memref<80xf32, #tpu.memory_space<vmem>>) target(%dma_start3A_151 : memref<10240xf32, #tpu.memory_space<vmem_shared>>) offsets(%arg6 : memref<80xi32, #tpu.memory_space<vmem>>) semaphore(%arg11 : memref<!tpu.dma_semaphore, #tpu.memory_space<semaphore_mem>>) {add = true}
      %mul3A_152 = arith.constant 2 : i32
      %mul3A_153 = arith.muli %mul3A_152, %scan3A_96 : i32
      %add3A_154 = arith.constant 1 : i32
      %add3A_155 = arith.addi %mul3A_153, %add3A_154 : i32
      %ge3A_156 = arith.constant 2 : i32
      %ge3A_157 = arith.cmpi sge, %add3A_155, %ge3A_156 : i32
      %convert_element_type3A_158 = arith.extui %ge3A_157 : i1 to i32
      %cond3A_159 = arith.constant 0 : i32
      %cond3A_160 = arith.cmpi ne, %convert_element_type3A_158, %cond3A_159 : i32
      scf.if %cond3A_160 {
        %dma_wait3A_210 = arith.constant 0 : i32
        %dma_wait3A_211 = tpu.memref_slice %arg10[%dma_wait3A_210] : memref<10240xf32, #tpu.memory_space<vmem_shared>> -> memref<10240xf32, #tpu.memory_space<vmem_shared>>
        tpu.wait_indirect_dma semaphore(%arg12 : memref<!tpu.dma_semaphore, #tpu.memory_space<semaphore_mem>>) src(%arg8 : memref<80xf32, #tpu.memory_space<vmem>>) dst(%dma_wait3A_211 : memref<10240xf32, #tpu.memory_space<vmem_shared>>)
      } else {
      }
      %mul3A_161 = arith.constant 80 : i32
      %mul3A_162 = arith.muli %add3A_155, %mul3A_161 : i32
      %add3A_163 = arith.constant 0 : i32
      %add3A_164 = arith.addi %mul3A_162, %add3A_163 : i32
      %get3A_165 = arith.index_cast %add3A_164 : i32 to index
      %get3A_166 = tpu.vector_load %arg5[%get3A_165] {strides = array<i32>} : memref<10000xi32, #tpu.memory_space<vmem>>, vector<16xi32>,
      %get3A_167 = vector.shape_cast %get3A_166 : vector<16xi32> to vector<16xi32>
      %swap3A_168 = arith.constant 0 : index
      %swap3A_169 = tpu.vector_load %arg7[%swap3A_168] {strides = array<i32>} : memref<80xi32, #tpu.memory_space<vmem>>, vector<16xi32>,
      %swap3A_170 = vector.shape_cast %swap3A_169 : vector<16xi32> to vector<16xi32>
      %swap3A_171 = vector.shape_cast %get3A_167 : vector<16xi32> to vector<16xi32>
      tpu.vector_store %arg7[%swap3A_168], %swap3A_171 {strides = array<i32>} : memref<80xi32, #tpu.memory_space<vmem>>, vector<16xi32>,
      %add3A_172 = arith.constant 16 : i32
      %add3A_173 = arith.addi %mul3A_162, %add3A_172 : i32
      %get3A_174 = arith.index_cast %add3A_173 : i32 to index
      %get3A_175 = tpu.vector_load %arg5[%get3A_174] {strides = array<i32>} : memref<10000xi32, #tpu.memory_space<vmem>>, vector<16xi32>,
      %get3A_176 = vector.shape_cast %get3A_175 : vector<16xi32> to vector<16xi32>
      %swap3A_177 = arith.constant 16 : index
      %swap3A_178 = tpu.vector_load %arg7[%swap3A_177] {strides = array<i32>} : memref<80xi32, #tpu.memory_space<vmem>>, vector<16xi32>,
      %swap3A_179 = vector.shape_cast %swap3A_178 : vector<16xi32> to vector<16xi32>
      %swap3A_180 = vector.shape_cast %get3A_176 : vector<16xi32> to vector<16xi32>
      tpu.vector_store %arg7[%swap3A_177], %swap3A_180 {strides = array<i32>} : memref<80xi32, #tpu.memory_space<vmem>>, vector<16xi32>,
      %add3A_181 = arith.constant 32 : i32
      %add3A_182 = arith.addi %mul3A_162, %add3A_181 : i32
      %get3A_183 = arith.index_cast %add3A_182 : i32 to index
      %get3A_184 = tpu.vector_load %arg5[%get3A_183] {strides = array<i32>} : memref<10000xi32, #tpu.memory_space<vmem>>, vector<16xi32>,
      %get3A_185 = vector.shape_cast %get3A_184 : vector<16xi32> to vector<16xi32>
      %swap3A_186 = arith.constant 32 : index
      %swap3A_187 = tpu.vector_load %arg7[%swap3A_186] {strides = array<i32>} : memref<80xi32, #tpu.memory_space<vmem>>, vector<16xi32>,
      %swap3A_188 = vector.shape_cast %swap3A_187 : vector<16xi32> to vector<16xi32>
      %swap3A_189 = vector.shape_cast %get3A_185 : vector<16xi32> to vector<16xi32>
      tpu.vector_store %arg7[%swap3A_186], %swap3A_189 {strides = array<i32>} : memref<80xi32, #tpu.memory_space<vmem>>, vector<16xi32>,
      %add3A_190 = arith.constant 48 : i32
      %add3A_191 = arith.addi %mul3A_162, %add3A_190 : i32
      %get3A_192 = arith.index_cast %add3A_191 : i32 to index
      %get3A_193 = tpu.vector_load %arg5[%get3A_192] {strides = array<i32>} : memref<10000xi32, #tpu.memory_space<vmem>>, vector<16xi32>,
      %get3A_194 = vector.shape_cast %get3A_193 : vector<16xi32> to vector<16xi32>
      %swap3A_195 = arith.constant 48 : index
      %swap3A_196 = tpu.vector_load %arg7[%swap3A_195] {strides = array<i32>} : memref<80xi32, #tpu.memory_space<vmem>>, vector<16xi32>,
      %swap3A_197 = vector.shape_cast %swap3A_196 : vector<16xi32> to vector<16xi32>
      %swap3A_198 = vector.shape_cast %get3A_194 : vector<16xi32> to vector<16xi32>
      tpu.vector_store %arg7[%swap3A_195], %swap3A_198 {strides = array<i32>} : memref<80xi32, #tpu.memory_space<vmem>>, vector<16xi32>,
      %add3A_199 = arith.constant 64 : i32
      %add3A_200 = arith.addi %mul3A_162, %add3A_199 : i32
      %get3A_201 = arith.index_cast %add3A_200 : i32 to index
      %get3A_202 = tpu.vector_load %arg5[%get3A_201] {strides = array<i32>} : memref<10000xi32, #tpu.memory_space<vmem>>, vector<16xi32>,
      %get3A_203 = vector.shape_cast %get3A_202 : vector<16xi32> to vector<16xi32>
      %swap3A_204 = arith.constant 64 : index
      %swap3A_205 = tpu.vector_load %arg7[%swap3A_204] {strides = array<i32>} : memref<80xi32, #tpu.memory_space<vmem>>, vector<16xi32>,
      %swap3A_206 = vector.shape_cast %swap3A_205 : vector<16xi32> to vector<16xi32>
      %swap3A_207 = vector.shape_cast %get3A_203 : vector<16xi32> to vector<16xi32>
      tpu.vector_store %arg7[%swap3A_204], %swap3A_207 {strides = array<i32>} : memref<80xi32, #tpu.memory_space<vmem>>, vector<16xi32>,
      %dma_start3A_208 = arith.constant 0 : i32
      %dma_start3A_209 = tpu.memref_slice %arg10[%dma_start3A_208] : memref<10240xf32, #tpu.memory_space<vmem_shared>> -> memref<10240xf32, #tpu.memory_space<vmem_shared>>
      tpu.enqueue_indirect_dma source(%arg8 : memref<80xf32, #tpu.memory_space<vmem>>) target(%dma_start3A_209 : memref<10240xf32, #tpu.memory_space<vmem_shared>>) offsets(%arg7 : memref<80xi32, #tpu.memory_space<vmem>>) semaphore(%arg12 : memref<!tpu.dma_semaphore, #tpu.memory_space<semaphore_mem>>) {add = true}
    }
    %scan3A_39 = arith.constant 62 : i32
    %dma_wait3A = arith.constant 0 : i32
    %dma_wait3A_40 = tpu.memref_slice %arg10[%dma_wait3A] : memref<10240xf32, #tpu.memory_space<vmem_shared>> -> memref<10240xf32, #tpu.memory_space<vmem_shared>>
    tpu.wait_indirect_dma semaphore(%arg11 : memref<!tpu.dma_semaphore, #tpu.memory_space<semaphore_mem>>) src(%arg8 : memref<80xf32, #tpu.memory_space<vmem>>) dst(%dma_wait3A_40 : memref<10240xf32, #tpu.memory_space<vmem_shared>>)
    %get3A = arith.constant 9920 : index
    %get3A_41 = tpu.vector_load %arg5[%get3A] {strides = array<i32>} : memref<10000xi32, #tpu.memory_space<vmem>>, vector<16xi32>,
    %get3A_42 = vector.shape_cast %get3A_41 : vector<16xi32> to vector<16xi32>
    %swap3A_43 = arith.constant 0 : index
    %swap3A_44 = tpu.vector_load %arg6[%swap3A_43] {strides = array<i32>} : memref<80xi32, #tpu.memory_space<vmem>>, vector<16xi32>,
    %swap3A_45 = vector.shape_cast %swap3A_44 : vector<16xi32> to vector<16xi32>
    %swap3A_46 = vector.shape_cast %get3A_42 : vector<16xi32> to vector<16xi32>
    tpu.vector_store %arg6[%swap3A_43], %swap3A_46 {strides = array<i32>} : memref<80xi32, #tpu.memory_space<vmem>>, vector<16xi32>,
    %get3A_47 = arith.constant 9936 : index
    %get3A_48 = tpu.vector_load %arg5[%get3A_47] {strides = array<i32>} : memref<10000xi32, #tpu.memory_space<vmem>>, vector<16xi32>,
    %get3A_49 = vector.shape_cast %get3A_48 : vector<16xi32> to vector<16xi32>
    %swap3A_50 = arith.constant 16 : index
    %swap3A_51 = tpu.vector_load %arg6[%swap3A_50] {strides = array<i32>} : memref<80xi32, #tpu.memory_space<vmem>>, vector<16xi32>,
    %swap3A_52 = vector.shape_cast %swap3A_51 : vector<16xi32> to vector<16xi32>
    %swap3A_53 = vector.shape_cast %get3A_49 : vector<16xi32> to vector<16xi32>
    tpu.vector_store %arg6[%swap3A_50], %swap3A_53 {strides = array<i32>} : memref<80xi32, #tpu.memory_space<vmem>>, vector<16xi32>,
    %get3A_54 = arith.constant 9952 : index
    %get3A_55 = tpu.vector_load %arg5[%get3A_54] {strides = array<i32>} : memref<10000xi32, #tpu.memory_space<vmem>>, vector<16xi32>,
    %get3A_56 = vector.shape_cast %get3A_55 : vector<16xi32> to vector<16xi32>
    %swap3A_57 = arith.constant 32 : index
    %swap3A_58 = tpu.vector_load %arg6[%swap3A_57] {strides = array<i32>} : memref<80xi32, #tpu.memory_space<vmem>>, vector<16xi32>,
    %swap3A_59 = vector.shape_cast %swap3A_58 : vector<16xi32> to vector<16xi32>
    %swap3A_60 = vector.shape_cast %get3A_56 : vector<16xi32> to vector<16xi32>
    tpu.vector_store %arg6[%swap3A_57], %swap3A_60 {strides = array<i32>} : memref<80xi32, #tpu.memory_space<vmem>>, vector<16xi32>,
    %get3A_61 = arith.constant 9968 : index
    %get3A_62 = tpu.vector_load %arg5[%get3A_61] {strides = array<i32>} : memref<10000xi32, #tpu.memory_space<vmem>>, vector<16xi32>,
    %get3A_63 = vector.shape_cast %get3A_62 : vector<16xi32> to vector<16xi32>
    %swap3A_64 = arith.constant 48 : index
    %swap3A_65 = tpu.vector_load %arg6[%swap3A_64] {strides = array<i32>} : memref<80xi32, #tpu.memory_space<vmem>>, vector<16xi32>,
    %swap3A_66 = vector.shape_cast %swap3A_65 : vector<16xi32> to vector<16xi32>
    %swap3A_67 = vector.shape_cast %get3A_63 : vector<16xi32> to vector<16xi32>
    tpu.vector_store %arg6[%swap3A_64], %swap3A_67 {strides = array<i32>} : memref<80xi32, #tpu.memory_space<vmem>>, vector<16xi32>,
    %get3A_68 = arith.constant 9984 : index
    %get3A_69 = tpu.vector_load %arg5[%get3A_68] {strides = array<i32>} : memref<10000xi32, #tpu.memory_space<vmem>>, vector<16xi32>,
    %get3A_70 = vector.shape_cast %get3A_69 : vector<16xi32> to vector<16xi32>
    %swap3A_71 = arith.constant 64 : index
    %swap3A_72 = tpu.vector_load %arg6[%swap3A_71] {strides = array<i32>} : memref<80xi32, #tpu.memory_space<vmem>>, vector<16xi32>,
    %swap3A_73 = vector.shape_cast %swap3A_72 : vector<16xi32> to vector<16xi32>
    %swap3A_74 = vector.shape_cast %get3A_70 : vector<16xi32> to vector<16xi32>
    tpu.vector_store %arg6[%swap3A_71], %swap3A_74 {strides = array<i32>} : memref<80xi32, #tpu.memory_space<vmem>>, vector<16xi32>,
    %dma_start3A = arith.constant 0 : i32
    %dma_start3A_75 = tpu.memref_slice %arg10[%dma_start3A] : memref<10240xf32, #tpu.memory_space<vmem_shared>> -> memref<10240xf32, #tpu.memory_space<vmem_shared>>
    tpu.enqueue_indirect_dma source(%arg8 : memref<80xf32, #tpu.memory_space<vmem>>) target(%dma_start3A_75 : memref<10240xf32, #tpu.memory_space<vmem_shared>>) offsets(%arg6 : memref<80xi32, #tpu.memory_space<vmem>>) semaphore(%arg11 : memref<!tpu.dma_semaphore, #tpu.memory_space<semaphore_mem>>) {add = true}
    %dma_wait3A_76 = arith.constant 0 : i32
    %dma_wait3A_77 = tpu.memref_slice %arg10[%dma_wait3A_76] : memref<10240xf32, #tpu.memory_space<vmem_shared>> -> memref<10240xf32, #tpu.memory_space<vmem_shared>>
    tpu.wait_indirect_dma semaphore(%arg12 : memref<!tpu.dma_semaphore, #tpu.memory_space<semaphore_mem>>) src(%arg8 : memref<80xf32, #tpu.memory_space<vmem>>) dst(%dma_wait3A_77 : memref<10240xf32, #tpu.memory_space<vmem_shared>>)
    %dma_wait3A_78 = arith.constant 0 : i32
    %dma_wait3A_79 = tpu.memref_slice %arg10[%dma_wait3A_78] : memref<10240xf32, #tpu.memory_space<vmem_shared>> -> memref<10240xf32, #tpu.memory_space<vmem_shared>>
    tpu.wait_indirect_dma semaphore(%arg11 : memref<!tpu.dma_semaphore, #tpu.memory_space<semaphore_mem>>) src(%arg8 : memref<80xf32, #tpu.memory_space<vmem>>) dst(%dma_wait3A_79 : memref<10240xf32, #tpu.memory_space<vmem_shared>>)
    %barrier3A_80 = arith.constant 0 : index
    tpu.barrier barrier_id(%barrier3A_80)
    %eq3A_81 = arith.constant 0 : i32
    %eq3A_82 = arith.cmpi eq, %arg1, %eq3A_81 : i32
    %eq3A_83 = arith.constant 0 : i32
    %eq3A_84 = arith.cmpi eq, %arg0, %eq3A_83 : i32
    %and3A = arith.andi %eq3A_82, %eq3A_84 : i1
    %convert_element_type3A_85 = arith.extui %and3A : i1 to i32
    %cond3A_86 = arith.constant 0 : i32
    %cond3A_87 = arith.cmpi ne, %convert_element_type3A_85, %cond3A_86 : i32
    scf.if %cond3A_87 {
      "tpu.region"() ({
        %run_scoped3A = tpu.sem_alloc : memref<!tpu.dma_semaphore, #tpu.memory_space<semaphore_mem>>
        tpu.enqueue_dma source(%arg10 : memref<10240xf32, #tpu.memory_space<vmem_shared>>) target(%arg3 : memref<10240xf32, #tpu.memory_space<hbm>>) target_semaphore(%run_scoped3A : memref<!tpu.dma_semaphore, #tpu.memory_space<semaphore_mem>>)
        tpu.wait_dma2 semaphore(%run_scoped3A : memref<!tpu.dma_semaphore, #tpu.memory_space<semaphore_mem>>) src(%arg10 : memref<10240xf32, #tpu.memory_space<vmem_shared>>) dst(%arg3 : memref<10240xf32, #tpu.memory_space<hbm>>)
        tpu.yield
      }) : () -> ()
    } else {
    }
    %eq3A_88 = arith.constant 0 : i32
    %eq3A_89 = arith.cmpi eq, %arg1, %eq3A_88 : i32
    %eq3A_90 = arith.constant 1 : i32
    %eq3A_91 = arith.cmpi eq, %arg0, %eq3A_90 : i32
    %and3A_92 = arith.andi %eq3A_89, %eq3A_91 : i1
    %convert_element_type3A_93 = arith.extui %and3A_92 : i1 to i32
    %cond3A_94 = arith.constant 0 : i32
    %cond3A_95 = arith.cmpi ne, %convert_element_type3A_93, %cond3A_94 : i32
    scf.if %cond3A_95 {
      "tpu.region"() ({
        %run_scoped3A = tpu.sem_alloc : memref<!tpu.dma_semaphore, #tpu.memory_space<semaphore_mem>>
        tpu.enqueue_dma source(%arg10 : memref<10240xf32, #tpu.memory_space<vmem_shared>>) target(%arg4 : memref<10240xf32, #tpu.memory_space<hbm>>) target_semaphore(%run_scoped3A : memref<!tpu.dma_semaphore, #tpu.memory_space<semaphore_mem>>)
        tpu.wait_dma2 semaphore(%run_scoped3A : memref<!tpu.dma_semaphore, #tpu.memory_space<semaphore_mem>>) src(%arg10 : memref<10240xf32, #tpu.memory_space<vmem_shared>>) dst(%arg4 : memref<10240xf32, #tpu.memory_space<hbm>>)
        tpu.yield
      }) : () -> ()
    } else {
    }
    return
  }
}

#map = affine_map<(d0, d1) -> (0, 0)>
#map1 = affine_map<(d0, d1) -> (0)>
#map2 = affine_map<(d0, d1) -> (0, 0, 0)>
module attributes {stable_mosaic.version = 14 : i64} {
  func.func @scatter_kernel(%arg0: i32, %arg1: i32, %arg2: memref<10240x128xf32, #tpu.memory_space<hbm>>, %arg3: memref<640000xi32, #tpu.memory_space<hbm>>, %arg4: memref<2x10240x128xf32, #tpu.memory_space<hbm>>, %arg5: memref<80xi32, #tpu.memory_space<vmem>>, %arg6: memref<80xi32, #tpu.memory_space<vmem>>, %arg7: memref<80xi32, #tpu.memory_space<vmem>>, %arg8: memref<80xi32, #tpu.memory_space<vmem>>, %arg9: memref<80xi32, #tpu.memory_space<vmem>>, %arg10: memref<80xi32, #tpu.memory_space<vmem>>, %arg11: memref<80xi32, #tpu.memory_space<vmem>>, %arg12: memref<80xi32, #tpu.memory_space<vmem>>, %arg13: memref<80x128xf32, #tpu.memory_space<vmem>>, %arg14: memref<80x128xf32, #tpu.memory_space<vmem>>, %arg15: memref<80x128xf32, #tpu.memory_space<vmem>>, %arg16: memref<80x128xf32, #tpu.memory_space<vmem>>, %arg17: memref<10240x128xf32, #tpu.memory_space<vmem_shared>>, %arg18: memref<!tpu.dma_semaphore, #tpu.memory_space<semaphore_mem>>, %arg19: memref<!tpu.dma_semaphore, #tpu.memory_space<semaphore_mem>>, %arg20: memref<!tpu.dma_semaphore, #tpu.memory_space<semaphore_mem>>, %arg21: memref<!tpu.dma_semaphore, #tpu.memory_space<semaphore_mem>>, %arg22: memref<!tpu.dma_semaphore, #tpu.memory_space<semaphore_mem>>, %arg23: memref<!tpu.dma_semaphore, #tpu.memory_space<semaphore_mem>>, %arg24: memref<!tpu.dma_semaphore, #tpu.memory_space<semaphore_mem>>, %arg25: memref<!tpu.dma_semaphore, #tpu.memory_space<semaphore_mem>>, %arg26: memref<!tpu.dma_semaphore, #tpu.memory_space<semaphore_mem>>, %arg27: memref<!tpu.dma_semaphore, #tpu.memory_space<semaphore_mem>>, %arg28: memref<!tpu.dma_semaphore, #tpu.memory_space<semaphore_mem>>, %arg29: memref<!tpu.dma_semaphore, #tpu.memory_space<semaphore_mem>>) attributes {dimension_semantics = [#tpu.dimension_semantics<core_parallel>, #tpu.dimension_semantics<subcore_parallel>], iteration_bounds = array<i64: 2, 16>, scalar_prefetch = 0 : i64, scratch_operands = 25 : i64, tpu.core_type = #tpu.core_type<sc_vector_subcore>, window_params = [{transform_indices = #map}, {transform_indices = #map1}, {transform_indices = #map2}]} {
    %mul3A = arith.constant 2 : i32
    %mul3A_0 = arith.muli %arg1, %mul3A : i32
    %add3A = arith.addi %mul3A_0, %arg0 : i32
    %mul3A_1 = arith.constant 10000 : i32
    %mul3A_2 = arith.muli %add3A, %mul3A_1 : i32
    %add3A_3 = arith.constant 0 : i32
    %add3A_4 = arith.addi %mul3A_2, %add3A_3 : i32
    %dma_start3A = tpu.memref_slice %arg3[%add3A_4] : memref<640000xi32, #tpu.memory_space<hbm>> -> memref<80xi32, #tpu.memory_space<hbm>>
    %dma_start3A_5 = tpu.memref_slice %arg3[%add3A_4] : memref<640000xi32, #tpu.memory_space<hbm>> -> memref<80xi32, #tpu.memory_space<hbm>>
    tpu.enqueue_dma source(%dma_start3A_5 : memref<80xi32, #tpu.memory_space<hbm>>) target(%arg5 : memref<80xi32, #tpu.memory_space<vmem>>) target_semaphore(%arg18 : memref<!tpu.dma_semaphore, #tpu.memory_space<semaphore_mem>>)
    %add3A_6 = arith.constant 320000 : i32
    %add3A_7 = arith.addi %add3A_6, %add3A_4 : i32
    %dma_start3A_8 = tpu.memref_slice %arg3[%add3A_7] : memref<640000xi32, #tpu.memory_space<hbm>> -> memref<80xi32, #tpu.memory_space<hbm>>
    %dma_start3A_9 = tpu.memref_slice %arg3[%add3A_7] : memref<640000xi32, #tpu.memory_space<hbm>> -> memref<80xi32, #tpu.memory_space<hbm>>
    tpu.enqueue_dma source(%dma_start3A_9 : memref<80xi32, #tpu.memory_space<hbm>>) target(%arg9 : memref<80xi32, #tpu.memory_space<vmem>>) target_semaphore(%arg22 : memref<!tpu.dma_semaphore, #tpu.memory_space<semaphore_mem>>)
    %add3A_10 = arith.constant 80 : i32
    %add3A_11 = arith.addi %mul3A_2, %add3A_10 : i32
    %dma_start3A_12 = tpu.memref_slice %arg3[%add3A_11] : memref<640000xi32, #tpu.memory_space<hbm>> -> memref<80xi32, #tpu.memory_space<hbm>>
    %dma_start3A_13 = tpu.memref_slice %arg3[%add3A_11] : memref<640000xi32, #tpu.memory_space<hbm>> -> memref<80xi32, #tpu.memory_space<hbm>>
    tpu.enqueue_dma source(%dma_start3A_13 : memref<80xi32, #tpu.memory_space<hbm>>) target(%arg6 : memref<80xi32, #tpu.memory_space<vmem>>) target_semaphore(%arg19 : memref<!tpu.dma_semaphore, #tpu.memory_space<semaphore_mem>>)
    %add3A_14 = arith.constant 320000 : i32
    %add3A_15 = arith.addi %add3A_14, %add3A_11 : i32
    %dma_start3A_16 = tpu.memref_slice %arg3[%add3A_15] : memref<640000xi32, #tpu.memory_space<hbm>> -> memref<80xi32, #tpu.memory_space<hbm>>
    %dma_start3A_17 = tpu.memref_slice %arg3[%add3A_15] : memref<640000xi32, #tpu.memory_space<hbm>> -> memref<80xi32, #tpu.memory_space<hbm>>
    tpu.enqueue_dma source(%dma_start3A_17 : memref<80xi32, #tpu.memory_space<hbm>>) target(%arg10 : memref<80xi32, #tpu.memory_space<vmem>>) target_semaphore(%arg23 : memref<!tpu.dma_semaphore, #tpu.memory_space<semaphore_mem>>)
    %add3A_18 = arith.constant 160 : i32
    %add3A_19 = arith.addi %mul3A_2, %add3A_18 : i32
    %dma_start3A_20 = tpu.memref_slice %arg3[%add3A_19] : memref<640000xi32, #tpu.memory_space<hbm>> -> memref<80xi32, #tpu.memory_space<hbm>>
    %dma_start3A_21 = tpu.memref_slice %arg3[%add3A_19] : memref<640000xi32, #tpu.memory_space<hbm>> -> memref<80xi32, #tpu.memory_space<hbm>>
    tpu.enqueue_dma source(%dma_start3A_21 : memref<80xi32, #tpu.memory_space<hbm>>) target(%arg7 : memref<80xi32, #tpu.memory_space<vmem>>) target_semaphore(%arg20 : memref<!tpu.dma_semaphore, #tpu.memory_space<semaphore_mem>>)
    %add3A_22 = arith.constant 320000 : i32
    %add3A_23 = arith.addi %add3A_22, %add3A_19 : i32
    %dma_start3A_24 = tpu.memref_slice %arg3[%add3A_23] : memref<640000xi32, #tpu.memory_space<hbm>> -> memref<80xi32, #tpu.memory_space<hbm>>
    %dma_start3A_25 = tpu.memref_slice %arg3[%add3A_23] : memref<640000xi32, #tpu.memory_space<hbm>> -> memref<80xi32, #tpu.memory_space<hbm>>
    tpu.enqueue_dma source(%dma_start3A_25 : memref<80xi32, #tpu.memory_space<hbm>>) target(%arg11 : memref<80xi32, #tpu.memory_space<vmem>>) target_semaphore(%arg24 : memref<!tpu.dma_semaphore, #tpu.memory_space<semaphore_mem>>)
    %add3A_26 = arith.constant 240 : i32
    %add3A_27 = arith.addi %mul3A_2, %add3A_26 : i32
    %dma_start3A_28 = tpu.memref_slice %arg3[%add3A_27] : memref<640000xi32, #tpu.memory_space<hbm>> -> memref<80xi32, #tpu.memory_space<hbm>>
    %dma_start3A_29 = tpu.memref_slice %arg3[%add3A_27] : memref<640000xi32, #tpu.memory_space<hbm>> -> memref<80xi32, #tpu.memory_space<hbm>>
    tpu.enqueue_dma source(%dma_start3A_29 : memref<80xi32, #tpu.memory_space<hbm>>) target(%arg8 : memref<80xi32, #tpu.memory_space<vmem>>) target_semaphore(%arg21 : memref<!tpu.dma_semaphore, #tpu.memory_space<semaphore_mem>>)
    %add3A_30 = arith.constant 320000 : i32
    %add3A_31 = arith.addi %add3A_30, %add3A_27 : i32
    %dma_start3A_32 = tpu.memref_slice %arg3[%add3A_31] : memref<640000xi32, #tpu.memory_space<hbm>> -> memref<80xi32, #tpu.memory_space<hbm>>
    %dma_start3A_33 = tpu.memref_slice %arg3[%add3A_31] : memref<640000xi32, #tpu.memory_space<hbm>> -> memref<80xi32, #tpu.memory_space<hbm>>
    tpu.enqueue_dma source(%dma_start3A_33 : memref<80xi32, #tpu.memory_space<hbm>>) target(%arg12 : memref<80xi32, #tpu.memory_space<vmem>>) target_semaphore(%arg25 : memref<!tpu.dma_semaphore, #tpu.memory_space<semaphore_mem>>)
    %scan3A = arith.constant 0 : i32
    %scan3A_34 = arith.constant 0 : i32
    %scan3A_35 = arith.constant 80 : i32
    %scan3A_36 = arith.addi %scan3A_34, %scan3A_35 : i32
    %scan3A_37 = arith.constant 1 : i32
    scf.for %scan3A_78 = %scan3A_34 to %scan3A_36 step %scan3A_37  : i32 {
      %broadcast_in_dim3A = arith.constant 0.000000e+00 : f32
      %broadcast_in_dim3A_79 = vector.broadcast %broadcast_in_dim3A : f32 to vector<16xf32>
      %swap3A = arith.index_cast %scan3A_78 : i32 to index
      %swap3A_80 = arith.constant 0 : index
      %swap3A_81 = tpu.vector_load %arg13[%swap3A, %swap3A_80] {strides = array<i32>} : memref<80x128xf32, #tpu.memory_space<vmem>>, vector<1x16xf32>,
      %swap3A_82 = vector.shape_cast %swap3A_81 : vector<1x16xf32> to vector<16xf32>
      %swap3A_83 = vector.shape_cast %broadcast_in_dim3A_79 : vector<16xf32> to vector<1x16xf32>
      tpu.vector_store %arg13[%swap3A, %swap3A_80], %swap3A_83 {strides = array<i32>} : memref<80x128xf32, #tpu.memory_space<vmem>>, vector<1x16xf32>,
      %broadcast_in_dim3A_84 = arith.constant 0.000000e+00 : f32
      %broadcast_in_dim3A_85 = vector.broadcast %broadcast_in_dim3A_84 : f32 to vector<16xf32>
      %swap3A_86 = arith.index_cast %scan3A_78 : i32 to index
      %swap3A_87 = arith.constant 16 : index
      %swap3A_88 = tpu.vector_load %arg13[%swap3A_86, %swap3A_87] {strides = array<i32>} : memref<80x128xf32, #tpu.memory_space<vmem>>, vector<1x16xf32>,
      %swap3A_89 = vector.shape_cast %swap3A_88 : vector<1x16xf32> to vector<16xf32>
      %swap3A_90 = vector.shape_cast %broadcast_in_dim3A_85 : vector<16xf32> to vector<1x16xf32>
      tpu.vector_store %arg13[%swap3A_86, %swap3A_87], %swap3A_90 {strides = array<i32>} : memref<80x128xf32, #tpu.memory_space<vmem>>, vector<1x16xf32>,
      %broadcast_in_dim3A_91 = arith.constant 0.000000e+00 : f32
      %broadcast_in_dim3A_92 = vector.broadcast %broadcast_in_dim3A_91 : f32 to vector<16xf32>
      %swap3A_93 = arith.index_cast %scan3A_78 : i32 to index
      %swap3A_94 = arith.constant 32 : index
      %swap3A_95 = tpu.vector_load %arg13[%swap3A_93, %swap3A_94] {strides = array<i32>} : memref<80x128xf32, #tpu.memory_space<vmem>>, vector<1x16xf32>,
      %swap3A_96 = vector.shape_cast %swap3A_95 : vector<1x16xf32> to vector<16xf32>
      %swap3A_97 = vector.shape_cast %broadcast_in_dim3A_92 : vector<16xf32> to vector<1x16xf32>
      tpu.vector_store %arg13[%swap3A_93, %swap3A_94], %swap3A_97 {strides = array<i32>} : memref<80x128xf32, #tpu.memory_space<vmem>>, vector<1x16xf32>,
      %broadcast_in_dim3A_98 = arith.constant 0.000000e+00 : f32
      %broadcast_in_dim3A_99 = vector.broadcast %broadcast_in_dim3A_98 : f32 to vector<16xf32>
      %swap3A_100 = arith.index_cast %scan3A_78 : i32 to index
      %swap3A_101 = arith.constant 48 : index
      %swap3A_102 = tpu.vector_load %arg13[%swap3A_100, %swap3A_101] {strides = array<i32>} : memref<80x128xf32, #tpu.memory_space<vmem>>, vector<1x16xf32>,
      %swap3A_103 = vector.shape_cast %swap3A_102 : vector<1x16xf32> to vector<16xf32>
      %swap3A_104 = vector.shape_cast %broadcast_in_dim3A_99 : vector<16xf32> to vector<1x16xf32>
      tpu.vector_store %arg13[%swap3A_100, %swap3A_101], %swap3A_104 {strides = array<i32>} : memref<80x128xf32, #tpu.memory_space<vmem>>, vector<1x16xf32>,
      %broadcast_in_dim3A_105 = arith.constant 0.000000e+00 : f32
      %broadcast_in_dim3A_106 = vector.broadcast %broadcast_in_dim3A_105 : f32 to vector<16xf32>
      %swap3A_107 = arith.index_cast %scan3A_78 : i32 to index
      %swap3A_108 = arith.constant 64 : index
      %swap3A_109 = tpu.vector_load %arg13[%swap3A_107, %swap3A_108] {strides = array<i32>} : memref<80x128xf32, #tpu.memory_space<vmem>>, vector<1x16xf32>,
      %swap3A_110 = vector.shape_cast %swap3A_109 : vector<1x16xf32> to vector<16xf32>
      %swap3A_111 = vector.shape_cast %broadcast_in_dim3A_106 : vector<16xf32> to vector<1x16xf32>
      tpu.vector_store %arg13[%swap3A_107, %swap3A_108], %swap3A_111 {strides = array<i32>} : memref<80x128xf32, #tpu.memory_space<vmem>>, vector<1x16xf32>,
      %broadcast_in_dim3A_112 = arith.constant 0.000000e+00 : f32
      %broadcast_in_dim3A_113 = vector.broadcast %broadcast_in_dim3A_112 : f32 to vector<16xf32>
      %swap3A_114 = arith.index_cast %scan3A_78 : i32 to index
      %swap3A_115 = arith.constant 80 : index
      %swap3A_116 = tpu.vector_load %arg13[%swap3A_114, %swap3A_115] {strides = array<i32>} : memref<80x128xf32, #tpu.memory_space<vmem>>, vector<1x16xf32>,
      %swap3A_117 = vector.shape_cast %swap3A_116 : vector<1x16xf32> to vector<16xf32>
      %swap3A_118 = vector.shape_cast %broadcast_in_dim3A_113 : vector<16xf32> to vector<1x16xf32>
      tpu.vector_store %arg13[%swap3A_114, %swap3A_115], %swap3A_118 {strides = array<i32>} : memref<80x128xf32, #tpu.memory_space<vmem>>, vector<1x16xf32>,
      %broadcast_in_dim3A_119 = arith.constant 0.000000e+00 : f32
      %broadcast_in_dim3A_120 = vector.broadcast %broadcast_in_dim3A_119 : f32 to vector<16xf32>
      %swap3A_121 = arith.index_cast %scan3A_78 : i32 to index
      %swap3A_122 = arith.constant 96 : index
      %swap3A_123 = tpu.vector_load %arg13[%swap3A_121, %swap3A_122] {strides = array<i32>} : memref<80x128xf32, #tpu.memory_space<vmem>>, vector<1x16xf32>,
      %swap3A_124 = vector.shape_cast %swap3A_123 : vector<1x16xf32> to vector<16xf32>
      %swap3A_125 = vector.shape_cast %broadcast_in_dim3A_120 : vector<16xf32> to vector<1x16xf32>
      tpu.vector_store %arg13[%swap3A_121, %swap3A_122], %swap3A_125 {strides = array<i32>} : memref<80x128xf32, #tpu.memory_space<vmem>>, vector<1x16xf32>,
      %broadcast_in_dim3A_126 = arith.constant 0.000000e+00 : f32
      %broadcast_in_dim3A_127 = vector.broadcast %broadcast_in_dim3A_126 : f32 to vector<16xf32>
      %swap3A_128 = arith.index_cast %scan3A_78 : i32 to index
      %swap3A_129 = arith.constant 112 : index
      %swap3A_130 = tpu.vector_load %arg13[%swap3A_128, %swap3A_129] {strides = array<i32>} : memref<80x128xf32, #tpu.memory_space<vmem>>, vector<1x16xf32>,
      %swap3A_131 = vector.shape_cast %swap3A_130 : vector<1x16xf32> to vector<16xf32>
      %swap3A_132 = vector.shape_cast %broadcast_in_dim3A_127 : vector<16xf32> to vector<1x16xf32>
      tpu.vector_store %arg13[%swap3A_128, %swap3A_129], %swap3A_132 {strides = array<i32>} : memref<80x128xf32, #tpu.memory_space<vmem>>, vector<1x16xf32>,
    }
    %scan3A_38 = arith.constant 80 : i32
    %scan3A_39 = arith.constant 0 : i32
    %scan3A_40 = arith.constant 0 : i32
    %scan3A_41 = arith.constant 128 : i32
    %scan3A_42 = arith.addi %scan3A_40, %scan3A_41 : i32
    %scan3A_43 = arith.constant 1 : i32
    scf.for %scan3A_78 = %scan3A_40 to %scan3A_42 step %scan3A_43  : i32 {
      %rem3A = arith.constant 16 : i32
      %rem3A_79 = arith.remsi %scan3A_78, %rem3A : i32
      %eq3A = arith.cmpi eq, %rem3A_79, %arg1 : i32
      %convert_element_type3A = arith.extui %eq3A : i1 to i32
      %cond3A = arith.constant 0 : i32
      %cond3A_80 = arith.cmpi ne, %convert_element_type3A, %cond3A : i32
      scf.if %cond3A_80 {
        %mul3A_81 = arith.constant 80 : i32
        %mul3A_82 = arith.muli %scan3A_78, %mul3A_81 : i32
        "tpu.region"() ({
          %run_scoped3A = tpu.sem_alloc : memref<!tpu.dma_semaphore, #tpu.memory_space<semaphore_mem>>
          %dma_start3A_83 = arith.constant 0 : i32
          %dma_start3A_84 = tpu.memref_slice %arg17[%mul3A_82, %dma_start3A_83] : memref<10240x128xf32, #tpu.memory_space<vmem_shared>> -> memref<80x128xf32, #tpu.memory_space<vmem_shared>>
          %dma_start3A_85 = arith.constant 0 : i32
          %dma_start3A_86 = tpu.memref_slice %arg17[%mul3A_82, %dma_start3A_85] : memref<10240x128xf32, #tpu.memory_space<vmem_shared>> -> memref<80x128xf32, #tpu.memory_space<vmem_shared>>
          tpu.enqueue_dma source(%arg13 : memref<80x128xf32, #tpu.memory_space<vmem>>) target(%dma_start3A_86 : memref<80x128xf32, #tpu.memory_space<vmem_shared>>) target_semaphore(%run_scoped3A : memref<!tpu.dma_semaphore, #tpu.memory_space<semaphore_mem>>)
          %dma_wait3A_87 = arith.constant 0 : i32
          %dma_wait3A_88 = tpu.memref_slice %arg17[%mul3A_82, %dma_wait3A_87] : memref<10240x128xf32, #tpu.memory_space<vmem_shared>> -> memref<80x128xf32, #tpu.memory_space<vmem_shared>>
          %dma_wait3A_89 = arith.constant 0 : i32
          %dma_wait3A_90 = tpu.memref_slice %arg17[%mul3A_82, %dma_wait3A_89] : memref<10240x128xf32, #tpu.memory_space<vmem_shared>> -> memref<80x128xf32, #tpu.memory_space<vmem_shared>>
          tpu.wait_dma2 semaphore(%run_scoped3A : memref<!tpu.dma_semaphore, #tpu.memory_space<semaphore_mem>>) src(%arg13 : memref<80x128xf32, #tpu.memory_space<vmem>>) dst(%dma_wait3A_90 : memref<80x128xf32, #tpu.memory_space<vmem_shared>>)
          tpu.yield
        }) : () -> ()
      } else {
      }
    }
    %scan3A_44 = arith.constant 128 : i32
    %barrier3A = arith.constant 0 : index
    tpu.barrier barrier_id(%barrier3A)
    %dma_wait3A = arith.constant 0 : i32
    %dma_wait3A_45 = tpu.memref_slice %arg3[%dma_wait3A] : memref<640000xi32, #tpu.memory_space<hbm>> -> memref<80xi32, #tpu.memory_space<hbm>>
    %dma_wait3A_46 = arith.constant 0 : i32
    %dma_wait3A_47 = tpu.memref_slice %arg3[%dma_wait3A_46] : memref<640000xi32, #tpu.memory_space<hbm>> -> memref<80xi32, #tpu.memory_space<hbm>>
    tpu.wait_dma2 semaphore(%arg18 : memref<!tpu.dma_semaphore, #tpu.memory_space<semaphore_mem>>) src(%dma_wait3A_47 : memref<80xi32, #tpu.memory_space<hbm>>) dst(%arg5 : memref<80xi32, #tpu.memory_space<vmem>>)
    %dma_start3A_48 = arith.constant 0 : i32
    %dma_start3A_49 = arith.constant 0 : i32
    %dma_start3A_50 = tpu.memref_slice %arg2[%dma_start3A_48, %dma_start3A_49] : memref<10240x128xf32, #tpu.memory_space<hbm>> -> memref<10240x128xf32, #tpu.memory_space<hbm>>
    tpu.enqueue_indirect_dma source(%dma_start3A_50 : memref<10240x128xf32, #tpu.memory_space<hbm>>) target(%arg13 : memref<80x128xf32, #tpu.memory_space<vmem>>) offsets(%arg5 : memref<80xi32, #tpu.memory_space<vmem>>) semaphore(%arg26 : memref<!tpu.dma_semaphore, #tpu.memory_space<semaphore_mem>>)
    %dma_wait3A_51 = arith.constant 0 : i32
    %dma_wait3A_52 = tpu.memref_slice %arg3[%dma_wait3A_51] : memref<640000xi32, #tpu.memory_space<hbm>> -> memref<80xi32, #tpu.memory_space<hbm>>
    %dma_wait3A_53 = arith.constant 0 : i32
    %dma_wait3A_54 = tpu.memref_slice %arg3[%dma_wait3A_53] : memref<640000xi32, #tpu.memory_space<hbm>> -> memref<80xi32, #tpu.memory_space<hbm>>
    tpu.wait_dma2 semaphore(%arg19 : memref<!tpu.dma_semaphore, #tpu.memory_space<semaphore_mem>>) src(%dma_wait3A_54 : memref<80xi32, #tpu.memory_space<hbm>>) dst(%arg6 : memref<80xi32, #tpu.memory_space<vmem>>)
    %dma_start3A_55 = arith.constant 0 : i32
    %dma_start3A_56 = arith.constant 0 : i32
    %dma_start3A_57 = tpu.memref_slice %arg2[%dma_start3A_55, %dma_start3A_56] : memref<10240x128xf32, #tpu.memory_space<hbm>> -> memref<10240x128xf32, #tpu.memory_space<hbm>>
    tpu.enqueue_indirect_dma source(%dma_start3A_57 : memref<10240x128xf32, #tpu.memory_space<hbm>>) target(%arg14 : memref<80x128xf32, #tpu.memory_space<vmem>>) offsets(%arg6 : memref<80xi32, #tpu.memory_space<vmem>>) semaphore(%arg27 : memref<!tpu.dma_semaphore, #tpu.memory_space<semaphore_mem>>)
    %scan3A_58 = arith.constant 0 : i32
    %scan3A_59 = arith.constant 0 : i32
    %scan3A_60 = arith.constant 31 : i32
    %scan3A_61 = arith.addi %scan3A_59, %scan3A_60 : i32
    %scan3A_62 = arith.constant 1 : i32
    scf.for %scan3A_78 = %scan3A_59 to %scan3A_61 step %scan3A_62  : i32 {
      %mul3A_79 = arith.constant 4 : i32
      %mul3A_80 = arith.muli %mul3A_79, %scan3A_78 : i32
      %add3A_81 = arith.constant 0 : i32
      %add3A_82 = arith.addi %mul3A_80, %add3A_81 : i32
      %dma_wait3A_83 = arith.constant 0 : i32
      %dma_wait3A_84 = arith.constant 0 : i32
      %dma_wait3A_85 = tpu.memref_slice %arg2[%dma_wait3A_83, %dma_wait3A_84] : memref<10240x128xf32, #tpu.memory_space<hbm>> -> memref<10240x128xf32, #tpu.memory_space<hbm>>
      tpu.wait_indirect_dma semaphore(%arg26 : memref<!tpu.dma_semaphore, #tpu.memory_space<semaphore_mem>>) src(%dma_wait3A_85 : memref<10240x128xf32, #tpu.memory_space<hbm>>) dst(%arg13 : memref<80x128xf32, #tpu.memory_space<vmem>>)
      %dma_wait3A_86 = arith.constant 0 : i32
      %dma_wait3A_87 = tpu.memref_slice %arg3[%dma_wait3A_86] : memref<640000xi32, #tpu.memory_space<hbm>> -> memref<80xi32, #tpu.memory_space<hbm>>
      %dma_wait3A_88 = arith.constant 0 : i32
      %dma_wait3A_89 = tpu.memref_slice %arg3[%dma_wait3A_88] : memref<640000xi32, #tpu.memory_space<hbm>> -> memref<80xi32, #tpu.memory_space<hbm>>
      tpu.wait_dma2 semaphore(%arg22 : memref<!tpu.dma_semaphore, #tpu.memory_space<semaphore_mem>>) src(%dma_wait3A_89 : memref<80xi32, #tpu.memory_space<hbm>>) dst(%arg9 : memref<80xi32, #tpu.memory_space<vmem>>)
      "tpu.region"() ({
        %run_scoped3A = tpu.sem_alloc : memref<!tpu.dma_semaphore, #tpu.memory_space<semaphore_mem>>
        %dma_start3A_176 = arith.constant 0 : i32
        %dma_start3A_177 = arith.constant 0 : i32
        %dma_start3A_178 = tpu.memref_slice %arg17[%dma_start3A_176, %dma_start3A_177] : memref<10240x128xf32, #tpu.memory_space<vmem_shared>> -> memref<10240x128xf32, #tpu.memory_space<vmem_shared>>
        tpu.enqueue_indirect_dma source(%arg13 : memref<80x128xf32, #tpu.memory_space<vmem>>) target(%dma_start3A_178 : memref<10240x128xf32, #tpu.memory_space<vmem_shared>>) offsets(%arg9 : memref<80xi32, #tpu.memory_space<vmem>>) semaphore(%run_scoped3A : memref<!tpu.dma_semaphore, #tpu.memory_space<semaphore_mem>>) {add = true}
        %dma_wait3A_179 = arith.constant 0 : i32
        %dma_wait3A_180 = arith.constant 0 : i32
        %dma_wait3A_181 = tpu.memref_slice %arg17[%dma_wait3A_179, %dma_wait3A_180] : memref<10240x128xf32, #tpu.memory_space<vmem_shared>> -> memref<10240x128xf32, #tpu.memory_space<vmem_shared>>
        tpu.wait_indirect_dma semaphore(%run_scoped3A : memref<!tpu.dma_semaphore, #tpu.memory_space<semaphore_mem>>) src(%arg13 : memref<80x128xf32, #tpu.memory_space<vmem>>) dst(%dma_wait3A_181 : memref<10240x128xf32, #tpu.memory_space<vmem_shared>>)
        tpu.yield
      }) : () -> ()
      %add3A_90 = arith.constant 4 : i32
      %add3A_91 = arith.addi %add3A_82, %add3A_90 : i32
      %lt3A = arith.constant 125 : i32
      %lt3A_92 = arith.cmpi slt, %add3A_91, %lt3A : i32
      %convert_element_type3A = arith.extui %lt3A_92 : i1 to i32
      %cond3A = arith.constant 0 : i32
      %cond3A_93 = arith.cmpi ne, %convert_element_type3A, %cond3A : i32
      scf.if %cond3A_93 {
        %add3A_176 = arith.constant 4 : i32
        %add3A_177 = arith.addi %add3A_82, %add3A_176 : i32
        %mul3A_178 = arith.constant 80 : i32
        %mul3A_179 = arith.muli %add3A_177, %mul3A_178 : i32
        %add3A_180 = arith.addi %mul3A_2, %mul3A_179 : i32
        %dma_start3A_181 = tpu.memref_slice %arg3[%add3A_180] : memref<640000xi32, #tpu.memory_space<hbm>> -> memref<80xi32, #tpu.memory_space<hbm>>
        %dma_start3A_182 = tpu.memref_slice %arg3[%add3A_180] : memref<640000xi32, #tpu.memory_space<hbm>> -> memref<80xi32, #tpu.memory_space<hbm>>
        tpu.enqueue_dma source(%dma_start3A_182 : memref<80xi32, #tpu.memory_space<hbm>>) target(%arg5 : memref<80xi32, #tpu.memory_space<vmem>>) target_semaphore(%arg18 : memref<!tpu.dma_semaphore, #tpu.memory_space<semaphore_mem>>)
        %add3A_183 = arith.constant 320000 : i32
        %add3A_184 = arith.addi %add3A_183, %add3A_180 : i32
        %dma_start3A_185 = tpu.memref_slice %arg3[%add3A_184] : memref<640000xi32, #tpu.memory_space<hbm>> -> memref<80xi32, #tpu.memory_space<hbm>>
        %dma_start3A_186 = tpu.memref_slice %arg3[%add3A_184] : memref<640000xi32, #tpu.memory_space<hbm>> -> memref<80xi32, #tpu.memory_space<hbm>>
        tpu.enqueue_dma source(%dma_start3A_186 : memref<80xi32, #tpu.memory_space<hbm>>) target(%arg9 : memref<80xi32, #tpu.memory_space<vmem>>) target_semaphore(%arg22 : memref<!tpu.dma_semaphore, #tpu.memory_space<semaphore_mem>>)
      } else {
      }
      %add3A_94 = arith.constant 2 : i32
      %add3A_95 = arith.addi %add3A_82, %add3A_94 : i32
      %lt3A_96 = arith.constant 125 : i32
      %lt3A_97 = arith.cmpi slt, %add3A_95, %lt3A_96 : i32
      %convert_element_type3A_98 = arith.extui %lt3A_97 : i1 to i32
      %cond3A_99 = arith.constant 0 : i32
      %cond3A_100 = arith.cmpi ne, %convert_element_type3A_98, %cond3A_99 : i32
      scf.if %cond3A_100 {
        %dma_wait3A_176 = arith.constant 0 : i32
        %dma_wait3A_177 = tpu.memref_slice %arg3[%dma_wait3A_176] : memref<640000xi32, #tpu.memory_space<hbm>> -> memref<80xi32, #tpu.memory_space<hbm>>
        %dma_wait3A_178 = arith.constant 0 : i32
        %dma_wait3A_179 = tpu.memref_slice %arg3[%dma_wait3A_178] : memref<640000xi32, #tpu.memory_space<hbm>> -> memref<80xi32, #tpu.memory_space<hbm>>
        tpu.wait_dma2 semaphore(%arg20 : memref<!tpu.dma_semaphore, #tpu.memory_space<semaphore_mem>>) src(%dma_wait3A_179 : memref<80xi32, #tpu.memory_space<hbm>>) dst(%arg7 : memref<80xi32, #tpu.memory_space<vmem>>)
        %dma_start3A_180 = arith.constant 0 : i32
        %dma_start3A_181 = arith.constant 0 : i32
        %dma_start3A_182 = tpu.memref_slice %arg2[%dma_start3A_180, %dma_start3A_181] : memref<10240x128xf32, #tpu.memory_space<hbm>> -> memref<10240x128xf32, #tpu.memory_space<hbm>>
        tpu.enqueue_indirect_dma source(%dma_start3A_182 : memref<10240x128xf32, #tpu.memory_space<hbm>>) target(%arg15 : memref<80x128xf32, #tpu.memory_space<vmem>>) offsets(%arg7 : memref<80xi32, #tpu.memory_space<vmem>>) semaphore(%arg28 : memref<!tpu.dma_semaphore, #tpu.memory_space<semaphore_mem>>)
      } else {
      }
      %mul3A_101 = arith.constant 4 : i32
      %mul3A_102 = arith.muli %mul3A_101, %scan3A_78 : i32
      %add3A_103 = arith.constant 1 : i32
      %add3A_104 = arith.addi %mul3A_102, %add3A_103 : i32
      %dma_wait3A_105 = arith.constant 0 : i32
      %dma_wait3A_106 = arith.constant 0 : i32
      %dma_wait3A_107 = tpu.memref_slice %arg2[%dma_wait3A_105, %dma_wait3A_106] : memref<10240x128xf32, #tpu.memory_space<hbm>> -> memref<10240x128xf32, #tpu.memory_space<hbm>>
      tpu.wait_indirect_dma semaphore(%arg27 : memref<!tpu.dma_semaphore, #tpu.memory_space<semaphore_mem>>) src(%dma_wait3A_107 : memref<10240x128xf32, #tpu.memory_space<hbm>>) dst(%arg14 : memref<80x128xf32, #tpu.memory_space<vmem>>)
      %dma_wait3A_108 = arith.constant 0 : i32
      %dma_wait3A_109 = tpu.memref_slice %arg3[%dma_wait3A_108] : memref<640000xi32, #tpu.memory_space<hbm>> -> memref<80xi32, #tpu.memory_space<hbm>>
      %dma_wait3A_110 = arith.constant 0 : i32
      %dma_wait3A_111 = tpu.memref_slice %arg3[%dma_wait3A_110] : memref<640000xi32, #tpu.memory_space<hbm>> -> memref<80xi32, #tpu.memory_space<hbm>>
      tpu.wait_dma2 semaphore(%arg23 : memref<!tpu.dma_semaphore, #tpu.memory_space<semaphore_mem>>) src(%dma_wait3A_111 : memref<80xi32, #tpu.memory_space<hbm>>) dst(%arg10 : memref<80xi32, #tpu.memory_space<vmem>>)
      "tpu.region"() ({
        %run_scoped3A = tpu.sem_alloc : memref<!tpu.dma_semaphore, #tpu.memory_space<semaphore_mem>>
        %dma_start3A_176 = arith.constant 0 : i32
        %dma_start3A_177 = arith.constant 0 : i32
        %dma_start3A_178 = tpu.memref_slice %arg17[%dma_start3A_176, %dma_start3A_177] : memref<10240x128xf32, #tpu.memory_space<vmem_shared>> -> memref<10240x128xf32, #tpu.memory_space<vmem_shared>>
        tpu.enqueue_indirect_dma source(%arg14 : memref<80x128xf32, #tpu.memory_space<vmem>>) target(%dma_start3A_178 : memref<10240x128xf32, #tpu.memory_space<vmem_shared>>) offsets(%arg10 : memref<80xi32, #tpu.memory_space<vmem>>) semaphore(%run_scoped3A : memref<!tpu.dma_semaphore, #tpu.memory_space<semaphore_mem>>) {add = true}
        %dma_wait3A_179 = arith.constant 0 : i32
        %dma_wait3A_180 = arith.constant 0 : i32
        %dma_wait3A_181 = tpu.memref_slice %arg17[%dma_wait3A_179, %dma_wait3A_180] : memref<10240x128xf32, #tpu.memory_space<vmem_shared>> -> memref<10240x128xf32, #tpu.memory_space<vmem_shared>>
        tpu.wait_indirect_dma semaphore(%run_scoped3A : memref<!tpu.dma_semaphore, #tpu.memory_space<semaphore_mem>>) src(%arg14 : memref<80x128xf32, #tpu.memory_space<vmem>>) dst(%dma_wait3A_181 : memref<10240x128xf32, #tpu.memory_space<vmem_shared>>)
        tpu.yield
      }) : () -> ()
      %add3A_112 = arith.constant 4 : i32
      %add3A_113 = arith.addi %add3A_104, %add3A_112 : i32
      %lt3A_114 = arith.constant 125 : i32
      %lt3A_115 = arith.cmpi slt, %add3A_113, %lt3A_114 : i32
      %convert_element_type3A_116 = arith.extui %lt3A_115 : i1 to i32
      %cond3A_117 = arith.constant 0 : i32
      %cond3A_118 = arith.cmpi ne, %convert_element_type3A_116, %cond3A_117 : i32
      scf.if %cond3A_118 {
        %add3A_176 = arith.constant 4 : i32
        %add3A_177 = arith.addi %add3A_104, %add3A_176 : i32
        %mul3A_178 = arith.constant 80 : i32
        %mul3A_179 = arith.muli %add3A_177, %mul3A_178 : i32
        %add3A_180 = arith.addi %mul3A_2, %mul3A_179 : i32
        %dma_start3A_181 = tpu.memref_slice %arg3[%add3A_180] : memref<640000xi32, #tpu.memory_space<hbm>> -> memref<80xi32, #tpu.memory_space<hbm>>
        %dma_start3A_182 = tpu.memref_slice %arg3[%add3A_180] : memref<640000xi32, #tpu.memory_space<hbm>> -> memref<80xi32, #tpu.memory_space<hbm>>
        tpu.enqueue_dma source(%dma_start3A_182 : memref<80xi32, #tpu.memory_space<hbm>>) target(%arg6 : memref<80xi32, #tpu.memory_space<vmem>>) target_semaphore(%arg19 : memref<!tpu.dma_semaphore, #tpu.memory_space<semaphore_mem>>)
        %add3A_183 = arith.constant 320000 : i32
        %add3A_184 = arith.addi %add3A_183, %add3A_180 : i32
        %dma_start3A_185 = tpu.memref_slice %arg3[%add3A_184] : memref<640000xi32, #tpu.memory_space<hbm>> -> memref<80xi32, #tpu.memory_space<hbm>>
        %dma_start3A_186 = tpu.memref_slice %arg3[%add3A_184] : memref<640000xi32, #tpu.memory_space<hbm>> -> memref<80xi32, #tpu.memory_space<hbm>>
        tpu.enqueue_dma source(%dma_start3A_186 : memref<80xi32, #tpu.memory_space<hbm>>) target(%arg10 : memref<80xi32, #tpu.memory_space<vmem>>) target_semaphore(%arg23 : memref<!tpu.dma_semaphore, #tpu.memory_space<semaphore_mem>>)
      } else {
      }
      %add3A_119 = arith.constant 2 : i32
      %add3A_120 = arith.addi %add3A_104, %add3A_119 : i32
      %lt3A_121 = arith.constant 125 : i32
      %lt3A_122 = arith.cmpi slt, %add3A_120, %lt3A_121 : i32
      %convert_element_type3A_123 = arith.extui %lt3A_122 : i1 to i32
      %cond3A_124 = arith.constant 0 : i32
      %cond3A_125 = arith.cmpi ne, %convert_element_type3A_123, %cond3A_124 : i32
      scf.if %cond3A_125 {
        %dma_wait3A_176 = arith.constant 0 : i32
        %dma_wait3A_177 = tpu.memref_slice %arg3[%dma_wait3A_176] : memref<640000xi32, #tpu.memory_space<hbm>> -> memref<80xi32, #tpu.memory_space<hbm>>
        %dma_wait3A_178 = arith.constant 0 : i32
        %dma_wait3A_179 = tpu.memref_slice %arg3[%dma_wait3A_178] : memref<640000xi32, #tpu.memory_space<hbm>> -> memref<80xi32, #tpu.memory_space<hbm>>
        tpu.wait_dma2 semaphore(%arg21 : memref<!tpu.dma_semaphore, #tpu.memory_space<semaphore_mem>>) src(%dma_wait3A_179 : memref<80xi32, #tpu.memory_space<hbm>>) dst(%arg8 : memref<80xi32, #tpu.memory_space<vmem>>)
        %dma_start3A_180 = arith.constant 0 : i32
        %dma_start3A_181 = arith.constant 0 : i32
        %dma_start3A_182 = tpu.memref_slice %arg2[%dma_start3A_180, %dma_start3A_181] : memref<10240x128xf32, #tpu.memory_space<hbm>> -> memref<10240x128xf32, #tpu.memory_space<hbm>>
        tpu.enqueue_indirect_dma source(%dma_start3A_182 : memref<10240x128xf32, #tpu.memory_space<hbm>>) target(%arg16 : memref<80x128xf32, #tpu.memory_space<vmem>>) offsets(%arg8 : memref<80xi32, #tpu.memory_space<vmem>>) semaphore(%arg29 : memref<!tpu.dma_semaphore, #tpu.memory_space<semaphore_mem>>)
      } else {
      }
      %mul3A_126 = arith.constant 4 : i32
      %mul3A_127 = arith.muli %mul3A_126, %scan3A_78 : i32
      %add3A_128 = arith.constant 2 : i32
      %add3A_129 = arith.addi %mul3A_127, %add3A_128 : i32
      %dma_wait3A_130 = arith.constant 0 : i32
      %dma_wait3A_131 = arith.constant 0 : i32
      %dma_wait3A_132 = tpu.memref_slice %arg2[%dma_wait3A_130, %dma_wait3A_131] : memref<10240x128xf32, #tpu.memory_space<hbm>> -> memref<10240x128xf32, #tpu.memory_space<hbm>>
      tpu.wait_indirect_dma semaphore(%arg28 : memref<!tpu.dma_semaphore, #tpu.memory_space<semaphore_mem>>) src(%dma_wait3A_132 : memref<10240x128xf32, #tpu.memory_space<hbm>>) dst(%arg15 : memref<80x128xf32, #tpu.memory_space<vmem>>)
      %dma_wait3A_133 = arith.constant 0 : i32
      %dma_wait3A_134 = tpu.memref_slice %arg3[%dma_wait3A_133] : memref<640000xi32, #tpu.memory_space<hbm>> -> memref<80xi32, #tpu.memory_space<hbm>>
      %dma_wait3A_135 = arith.constant 0 : i32
      %dma_wait3A_136 = tpu.memref_slice %arg3[%dma_wait3A_135] : memref<640000xi32, #tpu.memory_space<hbm>> -> memref<80xi32, #tpu.memory_space<hbm>>
      tpu.wait_dma2 semaphore(%arg24 : memref<!tpu.dma_semaphore, #tpu.memory_space<semaphore_mem>>) src(%dma_wait3A_136 : memref<80xi32, #tpu.memory_space<hbm>>) dst(%arg11 : memref<80xi32, #tpu.memory_space<vmem>>)
      "tpu.region"() ({
        %run_scoped3A = tpu.sem_alloc : memref<!tpu.dma_semaphore, #tpu.memory_space<semaphore_mem>>
        %dma_start3A_176 = arith.constant 0 : i32
        %dma_start3A_177 = arith.constant 0 : i32
        %dma_start3A_178 = tpu.memref_slice %arg17[%dma_start3A_176, %dma_start3A_177] : memref<10240x128xf32, #tpu.memory_space<vmem_shared>> -> memref<10240x128xf32, #tpu.memory_space<vmem_shared>>
        tpu.enqueue_indirect_dma source(%arg15 : memref<80x128xf32, #tpu.memory_space<vmem>>) target(%dma_start3A_178 : memref<10240x128xf32, #tpu.memory_space<vmem_shared>>) offsets(%arg11 : memref<80xi32, #tpu.memory_space<vmem>>) semaphore(%run_scoped3A : memref<!tpu.dma_semaphore, #tpu.memory_space<semaphore_mem>>) {add = true}
        %dma_wait3A_179 = arith.constant 0 : i32
        %dma_wait3A_180 = arith.constant 0 : i32
        %dma_wait3A_181 = tpu.memref_slice %arg17[%dma_wait3A_179, %dma_wait3A_180] : memref<10240x128xf32, #tpu.memory_space<vmem_shared>> -> memref<10240x128xf32, #tpu.memory_space<vmem_shared>>
        tpu.wait_indirect_dma semaphore(%run_scoped3A : memref<!tpu.dma_semaphore, #tpu.memory_space<semaphore_mem>>) src(%arg15 : memref<80x128xf32, #tpu.memory_space<vmem>>) dst(%dma_wait3A_181 : memref<10240x128xf32, #tpu.memory_space<vmem_shared>>)
        tpu.yield
      }) : () -> ()
      %add3A_137 = arith.constant 4 : i32
      %add3A_138 = arith.addi %add3A_129, %add3A_137 : i32
      %lt3A_139 = arith.constant 125 : i32
      %lt3A_140 = arith.cmpi slt, %add3A_138, %lt3A_139 : i32
      %convert_element_type3A_141 = arith.extui %lt3A_140 : i1 to i32
      %cond3A_142 = arith.constant 0 : i32
      %cond3A_143 = arith.cmpi ne, %convert_element_type3A_141, %cond3A_142 : i32
      scf.if %cond3A_143 {
        %add3A_176 = arith.constant 4 : i32
        %add3A_177 = arith.addi %add3A_129, %add3A_176 : i32
        %mul3A_178 = arith.constant 80 : i32
        %mul3A_179 = arith.muli %add3A_177, %mul3A_178 : i32
        %add3A_180 = arith.addi %mul3A_2, %mul3A_179 : i32
        %dma_start3A_181 = tpu.memref_slice %arg3[%add3A_180] : memref<640000xi32, #tpu.memory_space<hbm>> -> memref<80xi32, #tpu.memory_space<hbm>>
        %dma_start3A_182 = tpu.memref_slice %arg3[%add3A_180] : memref<640000xi32, #tpu.memory_space<hbm>> -> memref<80xi32, #tpu.memory_space<hbm>>
        tpu.enqueue_dma source(%dma_start3A_182 : memref<80xi32, #tpu.memory_space<hbm>>) target(%arg7 : memref<80xi32, #tpu.memory_space<vmem>>) target_semaphore(%arg20 : memref<!tpu.dma_semaphore, #tpu.memory_space<semaphore_mem>>)
        %add3A_183 = arith.constant 320000 : i32
        %add3A_184 = arith.addi %add3A_183, %add3A_180 : i32
        %dma_start3A_185 = tpu.memref_slice %arg3[%add3A_184] : memref<640000xi32, #tpu.memory_space<hbm>> -> memref<80xi32, #tpu.memory_space<hbm>>
        %dma_start3A_186 = tpu.memref_slice %arg3[%add3A_184] : memref<640000xi32, #tpu.memory_space<hbm>> -> memref<80xi32, #tpu.memory_space<hbm>>
        tpu.enqueue_dma source(%dma_start3A_186 : memref<80xi32, #tpu.memory_space<hbm>>) target(%arg11 : memref<80xi32, #tpu.memory_space<vmem>>) target_semaphore(%arg24 : memref<!tpu.dma_semaphore, #tpu.memory_space<semaphore_mem>>)
      } else {
      }
      %add3A_144 = arith.constant 2 : i32
      %add3A_145 = arith.addi %add3A_129, %add3A_144 : i32
      %lt3A_146 = arith.constant 125 : i32
      %lt3A_147 = arith.cmpi slt, %add3A_145, %lt3A_146 : i32
      %convert_element_type3A_148 = arith.extui %lt3A_147 : i1 to i32
      %cond3A_149 = arith.constant 0 : i32
      %cond3A_150 = arith.cmpi ne, %convert_element_type3A_148, %cond3A_149 : i32
      scf.if %cond3A_150 {
        %dma_wait3A_176 = arith.constant 0 : i32
        %dma_wait3A_177 = tpu.memref_slice %arg3[%dma_wait3A_176] : memref<640000xi32, #tpu.memory_space<hbm>> -> memref<80xi32, #tpu.memory_space<hbm>>
        %dma_wait3A_178 = arith.constant 0 : i32
        %dma_wait3A_179 = tpu.memref_slice %arg3[%dma_wait3A_178] : memref<640000xi32, #tpu.memory_space<hbm>> -> memref<80xi32, #tpu.memory_space<hbm>>
        tpu.wait_dma2 semaphore(%arg18 : memref<!tpu.dma_semaphore, #tpu.memory_space<semaphore_mem>>) src(%dma_wait3A_179 : memref<80xi32, #tpu.memory_space<hbm>>) dst(%arg5 : memref<80xi32, #tpu.memory_space<vmem>>)
        %dma_start3A_180 = arith.constant 0 : i32
        %dma_start3A_181 = arith.constant 0 : i32
        %dma_start3A_182 = tpu.memref_slice %arg2[%dma_start3A_180, %dma_start3A_181] : memref<10240x128xf32, #tpu.memory_space<hbm>> -> memref<10240x128xf32, #tpu.memory_space<hbm>>
        tpu.enqueue_indirect_dma source(%dma_start3A_182 : memref<10240x128xf32, #tpu.memory_space<hbm>>) target(%arg13 : memref<80x128xf32, #tpu.memory_space<vmem>>) offsets(%arg5 : memref<80xi32, #tpu.memory_space<vmem>>) semaphore(%arg26 : memref<!tpu.dma_semaphore, #tpu.memory_space<semaphore_mem>>)
      } else {
      }
      %mul3A_151 = arith.constant 4 : i32
      %mul3A_152 = arith.muli %mul3A_151, %scan3A_78 : i32
      %add3A_153 = arith.constant 3 : i32
      %add3A_154 = arith.addi %mul3A_152, %add3A_153 : i32
      %dma_wait3A_155 = arith.constant 0 : i32
      %dma_wait3A_156 = arith.constant 0 : i32
      %dma_wait3A_157 = tpu.memref_slice %arg2[%dma_wait3A_155, %dma_wait3A_156] : memref<10240x128xf32, #tpu.memory_space<hbm>> -> memref<10240x128xf32, #tpu.memory_space<hbm>>
      tpu.wait_indirect_dma semaphore(%arg29 : memref<!tpu.dma_semaphore, #tpu.memory_space<semaphore_mem>>) src(%dma_wait3A_157 : memref<10240x128xf32, #tpu.memory_space<hbm>>) dst(%arg16 : memref<80x128xf32, #tpu.memory_space<vmem>>)
      %dma_wait3A_158 = arith.constant 0 : i32
      %dma_wait3A_159 = tpu.memref_slice %arg3[%dma_wait3A_158] : memref<640000xi32, #tpu.memory_space<hbm>> -> memref<80xi32, #tpu.memory_space<hbm>>
      %dma_wait3A_160 = arith.constant 0 : i32
      %dma_wait3A_161 = tpu.memref_slice %arg3[%dma_wait3A_160] : memref<640000xi32, #tpu.memory_space<hbm>> -> memref<80xi32, #tpu.memory_space<hbm>>
      tpu.wait_dma2 semaphore(%arg25 : memref<!tpu.dma_semaphore, #tpu.memory_space<semaphore_mem>>) src(%dma_wait3A_161 : memref<80xi32, #tpu.memory_space<hbm>>) dst(%arg12 : memref<80xi32, #tpu.memory_space<vmem>>)
      "tpu.region"() ({
        %run_scoped3A = tpu.sem_alloc : memref<!tpu.dma_semaphore, #tpu.memory_space<semaphore_mem>>
        %dma_start3A_176 = arith.constant 0 : i32
        %dma_start3A_177 = arith.constant 0 : i32
        %dma_start3A_178 = tpu.memref_slice %arg17[%dma_start3A_176, %dma_start3A_177] : memref<10240x128xf32, #tpu.memory_space<vmem_shared>> -> memref<10240x128xf32, #tpu.memory_space<vmem_shared>>
        tpu.enqueue_indirect_dma source(%arg16 : memref<80x128xf32, #tpu.memory_space<vmem>>) target(%dma_start3A_178 : memref<10240x128xf32, #tpu.memory_space<vmem_shared>>) offsets(%arg12 : memref<80xi32, #tpu.memory_space<vmem>>) semaphore(%run_scoped3A : memref<!tpu.dma_semaphore, #tpu.memory_space<semaphore_mem>>) {add = true}
        %dma_wait3A_179 = arith.constant 0 : i32
        %dma_wait3A_180 = arith.constant 0 : i32
        %dma_wait3A_181 = tpu.memref_slice %arg17[%dma_wait3A_179, %dma_wait3A_180] : memref<10240x128xf32, #tpu.memory_space<vmem_shared>> -> memref<10240x128xf32, #tpu.memory_space<vmem_shared>>
        tpu.wait_indirect_dma semaphore(%run_scoped3A : memref<!tpu.dma_semaphore, #tpu.memory_space<semaphore_mem>>) src(%arg16 : memref<80x128xf32, #tpu.memory_space<vmem>>) dst(%dma_wait3A_181 : memref<10240x128xf32, #tpu.memory_space<vmem_shared>>)
        tpu.yield
      }) : () -> ()
      %add3A_162 = arith.constant 4 : i32
      %add3A_163 = arith.addi %add3A_154, %add3A_162 : i32
      %lt3A_164 = arith.constant 125 : i32
      %lt3A_165 = arith.cmpi slt, %add3A_163, %lt3A_164 : i32
      %convert_element_type3A_166 = arith.extui %lt3A_165 : i1 to i32
      %cond3A_167 = arith.constant 0 : i32
      %cond3A_168 = arith.cmpi ne, %convert_element_type3A_166, %cond3A_167 : i32
      scf.if %cond3A_168 {
        %add3A_176 = arith.constant 4 : i32
        %add3A_177 = arith.addi %add3A_154, %add3A_176 : i32
        %mul3A_178 = arith.constant 80 : i32
        %mul3A_179 = arith.muli %add3A_177, %mul3A_178 : i32
        %add3A_180 = arith.addi %mul3A_2, %mul3A_179 : i32
        %dma_start3A_181 = tpu.memref_slice %arg3[%add3A_180] : memref<640000xi32, #tpu.memory_space<hbm>> -> memref<80xi32, #tpu.memory_space<hbm>>
        %dma_start3A_182 = tpu.memref_slice %arg3[%add3A_180] : memref<640000xi32, #tpu.memory_space<hbm>> -> memref<80xi32, #tpu.memory_space<hbm>>
        tpu.enqueue_dma source(%dma_start3A_182 : memref<80xi32, #tpu.memory_space<hbm>>) target(%arg8 : memref<80xi32, #tpu.memory_space<vmem>>) target_semaphore(%arg21 : memref<!tpu.dma_semaphore, #tpu.memory_space<semaphore_mem>>)
        %add3A_183 = arith.constant 320000 : i32
        %add3A_184 = arith.addi %add3A_183, %add3A_180 : i32
        %dma_start3A_185 = tpu.memref_slice %arg3[%add3A_184] : memref<640000xi32, #tpu.memory_space<hbm>> -> memref<80xi32, #tpu.memory_space<hbm>>
        %dma_start3A_186 = tpu.memref_slice %arg3[%add3A_184] : memref<640000xi32, #tpu.memory_space<hbm>> -> memref<80xi32, #tpu.memory_space<hbm>>
        tpu.enqueue_dma source(%dma_start3A_186 : memref<80xi32, #tpu.memory_space<hbm>>) target(%arg12 : memref<80xi32, #tpu.memory_space<vmem>>) target_semaphore(%arg25 : memref<!tpu.dma_semaphore, #tpu.memory_space<semaphore_mem>>)
      } else {
      }
      %add3A_169 = arith.constant 2 : i32
      %add3A_170 = arith.addi %add3A_154, %add3A_169 : i32
      %lt3A_171 = arith.constant 125 : i32
      %lt3A_172 = arith.cmpi slt, %add3A_170, %lt3A_171 : i32
      %convert_element_type3A_173 = arith.extui %lt3A_172 : i1 to i32
      %cond3A_174 = arith.constant 0 : i32
      %cond3A_175 = arith.cmpi ne, %convert_element_type3A_173, %cond3A_174 : i32
      scf.if %cond3A_175 {
        %dma_wait3A_176 = arith.constant 0 : i32
        %dma_wait3A_177 = tpu.memref_slice %arg3[%dma_wait3A_176] : memref<640000xi32, #tpu.memory_space<hbm>> -> memref<80xi32, #tpu.memory_space<hbm>>
        %dma_wait3A_178 = arith.constant 0 : i32
        %dma_wait3A_179 = tpu.memref_slice %arg3[%dma_wait3A_178] : memref<640000xi32, #tpu.memory_space<hbm>> -> memref<80xi32, #tpu.memory_space<hbm>>
        tpu.wait_dma2 semaphore(%arg19 : memref<!tpu.dma_semaphore, #tpu.memory_space<semaphore_mem>>) src(%dma_wait3A_179 : memref<80xi32, #tpu.memory_space<hbm>>) dst(%arg6 : memref<80xi32, #tpu.memory_space<vmem>>)
        %dma_start3A_180 = arith.constant 0 : i32
        %dma_start3A_181 = arith.constant 0 : i32
        %dma_start3A_182 = tpu.memref_slice %arg2[%dma_start3A_180, %dma_start3A_181] : memref<10240x128xf32, #tpu.memory_space<hbm>> -> memref<10240x128xf32, #tpu.memory_space<hbm>>
        tpu.enqueue_indirect_dma source(%dma_start3A_182 : memref<10240x128xf32, #tpu.memory_space<hbm>>) target(%arg14 : memref<80x128xf32, #tpu.memory_space<vmem>>) offsets(%arg6 : memref<80xi32, #tpu.memory_space<vmem>>) semaphore(%arg27 : memref<!tpu.dma_semaphore, #tpu.memory_space<semaphore_mem>>)
      } else {
      }
    }
    %scan3A_63 = arith.constant 31 : i32
    %dma_wait3A_64 = arith.constant 0 : i32
    %dma_wait3A_65 = arith.constant 0 : i32
    %dma_wait3A_66 = tpu.memref_slice %arg2[%dma_wait3A_64, %dma_wait3A_65] : memref<10240x128xf32, #tpu.memory_space<hbm>> -> memref<10240x128xf32, #tpu.memory_space<hbm>>
    tpu.wait_indirect_dma semaphore(%arg26 : memref<!tpu.dma_semaphore, #tpu.memory_space<semaphore_mem>>) src(%dma_wait3A_66 : memref<10240x128xf32, #tpu.memory_space<hbm>>) dst(%arg13 : memref<80x128xf32, #tpu.memory_space<vmem>>)
    %dma_wait3A_67 = arith.constant 0 : i32
    %dma_wait3A_68 = tpu.memref_slice %arg3[%dma_wait3A_67] : memref<640000xi32, #tpu.memory_space<hbm>> -> memref<80xi32, #tpu.memory_space<hbm>>
    %dma_wait3A_69 = arith.constant 0 : i32
    %dma_wait3A_70 = tpu.memref_slice %arg3[%dma_wait3A_69] : memref<640000xi32, #tpu.memory_space<hbm>> -> memref<80xi32, #tpu.memory_space<hbm>>
    tpu.wait_dma2 semaphore(%arg22 : memref<!tpu.dma_semaphore, #tpu.memory_space<semaphore_mem>>) src(%dma_wait3A_70 : memref<80xi32, #tpu.memory_space<hbm>>) dst(%arg9 : memref<80xi32, #tpu.memory_space<vmem>>)
    "tpu.region"() ({
      %run_scoped3A = tpu.sem_alloc : memref<!tpu.dma_semaphore, #tpu.memory_space<semaphore_mem>>
      %dma_start3A_78 = arith.constant 0 : i32
      %dma_start3A_79 = arith.constant 0 : i32
      %dma_start3A_80 = tpu.memref_slice %arg17[%dma_start3A_78, %dma_start3A_79] : memref<10240x128xf32, #tpu.memory_space<vmem_shared>> -> memref<10240x128xf32, #tpu.memory_space<vmem_shared>>
      tpu.enqueue_indirect_dma source(%arg13 : memref<80x128xf32, #tpu.memory_space<vmem>>) target(%dma_start3A_80 : memref<10240x128xf32, #tpu.memory_space<vmem_shared>>) offsets(%arg9 : memref<80xi32, #tpu.memory_space<vmem>>) semaphore(%run_scoped3A : memref<!tpu.dma_semaphore, #tpu.memory_space<semaphore_mem>>) {add = true}
      %dma_wait3A_81 = arith.constant 0 : i32
      %dma_wait3A_82 = arith.constant 0 : i32
      %dma_wait3A_83 = tpu.memref_slice %arg17[%dma_wait3A_81, %dma_wait3A_82] : memref<10240x128xf32, #tpu.memory_space<vmem_shared>> -> memref<10240x128xf32, #tpu.memory_space<vmem_shared>>
      tpu.wait_indirect_dma semaphore(%run_scoped3A : memref<!tpu.dma_semaphore, #tpu.memory_space<semaphore_mem>>) src(%arg13 : memref<80x128xf32, #tpu.memory_space<vmem>>) dst(%dma_wait3A_83 : memref<10240x128xf32, #tpu.memory_space<vmem_shared>>)
      tpu.yield
    }) : () -> ()
    %barrier3A_71 = arith.constant 0 : index
    tpu.barrier barrier_id(%barrier3A_71)
    %scan3A_72 = arith.constant 0 : i32
    %scan3A_73 = arith.constant 0 : i32
    %scan3A_74 = arith.constant 128 : i32
    %scan3A_75 = arith.addi %scan3A_73, %scan3A_74 : i32
    %scan3A_76 = arith.constant 1 : i32
    scf.for %scan3A_78 = %scan3A_73 to %scan3A_75 step %scan3A_76  : i32 {
      %rem3A = arith.constant 16 : i32
      %rem3A_79 = arith.remsi %scan3A_78, %rem3A : i32
      %eq3A = arith.cmpi eq, %rem3A_79, %arg1 : i32
      %convert_element_type3A = arith.extui %eq3A : i1 to i32
      %cond3A = arith.constant 0 : i32
      %cond3A_80 = arith.cmpi ne, %convert_element_type3A, %cond3A : i32
      scf.if %cond3A_80 {
        %mul3A_81 = arith.constant 80 : i32
        %mul3A_82 = arith.muli %scan3A_78, %mul3A_81 : i32
        %mul3A_83 = arith.constant 80 : i32
        %mul3A_84 = arith.muli %scan3A_78, %mul3A_83 : i32
        "tpu.region"() ({
          %run_scoped3A = tpu.sem_alloc : memref<!tpu.dma_semaphore, #tpu.memory_space<semaphore_mem>>
          %dma_start3A_85 = arith.constant 0 : i32
          %dma_start3A_86 = tpu.memref_slice %arg4[%arg0, %mul3A_84, %dma_start3A_85] : memref<2x10240x128xf32, #tpu.memory_space<hbm>> -> memref<1x80x128xf32, #tpu.memory_space<hbm>>
          %dma_start3A_87 = tpu.memref_squeeze %dma_start3A_86 : memref<1x80x128xf32, #tpu.memory_space<hbm>> -> memref<80x128xf32, #tpu.memory_space<hbm>>
          %dma_start3A_88 = arith.constant 0 : i32
          %dma_start3A_89 = tpu.memref_slice %arg17[%mul3A_82, %dma_start3A_88] : memref<10240x128xf32, #tpu.memory_space<vmem_shared>> -> memref<80x128xf32, #tpu.memory_space<vmem_shared>>
          tpu.enqueue_dma source(%dma_start3A_89 : memref<80x128xf32, #tpu.memory_space<vmem_shared>>) target(%dma_start3A_87 : memref<80x128xf32, #tpu.memory_space<hbm>>) target_semaphore(%run_scoped3A : memref<!tpu.dma_semaphore, #tpu.memory_space<semaphore_mem>>)
          %dma_wait3A_90 = arith.constant 0 : i32
          %dma_wait3A_91 = tpu.memref_slice %arg4[%arg0, %mul3A_84, %dma_wait3A_90] : memref<2x10240x128xf32, #tpu.memory_space<hbm>> -> memref<1x80x128xf32, #tpu.memory_space<hbm>>
          %dma_wait3A_92 = tpu.memref_squeeze %dma_wait3A_91 : memref<1x80x128xf32, #tpu.memory_space<hbm>> -> memref<80x128xf32, #tpu.memory_space<hbm>>
          %dma_wait3A_93 = arith.constant 0 : i32
          %dma_wait3A_94 = tpu.memref_slice %arg17[%mul3A_82, %dma_wait3A_93] : memref<10240x128xf32, #tpu.memory_space<vmem_shared>> -> memref<80x128xf32, #tpu.memory_space<vmem_shared>>
          tpu.wait_dma2 semaphore(%run_scoped3A : memref<!tpu.dma_semaphore, #tpu.memory_space<semaphore_mem>>) src(%dma_wait3A_94 : memref<80x128xf32, #tpu.memory_space<vmem_shared>>) dst(%dma_wait3A_92 : memref<80x128xf32, #tpu.memory_space<hbm>>)
          tpu.yield
        }) : () -> ()
      } else {
      }
    }
    %scan3A_77 = arith.constant 128 : i32
    return
  }
}

module attributes {stable_mosaic.version = 14 : i64} {
  func.func @_k2_body(%arg0: i32, %arg1: memref<2x2048x128xf32, #tpu.memory_space<vmem>>, %arg2: memref<2048x128xf32, #tpu.memory_space<vmem>>, %arg3: memref<10240xf32, #tpu.memory_space<vmem>>, %arg4: memref<10240xf32, #tpu.memory_space<vmem>>, %arg5: memref<1x128xf32, #tpu.memory_space<vmem>>, %arg6: memref<128x128xf32, #tpu.memory_space<vmem>>, %arg7: memref<2048x128xf32, #tpu.memory_space<vmem>>) attributes {dimension_semantics = [#tpu.dimension_semantics<arbitrary>], iteration_bounds = array<i64: 5>, scalar_prefetch = 0 : i64, scratch_operands = 0 : i64, tpu.core_type = #tpu.core_type<tc>, window_params = [{transform_indices = @transform_0, window_bounds = array<i64: 2, 2048, 128>}, {transform_indices = @transform_1, window_bounds = array<i64: 2048, 128>}, {pipeline_mode = #tpu.pipeline_mode<synchronous>, transform_indices = @transform_2, window_bounds = array<i64: 10240>}, {pipeline_mode = #tpu.pipeline_mode<synchronous>, transform_indices = @transform_3, window_bounds = array<i64: 10240>}, {pipeline_mode = #tpu.pipeline_mode<synchronous>, transform_indices = @transform_4, window_bounds = array<i64: 1, 128>}, {pipeline_mode = #tpu.pipeline_mode<synchronous>, transform_indices = @transform_5, window_bounds = array<i64: 128, 128>}, {transform_indices = @transform_6, window_bounds = array<i64: 2048, 128>}]} {
    %mul3A = arith.constant 2048 : i32
    %mul3A_0 = arith.muli %arg0, %mul3A : i32
    %get3A = arith.index_cast %mul3A_0 : i32 to index
    %get3A_1 = vector.load %arg3[%get3A] : memref<10240xf32, #tpu.memory_space<vmem>>, vector<2048xf32>
    %mul3A_2 = arith.constant 2048 : i32
    %mul3A_3 = arith.muli %arg0, %mul3A_2 : i32
    %get3A_4 = arith.index_cast %mul3A_3 : i32 to index
    %get3A_5 = vector.load %arg4[%get3A_4] : memref<10240xf32, #tpu.memory_space<vmem>>, vector<2048xf32>
    %add3A = arith.addf %get3A_1, %get3A_5 : vector<2048xf32>
    %add3A_6 = arith.constant 1.000000e+00 : f32
    %add3A_7 = vector.broadcast %add3A_6 : f32 to vector<2048xf32>
    %add3A_8 = arith.addf %add3A, %add3A_7 : vector<2048xf32>
    %rsqrt3A = math.rsqrt %add3A_8 : vector<2048xf32>
    %reshape3A = vector.shape_cast %rsqrt3A : vector<2048xf32> to vector<2048x1xf32>
    %get3A_9 = arith.constant 0 : index
    %get3A_10 = arith.constant 0 : index
    %get3A_11 = arith.constant 0 : index
    %get3A_12 = vector.load %arg1[%get3A_9, %get3A_10, %get3A_11] : memref<2x2048x128xf32, #tpu.memory_space<vmem>>, vector<1x2048x128xf32>
    %get3A_13 = vector.shape_cast %get3A_12 : vector<1x2048x128xf32> to vector<2048x128xf32>
    %get3A_14 = arith.constant 1 : index
    %get3A_15 = arith.constant 0 : index
    %get3A_16 = arith.constant 0 : index
    %get3A_17 = vector.load %arg1[%get3A_14, %get3A_15, %get3A_16] : memref<2x2048x128xf32, #tpu.memory_space<vmem>>, vector<1x2048x128xf32>
    %get3A_18 = vector.shape_cast %get3A_17 : vector<1x2048x128xf32> to vector<2048x128xf32>
    %add3A_19 = arith.addf %get3A_13, %get3A_18 : vector<2048x128xf32>
    %get3A_20 = arith.constant 0 : index
    %get3A_21 = arith.constant 0 : index
    %get3A_22 = vector.load %arg2[%get3A_20, %get3A_21] : memref<2048x128xf32, #tpu.memory_space<vmem>>, vector<2048x128xf32>
    %add3A_23 = arith.addf %add3A_19, %get3A_22 : vector<2048x128xf32>
    %mul3A_24 = vector.broadcast %reshape3A : vector<2048x1xf32> to vector<2048x128xf32>
    %mul3A_25 = arith.mulf %mul3A_24, %add3A_23 : vector<2048x128xf32>
    %get3A_26 = arith.constant 0 : index
    %get3A_27 = arith.constant 0 : index
    %get3A_28 = vector.load %arg5[%get3A_26, %get3A_27] : memref<1x128xf32, #tpu.memory_space<vmem>>, vector<1x128xf32>
    %add3A_29 = vector.broadcast %get3A_28 : vector<1x128xf32> to vector<2048x128xf32>
    %add3A_30 = arith.addf %mul3A_25, %add3A_29 : vector<2048x128xf32>
    %max3A = arith.constant 0.000000e+00 : f32
    %max3A_31 = vector.broadcast %max3A : f32 to vector<2048x128xf32>
    %max3A_32 = arith.maximumf %add3A_30, %max3A_31 : vector<2048x128xf32>
    %get3A_33 = arith.constant 0 : index
    %get3A_34 = arith.constant 0 : index
    %get3A_35 = vector.load %arg6[%get3A_33, %get3A_34] : memref<128x128xf32, #tpu.memory_space<vmem>>, vector<128x128xf32>
    %dot_general3A = arith.constant dense<0.000000e+00> : vector<2048x128xf32>
    %dot_general3A_36 = tpu.matmul %max3A_32, %get3A_35, %dot_general3A {dimension_numbers = #tpu.dot_dimension_numbers<[1], [0], [0], [1], [0, 0, 1, 1], [], []>, transpose_lhs_hint = false} : vector<2048x128xf32>, vector<128x128xf32>, vector<2048x128xf32> -> vector<2048x128xf32>
    %mul3A_37 = vector.broadcast %reshape3A : vector<2048x1xf32> to vector<2048x128xf32>
    %mul3A_38 = arith.mulf %dot_general3A_36, %mul3A_37 : vector<2048x128xf32>
    %swap3A = arith.constant 0 : index
    %swap3A_39 = arith.constant 0 : index
    %swap3A_40 = vector.load %arg7[%swap3A, %swap3A_39] : memref<2048x128xf32, #tpu.memory_space<vmem>>, vector<2048x128xf32>
    tpu.vector_store %arg7[%swap3A, %swap3A_39], %mul3A_38 {strides = array<i32>} : memref<2048x128xf32, #tpu.memory_space<vmem>>, vector<2048x128xf32>,
    return
  }
  func.func @transform_0(%arg0: i32) -> (i32, i32, i32) {
    %c0_i32 = arith.constant 0 : i32
    %c0_i32_0 = arith.constant 0 : i32
    %c0_i32_1 = arith.constant 0 : i32
    return %c0_i32, %arg0, %c0_i32_0 : i32, i32, i32
  }
  func.func @transform_1(%arg0: i32) -> (i32, i32) {
    %c0_i32 = arith.constant 0 : i32
    %c0_i32_0 = arith.constant 0 : i32
    return %arg0, %c0_i32 : i32, i32
  }
  func.func @transform_2(%arg0: i32) -> i32 {
    %c0_i32 = arith.constant 0 : i32
    %c0_i32_0 = arith.constant 0 : i32
    return %c0_i32 : i32
  }
  func.func @transform_3(%arg0: i32) -> i32 {
    %c0_i32 = arith.constant 0 : i32
    %c0_i32_0 = arith.constant 0 : i32
    return %c0_i32 : i32
  }
  func.func @transform_4(%arg0: i32) -> (i32, i32) {
    %c0_i32 = arith.constant 0 : i32
    %c0_i32_0 = arith.constant 0 : i32
    %c0_i32_1 = arith.constant 0 : i32
    return %c0_i32, %c0_i32_0 : i32, i32
  }
  func.func @transform_5(%arg0: i32) -> (i32, i32) {
    %c0_i32 = arith.constant 0 : i32
    %c0_i32_0 = arith.constant 0 : i32
    %c0_i32_1 = arith.constant 0 : i32
    return %c0_i32, %c0_i32_0 : i32, i32
  }
  func.func @transform_6(%arg0: i32) -> (i32, i32) {
    %c0_i32 = arith.constant 0 : i32
    %c0_i32_0 = arith.constant 0 : i32
    return %arg0, %c0_i32 : i32, i32
  }
}

module attributes {stable_mosaic.version = 14 : i64} {
  func.func @_k1_body(%arg0: i32, %arg1: memref<2048x128xf32, #tpu.memory_space<vmem>>, %arg2: memref<128x128xf32, #tpu.memory_space<vmem>>, %arg3: memref<10240xf32, #tpu.memory_space<vmem>>, %arg4: memref<10240xf32, #tpu.memory_space<vmem>>, %arg5: memref<2048x128xf32, #tpu.memory_space<vmem>>) attributes {dimension_semantics = [#tpu.dimension_semantics<arbitrary>], iteration_bounds = array<i64: 5>, scalar_prefetch = 0 : i64, scratch_operands = 0 : i64, tpu.core_type = #tpu.core_type<tc>, window_params = [{transform_indices = @transform_0, window_bounds = array<i64: 2048, 128>}, {pipeline_mode = #tpu.pipeline_mode<synchronous>, transform_indices = @transform_1, window_bounds = array<i64: 128, 128>}, {pipeline_mode = #tpu.pipeline_mode<synchronous>, transform_indices = @transform_2, window_bounds = array<i64: 10240>}, {pipeline_mode = #tpu.pipeline_mode<synchronous>, transform_indices = @transform_3, window_bounds = array<i64: 10240>}, {transform_indices = @transform_4, window_bounds = array<i64: 2048, 128>}]} {
    %mul3A = arith.constant 2048 : i32
    %mul3A_0 = arith.muli %arg0, %mul3A : i32
    %get3A = arith.index_cast %mul3A_0 : i32 to index
    %get3A_1 = vector.load %arg3[%get3A] : memref<10240xf32, #tpu.memory_space<vmem>>, vector<2048xf32>
    %mul3A_2 = arith.constant 2048 : i32
    %mul3A_3 = arith.muli %arg0, %mul3A_2 : i32
    %get3A_4 = arith.index_cast %mul3A_3 : i32 to index
    %get3A_5 = vector.load %arg4[%get3A_4] : memref<10240xf32, #tpu.memory_space<vmem>>, vector<2048xf32>
    %add3A = arith.addf %get3A_1, %get3A_5 : vector<2048xf32>
    %add3A_6 = arith.constant 1.000000e+00 : f32
    %add3A_7 = vector.broadcast %add3A_6 : f32 to vector<2048xf32>
    %add3A_8 = arith.addf %add3A, %add3A_7 : vector<2048xf32>
    %rsqrt3A = math.rsqrt %add3A_8 : vector<2048xf32>
    %reshape3A = vector.shape_cast %rsqrt3A : vector<2048xf32> to vector<2048x1xf32>
    %get3A_9 = arith.constant 0 : index
    %get3A_10 = arith.constant 0 : index
    %get3A_11 = vector.load %arg1[%get3A_9, %get3A_10] : memref<2048x128xf32, #tpu.memory_space<vmem>>, vector<2048x128xf32>
    %get3A_12 = arith.constant 0 : index
    %get3A_13 = arith.constant 0 : index
    %get3A_14 = vector.load %arg2[%get3A_12, %get3A_13] : memref<128x128xf32, #tpu.memory_space<vmem>>, vector<128x128xf32>
    %dot_general3A = arith.constant dense<0.000000e+00> : vector<2048x128xf32>
    %dot_general3A_15 = tpu.matmul %get3A_11, %get3A_14, %dot_general3A {dimension_numbers = #tpu.dot_dimension_numbers<[1], [0], [0], [1], [0, 0, 1, 1], [], []>, transpose_lhs_hint = false} : vector<2048x128xf32>, vector<128x128xf32>, vector<2048x128xf32> -> vector<2048x128xf32>
    %mul3A_16 = vector.broadcast %reshape3A : vector<2048x1xf32> to vector<2048x128xf32>
    %mul3A_17 = arith.mulf %dot_general3A_15, %mul3A_16 : vector<2048x128xf32>
    %swap3A = arith.constant 0 : index
    %swap3A_18 = arith.constant 0 : index
    %swap3A_19 = vector.load %arg5[%swap3A, %swap3A_18] : memref<2048x128xf32, #tpu.memory_space<vmem>>, vector<2048x128xf32>
    tpu.vector_store %arg5[%swap3A, %swap3A_18], %mul3A_17 {strides = array<i32>} : memref<2048x128xf32, #tpu.memory_space<vmem>>, vector<2048x128xf32>,
    return
  }
  func.func @transform_0(%arg0: i32) -> (i32, i32) {
    %c0_i32 = arith.constant 0 : i32
    %c0_i32_0 = arith.constant 0 : i32
    return %arg0, %c0_i32 : i32, i32
  }
  func.func @transform_1(%arg0: i32) -> (i32, i32) {
    %c0_i32 = arith.constant 0 : i32
    %c0_i32_0 = arith.constant 0 : i32
    %c0_i32_1 = arith.constant 0 : i32
    return %c0_i32, %c0_i32_0 : i32, i32
  }
  func.func @transform_2(%arg0: i32) -> i32 {
    %c0_i32 = arith.constant 0 : i32
    %c0_i32_0 = arith.constant 0 : i32
    return %c0_i32 : i32
  }
  func.func @transform_3(%arg0: i32) -> i32 {
    %c0_i32 = arith.constant 0 : i32
    %c0_i32_0 = arith.constant 0 : i32
    return %c0_i32 : i32
  }
  func.func @transform_4(%arg0: i32) -> (i32, i32) {
    %c0_i32 = arith.constant 0 : i32
    %c0_i32_0 = arith.constant 0 : i32
    return %arg0, %c0_i32 : i32, i32
  }
}

module attributes {stable_mosaic.version = 14 : i64} {
  func.func @_k3_body(%arg0: i32, %arg1: memref<2x2048x128xf32, #tpu.memory_space<vmem>>, %arg2: memref<2048x128xf32, #tpu.memory_space<vmem>>, %arg3: memref<10240xf32, #tpu.memory_space<vmem>>, %arg4: memref<10240xf32, #tpu.memory_space<vmem>>, %arg5: memref<1x128xf32, #tpu.memory_space<vmem>>, %arg6: memref<128x64xf32, #tpu.memory_space<vmem>>, %arg7: memref<1x64xf32, #tpu.memory_space<vmem>>, %arg8: memref<2048x64xf32, #tpu.memory_space<vmem>>) attributes {dimension_semantics = [#tpu.dimension_semantics<arbitrary>], iteration_bounds = array<i64: 5>, scalar_prefetch = 0 : i64, scratch_operands = 0 : i64, tpu.core_type = #tpu.core_type<tc>, window_params = [{transform_indices = @transform_0, window_bounds = array<i64: 2, 2048, 128>}, {transform_indices = @transform_1, window_bounds = array<i64: 2048, 128>}, {pipeline_mode = #tpu.pipeline_mode<synchronous>, transform_indices = @transform_2, window_bounds = array<i64: 10240>}, {pipeline_mode = #tpu.pipeline_mode<synchronous>, transform_indices = @transform_3, window_bounds = array<i64: 10240>}, {pipeline_mode = #tpu.pipeline_mode<synchronous>, transform_indices = @transform_4, window_bounds = array<i64: 1, 128>}, {pipeline_mode = #tpu.pipeline_mode<synchronous>, transform_indices = @transform_5, window_bounds = array<i64: 128, 64>}, {pipeline_mode = #tpu.pipeline_mode<synchronous>, transform_indices = @transform_6, window_bounds = array<i64: 1, 64>}, {transform_indices = @transform_7, window_bounds = array<i64: 2048, 64>}]} {
    %mul3A = arith.constant 2048 : i32
    %mul3A_0 = arith.muli %arg0, %mul3A : i32
    %get3A = arith.index_cast %mul3A_0 : i32 to index
    %get3A_1 = vector.load %arg3[%get3A] : memref<10240xf32, #tpu.memory_space<vmem>>, vector<2048xf32>
    %mul3A_2 = arith.constant 2048 : i32
    %mul3A_3 = arith.muli %arg0, %mul3A_2 : i32
    %get3A_4 = arith.index_cast %mul3A_3 : i32 to index
    %get3A_5 = vector.load %arg4[%get3A_4] : memref<10240xf32, #tpu.memory_space<vmem>>, vector<2048xf32>
    %add3A = arith.addf %get3A_1, %get3A_5 : vector<2048xf32>
    %add3A_6 = arith.constant 1.000000e+00 : f32
    %add3A_7 = vector.broadcast %add3A_6 : f32 to vector<2048xf32>
    %add3A_8 = arith.addf %add3A, %add3A_7 : vector<2048xf32>
    %rsqrt3A = math.rsqrt %add3A_8 : vector<2048xf32>
    %reshape3A = vector.shape_cast %rsqrt3A : vector<2048xf32> to vector<2048x1xf32>
    %get3A_9 = arith.constant 0 : index
    %get3A_10 = arith.constant 0 : index
    %get3A_11 = arith.constant 0 : index
    %get3A_12 = vector.load %arg1[%get3A_9, %get3A_10, %get3A_11] : memref<2x2048x128xf32, #tpu.memory_space<vmem>>, vector<1x2048x128xf32>
    %get3A_13 = vector.shape_cast %get3A_12 : vector<1x2048x128xf32> to vector<2048x128xf32>
    %get3A_14 = arith.constant 1 : index
    %get3A_15 = arith.constant 0 : index
    %get3A_16 = arith.constant 0 : index
    %get3A_17 = vector.load %arg1[%get3A_14, %get3A_15, %get3A_16] : memref<2x2048x128xf32, #tpu.memory_space<vmem>>, vector<1x2048x128xf32>
    %get3A_18 = vector.shape_cast %get3A_17 : vector<1x2048x128xf32> to vector<2048x128xf32>
    %add3A_19 = arith.addf %get3A_13, %get3A_18 : vector<2048x128xf32>
    %get3A_20 = arith.constant 0 : index
    %get3A_21 = arith.constant 0 : index
    %get3A_22 = vector.load %arg2[%get3A_20, %get3A_21] : memref<2048x128xf32, #tpu.memory_space<vmem>>, vector<2048x128xf32>
    %add3A_23 = arith.addf %add3A_19, %get3A_22 : vector<2048x128xf32>
    %mul3A_24 = vector.broadcast %reshape3A : vector<2048x1xf32> to vector<2048x128xf32>
    %mul3A_25 = arith.mulf %mul3A_24, %add3A_23 : vector<2048x128xf32>
    %get3A_26 = arith.constant 0 : index
    %get3A_27 = arith.constant 0 : index
    %get3A_28 = vector.load %arg5[%get3A_26, %get3A_27] : memref<1x128xf32, #tpu.memory_space<vmem>>, vector<1x128xf32>
    %add3A_29 = vector.broadcast %get3A_28 : vector<1x128xf32> to vector<2048x128xf32>
    %add3A_30 = arith.addf %mul3A_25, %add3A_29 : vector<2048x128xf32>
    %get3A_31 = arith.constant 0 : index
    %get3A_32 = arith.constant 0 : index
    %get3A_33 = vector.load %arg6[%get3A_31, %get3A_32] : memref<128x64xf32, #tpu.memory_space<vmem>>, vector<128x64xf32>
    %dot_general3A = arith.constant dense<0.000000e+00> : vector<2048x64xf32>
    %dot_general3A_34 = tpu.matmul %add3A_30, %get3A_33, %dot_general3A {dimension_numbers = #tpu.dot_dimension_numbers<[1], [0], [0], [1], [0, 0, 1, 1], [], []>, transpose_lhs_hint = false} : vector<2048x128xf32>, vector<128x64xf32>, vector<2048x64xf32> -> vector<2048x64xf32>
    %get3A_35 = arith.constant 0 : index
    %get3A_36 = arith.constant 0 : index
    %get3A_37 = vector.load %arg7[%get3A_35, %get3A_36] : memref<1x64xf32, #tpu.memory_space<vmem>>, vector<1x64xf32>
    %add3A_38 = vector.broadcast %get3A_37 : vector<1x64xf32> to vector<2048x64xf32>
    %add3A_39 = arith.addf %dot_general3A_34, %add3A_38 : vector<2048x64xf32>
    %max3A = arith.constant 0.000000e+00 : f32
    %max3A_40 = vector.broadcast %max3A : f32 to vector<2048x64xf32>
    %max3A_41 = arith.maximumf %add3A_39, %max3A_40 : vector<2048x64xf32>
    %swap3A = arith.constant 0 : index
    %swap3A_42 = arith.constant 0 : index
    %swap3A_43 = vector.load %arg8[%swap3A, %swap3A_42] : memref<2048x64xf32, #tpu.memory_space<vmem>>, vector<2048x64xf32>
    tpu.vector_store %arg8[%swap3A, %swap3A_42], %max3A_41 {strides = array<i32>} : memref<2048x64xf32, #tpu.memory_space<vmem>>, vector<2048x64xf32>,
    return
  }
  func.func @transform_0(%arg0: i32) -> (i32, i32, i32) {
    %c0_i32 = arith.constant 0 : i32
    %c0_i32_0 = arith.constant 0 : i32
    %c0_i32_1 = arith.constant 0 : i32
    return %c0_i32, %arg0, %c0_i32_0 : i32, i32, i32
  }
  func.func @transform_1(%arg0: i32) -> (i32, i32) {
    %c0_i32 = arith.constant 0 : i32
    %c0_i32_0 = arith.constant 0 : i32
    return %arg0, %c0_i32 : i32, i32
  }
  func.func @transform_2(%arg0: i32) -> i32 {
    %c0_i32 = arith.constant 0 : i32
    %c0_i32_0 = arith.constant 0 : i32
    return %c0_i32 : i32
  }
  func.func @transform_3(%arg0: i32) -> i32 {
    %c0_i32 = arith.constant 0 : i32
    %c0_i32_0 = arith.constant 0 : i32
    return %c0_i32 : i32
  }
  func.func @transform_4(%arg0: i32) -> (i32, i32) {
    %c0_i32 = arith.constant 0 : i32
    %c0_i32_0 = arith.constant 0 : i32
    %c0_i32_1 = arith.constant 0 : i32
    return %c0_i32, %c0_i32_0 : i32, i32
  }
  func.func @transform_5(%arg0: i32) -> (i32, i32) {
    %c0_i32 = arith.constant 0 : i32
    %c0_i32_0 = arith.constant 0 : i32
    %c0_i32_1 = arith.constant 0 : i32
    return %c0_i32, %c0_i32_0 : i32, i32
  }
  func.func @transform_6(%arg0: i32) -> (i32, i32) {
    %c0_i32 = arith.constant 0 : i32
    %c0_i32_0 = arith.constant 0 : i32
    %c0_i32_1 = arith.constant 0 : i32
    return %c0_i32, %c0_i32_0 : i32, i32
  }
  func.func @transform_7(%arg0: i32) -> (i32, i32) {
    %c0_i32 = arith.constant 0 : i32
    %c0_i32_0 = arith.constant 0 : i32
    return %arg0, %c0_i32 : i32, i32
  }
}

</mosaic_0001>

<sc_bundles>
// kernel: kernel.11.cloned.1.call-start
scs
__scs_entry_jumppad:
0x0: {  	(pc) =	sbr.rel $0x88, $3  }
0x1: {  	(tag) =	ssettag $0x0;
	lr =	simm.s32 $0x1  }
0x2: {  	[smem:$0x3F99] =	sst lr;
	_ =	strace $0xD0000000  }
0x3: {  	_ = 	snop  }
0x4: {  	_ = 	snop  }
0x5: {  	_ = 	snop  }
0x6: {  	_ = 	snop  }
0x7: {  	_ = 	snop  }
__scs_overlays_trampoline_lowered:
0x8: {  	[smem:$0x3FA8] =	sst s0  }
0x9: {  	[smem:$0x3FA9] =	sst s1  }
0xa: {  	[smem:$0x3FAA] =	sst s2  }
0xb: {  	[smem:$0x3FAB] =	sst s3  }
0xc: {  	[smem:$0x3FAC] =	sst s4  }
0xd: {  	[smem:$0x3FAD] =	sst s5  }
0xe: {  	[smem:$0x3FAE] =	sst s6  }
0xf: {  	[smem:$0x3FAF] =	sst s7  }
0x10: {  	[smem:$0x3FB0] =	sst s8  }
0x11: {  	[smem:$0x3FB1] =	sst s9;
	s0 =	simm.s32 @!p0 $0x0  }
0x12: {  	s1 =	sld [smem:$0x3F97];
	s0 =	simm.s32 @p0 $0x1  }
0x13: {  	[smem:$0x3FB2] =	sst s0;
	s0 =	simm.s32 @!p1 $0x0  }
0x14: {  	s2 =	sld [smem:$0x3F96];
	s0 =	simm.s32 @p1 $0x1  }
0x15: {  	[smem:$0x3FB3] =	sst s0;
	s0 =	simm.s32 @!p2 $0x0  }
0x16: {  	s3 =	sld [smem:$0x3FDB];
	s0 =	simm.s32 @p2 $0x1  }
0x17: {  	s4 =	simm.s32 $0x1BF5;
	[smem:$0x3FB5] =	sst s0  }
0x18: {  	s0 =	sld [smem:$0x3F98];
	_ =	swait.ge [sflag:s4], $0x0  }
0x19: {  	s7 =	sld [smem:$0x3F99]  }
0x1a: {  	s8 =	sadd.s32 $0xFFFFE003, lr  }
0x1b: {  	s9 =	sadd.s32 $0xFFFFFEF7, lr;
	s5 =	simm.s32 $0xFFFFFFFF;
	p2 =	slt.u32 s8, $0xFFFFF086  }
0x1c: {  	p1 =	slt.u32 s9, $0xF7A;
	s5 =	simm.s32 @!p2 $0x0  }
0x1d: {  	s5 =	simm.s32 @p1 $0x1;
	p0 =	seq.s32 s7, s2  }
0x1e: {  	s7 =	smul.u32 @!p0 $0xF7A, s2;
	p2 =	seq.s32 @!p0 s5, $0x0  }
0x1f: {  	s9 =	smul.u32 $0xF7A, s1;
	s8 =	simm.s32 @!p0 $0x1BF5;
	p2 =	por !p2, p0  }
0x20: {  	[sflag:s8] =	ssyncset.s32 @!p0 $0xFFFFF086;
	s6 =	sadd.s32 @!p0 s3, s7;
	s7 =	simm.s32 @!p0 $0x108  }
0x21: {  	s3 =	sadd.s32 s3, s9;
	s6 =	sadd.s32 @!p0 $0x88, s6;
	s7 =	simm.s32 @p2 $0x1082  }
0x22: {  	[simem:s7], [sflag:s8] =	dma.local @!p0 [hbm:s6], $0xF7A  }
0x23: {  	s9 =	sor.u32 $0xD0000000, s2;
	s6 =	simm.s32 $0x108;
	_ =	swait.ge @!p0 [sflag:s8], $0x0  }
0x24: {  	s3 =	sadd.s32 $0x88, s3;
	s6 =	simm.s32 @!p1 $0x1082;
	[sflag:s4] =	ssyncset.s32 $0xFFFFF086  }
0x25: {  	[simem:s6], [sflag:s4] =	dma.local [hbm:s3], $0xF7A  }
0x26: {  	[smem:$0x3F99] =	sst s1;
	(tag) =	ssettag s2;
	_ =	strace s9  }
0x27: {  	s1 =	sld [smem:$0x3FA9]  }
0x28: {  	s2 =	sld [smem:$0x3FAA]  }
0x29: {  	s4 =	sld [smem:$0x3FAC]  }
0x2a: {  	p0 =	seq.s32 s5, $0x0;
	s5 =	sld [smem:$0x3FAD]  }
0x2b: {  	s6 =	sld [smem:$0x3FAE]  }
0x2c: {  	s7 =	sld [smem:$0x3FAF]  }
0x2d: {  	s3 =	simm.s32 $0x108;
	s8 =	sld [smem:$0x3FB0]  }
0x2e: {  	s3 =	simm.s32 @!p0 $0x1082;
	s9 =	sld [smem:$0x3FB1]  }
0x2f: {  	lr =	sadd.s32 s0, s3;
	s0 =	sld [smem:$0x3FA8]  }
0x30: {  	s3 =	sld [smem:$0x3FAB]  }
0x31: {  	[smem:$0x3FB4] =	sst s10  }
0x32: {  	s10 =	sld [smem:$0x3FB2];
	_ =	sdelay $0x3  }
0x33: {  	p0 =	seq.s32 s10, $0x1;
	s10 =	sld [smem:$0x3FB4];
	_ =	sdelay $0x3  }
0x34: {  	[smem:$0x3FB4] =	sst s10  }
0x35: {  	s10 =	sld [smem:$0x3FB3];
	_ =	sdelay $0x3  }
0x36: {  	p1 =	seq.s32 s10, $0x1;
	s10 =	sld [smem:$0x3FB4];
	_ =	sdelay $0x3  }
0x37: {  	[smem:$0x3FB4] =	sst s10  }
0x38: {  	s10 =	sld [smem:$0x3FB5]  }
0x39: {  	_ = 	snop;
	(pc) =	sbr.ind lr, $3  }
0x3a: {  	_ = 	snop  }
0x3b: {  	_ = 	snop  }
0x3c: {  	p2 =	seq.s32 s10, $0x1;
	s10 =	sld [smem:$0x3FB4]  }
0x3d: {  	_ =	shalt  }
0x3e: {  	_ =	shalt  }
0x3f: {  	_ =	shalt  }
0x40: {  	_ =	shalt  }
0x41: {  	_ =	shalt  }
0x42: {  	_ =	shalt  }
0x43: {  	_ =	shalt  }
0x44: {  	_ =	shalt  }
0x45: {  	_ =	shalt  }
0x46: {  	_ =	shalt  }
0x47: {  	_ =	shalt  }
0x48: {  	_ =	shalt  }
0x49: {  	_ =	shalt  }
0x4a: {  	_ =	shalt  }
0x4b: {  	_ =	shalt  }
0x4c: {  	_ =	shalt  }
0x4d: {  	_ =	shalt  }
0x4e: {  	_ =	shalt  }
0x4f: {  	_ =	shalt  }
0x50: {  	_ =	shalt  }
0x51: {  	_ =	shalt  }
0x52: {  	_ =	shalt  }
0x53: {  	_ =	shalt  }
0x54: {  	_ =	shalt  }
0x55: {  	_ =	shalt  }
0x56: {  	_ =	shalt  }
0x57: {  	_ =	shalt  }
0x58: {  	_ =	shalt  }
0x59: {  	_ =	shalt  }
0x5a: {  	_ =	shalt  }
0x5b: {  	_ =	shalt  }
0x5c: {  	_ =	shalt  }
0x5d: {  	_ =	shalt  }
0x5e: {  	_ =	shalt  }
0x5f: {  	_ =	shalt  }
0x60: {  	_ =	shalt  }
0x61: {  	_ =	shalt  }
0x62: {  	_ =	shalt  }
0x63: {  	_ =	shalt  }
0x64: {  	_ =	shalt  }
0x65: {  	_ =	shalt  }
0x66: {  	_ =	shalt  }
0x67: {  	_ =	shalt  }
0x68: {  	_ =	shalt  }
0x69: {  	_ =	shalt  }
0x6a: {  	_ =	shalt  }
0x6b: {  	_ =	shalt  }
0x6c: {  	_ =	shalt  }
0x6d: {  	_ =	shalt  }
0x6e: {  	_ =	shalt  }
0x6f: {  	_ =	shalt  }
0x70: {  	_ =	shalt  }
0x71: {  	_ =	shalt  }
0x72: {  	_ =	shalt  }
0x73: {  	_ =	shalt  }
0x74: {  	_ =	shalt  }
0x75: {  	_ =	shalt  }
0x76: {  	_ =	shalt  }
0x77: {  	_ =	shalt  }
0x78: {  	_ =	shalt  }
0x79: {  	_ =	shalt  }
0x7a: {  	_ =	shalt  }
0x7b: {  	_ =	shalt  }
0x7c: {  	_ =	shalt  }
0x7d: {  	_ =	shalt  }
0x7e: {  	_ =	shalt  }
0x7f: {  	_ =	shalt  }
0x80: {  	_ =	shalt  }
0x81: {  	_ =	shalt  }
0x82: {  	_ =	shalt  }
0x83: {  	_ =	shalt  }
0x84: {  	_ =	shalt  }
0x85: {  	_ =	shalt  }
0x86: {  	_ =	shalt  }
0x87: {  	_ =	shalt  }
.Lfunc_end0:
.L_simem_size_0:
called_computation.1_lowered:
.L_overlay_start_0:
0x88: {  	s2 =	sld [smem:$0x3FD9]  }
0x89: {  	s3 =	sld [smem:$0x3FFE];
	_ =	sdelay $0x1  }
0x8a: {  	s1 =	srdreg.scid  }
0x8b: {  	s0 =	sand.u32 $0x1, s1  }
0x8c: {  	s17 =	sshll.u32 s0, $0xA;
	s2 =	sadd.s32 s3, s2  }
0x8d: {  	s2 =	sadd.s32 s2, s17  }
0x8e: {  	[smem:$0x3FC0] =	sst s2  }
0x8f: {  	_ = 	snop  }
0x90: {  	s2 =	sld [smem:$0x3FD0];
	(tm) =	ssettm $0x1  }
0x91: {  	s18 =	sld [smem:$0x3FFB];
	_ =	sdelay $0x3  }
0x92: {  	_ =	strace s18  }
0x93: {  	s3 =	sld [smem:$0x3FFC];
	_ =	sdelay $0x3  }
0x94: {  	_ =	strace s3  }
0x95: {  	s3 =	sld [smem:$0x3FFD];
	_ =	sdelay $0x3  }
0x96: {  	_ =	strace s3  }
0x97: {  	_ =	strace $0x8FFFFFFF  }
0x98: {  	s19 =	sld [smem:$0x3FDB];
	_ =	sdelay $0x1  }
0x99: {  	s4 =	simm.s32 $_scs_section_size  }
0x9a: {  	s5 =	simm.s32 $_size__tile_overlayer_lowered;
	s6 =	simm.s32 $_tile_overlayer_lowered  }
0x9b: {  	s22 =	simm.s32 $0x1BFF;
	s21 =	sshll.u32 s6, $0x1;
	s3 =	sadd.s32 s4, s19  }
0x9c: {  	s7 =	simm.s32 $0x0;
	s20 =	sshll.u32 s5, $0x1;
	s5 =	sadd.s32 s21, s3  }
0x9d: {  	[timem:s7], [sflag:s22] =	dma.local [hbm:s5], s20  }
0x9e: {  	_ =	swait.ge [sflag:s22], s20  }
0x9f: {  	s4 =	ssub.s32 $0x0, s20;
	[sflag:s22] =	ssyncset.done $0x0  }
0xa0: {  	[sflag:s22] =	ssyncadd.s32 s4;
	_ =	sdelay $0x1  }
0xa1: {  	s23 =	simm.s32 $0x1B8B  }
0xa2: {  	_ =	swait.ge [sflag:s23], $0x1  }
0xa3: {  	[sflag:s23] =	ssyncset.done $0x0  }
0xa4: {  	s25 =	simm.s32 $0x1B8E;
	s24 =	sld [smem:$0x3FFE];
	[sflag:s23] =	ssyncadd.s32 $0xFFFFFFFF  }
0xa5: {  	s26 =	simm.s32 $execute0_lowered;
	[smem:$0x3FD2] =	sst s25  }
0xa6: {  	s5 =	sshll.u32 s26, $0x1;
	_ =	strace $0x80000049;
	[dreg:$0x1] =	wrdreg $0xFFFFFFFF  }
0xa7: {  	s28 =	simm.s32 $_size_execute0_lowered;
	s3 =	sadd.s32 s3, s5;
	[dreg:$0x0] =	wrdreg $0x0  }
0xa8: {  	s5 =	sshll.u32 s28, $0x1;
	[dreg:$0x2] =	wrdreg s3  }
0xa9: {  	[dreg:$0x3] =	wrdreg s5  }
0xaa: {  	[dreg:$0x4] =	wrdreg $0xC0  }
0xab: {  	_ =	task [dreg:s7], $0x5FFFF  }
0xac: {  	[dreg:$0x1] =	wrdreg $0xFFFFFFFF  }
0xad: {  	[dreg:$0x0] =	wrdreg $0x60  }
0xae: {  	[dreg:$0x2] =	wrdreg s24  }
0xaf: {  	[dreg:$0x3] =	wrdreg s2  }
0xb0: {  	[dreg:$0x4] =	wrdreg $0xA4000  }
0xb1: {  	[dreg:$0x5] =	wrdreg $0x9  }
0xb2: {  	_ =	task.clear_ibuf [dreg:s7], $0x6FFFF;
	_ =	strace $0x90000049  }
0xb3: {  	s29 =	simm.s32 $0x9;
	_ =	strace $0x8000004B  }
0xb4: {  	_ =	swait.ge [sflag:s29], $0x1  }
0xb5: {  	[sflag:s29] =	ssyncadd.s32 $0xFFFFFFFF  }
0xb6: {  	_ =	strace $0x9000004B  }
0xb7: {  	_ =	sfence  }
0xb8: {  	s30 =	sld [smem:$0x0];
	_ =	sdelay $0x2  }
0xb9: {  	s31 =	sshll.u32 s1, $0xD;
	s1 =	sshrl.u32 s1, $0x2  }
0xba: {  	s3 =	sand.u32 $0x4000, s31;
	s1 =	sadd.s32 s1, s30  }
0xbb: {  	s0 =	sor.u32 s3, s0;
	s1 =	sshll.u32 s1, $0x11  }
0xbc: {  	s0 =	sor.u32 s1, s0  }
0xbd: {  	s0 =	sadd.s32 $0x8F2B, s0  }
0xbe: {  	[sflag:s0] =	ssyncadd.remote.s32 $0x1  }
0xbf: {  	_ =	sfence.sel $0xFFFF  }
0xc0: {  	[dreg:$0x0] =	wrdreg $0xFFFFFFFF;
	(pc) =	sbr.abs _section_cstart, $3  }
0xc1: {  	[dreg:$0x1] =	wrdreg $0xFFFFFFFF  }
0xc2: {  	_ =	task.clear_ibuf [dreg:s7], $0x2FFFF;
	_ =	strace $0x9FFFFFFF  }
0xc3: {  	(tm) =	ssettm $0x7FFFFFFF  }
tec
execute0_lowered:
.L_overlay_start_1:
0x0: {  	(tag) =	ssettag $0x1  }
0x1: {  	s1 =	rddreg [dreg:$0x0]  }
0x2: {  	s12 =	rddreg [dreg:$0x1];
	s2 =	srdreg.scid  }
0x3: {  	s0 =	stileid.u32;
	s3 =	rddreg [dreg:$0x2]  }
0x4: {  	s4 =	simm.s32 $0x0;
	s28 =	simm.s32 $0x7;
	s29 =	simm.s32 $0xC  }
0x5: {  	s31 =	simm.s32 $0x180;
	s2 =	sand.u32 $0x1, s2;
	s9 =	smul.u32 $0x4E20, s0  }
0x6: {  	s5 =	sshll.u32 s0, $0x1;
	[smem:$0x7FF] =	sst s4;
	s7 =	smul.u32 $0x28000, s2  }
0x7: {  	s5 =	sor.u32 s2, s5;
	s8 =	ssub.s32 $0x2, s2;
	s2 =	smul.u32 $0x2710, s2  }
0x8: {  	s30 =	smov.u32 s12;
	_ =	strace $0x8000004A;
	s6 =	smul.u32 $0x2710, s5  }
0x9: {  	s5 =	sadd.s32 $0x3400, s1;
	s10 =	sshrl.u32 s8, $0x1;
	s1 =	sadd.s32 s7, s1  }
0xa: {  	s22 =	ssub.s32 s8, s10;
	s2 =	sadd.s32 s2, s9;
	s6 =	sshrl.u32 s6, $0x3  }
0xb: {  	s9 =	sadd.s32 $0x230, s2;
	s15 =	sadd.s32 $0x4E430, s2;
	s16 =	sadd.s32 $0x1E0, s2  }
0xc: {  	s17 =	sadd.s32 $0x4E3E0, s2;
	s21 =	sadd.s32 $0x190, s2;
	s1 =	sadd.s32 $0x2B400, s1  }
0xd: {  	s11 =	sadd.s32 s12, s6;
	s7 =	sshrl.u32 s9, $0x3;
	[dreg:$0x15] =	wrdreg s1  }
0xe: {  	s6 =	smax.u32 s22, $0x1;
	s18 =	sshrl.u32 s16, $0x3;
	[dreg:$0x4] =	wrdreg s11  }
0xf: {  	s19 =	sshrl.u32 s17, $0x3;
	s23 =	sadd.s32 $0x9C40, s11;
	[dreg:$0xc] =	wrdreg s6  }
0x10: {  	s22 =	sadd.s32 $0x4E390, s2;
	s24 =	sadd.s32 $0xA, s11;
	[dreg:$0x5] =	wrdreg s23  }
0x11: {  	s1 =	simm.s32 $0x1;
	s25 =	sadd.s32 $0x9C4A, s11;
	[dreg:$0x6] =	wrdreg s24  }
0x12: {  	s9 =	simm.s32 $0x2;
	s26 =	sadd.s32 $0x14, s11;
	[dreg:$0x7] =	wrdreg s25  }
0x13: {  	s17 =	simm.s32 $0x0;
	s8 =	sadd.s32 $0x9C54, s11;
	[dreg:$0x8] =	wrdreg s26  }
0x14: {  	s10 =	sadd.s32 $0x1E, s11;
	s13 =	sadd.s32 $0x9C5E, s11;
	[dreg:$0x9] =	wrdreg s8  }
0x15: {  	s14 =	sadd.s32 s7, s12;
	s6 =	sshrl.u32 s15, $0x3;
	[dreg:$0xa] =	wrdreg s10  }
0x16: {  	s20 =	sadd.s32 s19, s12;
	s19 =	simm.s32 $0x380;
	[dreg:$0xb] =	wrdreg s13  }
0x17: {  	s7 =	simm.s32 $0x50;
	s11 =	simm.s32 $0x9;
	[dreg:$0xd] =	wrdreg s14  }
0x18: {  	s15 =	simm.s32 $0x8;
	s6 =	sadd.s32 s6, s12;
	[dreg:$0x10] =	wrdreg s20  }
0x19: {  	s23 =	sadd.s32 $0x4E340, s2;
	s24 =	sshrl.u32 s22, $0x3;
	s2 =	sadd.s32 $0x140, s2  }
0x1a: {  	s10 =	simm.s32 $0x200;
	s8 =	simm.s32 $0x400;
	s13 =	simm.s32 $0xD  }
0x1b: {  	s14 =	simm.s32 $0x3;
	[dreg:$0xe] =	wrdreg s6;
	s6 =	sadd.s32 s18, s12  }
0x1c: {  	s25 =	sshrl.u32 s23, $0x3;
	[dreg:$0x13] =	wrdreg s2;
	s18 =	simm.s32 $0x180  }
0x1d: {  	s23 =	simm.s32 $0x6;
	s2 =	simm.s32 $0x4;
	[dreg:$0xf] =	wrdreg s6  }
0x1e: {  	s6 =	sshrl.u32 s21, $0x3;
	s26 =	sadd.s32 s25, s12;
	s25 =	simm.s32 $0x400  }
0x1f: {  	s21 =	simm.s32 $0x2C00;
	s6 =	sadd.s32 s6, s12;
	[dreg:$0x14] =	wrdreg s26  }
0x20: {  	s26 =	simm.s32 $0xB;
	[dreg:$0x11] =	wrdreg s6;
	s6 =	sadd.s32 s24, s12  }
0x21: {  	v0 =	vimm.f32 $0.0e+00;
	s12 =	simm.s32 $0x5;
	[dreg:$0x12] =	wrdreg s6;
	s6 =	simm.s32 $0xA  }
.LBB2_1:
0x22: {  	[dreg:$0x16] =	wrdreg s17  }
0x23: {  	s16 =	rddreg [dreg:$0x4]  }
0x24: {  	[tilespmem:s4], [sflag:$0x1] =	stream.linear.gather [hbm4b:s16+s4], $0x50, $0x38;
	[tilespmem:$0x1E400] =	vst v63  }
0x25: {  	s22 =	rddreg [dreg:$0x5]  }
0x26: {  	[tilespmem:s10], [sflag:$0x5] =	stream.linear.gather [hbm4b:s22+s4], $0x50, $0x38;
	[tilespmem:$0x1E400] =	vst v63  }
0x27: {  	s24 =	rddreg [dreg:$0x6];
	s10 =	simm.s32 $0x80  }
0x28: {  	[tilespmem:s10], [sflag:$0x2] =	stream.linear.gather [hbm4b:s24+s4], $0x50, $0x38;
	[tilespmem:$0x1E400] =	vst v63  }
0x29: {  	s20 =	rddreg [dreg:$0x7];
	s22 =	simm.s32 $0x280  }
0x2a: {  	[tilespmem:s22], [sflag:$0x6] =	stream.linear.gather [hbm4b:s20+s4], $0x50, $0x38;
	[tilespmem:$0x1E400] =	vst v63  }
0x2b: {  	s24 =	rddreg [dreg:$0x8];
	s10 =	simm.s32 $0x100  }
0x2c: {  	[tilespmem:s10], [sflag:$0x3] =	stream.linear.gather [hbm4b:s24+s4], $0x50, $0x38;
	[tilespmem:$0x1E400] =	vst v63  }
0x2d: {  	s17 =	rddreg [dreg:$0x9];
	s20 =	simm.s32 $0x300  }
0x2e: {  	[tilespmem:s20], [sflag:$0x7] =	stream.linear.gather [hbm4b:s17+s4], $0x50, $0x38;
	[tilespmem:$0x1E400] =	vst v63  }
0x2f: {  	s22 =	rddreg [dreg:$0xa]  }
0x30: {  	[tilespmem:s18], [sflag:$0x4] =	stream.linear.gather [hbm4b:s22+s4], $0x50, $0x38;
	[tilespmem:$0x1E400] =	vst v63  }
0x31: {  	s16 =	simm.s32 $0x0;
	s24 =	rddreg [dreg:$0xb];
	s17 =	simm.s32 $0x200  }
0x32: {  	[tilespmem:s19], [sflag:$0x8] =	stream.linear.gather [hbm4b:s24+s4], $0x50, $0x38;
	[tilespmem:$0x1E400] =	vst v63  }
.LBB2_2:
0x33: {  	p0 =	sne.s32 s17, $0x9E00;
	[tilespmem:s16+$0x470] =	vst v0  }
0x34: {  	[tilespmem:s16+$0x400] =	vst v0  }
0x35: {  	[tilespmem:s16+$0x410] =	vst v0  }
.Ltmp0:
0x36: {  	[tilespmem:s16+$0x420] =	vst v0;
	(pc) =	sbr.rel @p0 .LBB2_2-.Ltmp0, $4  }
0x37: {  	[tilespmem:s16+$0x430] =	vst v0  }
0x38: {  	[tilespmem:s16+$0x440] =	vst v0  }
0x39: {  	[tilespmem:s16+$0x450] =	vst v0  }
0x3a: {  	[tilespmem:s16+$0x460] =	vst v0;
	s16 =	sshra.s32 s17, $0x2;
	s17 =	sadd.s32 $0x200, s17  }
0x3b: {  	[tilespmem:s16+$0x470] =	vst v0  }
0x3c: {  	[tilespmem:s16+$0x400] =	vst v0  }
0x3d: {  	[tilespmem:s16+$0x410] =	vst v0  }
0x3e: {  	[tilespmem:s16+$0x420] =	vst v0  }
0x3f: {  	[tilespmem:s16+$0x430] =	vst v0;
	s17 =	simm.s32 $0x0  }
0x40: {  	[tilespmem:s16+$0x440] =	vst v0;
	s17 =	sand.u32 $0xF, s17  }
0x41: {  	[tilespmem:s16+$0x450] =	vst v0;
	p0 =	sne.s32 s17, s0  }
0x42: {  	[tilespmem:s16+$0x460] =	vst v0;
	s16 =	simm.s32 @!p0 $0x400;
	s19 =	simm.s32 @!p0 $0xD  }
0x43: {  	[spmem:s3] =	stream.linear.scatter @!p0 [tilespmem:s16], [sflag:$0xD], $0x2800, $0x38;
	[tilespmem:$0x1E400] =	vst v63  }
0x44: {  	s18 =	simm.s32 $0x2;
	_ =	swait.ge @!p0 [sflag:s19], $0x2800  }
0x45: {  	s17 =	simm.s32 $0x1;
	s16 =	sadd.s32 $0x2800, s3;
	[sflag:s19] =	ssyncset.done @!p0 $0x0  }
.LBB2_4:
0x46: {  	s20 =	sand.u32 $0xF, s17;
	s17 =	smov.u32 s18;
	s18 =	sadd.s32 $0x1, s18  }
0x47: {  	[sflag:s19] =	ssyncadd.s32 @!p0 $0xFFFFD800;
	p1 =	sne.s32 s18, $0x80  }
.Ltmp1:
0x48: {  	p0 =	sne.s32 s20, s0;
	(pc) =	sbr.rel @p1 .LBB2_4-.Ltmp1, $4  }
0x49: {  	s20 =	simm.s32 @!p0 $0x400;
	s19 =	simm.s32 @!p0 $0xD  }
0x4a: {  	[spmem:s16] =	stream.linear.scatter @!p0 [tilespmem:s20], [sflag:$0xD], $0x2800, $0x38;
	[tilespmem:$0x1E400] =	vst v63  }
0x4b: {  	_ =	swait.ge @!p0 [sflag:s19], $0x2800  }
0x4c: {  	s16 =	sadd.s32 $0x2800, s16;
	[sflag:s19] =	ssyncset.done @!p0 $0x0  }
0x4d: {  	s17 =	sand.u32 $0xF, s17  }
0x4e: {  	p1 =	sne.s32 s17, s0  }
0x4f: {  	[sflag:s19] =	ssyncadd.s32 @!p0 $0xFFFFD800;
	s17 =	simm.s32 @!p1 $0x400;
	s18 =	simm.s32 @!p1 $0xD  }
0x50: {  	[spmem:s16] =	stream.linear.scatter @!p1 [tilespmem:s17], [sflag:$0xD], $0x2800, $0x38;
	[tilespmem:$0x1E400] =	vst v63  }
0x51: {  	_ =	swait.ge @!p1 [sflag:s18], $0x2800  }
0x52: {  	[sflag:s18] =	ssyncset.done @!p1 $0x0  }
0x53: {  	[sflag:s18] =	ssyncadd.s32 @!p1 $0xFFFFD800  }
0x54: {  	[bflag:$0x0] =	sbarrier.arrive $0xFFFF  }
0x55: {  	_ =	swait.ge [sflag:s1], $0x50  }
0x56: {  	[sflag:s1] =	ssyncset.done $0x0  }
0x57: {  	s16 =	simm.s32 $0x0;
	[sflag:s1] =	ssyncadd.s32 $0xFFFFFFB0  }
0x58: {  	[tilespmem:s8], [sflag:$0x9] =	stream.indirect.gather [hbm4b:s5+s7], $0x80, s16, s7, $0xb8;
	[tilespmem:$0x1E400] =	vst v63  }
0x59: {  	_ =	swait.ge [sflag:s9], $0x50  }
0x5a: {  	[sflag:s9] =	ssyncset.done $0x0  }
0x5b: {  	s24 =	simm.s32 $0x80;
	s20 =	simm.s32 $0x2C00;
	[sflag:s9] =	ssyncadd.s32 $0xFFFFFFB0  }
0x5c: {  	[tilespmem:s20], [sflag:$0xA] =	stream.indirect.gather [hbm4b:s5+s7], $0x80, s24, s7, $0xb8;
	[tilespmem:$0x1E400] =	vst v63  }
0x5d: {  	s17 =	rddreg [dreg:$0x13];
	s24 =	simm.s32 $0x380  }
.LBB2_6:
0x5e: {  	_ =	swait.ge [sflag:s11], $0x2800  }
0x5f: {  	[sflag:s11] =	ssyncset.done $0x0  }
0x60: {  	[sflag:s11] =	ssyncadd.s32 $0xFFFFD800  }
0x61: {  	_ =	swait.ge [sflag:s12], $0x50  }
0x62: {  	[sflag:s12] =	ssyncset.done $0x0  }
0x63: {  	s19 =	simm.s32 $0x200;
	[sflag:s12] =	ssyncadd.s32 $0xFFFFFFB0  }
0x64: {  	[spmem:s3] =	stream.indirect.scatter.add.f32 [tilespmem:s25], [sflag:$0xD], $0x80, s19, s7, $0xb8;
	[tilespmem:$0x1E400] =	vst v63  }
0x65: {  	_ =	swait.ge [sflag:s13], $0x2800  }
0x66: {  	s18 =	sshrl.u32 s17, $0x3;
	[sflag:s13] =	ssyncset.done $0x0  }
0x67: {  	s18 =	sadd.s32 s30, s18;
	s10 =	rddreg [dreg:$0x14];
	[sflag:s13] =	ssyncadd.s32 $0xFFFFD800  }
0x68: {  	[tilespmem:s4], [sflag:$0x1] =	stream.linear.gather [hbm4b:s18+s4], $0x50, $0x38;
	[tilespmem:$0x1E400] =	vst v63  }
0x69: {  	s18 =	sadd.s32 s16, s10  }
0x6a: {  	[tilespmem:s19], [sflag:$0x5] =	stream.linear.gather [hbm4b:s18+s4], $0x50, $0x38;
	[tilespmem:$0x1E400] =	vst v63  }
0x6b: {  	_ =	swait.ge [sflag:s14], $0x50  }
0x6c: {  	[sflag:s14] =	ssyncset.done $0x0  }
0x6d: {  	s22 =	simm.s32 $0x100;
	s8 =	simm.s32 $0x5400;
	[sflag:s14] =	ssyncadd.s32 $0xFFFFFFB0  }
0x6e: {  	[tilespmem:s8], [sflag:$0xB] =	stream.indirect.gather [hbm4b:s5+s7], $0x80, s22, s7, $0xb8;
	[tilespmem:$0x1E400] =	vst v63  }
0x6f: {  	_ =	swait.ge [sflag:s6], $0x2800  }
0x70: {  	[sflag:s6] =	ssyncset.done $0x0  }
0x71: {  	[sflag:s6] =	ssyncadd.s32 $0xFFFFD800  }
0x72: {  	_ =	swait.ge [sflag:s23], $0x50  }
0x73: {  	[sflag:s23] =	ssyncset.done $0x0  }
0x74: {  	s19 =	simm.s32 $0x280;
	[sflag:s23] =	ssyncadd.s32 $0xFFFFFFB0  }
0x75: {  	[spmem:s3] =	stream.indirect.scatter.add.f32 [tilespmem:s20], [sflag:$0xD], $0x80, s19, s7, $0xb8;
	[tilespmem:$0x1E400] =	vst v63  }
0x76: {  	p0 =	seq.s32 s16, $0x4B0;
	_ =	swait.ge [sflag:s13], $0x2800  }
0x77: {  	s19 =	simm.s32 @!p0 $0x0;
	[sflag:s13] =	ssyncset.done $0x0;
	s18 =	rddreg [dreg:$0x11]  }
0x78: {  	s20 =	simm.s32 @!p0 $0x80;
	[sflag:s13] =	ssyncadd.s32 $0xFFFFD800;
	s18 =	sadd.s32 @!p0 s16, s18  }
0x79: {  	[tilespmem:s20], [sflag:$0x2] =	stream.linear.gather @!p0 [hbm4b:s18+s19], $0x50, $0x38;
	[tilespmem:$0x1E400] =	vst v63  }
0x7a: {  	s18 =	rddreg [dreg:$0x12]  }
0x7b: {  	s20 =	simm.s32 @!p0 $0x280;
	s18 =	sadd.s32 @!p0 s16, s18  }
0x7c: {  	[tilespmem:s20], [sflag:$0x6] =	stream.linear.gather @!p0 [hbm4b:s18+s19], $0x50, $0x38;
	[tilespmem:$0x1E400] =	vst v63  }
0x7d: {  	_ =	swait.ge [sflag:s2], $0x50  }
0x7e: {  	[sflag:s2] =	ssyncset.done $0x0  }
0x7f: {  	s22 =	simm.s32 $0x7C00;
	[sflag:s2] =	ssyncadd.s32 $0xFFFFFFB0  }
0x80: {  	[tilespmem:s22], [sflag:$0xC] =	stream.indirect.gather [hbm4b:s5+s7], $0x80, s31, s7, $0xb8;
	[tilespmem:$0x1E400] =	vst v63  }
0x81: {  	_ =	swait.ge [sflag:s26], $0x2800  }
0x82: {  	[sflag:s26] =	ssyncset.done $0x0  }
0x83: {  	[sflag:s26] =	ssyncadd.s32 $0xFFFFD800  }
0x84: {  	_ =	swait.ge [sflag:s28], $0x50  }
0x85: {  	[sflag:s28] =	ssyncset.done $0x0  }
0x86: {  	s20 =	simm.s32 $0x300;
	[sflag:s28] =	ssyncadd.s32 $0xFFFFFFB0  }
0x87: {  	[spmem:s3] =	stream.indirect.scatter.add.f32 [tilespmem:s8], [sflag:$0xD], $0x80, s20, s7, $0xb8;
	[tilespmem:$0x1E400] =	vst v63  }
0x88: {  	_ =	swait.ge [sflag:s13], $0x2800  }
0x89: {  	[sflag:s13] =	ssyncset.done $0x0;
	s18 =	rddreg [dreg:$0xf]  }
0x8a: {  	s20 =	simm.s32 @!p0 $0x100;
	[sflag:s13] =	ssyncadd.s32 $0xFFFFD800;
	s18 =	sadd.s32 @!p0 s16, s18  }
0x8b: {  	[tilespmem:s20], [sflag:$0x3] =	stream.linear.gather @!p0 [hbm4b:s18+s19], $0x50, $0x38;
	[tilespmem:$0x1E400] =	vst v63  }
0x8c: {  	s18 =	rddreg [dreg:$0x10]  }
0x8d: {  	s20 =	simm.s32 @!p0 $0x300;
	s18 =	sadd.s32 @!p0 s16, s18  }
0x8e: {  	[tilespmem:s20], [sflag:$0x7] =	stream.linear.gather @!p0 [hbm4b:s18+s19], $0x50, $0x38;
	[tilespmem:$0x1E400] =	vst v63  }
0x8f: {  	_ =	swait.ge [sflag:s1], $0x50  }
0x90: {  	[sflag:s1] =	ssyncset.done $0x0  }
0x91: {  	[sflag:s1] =	ssyncadd.s32 $0xFFFFFFB0  }
0x92: {  	[tilespmem:s25], [sflag:$0x9] =	stream.indirect.gather [hbm4b:s5+s7], $0x80, s4, s7, $0xb8;
	[tilespmem:$0x1E400] =	vst v63  }
0x93: {  	_ =	swait.ge [sflag:s29], $0x2800  }
0x94: {  	[sflag:s29] =	ssyncset.done $0x0  }
0x95: {  	[sflag:s29] =	ssyncadd.s32 $0xFFFFD800  }
0x96: {  	_ =	swait.ge [sflag:s15], $0x50  }
0x97: {  	[sflag:s15] =	ssyncset.done $0x0  }
.Ltmp2:
0x98: {  	[sflag:s15] =	ssyncadd.s32 $0xFFFFFFB0;
	(pc) =	sbr.rel @p0 .LBB2_8-.Ltmp2, $4  }
0x99: {  	[spmem:s3] =	stream.indirect.scatter.add.f32 [tilespmem:s22], [sflag:$0xD], $0x80, s24, s7, $0xb8;
	[tilespmem:$0x1E400] =	vst v63  }
0x9a: {  	_ =	swait.ge [sflag:s13], $0x2800  }
0x9b: {  	s10 =	simm.s32 $0x200;
	[sflag:s13] =	ssyncset.done $0x0  }
0x9c: {  	s8 =	simm.s32 $0x400;
	s19 =	simm.s32 $0x380;
	[sflag:s13] =	ssyncadd.s32 $0xFFFFD800  }
0x9d: {  	s8 =	rddreg [dreg:$0xd]  }
0x9e: {  	s22 =	rddreg [dreg:$0xe];
	s18 =	sadd.s32 s16, s8  }
0x9f: {  	[tilespmem:s31], [sflag:$0x4] =	stream.linear.gather [hbm4b:s18+s4], $0x50, $0x38;
	[tilespmem:$0x1E400] =	vst v63  }
0xa0: {  	s18 =	sadd.s32 s16, s22  }
0xa1: {  	[tilespmem:s19], [sflag:$0x8] =	stream.linear.gather [hbm4b:s18+s4], $0x50, $0x38;
	[tilespmem:$0x1E400] =	vst v63  }
.Ltmp3:
0xa2: {  	_ =	swait.ge [sflag:s9], $0x50;
	(pc) =	sbr.rel .LBB2_6-.Ltmp3, $4  }
0xa3: {  	[sflag:s9] =	ssyncset.done $0x0  }
0xa4: {  	s24 =	simm.s32 $0x80;
	s17 =	sadd.s32 $0x140, s17;
	[sflag:s9] =	ssyncadd.s32 $0xFFFFFFB0  }
0xa5: {  	[tilespmem:s21], [sflag:$0xA] =	stream.indirect.gather [hbm4b:s5+s7], $0x80, s24, s7, $0xb8;
	[tilespmem:$0x1E400] =	vst v63  }
0xa6: {  	s20 =	simm.s32 $0x2C00;
	s16 =	sadd.s32 $0x28, s16;
	s24 =	simm.s32 $0x380  }
.LBB2_8:
0xa7: {  	_ =	swait.ge [sflag:s11], $0x2800  }
0xa8: {  	[sflag:s11] =	ssyncset.done $0x0  }
0xa9: {  	[sflag:s11] =	ssyncadd.s32 $0xFFFFD800  }
0xaa: {  	_ =	swait.ge [sflag:s12], $0x50  }
0xab: {  	[sflag:s12] =	ssyncset.done $0x0  }
0xac: {  	[sflag:s12] =	ssyncadd.s32 $0xFFFFFFB0  }
0xad: {  	[spmem:s3] =	stream.indirect.scatter.add.f32 [tilespmem:s8], [sflag:$0xD], $0x80, s10, s7, $0xb8;
	[tilespmem:$0x1E400] =	vst v63  }
0xae: {  	s16 =	simm.s32 $0x0;
	_ =	swait.ge [sflag:s13], $0x2800  }
0xaf: {  	s16 =	sand.u32 $0xF, s16;
	[sflag:s13] =	ssyncset.done $0x0  }
0xb0: {  	s18 =	simm.s32 $0x1;
	p0 =	sne.s32 s16, s0;
	[sflag:s13] =	ssyncadd.s32 $0xFFFFD800  }
0xb1: {  	s16 =	sshll.u32 @!p0 s0, $0x6;
	s17 =	sshrl.u32 @!p0 s3, $0x3;
	[bflag:$0x0] =	sbarrier.arrive $0xFFFF  }
0xb2: {  	s19 =	simm.s32 @!p0 $0xD;
	s16 =	sor.u32 @!p0 $0x1C0D, s16;
	s20 =	rddreg [dreg:$0x15]  }
0xb3: {  	[hbm:s20], [sflag:s16] =	dma.local @!p0 [spmem:s17], $0x500  }
0xb4: {  	s17 =	simm.s32 $0x2;
	s16 =	sadd.s32 $0x500, s20;
	_ =	swait.ge @!p0 [sflag:s19], $0x500  }
0xb5: {  	s20 =	sand.u32 $0xF, s18;
	s18 =	sadd.s32 $0x2800, s3;
	[sflag:s19] =	ssyncset.done @!p0 $0x0  }
.LBB2_9:
0xb6: {  	[sflag:s19] =	ssyncadd.s32 @!p0 $0xFFFFFB00  }
0xb7: {  	p0 =	sne.s32 s20, s0;
	s20 =	smov.u32 s17;
	s17 =	sadd.s32 $0x1, s17  }
0xb8: {  	p1 =	sne.s32 s17, $0x80  }
.Ltmp4:
0xb9: {  	s19 =	sshll.u32 @!p0 s0, $0x6;
	s22 =	sshrl.u32 @!p0 s18, $0x3;
	(pc) =	sbr.rel @p1 .LBB2_9-.Ltmp4, $4  }
0xba: {  	s30 =	sor.u32 @!p0 $0x1C0D, s19;
	s19 =	simm.s32 @!p0 $0xD  }
0xbb: {  	[hbm:s16], [sflag:s30] =	dma.local @!p0 [spmem:s22], $0x500  }
0xbc: {  	s16 =	sadd.s32 $0x500, s16;
	_ =	swait.ge @!p0 [sflag:s19], $0x500  }
0xbd: {  	s20 =	sand.u32 $0xF, s20;
	s18 =	sadd.s32 $0x2800, s18;
	[sflag:s19] =	ssyncset.done @!p0 $0x0  }
0xbe: {  	p1 =	sne.s32 s20, s0  }
0xbf: {  	[sflag:s19] =	ssyncadd.s32 @!p0 $0xFFFFFB00;
	s17 =	sshll.u32 @!p1 s0, $0x6  }
0xc0: {  	s18 =	sshrl.u32 @!p1 s18, $0x3;
	s19 =	simm.s32 @!p1 $0xD;
	s17 =	sor.u32 @!p1 $0x1C0D, s17  }
0xc1: {  	[hbm:s16], [sflag:s17] =	dma.local @!p1 [spmem:s18], $0x500  }
0xc2: {  	_ =	swait.ge @!p1 [sflag:s19], $0x500  }
0xc3: {  	s22 =	rddreg [dreg:$0x16]  }
0xc4: {  	s24 =	rddreg [dreg:$0xc];
	s17 =	sadd.s32 $0x1, s22  }
0xc5: {  	p0 =	sne.s32 s17, s24  }
.Ltmp5:
0xc6: {  	_ = 	snop;
	(pc) =	sbr.rel @p0 .LBB2_1-.Ltmp5, $4  }
0xc7: {  	_ = 	snop  }
0xc8: {  	[sflag:s19] =	ssyncset.done @!p1 $0x0  }
0xc9: {  	[sflag:s19] =	ssyncadd.s32 @!p1 $0xFFFFFB00  }
0xca: {  	s18 =	simm.s32 $0x180;
	s19 =	simm.s32 $0x380;
	s30 =	rddreg [dreg:$0x1]  }
0xcb: {  	_ =	sfence.sel $0x180000  }
0xcc: {  	[bflag:$0x0] =	sbarrier.arrive $0xFFFF  }
0xcd: {  	_ =	strace $0x9000004A  }
0xce: {  	[bflag:$0x2] =	sbarrier.arrive $0xFFFF  }
0xcf: {  	p0 =	sne.s32 s0, $0x0;
	s0 =	rddreg [dreg:$0x3]  }
0xd0: {  	s0 =	sadd.s32 @!p0 $0x100000, s0  }
0xd1: {  	[sflag:s0] =	ssyncadd.tile.s32 @!p0 $0x1;
	_ =	shalt  }
.Lfunc_end2:
_tile_overlayer_lowered:
.L_overlay_start_2:
0xd2: {  	(tag) =	ssettag $0x2  }
0xd3: {  	s0 =	rddreg [dreg:$0x0];
	s2 =	stileid.u32  }
0xd4: {  	s1 =	rddreg [dreg:$0x1];
	p0 =	sne.s32 s2, $0x0  }
0xd5: {  	s3 =	rddreg [dreg:$0x2];
	[bflag:$0x3] =	sbarrier.arrive $0xFFFF;
	s2 =	simm.s32 @!p0 $0x1C0D  }
0xd6: {  	[timem:s3], [sflag:s2] =	dma.local @!p0 [hbm:s0], s1  }
0xd7: {  	s0 =	simm.s32 @!p0 $0xD  }
0xd8: {  	_ =	swait.ge @!p0 [sflag:s0], s1  }
0xd9: {  	s1 =	ssub.s32 @!p0 $0x0, s1;
	[sflag:s0] =	ssyncset.done @!p0 $0x0  }
0xda: {  	[sflag:s0] =	ssyncadd.s32 @!p0 s1  }
0xdb: {  	[bflag:$0x3] =	sbarrier.arrive $0xFFFF  }
0xdc: {  	_ =	shalt  }

// kernel: kernel.14.cloned.1.call-start
scs
__scs_entry_jumppad:
0x0: {  	(pc) =	sbr.rel $0x88, $3  }
0x1: {  	(tag) =	ssettag $0x0;
	lr =	simm.s32 $0x1  }
0x2: {  	[smem:$0x3F99] =	sst lr;
	_ =	strace $0xD0000000  }
0x3: {  	_ = 	snop  }
0x4: {  	_ = 	snop  }
0x5: {  	_ = 	snop  }
0x6: {  	_ = 	snop  }
0x7: {  	_ = 	snop  }
__scs_overlays_trampoline_lowered:
0x8: {  	[smem:$0x3FA8] =	sst s0  }
0x9: {  	[smem:$0x3FA9] =	sst s1  }
0xa: {  	[smem:$0x3FAA] =	sst s2  }
0xb: {  	[smem:$0x3FAB] =	sst s3  }
0xc: {  	[smem:$0x3FAC] =	sst s4  }
0xd: {  	[smem:$0x3FAD] =	sst s5  }
0xe: {  	[smem:$0x3FAE] =	sst s6  }
0xf: {  	[smem:$0x3FAF] =	sst s7  }
0x10: {  	[smem:$0x3FB0] =	sst s8  }
0x11: {  	[smem:$0x3FB1] =	sst s9;
	s0 =	simm.s32 @!p0 $0x0  }
0x12: {  	s1 =	sld [smem:$0x3F97];
	s0 =	simm.s32 @p0 $0x1  }
0x13: {  	[smem:$0x3FB2] =	sst s0;
	s0 =	simm.s32 @!p1 $0x0  }
0x14: {  	s2 =	sld [smem:$0x3F96];
	s0 =	simm.s32 @p1 $0x1  }
0x15: {  	[smem:$0x3FB3] =	sst s0;
	s0 =	simm.s32 @!p2 $0x0  }
0x16: {  	s3 =	sld [smem:$0x3FDB];
	s0 =	simm.s32 @p2 $0x1  }
0x17: {  	s4 =	simm.s32 $0x1BF5;
	[smem:$0x3FB5] =	sst s0  }
0x18: {  	s0 =	sld [smem:$0x3F98];
	_ =	swait.ge [sflag:s4], $0x0  }
0x19: {  	s7 =	sld [smem:$0x3F99]  }
0x1a: {  	s8 =	sadd.s32 $0xFFFFE003, lr  }
0x1b: {  	s9 =	sadd.s32 $0xFFFFFEF7, lr;
	s5 =	simm.s32 $0xFFFFFFFF;
	p2 =	slt.u32 s8, $0xFFFFF086  }
0x1c: {  	p1 =	slt.u32 s9, $0xF7A;
	s5 =	simm.s32 @!p2 $0x0  }
0x1d: {  	s5 =	simm.s32 @p1 $0x1;
	p0 =	seq.s32 s7, s2  }
0x1e: {  	s7 =	smul.u32 @!p0 $0xF7A, s2;
	p2 =	seq.s32 @!p0 s5, $0x0  }
0x1f: {  	s9 =	smul.u32 $0xF7A, s1;
	s8 =	simm.s32 @!p0 $0x1BF5;
	p2 =	por !p2, p0  }
0x20: {  	[sflag:s8] =	ssyncset.s32 @!p0 $0xFFFFF086;
	s6 =	sadd.s32 @!p0 s3, s7;
	s7 =	simm.s32 @!p0 $0x108  }
0x21: {  	s3 =	sadd.s32 s3, s9;
	s6 =	sadd.s32 @!p0 $0x88, s6;
	s7 =	simm.s32 @p2 $0x1082  }
0x22: {  	[simem:s7], [sflag:s8] =	dma.local @!p0 [hbm:s6], $0xF7A  }
0x23: {  	s9 =	sor.u32 $0xD0000000, s2;
	s6 =	simm.s32 $0x108;
	_ =	swait.ge @!p0 [sflag:s8], $0x0  }
0x24: {  	s3 =	sadd.s32 $0x88, s3;
	s6 =	simm.s32 @!p1 $0x1082;
	[sflag:s4] =	ssyncset.s32 $0xFFFFF086  }
0x25: {  	[simem:s6], [sflag:s4] =	dma.local [hbm:s3], $0xF7A  }
0x26: {  	[smem:$0x3F99] =	sst s1;
	(tag) =	ssettag s2;
	_ =	strace s9  }
0x27: {  	s1 =	sld [smem:$0x3FA9]  }
0x28: {  	s2 =	sld [smem:$0x3FAA]  }
0x29: {  	s4 =	sld [smem:$0x3FAC]  }
0x2a: {  	p0 =	seq.s32 s5, $0x0;
	s5 =	sld [smem:$0x3FAD]  }
0x2b: {  	s6 =	sld [smem:$0x3FAE]  }
0x2c: {  	s7 =	sld [smem:$0x3FAF]  }
0x2d: {  	s3 =	simm.s32 $0x108;
	s8 =	sld [smem:$0x3FB0]  }
0x2e: {  	s3 =	simm.s32 @!p0 $0x1082;
	s9 =	sld [smem:$0x3FB1]  }
0x2f: {  	lr =	sadd.s32 s0, s3;
	s0 =	sld [smem:$0x3FA8]  }
0x30: {  	s3 =	sld [smem:$0x3FAB]  }
0x31: {  	[smem:$0x3FB4] =	sst s10  }
0x32: {  	s10 =	sld [smem:$0x3FB2];
	_ =	sdelay $0x3  }
0x33: {  	p0 =	seq.s32 s10, $0x1;
	s10 =	sld [smem:$0x3FB4];
	_ =	sdelay $0x3  }
0x34: {  	[smem:$0x3FB4] =	sst s10  }
0x35: {  	s10 =	sld [smem:$0x3FB3];
	_ =	sdelay $0x3  }
0x36: {  	p1 =	seq.s32 s10, $0x1;
	s10 =	sld [smem:$0x3FB4];
	_ =	sdelay $0x3  }
0x37: {  	[smem:$0x3FB4] =	sst s10  }
0x38: {  	s10 =	sld [smem:$0x3FB5]  }
0x39: {  	_ = 	snop;
	(pc) =	sbr.ind lr, $3  }
0x3a: {  	_ = 	snop  }
0x3b: {  	_ = 	snop  }
0x3c: {  	p2 =	seq.s32 s10, $0x1;
	s10 =	sld [smem:$0x3FB4]  }
0x3d: {  	_ =	shalt  }
0x3e: {  	_ =	shalt  }
0x3f: {  	_ =	shalt  }
0x40: {  	_ =	shalt  }
0x41: {  	_ =	shalt  }
0x42: {  	_ =	shalt  }
0x43: {  	_ =	shalt  }
0x44: {  	_ =	shalt  }
0x45: {  	_ =	shalt  }
0x46: {  	_ =	shalt  }
0x47: {  	_ =	shalt  }
0x48: {  	_ =	shalt  }
0x49: {  	_ =	shalt  }
0x4a: {  	_ =	shalt  }
0x4b: {  	_ =	shalt  }
0x4c: {  	_ =	shalt  }
0x4d: {  	_ =	shalt  }
0x4e: {  	_ =	shalt  }
0x4f: {  	_ =	shalt  }
0x50: {  	_ =	shalt  }
0x51: {  	_ =	shalt  }
0x52: {  	_ =	shalt  }
0x53: {  	_ =	shalt  }
0x54: {  	_ =	shalt  }
0x55: {  	_ =	shalt  }
0x56: {  	_ =	shalt  }
0x57: {  	_ =	shalt  }
0x58: {  	_ =	shalt  }
0x59: {  	_ =	shalt  }
0x5a: {  	_ =	shalt  }
0x5b: {  	_ =	shalt  }
0x5c: {  	_ =	shalt  }
0x5d: {  	_ =	shalt  }
0x5e: {  	_ =	shalt  }
0x5f: {  	_ =	shalt  }
0x60: {  	_ =	shalt  }
0x61: {  	_ =	shalt  }
0x62: {  	_ =	shalt  }
0x63: {  	_ =	shalt  }
0x64: {  	_ =	shalt  }
0x65: {  	_ =	shalt  }
0x66: {  	_ =	shalt  }
0x67: {  	_ =	shalt  }
0x68: {  	_ =	shalt  }
0x69: {  	_ =	shalt  }
0x6a: {  	_ =	shalt  }
0x6b: {  	_ =	shalt  }
0x6c: {  	_ =	shalt  }
0x6d: {  	_ =	shalt  }
0x6e: {  	_ =	shalt  }
0x6f: {  	_ =	shalt  }
0x70: {  	_ =	shalt  }
0x71: {  	_ =	shalt  }
0x72: {  	_ =	shalt  }
0x73: {  	_ =	shalt  }
0x74: {  	_ =	shalt  }
0x75: {  	_ =	shalt  }
0x76: {  	_ =	shalt  }
0x77: {  	_ =	shalt  }
0x78: {  	_ =	shalt  }
0x79: {  	_ =	shalt  }
0x7a: {  	_ =	shalt  }
0x7b: {  	_ =	shalt  }
0x7c: {  	_ =	shalt  }
0x7d: {  	_ =	shalt  }
0x7e: {  	_ =	shalt  }
0x7f: {  	_ =	shalt  }
0x80: {  	_ =	shalt  }
0x81: {  	_ =	shalt  }
0x82: {  	_ =	shalt  }
0x83: {  	_ =	shalt  }
0x84: {  	_ =	shalt  }
0x85: {  	_ =	shalt  }
0x86: {  	_ =	shalt  }
0x87: {  	_ =	shalt  }
.Lfunc_end0:
.L_simem_size_0:
called_computation.2_lowered:
.L_overlay_start_0:
0x88: {  	s2 =	sld [smem:$0x3FD9]  }
0x89: {  	s3 =	sld [smem:$0x3FFE];
	_ =	sdelay $0x1  }
0x8a: {  	s1 =	srdreg.scid  }
0x8b: {  	s0 =	sand.u32 $0x1, s1  }
0x8c: {  	s17 =	sshll.u32 s0, $0xA;
	s2 =	sadd.s32 s3, s2  }
0x8d: {  	s2 =	sadd.s32 s2, s17  }
0x8e: {  	[smem:$0x3FC0] =	sst s2  }
0x8f: {  	_ = 	snop  }
0x90: {  	s2 =	sld [smem:$0x3FD0];
	(tm) =	ssettm $0x1  }
0x91: {  	s18 =	sld [smem:$0x3FFB];
	_ =	sdelay $0x3  }
0x92: {  	_ =	strace s18  }
0x93: {  	s3 =	sld [smem:$0x3FFC];
	_ =	sdelay $0x3  }
0x94: {  	_ =	strace s3  }
0x95: {  	s3 =	sld [smem:$0x3FFD];
	_ =	sdelay $0x3  }
0x96: {  	_ =	strace s3  }
0x97: {  	_ =	strace $0x8FFFFFFF  }
0x98: {  	s19 =	sld [smem:$0x3FDB];
	_ =	sdelay $0x1  }
0x99: {  	s4 =	simm.s32 $_scs_section_size  }
0x9a: {  	s5 =	simm.s32 $_size__tile_overlayer_lowered;
	s6 =	simm.s32 $_tile_overlayer_lowered  }
0x9b: {  	s22 =	simm.s32 $0x1BFF;
	s21 =	sshll.u32 s6, $0x1;
	s3 =	sadd.s32 s4, s19  }
0x9c: {  	s7 =	simm.s32 $0x0;
	s20 =	sshll.u32 s5, $0x1;
	s5 =	sadd.s32 s21, s3  }
0x9d: {  	[timem:s7], [sflag:s22] =	dma.local [hbm:s5], s20  }
0x9e: {  	_ =	swait.ge [sflag:s22], s20  }
0x9f: {  	s4 =	ssub.s32 $0x0, s20;
	[sflag:s22] =	ssyncset.done $0x0  }
0xa0: {  	[sflag:s22] =	ssyncadd.s32 s4;
	_ =	sdelay $0x1  }
0xa1: {  	s23 =	simm.s32 $0x1B8B  }
0xa2: {  	_ =	swait.ge [sflag:s23], $0x1  }
0xa3: {  	[sflag:s23] =	ssyncset.done $0x0  }
0xa4: {  	s25 =	simm.s32 $0x1B8E;
	s24 =	sld [smem:$0x3FFE];
	[sflag:s23] =	ssyncadd.s32 $0xFFFFFFFF  }
0xa5: {  	s26 =	simm.s32 $execute0_lowered;
	[smem:$0x3FD2] =	sst s25  }
0xa6: {  	s5 =	sshll.u32 s26, $0x1;
	_ =	strace $0x8000004C;
	[dreg:$0x1] =	wrdreg $0xFFFFFFFF  }
0xa7: {  	s28 =	simm.s32 $_size_execute0_lowered;
	s3 =	sadd.s32 s3, s5;
	[dreg:$0x0] =	wrdreg $0x0  }
0xa8: {  	s5 =	sshll.u32 s28, $0x1;
	[dreg:$0x2] =	wrdreg s3  }
0xa9: {  	[dreg:$0x3] =	wrdreg s5  }
0xaa: {  	[dreg:$0x4] =	wrdreg $0xC0  }
0xab: {  	_ =	task [dreg:s7], $0x5FFFF  }
0xac: {  	[dreg:$0x1] =	wrdreg $0xFFFFFFFF  }
0xad: {  	[dreg:$0x0] =	wrdreg $0x60  }
0xae: {  	[dreg:$0x2] =	wrdreg s24  }
0xaf: {  	[dreg:$0x3] =	wrdreg s2  }
0xb0: {  	[dreg:$0x4] =	wrdreg $0xA4000  }
0xb1: {  	[dreg:$0x5] =	wrdreg $0x9  }
0xb2: {  	_ =	task.clear_ibuf [dreg:s7], $0x6FFFF;
	_ =	strace $0x9000004C  }
0xb3: {  	s29 =	simm.s32 $0x9;
	_ =	strace $0x8000004E  }
0xb4: {  	_ =	swait.ge [sflag:s29], $0x1  }
0xb5: {  	[sflag:s29] =	ssyncadd.s32 $0xFFFFFFFF  }
0xb6: {  	_ =	strace $0x9000004E  }
0xb7: {  	_ =	sfence  }
0xb8: {  	s30 =	sld [smem:$0x0];
	_ =	sdelay $0x2  }
0xb9: {  	s31 =	sshll.u32 s1, $0xD;
	s1 =	sshrl.u32 s1, $0x2  }
0xba: {  	s3 =	sand.u32 $0x4000, s31;
	s1 =	sadd.s32 s1, s30  }
0xbb: {  	s0 =	sor.u32 s3, s0;
	s1 =	sshll.u32 s1, $0x11  }
0xbc: {  	s0 =	sor.u32 s1, s0  }
0xbd: {  	s0 =	sadd.s32 $0x8F2B, s0  }
0xbe: {  	[sflag:s0] =	ssyncadd.remote.s32 $0x1  }
0xbf: {  	_ =	sfence.sel $0xFFFF  }
0xc0: {  	[dreg:$0x0] =	wrdreg $0xFFFFFFFF;
	(pc) =	sbr.abs _section_cstart, $3  }
0xc1: {  	[dreg:$0x1] =	wrdreg $0xFFFFFFFF  }
0xc2: {  	_ =	task.clear_ibuf [dreg:s7], $0x2FFFF;
	_ =	strace $0x9FFFFFFF  }
0xc3: {  	(tm) =	ssettm $0x7FFFFFFF  }
tec
execute0_lowered:
.L_overlay_start_1:
0x0: {  	(tag) =	ssettag $0x1  }
0x1: {  	s1 =	rddreg [dreg:$0x0]  }
0x2: {  	s12 =	rddreg [dreg:$0x1];
	s2 =	srdreg.scid  }
0x3: {  	s0 =	stileid.u32;
	s3 =	rddreg [dreg:$0x2]  }
0x4: {  	s4 =	simm.s32 $0x0;
	s28 =	simm.s32 $0x7;
	s29 =	simm.s32 $0xC  }
0x5: {  	s31 =	simm.s32 $0x180;
	s2 =	sand.u32 $0x1, s2;
	s9 =	smul.u32 $0x4E20, s0  }
0x6: {  	s5 =	sshll.u32 s0, $0x1;
	[smem:$0x7FF] =	sst s4;
	s7 =	smul.u32 $0x28000, s2  }
0x7: {  	s5 =	sor.u32 s2, s5;
	s8 =	ssub.s32 $0x2, s2;
	s2 =	smul.u32 $0x2710, s2  }
0x8: {  	s30 =	smov.u32 s12;
	_ =	strace $0x8000004D;
	s6 =	smul.u32 $0x2710, s5  }
0x9: {  	s5 =	sadd.s32 $0x3400, s1;
	s10 =	sshrl.u32 s8, $0x1;
	s1 =	sadd.s32 s7, s1  }
0xa: {  	s22 =	ssub.s32 s8, s10;
	s2 =	sadd.s32 s2, s9;
	s6 =	sshrl.u32 s6, $0x3  }
0xb: {  	s9 =	sadd.s32 $0x230, s2;
	s15 =	sadd.s32 $0x4E430, s2;
	s16 =	sadd.s32 $0x1E0, s2  }
0xc: {  	s17 =	sadd.s32 $0x4E3E0, s2;
	s21 =	sadd.s32 $0x190, s2;
	s1 =	sadd.s32 $0x2B400, s1  }
0xd: {  	s11 =	sadd.s32 s12, s6;
	s7 =	sshrl.u32 s9, $0x3;
	[dreg:$0x15] =	wrdreg s1  }
0xe: {  	s6 =	smax.u32 s22, $0x1;
	s18 =	sshrl.u32 s16, $0x3;
	[dreg:$0x4] =	wrdreg s11  }
0xf: {  	s19 =	sshrl.u32 s17, $0x3;
	s23 =	sadd.s32 $0x9C40, s11;
	[dreg:$0xc] =	wrdreg s6  }
0x10: {  	s22 =	sadd.s32 $0x4E390, s2;
	s24 =	sadd.s32 $0xA, s11;
	[dreg:$0x5] =	wrdreg s23  }
0x11: {  	s1 =	simm.s32 $0x1;
	s25 =	sadd.s32 $0x9C4A, s11;
	[dreg:$0x6] =	wrdreg s24  }
0x12: {  	s9 =	simm.s32 $0x2;
	s26 =	sadd.s32 $0x14, s11;
	[dreg:$0x7] =	wrdreg s25  }
0x13: {  	s17 =	simm.s32 $0x0;
	s8 =	sadd.s32 $0x9C54, s11;
	[dreg:$0x8] =	wrdreg s26  }
0x14: {  	s10 =	sadd.s32 $0x1E, s11;
	s13 =	sadd.s32 $0x9C5E, s11;
	[dreg:$0x9] =	wrdreg s8  }
0x15: {  	s14 =	sadd.s32 s7, s12;
	s6 =	sshrl.u32 s15, $0x3;
	[dreg:$0xa] =	wrdreg s10  }
0x16: {  	s20 =	sadd.s32 s19, s12;
	s19 =	simm.s32 $0x380;
	[dreg:$0xb] =	wrdreg s13  }
0x17: {  	s7 =	simm.s32 $0x50;
	s11 =	simm.s32 $0x9;
	[dreg:$0xd] =	wrdreg s14  }
0x18: {  	s15 =	simm.s32 $0x8;
	s6 =	sadd.s32 s6, s12;
	[dreg:$0x10] =	wrdreg s20  }
0x19: {  	s23 =	sadd.s32 $0x4E340, s2;
	s24 =	sshrl.u32 s22, $0x3;
	s2 =	sadd.s32 $0x140, s2  }
0x1a: {  	s10 =	simm.s32 $0x200;
	s8 =	simm.s32 $0x400;
	s13 =	simm.s32 $0xD  }
0x1b: {  	s14 =	simm.s32 $0x3;
	[dreg:$0xe] =	wrdreg s6;
	s6 =	sadd.s32 s18, s12  }
0x1c: {  	s25 =	sshrl.u32 s23, $0x3;
	[dreg:$0x13] =	wrdreg s2;
	s18 =	simm.s32 $0x180  }
0x1d: {  	s23 =	simm.s32 $0x6;
	s2 =	simm.s32 $0x4;
	[dreg:$0xf] =	wrdreg s6  }
0x1e: {  	s6 =	sshrl.u32 s21, $0x3;
	s26 =	sadd.s32 s25, s12;
	s25 =	simm.s32 $0x400  }
0x1f: {  	s21 =	simm.s32 $0x2C00;
	s6 =	sadd.s32 s6, s12;
	[dreg:$0x14] =	wrdreg s26  }
0x20: {  	s26 =	simm.s32 $0xB;
	[dreg:$0x11] =	wrdreg s6;
	s6 =	sadd.s32 s24, s12  }
0x21: {  	v0 =	vimm.f32 $0.0e+00;
	s12 =	simm.s32 $0x5;
	[dreg:$0x12] =	wrdreg s6;
	s6 =	simm.s32 $0xA  }
.LBB2_1:
0x22: {  	[dreg:$0x16] =	wrdreg s17  }
0x23: {  	s16 =	rddreg [dreg:$0x4]  }
0x24: {  	[tilespmem:s4], [sflag:$0x1] =	stream.linear.gather [hbm4b:s16+s4], $0x50, $0x38;
	[tilespmem:$0x1E400] =	vst v63  }
0x25: {  	s22 =	rddreg [dreg:$0x5]  }
0x26: {  	[tilespmem:s10], [sflag:$0x5] =	stream.linear.gather [hbm4b:s22+s4], $0x50, $0x38;
	[tilespmem:$0x1E400] =	vst v63  }
0x27: {  	s24 =	rddreg [dreg:$0x6];
	s10 =	simm.s32 $0x80  }
0x28: {  	[tilespmem:s10], [sflag:$0x2] =	stream.linear.gather [hbm4b:s24+s4], $0x50, $0x38;
	[tilespmem:$0x1E400] =	vst v63  }
0x29: {  	s20 =	rddreg [dreg:$0x7];
	s22 =	simm.s32 $0x280  }
0x2a: {  	[tilespmem:s22], [sflag:$0x6] =	stream.linear.gather [hbm4b:s20+s4], $0x50, $0x38;
	[tilespmem:$0x1E400] =	vst v63  }
0x2b: {  	s24 =	rddreg [dreg:$0x8];
	s10 =	simm.s32 $0x100  }
0x2c: {  	[tilespmem:s10], [sflag:$0x3] =	stream.linear.gather [hbm4b:s24+s4], $0x50, $0x38;
	[tilespmem:$0x1E400] =	vst v63  }
0x2d: {  	s17 =	rddreg [dreg:$0x9];
	s20 =	simm.s32 $0x300  }
0x2e: {  	[tilespmem:s20], [sflag:$0x7] =	stream.linear.gather [hbm4b:s17+s4], $0x50, $0x38;
	[tilespmem:$0x1E400] =	vst v63  }
0x2f: {  	s22 =	rddreg [dreg:$0xa]  }
0x30: {  	[tilespmem:s18], [sflag:$0x4] =	stream.linear.gather [hbm4b:s22+s4], $0x50, $0x38;
	[tilespmem:$0x1E400] =	vst v63  }
0x31: {  	s16 =	simm.s32 $0x0;
	s24 =	rddreg [dreg:$0xb];
	s17 =	simm.s32 $0x200  }
0x32: {  	[tilespmem:s19], [sflag:$0x8] =	stream.linear.gather [hbm4b:s24+s4], $0x50, $0x38;
	[tilespmem:$0x1E400] =	vst v63  }
.LBB2_2:
0x33: {  	p0 =	sne.s32 s17, $0x9E00;
	[tilespmem:s16+$0x470] =	vst v0  }
0x34: {  	[tilespmem:s16+$0x400] =	vst v0  }
0x35: {  	[tilespmem:s16+$0x410] =	vst v0  }
.Ltmp0:
0x36: {  	[tilespmem:s16+$0x420] =	vst v0;
	(pc) =	sbr.rel @p0 .LBB2_2-.Ltmp0, $4  }
0x37: {  	[tilespmem:s16+$0x430] =	vst v0  }
0x38: {  	[tilespmem:s16+$0x440] =	vst v0  }
0x39: {  	[tilespmem:s16+$0x450] =	vst v0  }
0x3a: {  	[tilespmem:s16+$0x460] =	vst v0;
	s16 =	sshra.s32 s17, $0x2;
	s17 =	sadd.s32 $0x200, s17  }
0x3b: {  	[tilespmem:s16+$0x470] =	vst v0  }
0x3c: {  	[tilespmem:s16+$0x400] =	vst v0  }
0x3d: {  	[tilespmem:s16+$0x410] =	vst v0  }
0x3e: {  	[tilespmem:s16+$0x420] =	vst v0  }
0x3f: {  	[tilespmem:s16+$0x430] =	vst v0;
	s17 =	simm.s32 $0x0  }
0x40: {  	[tilespmem:s16+$0x440] =	vst v0;
	s17 =	sand.u32 $0xF, s17  }
0x41: {  	[tilespmem:s16+$0x450] =	vst v0;
	p0 =	sne.s32 s17, s0  }
0x42: {  	[tilespmem:s16+$0x460] =	vst v0;
	s16 =	simm.s32 @!p0 $0x400;
	s19 =	simm.s32 @!p0 $0xD  }
0x43: {  	[spmem:s3] =	stream.linear.scatter @!p0 [tilespmem:s16], [sflag:$0xD], $0x2800, $0x38;
	[tilespmem:$0x1E400] =	vst v63  }
0x44: {  	s18 =	simm.s32 $0x2;
	_ =	swait.ge @!p0 [sflag:s19], $0x2800  }
0x45: {  	s17 =	simm.s32 $0x1;
	s16 =	sadd.s32 $0x2800, s3;
	[sflag:s19] =	ssyncset.done @!p0 $0x0  }
.LBB2_4:
0x46: {  	s20 =	sand.u32 $0xF, s17;
	s17 =	smov.u32 s18;
	s18 =	sadd.s32 $0x1, s18  }
0x47: {  	[sflag:s19] =	ssyncadd.s32 @!p0 $0xFFFFD800;
	p1 =	sne.s32 s18, $0x80  }
.Ltmp1:
0x48: {  	p0 =	sne.s32 s20, s0;
	(pc) =	sbr.rel @p1 .LBB2_4-.Ltmp1, $4  }
0x49: {  	s20 =	simm.s32 @!p0 $0x400;
	s19 =	simm.s32 @!p0 $0xD  }
0x4a: {  	[spmem:s16] =	stream.linear.scatter @!p0 [tilespmem:s20], [sflag:$0xD], $0x2800, $0x38;
	[tilespmem:$0x1E400] =	vst v63  }
0x4b: {  	_ =	swait.ge @!p0 [sflag:s19], $0x2800  }
0x4c: {  	s16 =	sadd.s32 $0x2800, s16;
	[sflag:s19] =	ssyncset.done @!p0 $0x0  }
0x4d: {  	s17 =	sand.u32 $0xF, s17  }
0x4e: {  	p1 =	sne.s32 s17, s0  }
0x4f: {  	[sflag:s19] =	ssyncadd.s32 @!p0 $0xFFFFD800;
	s17 =	simm.s32 @!p1 $0x400;
	s18 =	simm.s32 @!p1 $0xD  }
0x50: {  	[spmem:s16] =	stream.linear.scatter @!p1 [tilespmem:s17], [sflag:$0xD], $0x2800, $0x38;
	[tilespmem:$0x1E400] =	vst v63  }
0x51: {  	_ =	swait.ge @!p1 [sflag:s18], $0x2800  }
0x52: {  	[sflag:s18] =	ssyncset.done @!p1 $0x0  }
0x53: {  	[sflag:s18] =	ssyncadd.s32 @!p1 $0xFFFFD800  }
0x54: {  	[bflag:$0x0] =	sbarrier.arrive $0xFFFF  }
0x55: {  	_ =	swait.ge [sflag:s1], $0x50  }
0x56: {  	[sflag:s1] =	ssyncset.done $0x0  }
0x57: {  	s16 =	simm.s32 $0x0;
	[sflag:s1] =	ssyncadd.s32 $0xFFFFFFB0  }
0x58: {  	[tilespmem:s8], [sflag:$0x9] =	stream.indirect.gather [hbm4b:s5+s7], $0x80, s16, s7, $0xb8;
	[tilespmem:$0x1E400] =	vst v63  }
0x59: {  	_ =	swait.ge [sflag:s9], $0x50  }
0x5a: {  	[sflag:s9] =	ssyncset.done $0x0  }
0x5b: {  	s24 =	simm.s32 $0x80;
	s20 =	simm.s32 $0x2C00;
	[sflag:s9] =	ssyncadd.s32 $0xFFFFFFB0  }
0x5c: {  	[tilespmem:s20], [sflag:$0xA] =	stream.indirect.gather [hbm4b:s5+s7], $0x80, s24, s7, $0xb8;
	[tilespmem:$0x1E400] =	vst v63  }
0x5d: {  	s17 =	rddreg [dreg:$0x13];
	s24 =	simm.s32 $0x380  }
.LBB2_6:
0x5e: {  	_ =	swait.ge [sflag:s11], $0x2800  }
0x5f: {  	[sflag:s11] =	ssyncset.done $0x0  }
0x60: {  	[sflag:s11] =	ssyncadd.s32 $0xFFFFD800  }
0x61: {  	_ =	swait.ge [sflag:s12], $0x50  }
0x62: {  	[sflag:s12] =	ssyncset.done $0x0  }
0x63: {  	s19 =	simm.s32 $0x200;
	[sflag:s12] =	ssyncadd.s32 $0xFFFFFFB0  }
0x64: {  	[spmem:s3] =	stream.indirect.scatter.add.f32 [tilespmem:s25], [sflag:$0xD], $0x80, s19, s7, $0xb8;
	[tilespmem:$0x1E400] =	vst v63  }
0x65: {  	_ =	swait.ge [sflag:s13], $0x2800  }
0x66: {  	s18 =	sshrl.u32 s17, $0x3;
	[sflag:s13] =	ssyncset.done $0x0  }
0x67: {  	s18 =	sadd.s32 s30, s18;
	s10 =	rddreg [dreg:$0x14];
	[sflag:s13] =	ssyncadd.s32 $0xFFFFD800  }
0x68: {  	[tilespmem:s4], [sflag:$0x1] =	stream.linear.gather [hbm4b:s18+s4], $0x50, $0x38;
	[tilespmem:$0x1E400] =	vst v63  }
0x69: {  	s18 =	sadd.s32 s16, s10  }
0x6a: {  	[tilespmem:s19], [sflag:$0x5] =	stream.linear.gather [hbm4b:s18+s4], $0x50, $0x38;
	[tilespmem:$0x1E400] =	vst v63  }
0x6b: {  	_ =	swait.ge [sflag:s14], $0x50  }
0x6c: {  	[sflag:s14] =	ssyncset.done $0x0  }
0x6d: {  	s22 =	simm.s32 $0x100;
	s8 =	simm.s32 $0x5400;
	[sflag:s14] =	ssyncadd.s32 $0xFFFFFFB0  }
0x6e: {  	[tilespmem:s8], [sflag:$0xB] =	stream.indirect.gather [hbm4b:s5+s7], $0x80, s22, s7, $0xb8;
	[tilespmem:$0x1E400] =	vst v63  }
0x6f: {  	_ =	swait.ge [sflag:s6], $0x2800  }
0x70: {  	[sflag:s6] =	ssyncset.done $0x0  }
0x71: {  	[sflag:s6] =	ssyncadd.s32 $0xFFFFD800  }
0x72: {  	_ =	swait.ge [sflag:s23], $0x50  }
0x73: {  	[sflag:s23] =	ssyncset.done $0x0  }
0x74: {  	s19 =	simm.s32 $0x280;
	[sflag:s23] =	ssyncadd.s32 $0xFFFFFFB0  }
0x75: {  	[spmem:s3] =	stream.indirect.scatter.add.f32 [tilespmem:s20], [sflag:$0xD], $0x80, s19, s7, $0xb8;
	[tilespmem:$0x1E400] =	vst v63  }
0x76: {  	p0 =	seq.s32 s16, $0x4B0;
	_ =	swait.ge [sflag:s13], $0x2800  }
0x77: {  	s19 =	simm.s32 @!p0 $0x0;
	[sflag:s13] =	ssyncset.done $0x0;
	s18 =	rddreg [dreg:$0x11]  }
0x78: {  	s20 =	simm.s32 @!p0 $0x80;
	[sflag:s13] =	ssyncadd.s32 $0xFFFFD800;
	s18 =	sadd.s32 @!p0 s16, s18  }
0x79: {  	[tilespmem:s20], [sflag:$0x2] =	stream.linear.gather @!p0 [hbm4b:s18+s19], $0x50, $0x38;
	[tilespmem:$0x1E400] =	vst v63  }
0x7a: {  	s18 =	rddreg [dreg:$0x12]  }
0x7b: {  	s20 =	simm.s32 @!p0 $0x280;
	s18 =	sadd.s32 @!p0 s16, s18  }
0x7c: {  	[tilespmem:s20], [sflag:$0x6] =	stream.linear.gather @!p0 [hbm4b:s18+s19], $0x50, $0x38;
	[tilespmem:$0x1E400] =	vst v63  }
0x7d: {  	_ =	swait.ge [sflag:s2], $0x50  }
0x7e: {  	[sflag:s2] =	ssyncset.done $0x0  }
0x7f: {  	s22 =	simm.s32 $0x7C00;
	[sflag:s2] =	ssyncadd.s32 $0xFFFFFFB0  }
0x80: {  	[tilespmem:s22], [sflag:$0xC] =	stream.indirect.gather [hbm4b:s5+s7], $0x80, s31, s7, $0xb8;
	[tilespmem:$0x1E400] =	vst v63  }
0x81: {  	_ =	swait.ge [sflag:s26], $0x2800  }
0x82: {  	[sflag:s26] =	ssyncset.done $0x0  }
0x83: {  	[sflag:s26] =	ssyncadd.s32 $0xFFFFD800  }
0x84: {  	_ =	swait.ge [sflag:s28], $0x50  }
0x85: {  	[sflag:s28] =	ssyncset.done $0x0  }
0x86: {  	s20 =	simm.s32 $0x300;
	[sflag:s28] =	ssyncadd.s32 $0xFFFFFFB0  }
0x87: {  	[spmem:s3] =	stream.indirect.scatter.add.f32 [tilespmem:s8], [sflag:$0xD], $0x80, s20, s7, $0xb8;
	[tilespmem:$0x1E400] =	vst v63  }
0x88: {  	_ =	swait.ge [sflag:s13], $0x2800  }
0x89: {  	[sflag:s13] =	ssyncset.done $0x0;
	s18 =	rddreg [dreg:$0xf]  }
0x8a: {  	s20 =	simm.s32 @!p0 $0x100;
	[sflag:s13] =	ssyncadd.s32 $0xFFFFD800;
	s18 =	sadd.s32 @!p0 s16, s18  }
0x8b: {  	[tilespmem:s20], [sflag:$0x3] =	stream.linear.gather @!p0 [hbm4b:s18+s19], $0x50, $0x38;
	[tilespmem:$0x1E400] =	vst v63  }
0x8c: {  	s18 =	rddreg [dreg:$0x10]  }
0x8d: {  	s20 =	simm.s32 @!p0 $0x300;
	s18 =	sadd.s32 @!p0 s16, s18  }
0x8e: {  	[tilespmem:s20], [sflag:$0x7] =	stream.linear.gather @!p0 [hbm4b:s18+s19], $0x50, $0x38;
	[tilespmem:$0x1E400] =	vst v63  }
0x8f: {  	_ =	swait.ge [sflag:s1], $0x50  }
0x90: {  	[sflag:s1] =	ssyncset.done $0x0  }
0x91: {  	[sflag:s1] =	ssyncadd.s32 $0xFFFFFFB0  }
0x92: {  	[tilespmem:s25], [sflag:$0x9] =	stream.indirect.gather [hbm4b:s5+s7], $0x80, s4, s7, $0xb8;
	[tilespmem:$0x1E400] =	vst v63  }
0x93: {  	_ =	swait.ge [sflag:s29], $0x2800  }
0x94: {  	[sflag:s29] =	ssyncset.done $0x0  }
0x95: {  	[sflag:s29] =	ssyncadd.s32 $0xFFFFD800  }
0x96: {  	_ =	swait.ge [sflag:s15], $0x50  }
0x97: {  	[sflag:s15] =	ssyncset.done $0x0  }
.Ltmp2:
0x98: {  	[sflag:s15] =	ssyncadd.s32 $0xFFFFFFB0;
	(pc) =	sbr.rel @p0 .LBB2_8-.Ltmp2, $4  }
0x99: {  	[spmem:s3] =	stream.indirect.scatter.add.f32 [tilespmem:s22], [sflag:$0xD], $0x80, s24, s7, $0xb8;
	[tilespmem:$0x1E400] =	vst v63  }
0x9a: {  	_ =	swait.ge [sflag:s13], $0x2800  }
0x9b: {  	s10 =	simm.s32 $0x200;
	[sflag:s13] =	ssyncset.done $0x0  }
0x9c: {  	s8 =	simm.s32 $0x400;
	s19 =	simm.s32 $0x380;
	[sflag:s13] =	ssyncadd.s32 $0xFFFFD800  }
0x9d: {  	s8 =	rddreg [dreg:$0xd]  }
0x9e: {  	s22 =	rddreg [dreg:$0xe];
	s18 =	sadd.s32 s16, s8  }
0x9f: {  	[tilespmem:s31], [sflag:$0x4] =	stream.linear.gather [hbm4b:s18+s4], $0x50, $0x38;
	[tilespmem:$0x1E400] =	vst v63  }
0xa0: {  	s18 =	sadd.s32 s16, s22  }
0xa1: {  	[tilespmem:s19], [sflag:$0x8] =	stream.linear.gather [hbm4b:s18+s4], $0x50, $0x38;
	[tilespmem:$0x1E400] =	vst v63  }
.Ltmp3:
0xa2: {  	_ =	swait.ge [sflag:s9], $0x50;
	(pc) =	sbr.rel .LBB2_6-.Ltmp3, $4  }
0xa3: {  	[sflag:s9] =	ssyncset.done $0x0  }
0xa4: {  	s24 =	simm.s32 $0x80;
	s17 =	sadd.s32 $0x140, s17;
	[sflag:s9] =	ssyncadd.s32 $0xFFFFFFB0  }
0xa5: {  	[tilespmem:s21], [sflag:$0xA] =	stream.indirect.gather [hbm4b:s5+s7], $0x80, s24, s7, $0xb8;
	[tilespmem:$0x1E400] =	vst v63  }
0xa6: {  	s20 =	simm.s32 $0x2C00;
	s16 =	sadd.s32 $0x28, s16;
	s24 =	simm.s32 $0x380  }
.LBB2_8:
0xa7: {  	_ =	swait.ge [sflag:s11], $0x2800  }
0xa8: {  	[sflag:s11] =	ssyncset.done $0x0  }
0xa9: {  	[sflag:s11] =	ssyncadd.s32 $0xFFFFD800  }
0xaa: {  	_ =	swait.ge [sflag:s12], $0x50  }
0xab: {  	[sflag:s12] =	ssyncset.done $0x0  }
0xac: {  	[sflag:s12] =	ssyncadd.s32 $0xFFFFFFB0  }
0xad: {  	[spmem:s3] =	stream.indirect.scatter.add.f32 [tilespmem:s8], [sflag:$0xD], $0x80, s10, s7, $0xb8;
	[tilespmem:$0x1E400] =	vst v63  }
0xae: {  	s16 =	simm.s32 $0x0;
	_ =	swait.ge [sflag:s13], $0x2800  }
0xaf: {  	s16 =	sand.u32 $0xF, s16;
	[sflag:s13] =	ssyncset.done $0x0  }
0xb0: {  	s18 =	simm.s32 $0x1;
	p0 =	sne.s32 s16, s0;
	[sflag:s13] =	ssyncadd.s32 $0xFFFFD800  }
0xb1: {  	s16 =	sshll.u32 @!p0 s0, $0x6;
	s17 =	sshrl.u32 @!p0 s3, $0x3;
	[bflag:$0x0] =	sbarrier.arrive $0xFFFF  }
0xb2: {  	s19 =	simm.s32 @!p0 $0xD;
	s16 =	sor.u32 @!p0 $0x1C0D, s16;
	s20 =	rddreg [dreg:$0x15]  }
0xb3: {  	[hbm:s20], [sflag:s16] =	dma.local @!p0 [spmem:s17], $0x500  }
0xb4: {  	s17 =	simm.s32 $0x2;
	s16 =	sadd.s32 $0x500, s20;
	_ =	swait.ge @!p0 [sflag:s19], $0x500  }
0xb5: {  	s20 =	sand.u32 $0xF, s18;
	s18 =	sadd.s32 $0x2800, s3;
	[sflag:s19] =	ssyncset.done @!p0 $0x0  }
.LBB2_9:
0xb6: {  	[sflag:s19] =	ssyncadd.s32 @!p0 $0xFFFFFB00  }
0xb7: {  	p0 =	sne.s32 s20, s0;
	s20 =	smov.u32 s17;
	s17 =	sadd.s32 $0x1, s17  }
0xb8: {  	p1 =	sne.s32 s17, $0x80  }
.Ltmp4:
0xb9: {  	s19 =	sshll.u32 @!p0 s0, $0x6;
	s22 =	sshrl.u32 @!p0 s18, $0x3;
	(pc) =	sbr.rel @p1 .LBB2_9-.Ltmp4, $4  }
0xba: {  	s30 =	sor.u32 @!p0 $0x1C0D, s19;
	s19 =	simm.s32 @!p0 $0xD  }
0xbb: {  	[hbm:s16], [sflag:s30] =	dma.local @!p0 [spmem:s22], $0x500  }
0xbc: {  	s16 =	sadd.s32 $0x500, s16;
	_ =	swait.ge @!p0 [sflag:s19], $0x500  }
0xbd: {  	s20 =	sand.u32 $0xF, s20;
	s18 =	sadd.s32 $0x2800, s18;
	[sflag:s19] =	ssyncset.done @!p0 $0x0  }
0xbe: {  	p1 =	sne.s32 s20, s0  }
0xbf: {  	[sflag:s19] =	ssyncadd.s32 @!p0 $0xFFFFFB00;
	s17 =	sshll.u32 @!p1 s0, $0x6  }
0xc0: {  	s18 =	sshrl.u32 @!p1 s18, $0x3;
	s19 =	simm.s32 @!p1 $0xD;
	s17 =	sor.u32 @!p1 $0x1C0D, s17  }
0xc1: {  	[hbm:s16], [sflag:s17] =	dma.local @!p1 [spmem:s18], $0x500  }
0xc2: {  	_ =	swait.ge @!p1 [sflag:s19], $0x500  }
0xc3: {  	s22 =	rddreg [dreg:$0x16]  }
0xc4: {  	s24 =	rddreg [dreg:$0xc];
	s17 =	sadd.s32 $0x1, s22  }
0xc5: {  	p0 =	sne.s32 s17, s24  }
.Ltmp5:
0xc6: {  	_ = 	snop;
	(pc) =	sbr.rel @p0 .LBB2_1-.Ltmp5, $4  }
0xc7: {  	_ = 	snop  }
0xc8: {  	[sflag:s19] =	ssyncset.done @!p1 $0x0  }
0xc9: {  	[sflag:s19] =	ssyncadd.s32 @!p1 $0xFFFFFB00  }
0xca: {  	s18 =	simm.s32 $0x180;
	s19 =	simm.s32 $0x380;
	s30 =	rddreg [dreg:$0x1]  }
0xcb: {  	_ =	sfence.sel $0x180000  }
0xcc: {  	[bflag:$0x0] =	sbarrier.arrive $0xFFFF  }
0xcd: {  	_ =	strace $0x9000004D  }
0xce: {  	[bflag:$0x2] =	sbarrier.arrive $0xFFFF  }
0xcf: {  	p0 =	sne.s32 s0, $0x0;
	s0 =	rddreg [dreg:$0x3]  }
0xd0: {  	s0 =	sadd.s32 @!p0 $0x100000, s0  }
0xd1: {  	[sflag:s0] =	ssyncadd.tile.s32 @!p0 $0x1;
	_ =	shalt  }
.Lfunc_end2:
_tile_overlayer_lowered:
.L_overlay_start_2:
0xd2: {  	(tag) =	ssettag $0x2  }
0xd3: {  	s0 =	rddreg [dreg:$0x0];
	s2 =	stileid.u32  }
0xd4: {  	s1 =	rddreg [dreg:$0x1];
	p0 =	sne.s32 s2, $0x0  }
0xd5: {  	s3 =	rddreg [dreg:$0x2];
	[bflag:$0x3] =	sbarrier.arrive $0xFFFF;
	s2 =	simm.s32 @!p0 $0x1C0D  }
0xd6: {  	[timem:s3], [sflag:s2] =	dma.local @!p0 [hbm:s0], s1  }
0xd7: {  	s0 =	simm.s32 @!p0 $0xD  }
0xd8: {  	_ =	swait.ge @!p0 [sflag:s0], s1  }
0xd9: {  	s1 =	ssub.s32 @!p0 $0x0, s1;
	[sflag:s0] =	ssyncset.done @!p0 $0x0  }
0xda: {  	[sflag:s0] =	ssyncadd.s32 @!p0 s1  }
0xdb: {  	[bflag:$0x3] =	sbarrier.arrive $0xFFFF  }
0xdc: {  	_ =	shalt  }

// kernel: kernel.8.cloned.1.call-start
scs
__scs_entry_jumppad:
0x0: {  	(pc) =	sbr.rel $0x88, $3  }
0x1: {  	(tag) =	ssettag $0x0;
	lr =	simm.s32 $0x1  }
0x2: {  	[smem:$0x3F99] =	sst lr;
	_ =	strace $0xD0000000  }
0x3: {  	_ = 	snop  }
0x4: {  	_ = 	snop  }
0x5: {  	_ = 	snop  }
0x6: {  	_ = 	snop  }
0x7: {  	_ = 	snop  }
__scs_overlays_trampoline_lowered:
0x8: {  	[smem:$0x3FA8] =	sst s0  }
0x9: {  	[smem:$0x3FA9] =	sst s1  }
0xa: {  	[smem:$0x3FAA] =	sst s2  }
0xb: {  	[smem:$0x3FAB] =	sst s3  }
0xc: {  	[smem:$0x3FAC] =	sst s4  }
0xd: {  	[smem:$0x3FAD] =	sst s5  }
0xe: {  	[smem:$0x3FAE] =	sst s6  }
0xf: {  	[smem:$0x3FAF] =	sst s7  }
0x10: {  	[smem:$0x3FB0] =	sst s8  }
0x11: {  	[smem:$0x3FB1] =	sst s9;
	s0 =	simm.s32 @!p0 $0x0  }
0x12: {  	s1 =	sld [smem:$0x3F97];
	s0 =	simm.s32 @p0 $0x1  }
0x13: {  	[smem:$0x3FB2] =	sst s0;
	s0 =	simm.s32 @!p1 $0x0  }
0x14: {  	s2 =	sld [smem:$0x3F96];
	s0 =	simm.s32 @p1 $0x1  }
0x15: {  	[smem:$0x3FB3] =	sst s0;
	s0 =	simm.s32 @!p2 $0x0  }
0x16: {  	s3 =	sld [smem:$0x3FDB];
	s0 =	simm.s32 @p2 $0x1  }
0x17: {  	s4 =	simm.s32 $0x1BF5;
	[smem:$0x3FB5] =	sst s0  }
0x18: {  	s0 =	sld [smem:$0x3F98];
	_ =	swait.ge [sflag:s4], $0x0  }
0x19: {  	s7 =	sld [smem:$0x3F99]  }
0x1a: {  	s8 =	sadd.s32 $0xFFFFE003, lr  }
0x1b: {  	s9 =	sadd.s32 $0xFFFFFEF7, lr;
	s5 =	simm.s32 $0xFFFFFFFF;
	p2 =	slt.u32 s8, $0xFFFFF086  }
0x1c: {  	p1 =	slt.u32 s9, $0xF7A;
	s5 =	simm.s32 @!p2 $0x0  }
0x1d: {  	s5 =	simm.s32 @p1 $0x1;
	p0 =	seq.s32 s7, s2  }
0x1e: {  	s7 =	smul.u32 @!p0 $0xF7A, s2;
	p2 =	seq.s32 @!p0 s5, $0x0  }
0x1f: {  	s9 =	smul.u32 $0xF7A, s1;
	s8 =	simm.s32 @!p0 $0x1BF5;
	p2 =	por !p2, p0  }
0x20: {  	[sflag:s8] =	ssyncset.s32 @!p0 $0xFFFFF086;
	s6 =	sadd.s32 @!p0 s3, s7;
	s7 =	simm.s32 @!p0 $0x108  }
0x21: {  	s3 =	sadd.s32 s3, s9;
	s6 =	sadd.s32 @!p0 $0x88, s6;
	s7 =	simm.s32 @p2 $0x1082  }
0x22: {  	[simem:s7], [sflag:s8] =	dma.local @!p0 [hbm:s6], $0xF7A  }
0x23: {  	s9 =	sor.u32 $0xD0000000, s2;
	s6 =	simm.s32 $0x108;
	_ =	swait.ge @!p0 [sflag:s8], $0x0  }
0x24: {  	s3 =	sadd.s32 $0x88, s3;
	s6 =	simm.s32 @!p1 $0x1082;
	[sflag:s4] =	ssyncset.s32 $0xFFFFF086  }
0x25: {  	[simem:s6], [sflag:s4] =	dma.local [hbm:s3], $0xF7A  }
0x26: {  	[smem:$0x3F99] =	sst s1;
	(tag) =	ssettag s2;
	_ =	strace s9  }
0x27: {  	s1 =	sld [smem:$0x3FA9]  }
0x28: {  	s2 =	sld [smem:$0x3FAA]  }
0x29: {  	s4 =	sld [smem:$0x3FAC]  }
0x2a: {  	p0 =	seq.s32 s5, $0x0;
	s5 =	sld [smem:$0x3FAD]  }
0x2b: {  	s6 =	sld [smem:$0x3FAE]  }
0x2c: {  	s7 =	sld [smem:$0x3FAF]  }
0x2d: {  	s3 =	simm.s32 $0x108;
	s8 =	sld [smem:$0x3FB0]  }
0x2e: {  	s3 =	simm.s32 @!p0 $0x1082;
	s9 =	sld [smem:$0x3FB1]  }
0x2f: {  	lr =	sadd.s32 s0, s3;
	s0 =	sld [smem:$0x3FA8]  }
0x30: {  	s3 =	sld [smem:$0x3FAB]  }
0x31: {  	[smem:$0x3FB4] =	sst s10  }
0x32: {  	s10 =	sld [smem:$0x3FB2];
	_ =	sdelay $0x3  }
0x33: {  	p0 =	seq.s32 s10, $0x1;
	s10 =	sld [smem:$0x3FB4];
	_ =	sdelay $0x3  }
0x34: {  	[smem:$0x3FB4] =	sst s10  }
0x35: {  	s10 =	sld [smem:$0x3FB3];
	_ =	sdelay $0x3  }
0x36: {  	p1 =	seq.s32 s10, $0x1;
	s10 =	sld [smem:$0x3FB4];
	_ =	sdelay $0x3  }
0x37: {  	[smem:$0x3FB4] =	sst s10  }
0x38: {  	s10 =	sld [smem:$0x3FB5]  }
0x39: {  	_ = 	snop;
	(pc) =	sbr.ind lr, $3  }
0x3a: {  	_ = 	snop  }
0x3b: {  	_ = 	snop  }
0x3c: {  	p2 =	seq.s32 s10, $0x1;
	s10 =	sld [smem:$0x3FB4]  }
0x3d: {  	_ =	shalt  }
0x3e: {  	_ =	shalt  }
0x3f: {  	_ =	shalt  }
0x40: {  	_ =	shalt  }
0x41: {  	_ =	shalt  }
0x42: {  	_ =	shalt  }
0x43: {  	_ =	shalt  }
0x44: {  	_ =	shalt  }
0x45: {  	_ =	shalt  }
0x46: {  	_ =	shalt  }
0x47: {  	_ =	shalt  }
0x48: {  	_ =	shalt  }
0x49: {  	_ =	shalt  }
0x4a: {  	_ =	shalt  }
0x4b: {  	_ =	shalt  }
0x4c: {  	_ =	shalt  }
0x4d: {  	_ =	shalt  }
0x4e: {  	_ =	shalt  }
0x4f: {  	_ =	shalt  }
0x50: {  	_ =	shalt  }
0x51: {  	_ =	shalt  }
0x52: {  	_ =	shalt  }
0x53: {  	_ =	shalt  }
0x54: {  	_ =	shalt  }
0x55: {  	_ =	shalt  }
0x56: {  	_ =	shalt  }
0x57: {  	_ =	shalt  }
0x58: {  	_ =	shalt  }
0x59: {  	_ =	shalt  }
0x5a: {  	_ =	shalt  }
0x5b: {  	_ =	shalt  }
0x5c: {  	_ =	shalt  }
0x5d: {  	_ =	shalt  }
0x5e: {  	_ =	shalt  }
0x5f: {  	_ =	shalt  }
0x60: {  	_ =	shalt  }
0x61: {  	_ =	shalt  }
0x62: {  	_ =	shalt  }
0x63: {  	_ =	shalt  }
0x64: {  	_ =	shalt  }
0x65: {  	_ =	shalt  }
0x66: {  	_ =	shalt  }
0x67: {  	_ =	shalt  }
0x68: {  	_ =	shalt  }
0x69: {  	_ =	shalt  }
0x6a: {  	_ =	shalt  }
0x6b: {  	_ =	shalt  }
0x6c: {  	_ =	shalt  }
0x6d: {  	_ =	shalt  }
0x6e: {  	_ =	shalt  }
0x6f: {  	_ =	shalt  }
0x70: {  	_ =	shalt  }
0x71: {  	_ =	shalt  }
0x72: {  	_ =	shalt  }
0x73: {  	_ =	shalt  }
0x74: {  	_ =	shalt  }
0x75: {  	_ =	shalt  }
0x76: {  	_ =	shalt  }
0x77: {  	_ =	shalt  }
0x78: {  	_ =	shalt  }
0x79: {  	_ =	shalt  }
0x7a: {  	_ =	shalt  }
0x7b: {  	_ =	shalt  }
0x7c: {  	_ =	shalt  }
0x7d: {  	_ =	shalt  }
0x7e: {  	_ =	shalt  }
0x7f: {  	_ =	shalt  }
0x80: {  	_ =	shalt  }
0x81: {  	_ =	shalt  }
0x82: {  	_ =	shalt  }
0x83: {  	_ =	shalt  }
0x84: {  	_ =	shalt  }
0x85: {  	_ =	shalt  }
0x86: {  	_ =	shalt  }
0x87: {  	_ =	shalt  }
.Lfunc_end0:
.L_simem_size_0:
called_computation_lowered:
.L_overlay_start_0:
0x88: {  	s2 =	sld [smem:$0x3FD9]  }
0x89: {  	s3 =	sld [smem:$0x3FFE];
	_ =	sdelay $0x1  }
0x8a: {  	s1 =	srdreg.scid  }
0x8b: {  	s0 =	sand.u32 $0x1, s1  }
0x8c: {  	s17 =	sshll.u32 s0, $0xA;
	s2 =	sadd.s32 s3, s2  }
0x8d: {  	s2 =	sadd.s32 s2, s17  }
0x8e: {  	[smem:$0x3FC0] =	sst s2  }
0x8f: {  	_ = 	snop  }
0x90: {  	s2 =	sld [smem:$0x3FD0];
	(tm) =	ssettm $0x1  }
0x91: {  	s18 =	sld [smem:$0x3FFB];
	_ =	sdelay $0x3  }
0x92: {  	_ =	strace s18  }
0x93: {  	s3 =	sld [smem:$0x3FFC];
	_ =	sdelay $0x3  }
0x94: {  	_ =	strace s3  }
0x95: {  	s3 =	sld [smem:$0x3FFD];
	_ =	sdelay $0x3  }
0x96: {  	_ =	strace s3  }
0x97: {  	_ =	strace $0x8FFFFFFF  }
0x98: {  	s19 =	sld [smem:$0x3FDB];
	_ =	sdelay $0x1  }
0x99: {  	s4 =	simm.s32 $_scs_section_size  }
0x9a: {  	s5 =	simm.s32 $_size__tile_overlayer_lowered;
	s6 =	simm.s32 $_tile_overlayer_lowered  }
0x9b: {  	s22 =	simm.s32 $0x1BFF;
	s21 =	sshll.u32 s6, $0x1;
	s3 =	sadd.s32 s4, s19  }
0x9c: {  	s7 =	simm.s32 $0x0;
	s20 =	sshll.u32 s5, $0x1;
	s5 =	sadd.s32 s21, s3  }
0x9d: {  	[timem:s7], [sflag:s22] =	dma.local [hbm:s5], s20  }
0x9e: {  	_ =	swait.ge [sflag:s22], s20  }
0x9f: {  	s4 =	ssub.s32 $0x0, s20;
	[sflag:s22] =	ssyncset.done $0x0  }
0xa0: {  	[sflag:s22] =	ssyncadd.s32 s4;
	_ =	sdelay $0x1  }
0xa1: {  	s23 =	simm.s32 $0x1B8B  }
0xa2: {  	_ =	swait.ge [sflag:s23], $0x1  }
0xa3: {  	[sflag:s23] =	ssyncset.done $0x0  }
0xa4: {  	s25 =	simm.s32 $0x1B8E;
	s24 =	sld [smem:$0x3FFE];
	[sflag:s23] =	ssyncadd.s32 $0xFFFFFFFF  }
0xa5: {  	s26 =	simm.s32 $execute0_lowered;
	[smem:$0x3FD2] =	sst s25  }
0xa6: {  	s5 =	sshll.u32 s26, $0x1;
	_ =	strace $0x80000046;
	[dreg:$0x1] =	wrdreg $0xFFFFFFFF  }
0xa7: {  	s28 =	simm.s32 $_size_execute0_lowered;
	s3 =	sadd.s32 s3, s5;
	[dreg:$0x0] =	wrdreg $0x0  }
0xa8: {  	s5 =	sshll.u32 s28, $0x1;
	[dreg:$0x2] =	wrdreg s3  }
0xa9: {  	[dreg:$0x3] =	wrdreg s5  }
0xaa: {  	[dreg:$0x4] =	wrdreg $0xC0  }
0xab: {  	_ =	task [dreg:s7], $0x5FFFF  }
0xac: {  	[dreg:$0x1] =	wrdreg $0xFFFFFFFF  }
0xad: {  	[dreg:$0x0] =	wrdreg $0x60  }
0xae: {  	[dreg:$0x2] =	wrdreg s2  }
0xaf: {  	[dreg:$0x3] =	wrdreg s24  }
0xb0: {  	[dreg:$0x4] =	wrdreg $0x31000  }
0xb1: {  	[dreg:$0x5] =	wrdreg $0x9  }
0xb2: {  	_ =	task.clear_ibuf [dreg:s7], $0x6FFFF;
	_ =	strace $0x90000046  }
0xb3: {  	s29 =	simm.s32 $0x9;
	_ =	strace $0x80000048  }
0xb4: {  	_ =	swait.ge [sflag:s29], $0x1  }
0xb5: {  	[sflag:s29] =	ssyncadd.s32 $0xFFFFFFFF  }
0xb6: {  	_ =	strace $0x90000048  }
0xb7: {  	_ =	sfence  }
0xb8: {  	s30 =	sld [smem:$0x0];
	_ =	sdelay $0x2  }
0xb9: {  	s31 =	sshll.u32 s1, $0xD;
	s1 =	sshrl.u32 s1, $0x2  }
0xba: {  	s3 =	sand.u32 $0x4000, s31;
	s1 =	sadd.s32 s1, s30  }
0xbb: {  	s0 =	sor.u32 s3, s0;
	s1 =	sshll.u32 s1, $0x11  }
0xbc: {  	s0 =	sor.u32 s1, s0  }
0xbd: {  	s0 =	sadd.s32 $0x8F2B, s0  }
0xbe: {  	[sflag:s0] =	ssyncadd.remote.s32 $0x1  }
0xbf: {  	_ =	sfence.sel $0xFFFF  }
0xc0: {  	[dreg:$0x0] =	wrdreg $0xFFFFFFFF;
	(pc) =	sbr.abs _section_cstart, $3  }
0xc1: {  	[dreg:$0x1] =	wrdreg $0xFFFFFFFF  }
0xc2: {  	_ =	task.clear_ibuf [dreg:s7], $0x2FFFF;
	_ =	strace $0x9FFFFFFF  }
0xc3: {  	(tm) =	ssettm $0x7FFFFFFF  }
tec
execute0_lowered:
.L_overlay_start_1:
0x0: {  	(tag) =	ssettag $0x1  }
0x1: {  	s5 =	rddreg [dreg:$0x0]  }
0x2: {  	s4 =	rddreg [dreg:$0x1];
	s0 =	srdreg.scid  }
0x3: {  	s18 =	stileid.u32;
	s1 =	rddreg [dreg:$0x2]  }
0x4: {  	s2 =	simm.s32 $0x0;
	s13 =	simm.s32 $0x2900;
	s14 =	simm.s32 $0x50  }
0x5: {  	s15 =	simm.s32 $0x2780;
	s17 =	simm.s32 $0x2800;
	s19 =	simm.s32 $0x2  }
0x6: {  	s23 =	simm.s32 $0x0;
	s11 =	sand.u32 $0x1, s0;
	s0 =	rddreg [dreg:$0x3]  }
0x7: {  	s3 =	sshll.u32 s18, $0x1;
	[smem:$0x7FF] =	sst s2;
	p0 =	seq.s32 s18, $0x0  }
0x8: {  	s9 =	sadd.s32 $0x1F40, s1;
	s10 =	sadd.s32 $0x2710, s1;
	s3 =	sor.u32 s11, s3  }
0x9: {  	_ =	strace $0x80000047;
	s7 =	ssub.s32 $0x2, s11;
	p1 =	seq.s32 s11, $0x1  }
0xa: {  	s16 =	sor.u32 s11, s18;
	s6 =	smul.u32 $0x2710, s3;
	s3 =	sadd.s32 $0x3400, s4  }
0xb: {  	s8 =	sshrl.u32 s7, $0x1;
	s4 =	sadd.s32 $0x3A00, s4;
	p0 =	por !p0, !p1  }
0xc: {  	p2 =	sne.s32 s16, $0x0;
	s16 =	simm.s32 $0x2880;
	s12 =	ssub.s32 s7, s8  }
0xd: {  	s7 =	sadd.s32 $0xFA0, s1;
	s8 =	sadd.s32 $0x1770, s1;
	p1 =	por !p0, !p0  }
0xe: {  	p0 =	sne.s32 s18, $0x0;
	s20 =	sshll.u32 @!p2 s18, $0x6;
	s18 =	simm.s32 $0x1  }
0xf: {  	s21 =	sshrl.u32 @!p2 s1, $0x3;
	s6 =	sshrl.u32 s6, $0x3;
	s11 =	smax.u32 s12, $0x1  }
0x10: {  	s12 =	simm.s32 $0x3;
	s20 =	sor.u32 @!p2 $0x1C03, s20;
	s5 =	sadd.s32 s5, s6  }
0x11: {  	v0 =	vimm.f32 $1.000000000e+00;
	v1 =	vimm.f32 $0.0e+00;
	s22 =	sshrl.u32 @p1 s1, $0x3;
	s6 =	sadd.s32 $0x7D0, s1;
	s5 =	sadd.s32 $0x9C40, s5  }
.LBB2_1:
0x12: {  	[tilespmem:s2], [sflag:$0x3] =	stream.linear.gather [hbm4b:s5+s2], $0x2710, $0x38;
	[tilespmem:$0x3380] =	vst v63  }
0x13: {  	_ =	swait.ge [sflag:s12], $0x2710  }
0x14: {  	[sflag:s12] =	ssyncset.done $0x0  }
0x15: {  	[sflag:s12] =	ssyncadd.s32 $0xFFFFD8F0  }
.Ltmp0:
0x16: {  	[tilespmem:$0x2880] =	vst v0;
	(pc) =	sbr.rel @p0 .LBB2_3-.Ltmp0, $4  }
0x17: {  	[tilespmem:$0x2890] =	vst v0  }
0x18: {  	[tilespmem:$0x28A0] =	vst v0  }
0x19: {  	[tilespmem:$0x28B0] =	vst v0  }
0x1a: {  	[tilespmem:$0x28C0] =	vst v0  }
0x1b: {  	[tilespmem:$0x2900] =	vst v1  }
0x1c: {  	[tilespmem:$0x2910] =	vst v1  }
0x1d: {  	[tilespmem:$0x2920] =	vst v1  }
0x1e: {  	[tilespmem:$0x2930] =	vst v1  }
0x1f: {  	[tilespmem:$0x2940] =	vst v1  }
0x20: {  	[tilespmem:$0x2950] =	vst v1  }
0x21: {  	[tilespmem:$0x2960] =	vst v1  }
0x22: {  	[tilespmem:$0x2970] =	vst v1  }
0x23: {  	[tilespmem:$0x2980] =	vst v1  }
0x24: {  	[tilespmem:$0x2990] =	vst v1  }
0x25: {  	[tilespmem:$0x29A0] =	vst v1  }
0x26: {  	[tilespmem:$0x29B0] =	vst v1  }
0x27: {  	[tilespmem:$0x29C0] =	vst v1  }
0x28: {  	[tilespmem:$0x29D0] =	vst v1  }
0x29: {  	[tilespmem:$0x29E0] =	vst v1  }
0x2a: {  	[tilespmem:$0x29F0] =	vst v1  }
0x2b: {  	[tilespmem:$0x2A00] =	vst v1  }
0x2c: {  	[tilespmem:$0x2A10] =	vst v1  }
0x2d: {  	[tilespmem:$0x2A20] =	vst v1  }
0x2e: {  	[tilespmem:$0x2A30] =	vst v1  }
0x2f: {  	[tilespmem:$0x2A40] =	vst v1  }
0x30: {  	[tilespmem:$0x2A50] =	vst v1  }
0x31: {  	[tilespmem:$0x2A60] =	vst v1  }
0x32: {  	[tilespmem:$0x2A70] =	vst v1  }
0x33: {  	[tilespmem:$0x2A80] =	vst v1  }
0x34: {  	[tilespmem:$0x2A90] =	vst v1  }
0x35: {  	[tilespmem:$0x2AA0] =	vst v1  }
0x36: {  	[tilespmem:$0x2AB0] =	vst v1  }
0x37: {  	[tilespmem:$0x2AC0] =	vst v1  }
0x38: {  	[tilespmem:$0x2AD0] =	vst v1  }
0x39: {  	[tilespmem:$0x2AE0] =	vst v1  }
0x3a: {  	[tilespmem:$0x2AF0] =	vst v1  }
0x3b: {  	[tilespmem:$0x2B00] =	vst v1  }
0x3c: {  	[tilespmem:$0x2B10] =	vst v1  }
0x3d: {  	[tilespmem:$0x2B20] =	vst v1  }
0x3e: {  	[tilespmem:$0x2B30] =	vst v1  }
0x3f: {  	[tilespmem:$0x2B40] =	vst v1  }
0x40: {  	[tilespmem:$0x2B50] =	vst v1  }
0x41: {  	[tilespmem:$0x2B60] =	vst v1  }
0x42: {  	[tilespmem:$0x2B70] =	vst v1  }
0x43: {  	[tilespmem:$0x2B80] =	vst v1  }
0x44: {  	[tilespmem:$0x2B90] =	vst v1  }
0x45: {  	[tilespmem:$0x2BA0] =	vst v1  }
0x46: {  	[tilespmem:$0x2BB0] =	vst v1  }
0x47: {  	[tilespmem:$0x2BC0] =	vst v1  }
0x48: {  	[tilespmem:$0x2BD0] =	vst v1  }
0x49: {  	[tilespmem:$0x2BE0] =	vst v1  }
0x4a: {  	[tilespmem:$0x2BF0] =	vst v1  }
0x4b: {  	[tilespmem:$0x2C00] =	vst v1  }
0x4c: {  	[tilespmem:$0x2C10] =	vst v1  }
0x4d: {  	[tilespmem:$0x2C20] =	vst v1  }
0x4e: {  	[tilespmem:$0x2C30] =	vst v1  }
0x4f: {  	[tilespmem:$0x2C40] =	vst v1  }
0x50: {  	[tilespmem:$0x2C50] =	vst v1  }
0x51: {  	[tilespmem:$0x2C60] =	vst v1  }
0x52: {  	[tilespmem:$0x2C70] =	vst v1  }
0x53: {  	[tilespmem:$0x2C80] =	vst v1  }
0x54: {  	[tilespmem:$0x2C90] =	vst v1  }
0x55: {  	[tilespmem:$0x2CA0] =	vst v1  }
0x56: {  	[tilespmem:$0x2CB0] =	vst v1  }
0x57: {  	[tilespmem:$0x2CC0] =	vst v1  }
0x58: {  	[tilespmem:$0x2CD0] =	vst v1  }
0x59: {  	[tilespmem:$0x2CE0] =	vst v1  }
0x5a: {  	[tilespmem:$0x2CF0] =	vst v1  }
0x5b: {  	[tilespmem:$0x2D00] =	vst v1  }
0x5c: {  	[tilespmem:$0x2D10] =	vst v1  }
0x5d: {  	[tilespmem:$0x2D20] =	vst v1  }
0x5e: {  	[tilespmem:$0x2D30] =	vst v1  }
0x5f: {  	[tilespmem:$0x2D40] =	vst v1  }
0x60: {  	[tilespmem:$0x2D50] =	vst v1  }
0x61: {  	[tilespmem:$0x2D60] =	vst v1  }
0x62: {  	[tilespmem:$0x2D70] =	vst v1  }
0x63: {  	[tilespmem:$0x2D80] =	vst v1  }
0x64: {  	[tilespmem:$0x2D90] =	vst v1  }
0x65: {  	[tilespmem:$0x2DA0] =	vst v1  }
0x66: {  	[tilespmem:$0x2DB0] =	vst v1  }
0x67: {  	[tilespmem:$0x2DC0] =	vst v1  }
0x68: {  	[tilespmem:$0x2DD0] =	vst v1  }
0x69: {  	[tilespmem:$0x2DE0] =	vst v1  }
0x6a: {  	[tilespmem:$0x2DF0] =	vst v1  }
0x6b: {  	[tilespmem:$0x2E00] =	vst v1  }
0x6c: {  	[tilespmem:$0x2E10] =	vst v1  }
0x6d: {  	[tilespmem:$0x2E20] =	vst v1  }
0x6e: {  	[tilespmem:$0x2E30] =	vst v1  }
0x6f: {  	[tilespmem:$0x2E40] =	vst v1  }
0x70: {  	[tilespmem:$0x2E50] =	vst v1  }
0x71: {  	[tilespmem:$0x2E60] =	vst v1  }
0x72: {  	[tilespmem:$0x2E70] =	vst v1  }
0x73: {  	[tilespmem:$0x2E80] =	vst v1  }
0x74: {  	[tilespmem:$0x2E90] =	vst v1  }
0x75: {  	[tilespmem:$0x2EA0] =	vst v1  }
0x76: {  	[tilespmem:$0x2EB0] =	vst v1  }
0x77: {  	[tilespmem:$0x2EC0] =	vst v1  }
0x78: {  	[tilespmem:$0x2ED0] =	vst v1  }
0x79: {  	[tilespmem:$0x2EE0] =	vst v1  }
0x7a: {  	[tilespmem:$0x2EF0] =	vst v1  }
0x7b: {  	[tilespmem:$0x2F00] =	vst v1  }
0x7c: {  	[tilespmem:$0x2F10] =	vst v1  }
0x7d: {  	[tilespmem:$0x2F20] =	vst v1  }
0x7e: {  	[tilespmem:$0x2F30] =	vst v1  }
0x7f: {  	[tilespmem:$0x2F40] =	vst v1  }
0x80: {  	[tilespmem:$0x2F50] =	vst v1  }
0x81: {  	[tilespmem:$0x2F60] =	vst v1  }
0x82: {  	[tilespmem:$0x2F70] =	vst v1  }
0x83: {  	[tilespmem:$0x2F80] =	vst v1  }
0x84: {  	[tilespmem:$0x2F90] =	vst v1  }
0x85: {  	[tilespmem:$0x2FA0] =	vst v1  }
0x86: {  	[tilespmem:$0x2FB0] =	vst v1  }
0x87: {  	[tilespmem:$0x2FC0] =	vst v1  }
0x88: {  	[tilespmem:$0x2FD0] =	vst v1  }
0x89: {  	[tilespmem:$0x2FE0] =	vst v1  }
0x8a: {  	[tilespmem:$0x2FF0] =	vst v1  }
0x8b: {  	[tilespmem:$0x3000] =	vst v1  }
0x8c: {  	[tilespmem:$0x3010] =	vst v1  }
0x8d: {  	[tilespmem:$0x3020] =	vst v1  }
0x8e: {  	[tilespmem:$0x3030] =	vst v1  }
0x8f: {  	[tilespmem:$0x3040] =	vst v1  }
0x90: {  	[tilespmem:$0x3050] =	vst v1  }
0x91: {  	[tilespmem:$0x3060] =	vst v1  }
0x92: {  	[tilespmem:$0x3070] =	vst v1  }
0x93: {  	[tilespmem:$0x3080] =	vst v1  }
0x94: {  	[tilespmem:$0x3090] =	vst v1  }
0x95: {  	[tilespmem:$0x30A0] =	vst v1  }
0x96: {  	[tilespmem:$0x30B0] =	vst v1  }
0x97: {  	[tilespmem:$0x30C0] =	vst v1  }
0x98: {  	[spmem:s1] =	stream.linear.scatter [tilespmem:s13], [sflag:$0x3], $0x7D0, $0x38;
	[tilespmem:$0x3380] =	vst v63  }
0x99: {  	_ =	swait.ge [sflag:s12], $0x7D0  }
0x9a: {  	[sflag:s12] =	ssyncset.done $0x0  }
0x9b: {  	[sflag:s12] =	ssyncadd.s32 $0xFFFFF830  }
0x9c: {  	[spmem:s6] =	stream.linear.scatter [tilespmem:s13], [sflag:$0x3], $0x7D0, $0x38;
	[tilespmem:$0x3380] =	vst v63  }
0x9d: {  	_ =	swait.ge [sflag:s12], $0x7D0  }
0x9e: {  	[sflag:s12] =	ssyncset.done $0x0  }
0x9f: {  	[sflag:s12] =	ssyncadd.s32 $0xFFFFF830  }
0xa0: {  	[spmem:s7] =	stream.linear.scatter [tilespmem:s13], [sflag:$0x3], $0x7D0, $0x38;
	[tilespmem:$0x3380] =	vst v63  }
0xa1: {  	_ =	swait.ge [sflag:s12], $0x7D0  }
0xa2: {  	[sflag:s12] =	ssyncset.done $0x0  }
0xa3: {  	[sflag:s12] =	ssyncadd.s32 $0xFFFFF830  }
0xa4: {  	[spmem:s8] =	stream.linear.scatter [tilespmem:s13], [sflag:$0x3], $0x7D0, $0x38;
	[tilespmem:$0x3380] =	vst v63  }
0xa5: {  	_ =	swait.ge [sflag:s12], $0x7D0  }
0xa6: {  	[sflag:s12] =	ssyncset.done $0x0  }
0xa7: {  	[sflag:s12] =	ssyncadd.s32 $0xFFFFF830  }
0xa8: {  	[spmem:s9] =	stream.linear.scatter [tilespmem:s13], [sflag:$0x3], $0x7D0, $0x38;
	[tilespmem:$0x3380] =	vst v63  }
0xa9: {  	_ =	swait.ge [sflag:s12], $0x7D0  }
0xaa: {  	[sflag:s12] =	ssyncset.done $0x0  }
0xab: {  	[sflag:s12] =	ssyncadd.s32 $0xFFFFF830  }
0xac: {  	[spmem:s10] =	stream.linear.scatter [tilespmem:s13], [sflag:$0x3], $0xF0, $0x38;
	[tilespmem:$0x3380] =	vst v63  }
0xad: {  	_ =	swait.ge [sflag:s12], $0xF0  }
0xae: {  	[sflag:s12] =	ssyncset.done $0x0  }
0xaf: {  	[sflag:s12] =	ssyncadd.s32 $0xFFFFFF10  }
.LBB2_3:
0xb0: {  	[bflag:$0x0] =	sbarrier.arrive $0xFFFF  }
0xb1: {  	v2 =	vld [tilespmem:$0x0]  }
0xb2: {  	v3 =	vld [tilespmem:$0x10]  }
0xb3: {  	v4 =	vld [tilespmem:$0x20]  }
0xb4: {  	v5 =	vld [tilespmem:$0x30]  }
0xb5: {  	v6 =	vld [tilespmem:$0x40]  }
0xb6: {  	[tilespmem:$0x2780] =	vst v2  }
0xb7: {  	[tilespmem:$0x2790] =	vst v3  }
0xb8: {  	[tilespmem:$0x27A0] =	vst v4  }
0xb9: {  	[tilespmem:$0x27B0] =	vst v5  }
0xba: {  	[tilespmem:$0x27C0] =	vst v6  }
0xbb: {  	[spmem:s1] =	stream.indirect.scatter.add.f32 [tilespmem:s16], [sflag:$0x1], $0x1, s15, s14, $0xb8;
	[tilespmem:$0x3380] =	vst v63  }
0xbc: {  	v2 =	vld [tilespmem:$0x50]  }
0xbd: {  	v3 =	vld [tilespmem:$0x60]  }
0xbe: {  	v61 =	vld [tilespmem:$0x70]  }
0xbf: {  	v62 =	vld [tilespmem:$0x80]  }
0xc0: {  	v63 =	vld [tilespmem:$0x90]  }
0xc1: {  	[tilespmem:$0x2800] =	vst v2  }
0xc2: {  	[tilespmem:$0x2810] =	vst v3  }
0xc3: {  	[tilespmem:$0x2820] =	vst v61  }
0xc4: {  	[tilespmem:$0x2830] =	vst v62  }
0xc5: {  	[tilespmem:$0x2840] =	vst v63  }
0xc6: {  	[spmem:s1] =	stream.indirect.scatter.add.f32 [tilespmem:s16], [sflag:$0x2], $0x1, s17, s14, $0xb8;
	[tilespmem:$0x3380] =	vst v63  }
0xc7: {  	_ =	swait.ge [sflag:s18], $0x50  }
0xc8: {  	[sflag:s18] =	ssyncset.done $0x0  }
0xc9: {  	s24 =	simm.s32 $0xA0;
	[sflag:s18] =	ssyncadd.s32 $0xFFFFFFB0  }
0xca: {  	v2 =	vld [tilespmem:s24+$0x0];
	_ =	sdelay $0x4  }
0xcb: {  	[tilespmem:$0x2780] =	vst v2  }
0xcc: {  	v2 =	vld [tilespmem:s24+$0x10];
	_ =	sdelay $0x4  }
0xcd: {  	[tilespmem:$0x2790] =	vst v2  }
0xce: {  	v2 =	vld [tilespmem:s24+$0x20];
	_ =	sdelay $0x4  }
0xcf: {  	[tilespmem:$0x27A0] =	vst v2  }
0xd0: {  	v2 =	vld [tilespmem:s24+$0x30];
	_ =	sdelay $0x4  }
0xd1: {  	[tilespmem:$0x27B0] =	vst v2  }
0xd2: {  	v2 =	vld [tilespmem:s24+$0x40];
	_ =	sdelay $0x4  }
0xd3: {  	[tilespmem:$0x27C0] =	vst v2  }
0xd4: {  	[spmem:s1] =	stream.indirect.scatter.add.f32 [tilespmem:s16], [sflag:$0x1], $0x1, s15, s14, $0xb8;
	[tilespmem:$0x3380] =	vst v63  }
0xd5: {  	_ =	swait.ge [sflag:s19], $0x50  }
0xd6: {  	[sflag:s19] =	ssyncset.done $0x0  }
0xd7: {  	[sflag:s19] =	ssyncadd.s32 $0xFFFFFFB0  }
0xd8: {  	v2 =	vld [tilespmem:s24+$0x50];
	_ =	sdelay $0x4  }
0xd9: {  	[tilespmem:$0x2800] =	vst v2  }
0xda: {  	v2 =	vld [tilespmem:s24+$0x60];
	_ =	sdelay $0x4  }
0xdb: {  	[tilespmem:$0x2810] =	vst v2  }
0xdc: {  	v2 =	vld [tilespmem:s24+$0x70];
	_ =	sdelay $0x4  }
0xdd: {  	s25 =	sand.u32 $0x3FE0, s24;
	[tilespmem:$0x2820] =	vst v2  }
0xde: {  	v2 =	vld [tilespmem:s25+$0x80];
	_ =	sdelay $0x4  }
0xdf: {  	[tilespmem:$0x2830] =	vst v2  }
0xe0: {  	v2 =	vld [tilespmem:s24+$0x90];
	_ =	sdelay $0x4  }
0xe1: {  	s25 =	simm.s32 $0x140;
	s24 =	simm.s32 $0x140;
	[tilespmem:$0x2840] =	vst v2  }
.LBB2_4:
0xe2: {  	[spmem:s1] =	stream.indirect.scatter.add.f32 [tilespmem:s16], [sflag:$0x2], $0x1, s17, s14, $0xb8;
	[tilespmem:$0x3380] =	vst v63  }
0xe3: {  	s26 =	smov.u32 s24  }
0xe4: {  	p3 =	sne.s32 s24, $0x2620;
	s24 =	sadd.s32 $0xA0, s24;
	_ =	swait.ge [sflag:s18], $0x50  }
0xe5: {  	[sflag:s18] =	ssyncset.done $0x0  }
0xe6: {  	[sflag:s18] =	ssyncadd.s32 $0xFFFFFFB0  }
0xe7: {  	v2 =	vld [tilespmem:s25+$0x0];
	_ =	sdelay $0x4  }
0xe8: {  	[tilespmem:$0x2780] =	vst v2  }
0xe9: {  	v2 =	vld [tilespmem:s25+$0x10];
	_ =	sdelay $0x4  }
0xea: {  	[tilespmem:$0x2790] =	vst v2  }
0xeb: {  	v2 =	vld [tilespmem:s25+$0x20];
	_ =	sdelay $0x4  }
0xec: {  	[tilespmem:$0x27A0] =	vst v2  }
0xed: {  	v2 =	vld [tilespmem:s25+$0x30];
	_ =	sdelay $0x4  }
0xee: {  	[tilespmem:$0x27B0] =	vst v2  }
0xef: {  	v2 =	vld [tilespmem:s25+$0x40];
	_ =	sdelay $0x4  }
0xf0: {  	[tilespmem:$0x27C0] =	vst v2  }
0xf1: {  	[spmem:s1] =	stream.indirect.scatter.add.f32 [tilespmem:s16], [sflag:$0x1], $0x1, s15, s14, $0xb8;
	[tilespmem:$0x3380] =	vst v63  }
0xf2: {  	_ =	swait.ge [sflag:s19], $0x50  }
0xf3: {  	[sflag:s19] =	ssyncset.done $0x0  }
0xf4: {  	[sflag:s19] =	ssyncadd.s32 $0xFFFFFFB0  }
0xf5: {  	v2 =	vld [tilespmem:s25+$0x50];
	_ =	sdelay $0x4  }
0xf6: {  	[tilespmem:$0x2800] =	vst v2  }
0xf7: {  	v2 =	vld [tilespmem:s25+$0x60];
	_ =	sdelay $0x4  }
0xf8: {  	[tilespmem:$0x2810] =	vst v2  }
0xf9: {  	v2 =	vld [tilespmem:s25+$0x70];
	_ =	sdelay $0x4  }
0xfa: {  	s26 =	sand.u32 $0x3FE0, s26;
	[tilespmem:$0x2820] =	vst v2  }
0xfb: {  	v2 =	vld [tilespmem:s26+$0x80];
	_ =	sdelay $0x4  }
0xfc: {  	[tilespmem:$0x2830] =	vst v2  }
0xfd: {  	v2 =	vld [tilespmem:s25+$0x90]  }
.Ltmp1:
0xfe: {  	(pc) =	sbr.rel @p3 .LBB2_4-.Ltmp1, $2  }
0xff: {  	_ =	sdelay $0x2  }
0x100: {  	s25 =	sadd.s32 $0xA0, s25;
	[tilespmem:$0x2840] =	vst v2  }
0x101: {  	[spmem:s1] =	stream.indirect.scatter.add.f32 [tilespmem:s16], [sflag:$0x2], $0x1, s17, s14, $0xb8;
	[tilespmem:$0x3380] =	vst v63  }
0x102: {  	_ =	swait.ge [sflag:s18], $0x50  }
0x103: {  	[sflag:s18] =	ssyncset.done $0x0  }
0x104: {  	[sflag:s18] =	ssyncadd.s32 $0xFFFFFFB0  }
0x105: {  	v2 =	vld [tilespmem:$0x26C0]  }
0x106: {  	v3 =	vld [tilespmem:$0x26D0]  }
0x107: {  	v4 =	vld [tilespmem:$0x26E0]  }
0x108: {  	v5 =	vld [tilespmem:$0x26F0]  }
0x109: {  	v6 =	vld [tilespmem:$0x2700]  }
0x10a: {  	[tilespmem:$0x2780] =	vst v2  }
0x10b: {  	[tilespmem:$0x2790] =	vst v3  }
0x10c: {  	[tilespmem:$0x27A0] =	vst v4  }
0x10d: {  	[tilespmem:$0x27B0] =	vst v5  }
0x10e: {  	[tilespmem:$0x27C0] =	vst v6  }
0x10f: {  	[spmem:s1] =	stream.indirect.scatter.add.f32 [tilespmem:s16], [sflag:$0x1], $0x1, s15, s14, $0xb8;
	[tilespmem:$0x3380] =	vst v63  }
0x110: {  	_ =	swait.ge [sflag:s19], $0x50  }
0x111: {  	[sflag:s19] =	ssyncset.done $0x0  }
0x112: {  	[sflag:s19] =	ssyncadd.s32 $0xFFFFFFB0  }
0x113: {  	_ =	swait.ge [sflag:s18], $0x50  }
0x114: {  	[sflag:s18] =	ssyncset.done $0x0  }
0x115: {  	[sflag:s18] =	ssyncadd.s32 $0xFFFFFFB0  }
0x116: {  	s24 =	simm.s32 @!p2 $0x3;
	[bflag:$0x0] =	sbarrier.arrive $0xFFFF  }
0x117: {  	[hbm:s3], [sflag:s20] =	dma.local @!p2 [spmem:s21], $0x500  }
0x118: {  	_ =	swait.ge @!p2 [sflag:s24], $0x500  }
0x119: {  	s23 =	sadd.s32 $0x1, s23;
	[sflag:s24] =	ssyncset.done @!p2 $0x0  }
0x11a: {  	p3 =	sne.s32 s23, s11;
	[sflag:s24] =	ssyncadd.s32 @!p2 $0xFFFFFB00;
	s24 =	simm.s32 @p1 $0x1C03  }
0x11b: {  	[hbm:s4], [sflag:s24] =	dma.local @p1 [spmem:s22], $0x500  }
.Ltmp2:
0x11c: {  	_ = 	snop;
	(pc) =	sbr.rel @p3 .LBB2_1-.Ltmp2, $4  }
0x11d: {  	s24 =	simm.s32 @p1 $0x3  }
0x11e: {  	_ =	swait.ge @p1 [sflag:s24], $0x500  }
0x11f: {  	[sflag:s24] =	ssyncset.done @p1 $0x0  }
0x120: {  	[sflag:s24] =	ssyncadd.s32 @p1 $0xFFFFFB00  }
0x121: {  	_ =	sfence.sel $0x180000  }
0x122: {  	[bflag:$0x0] =	sbarrier.arrive $0xFFFF  }
0x123: {  	_ =	strace $0x90000047  }
0x124: {  	s0 =	sadd.s32 @!p0 $0x100000, s0;
	[bflag:$0x2] =	sbarrier.arrive $0xFFFF  }
0x125: {  	[sflag:s0] =	ssyncadd.tile.s32 @!p0 $0x1;
	_ =	shalt  }
.Lfunc_end2:
_tile_overlayer_lowered:
.L_overlay_start_2:
0x126: {  	(tag) =	ssettag $0x2  }
0x127: {  	s0 =	rddreg [dreg:$0x0];
	s2 =	stileid.u32  }
0x128: {  	s1 =	rddreg [dreg:$0x1];
	p0 =	sne.s32 s2, $0x0  }
0x129: {  	s3 =	rddreg [dreg:$0x2];
	[bflag:$0x3] =	sbarrier.arrive $0xFFFF;
	s2 =	simm.s32 @!p0 $0x1C03  }
0x12a: {  	[timem:s3], [sflag:s2] =	dma.local @!p0 [hbm:s0], s1  }
0x12b: {  	s0 =	simm.s32 @!p0 $0x3  }
0x12c: {  	_ =	swait.ge @!p0 [sflag:s0], s1  }
0x12d: {  	s1 =	ssub.s32 @!p0 $0x0, s1;
	[sflag:s0] =	ssyncset.done @!p0 $0x0  }
0x12e: {  	[sflag:s0] =	ssyncadd.s32 @!p0 s1  }
0x12f: {  	[bflag:$0x3] =	sbarrier.arrive $0xFFFF  }
0x130: {  	_ =	shalt  }

</sc_bundles>
